<compile_context>
chip_gen: v7x
topology: tpu7x:2x2x1
jax: 0.10.2.dev20260603
libtpu: 0.0.44.dev20260713+nightly
codegen_flags: <defaults>
</compile_context>

<pallas_src>
import functools

import jax
import jax.numpy as jnp
from jax import lax
from jax.experimental import pallas as pl
from jax.experimental.pallas import tpu as pltpu
from jax.experimental.pallas import tpu_sc as plsc

N = 10000
IN_DIM = 128
D = 64
E = 320000
NG = 64

NC = 2
NS = 16
NW = NC * NS
EPT = E // NW
K = 80
CH = EPT // K
NP = 10240
RPT = NP // NS

BN = 2048
BP = BN // 2
GN = NP // BN
NPP = NP // 2
NPK = N * D // 128

_mesh = plsc.VectorSubcoreMesh(core_axis_name="c", subcore_axis_name="s")


@functools.partial(
    pl.kernel,
    mesh=_mesh,
    out_type=jax.ShapeDtypeStruct((NC, NP, D), jnp.float32),
    scratch_types=[
        pltpu.VMEM((CH, K), jnp.int32),
        pltpu.VMEM((K,), jnp.float32),
        pltpu.VMEM((RPT,), jnp.float32),
        pltpu.VMEM((RPT, D), jnp.float32),
        pltpu.VMEM_SHARED((NP,), jnp.float32),
        pltpu.SemaphoreType.DMA,
    ],
    compiler_params=pltpu.CompilerParams(use_tc_tiling_on_sc=False),
)
def _sc_degree(e_hbm, ones_hbm, out_hbm,
               dst_v, ones_v, deg_v, wide_v, acc_sh, hsem):
    cid = lax.axis_index("c")
    sid = lax.axis_index("s")
    wid = cid * NS + sid
    pltpu.sync_copy(e_hbm.at[1, wid], dst_v)
    pltpu.sync_copy(ones_hbm, ones_v)
    zv = jnp.zeros((16,), jnp.float32)

    def zrow(r, carry):
        deg_v[pl.ds(r * 16, 16)] = zv
        return carry

    lax.fori_loop(0, RPT // 16, zrow, 0)
    pltpu.sync_copy(deg_v, acc_sh.at[pl.ds(sid * RPT, RPT)])
    plsc.subcore_barrier()

    def body(j, carry):
        pltpu.async_copy(ones_v, acc_sh.at[dst_v.at[j]], hsem, add=True)
        return carry

    lax.fori_loop(0, CH, body, 0)

    def drain(j, carry):
        pltpu.make_async_copy(ones_v, acc_sh.at[dst_v.at[j]], hsem).wait()
        return carry

    lax.fori_loop(0, CH, drain, 0)
    plsc.subcore_barrier()

    pltpu.sync_copy(acc_sh.at[pl.ds(sid * RPT, RPT)], deg_v)

    def bodyb(t, carry):
        base = t * 16
        v = deg_v[pl.ds(base, 16)]
        for l in range(16):
            row = jnp.full((16,), v[l], jnp.float32)
            for c in range(4):
                wide_v[base + l, pl.ds(16 * c, 16)] = row
        return carry

    lax.fori_loop(0, RPT // 16, bodyb, 0)
    pltpu.sync_copy(wide_v, out_hbm.at[cid, pl.ds(sid * RPT, RPT)])


NBUF = 5


@functools.partial(
    pl.kernel,
    mesh=_mesh,
    out_type=jax.ShapeDtypeStruct((NC, NP, D), jnp.float32),
    scratch_types=[
        pltpu.VMEM((CH, K), jnp.int32),
        pltpu.VMEM((CH, K), jnp.int32),
        pltpu.VMEM((NBUF, K, D), jnp.float32),
        pltpu.VMEM((K, D), jnp.float32),
        pltpu.VMEM_SHARED((NP, D), jnp.float32),
        [pltpu.SemaphoreType.DMA] * NBUF,
        [pltpu.SemaphoreType.DMA] * NBUF,
    ],
    compiler_params=pltpu.CompilerParams(use_tc_tiling_on_sc=False),
)
def _sc_scatter(g_hbm, e_hbm, out_hbm,
                src_v, dst_v, rows_v, zbuf, acc_sh, gsem, ssem):
    cid = lax.axis_index("c")
    sid = lax.axis_index("s")
    wid = cid * NS + sid
    pltpu.sync_copy(e_hbm.at[0, wid], src_v)
    pltpu.sync_copy(e_hbm.at[1, wid], dst_v)
    for b in range(3):
        pltpu.async_copy(g_hbm.at[src_v.at[b]], rows_v.at[b], gsem[b])
    zv = jnp.zeros((16,), jnp.float32)

    def zrow(r, carry):
        for c in range(4):
            zbuf[r, pl.ds(16 * c, 16)] = zv
        return carry

    lax.fori_loop(0, K, zrow, 0)
    for i in range(RPT // K):
        pltpu.sync_copy(zbuf, acc_sh.at[pl.ds(sid * RPT + i * K, K)])
    plsc.subcore_barrier()

    def body(t, carry):
        for bb in range(NBUF):
            j = NBUF * t + bb
            pltpu.make_async_copy(g_hbm.at[src_v.at[j]], rows_v.at[bb],
                                  gsem[bb]).wait()
            pltpu.async_copy(rows_v.at[bb], acc_sh.at[dst_v.at[j]],
                             ssem[bb], add=True)
            br = (bb + 3) % NBUF

            @pl.when(j + 3 < CH)
            def _(j=j, bb=bb, br=br):
                @pl.when(j >= 2)
                def _():
                    pltpu.make_async_copy(
                        rows_v.at[br], acc_sh.at[dst_v.at[j - 2]],
                        ssem[br]).wait()

                pltpu.async_copy(g_hbm.at[src_v.at[j + 3]], rows_v.at[br],
                                 gsem[br])
        return carry

    lax.fori_loop(0, CH // NBUF, body, 0)
    for jj in range(CH - NBUF, CH):
        bb = jj % NBUF
        pltpu.make_async_copy(rows_v.at[bb], acc_sh.at[dst_v.at[jj]],
                              ssem[bb]).wait()

    plsc.subcore_barrier()
    pltpu.sync_copy(acc_sh.at[pl.ds(sid * RPT, RPT)],
                    out_hbm.at[cid, pl.ds(sid * RPT, RPT)])


def _dinv_packed(deg_ref):
    d = deg_ref[...]
    dd = d[0] + d[1] + 1.0
    return lax.rsqrt(jnp.maximum(dd, 1.0))


def _tc1_body(x_ref, w1_ref, deg_ref, g_ref, dinv_ref):
    dinv = _dinv_packed(deg_ref)
    h = jnp.dot(x_ref[...], w1_ref[...], preferred_element_type=jnp.float32)
    g_ref[...] = h * dinv
    dinv_ref[...] = dinv


_tc_stage1 = pl.pallas_call(
    _tc1_body,
    grid=(GN,),
    in_specs=[
        pl.BlockSpec((BP, 2 * IN_DIM), lambda i: (i, 0)),
        pl.BlockSpec((2 * IN_DIM, 128), lambda i: (0, 0)),
        pl.BlockSpec((NC, BP, 128), lambda i: (0, i, 0)),
    ],
    out_specs=[
        pl.BlockSpec((BP, 128), lambda i: (i, 0)),
        pl.BlockSpec((BP, 128), lambda i: (i, 0)),
    ],
    out_shape=[
        jax.ShapeDtypeStruct((NPK, 128), jnp.float32),
        jax.ShapeDtypeStruct((NPK, 128), jnp.float32),
    ],
)


def _tc2_body(s_ref, g1_ref, dinv_ref, w2_ref, b1_ref, g2_ref):
    dinv = dinv_ref[...]
    sp = s_ref[...]
    s = sp[0] + sp[1]
    t1 = jnp.maximum((s + g1_ref[...]) * dinv + b1_ref[...], 0.0)
    h2 = jnp.dot(t1, w2_ref[...], preferred_element_type=jnp.float32)
    g2_ref[...] = h2 * dinv


_tc_stage2 = pl.pallas_call(
    _tc2_body,
    grid=(GN,),
    in_specs=[
        pl.BlockSpec((NC, BP, 128), lambda i: (0, i, 0)),
        pl.BlockSpec((BP, 128), lambda i: (i, 0)),
        pl.BlockSpec((BP, 128), lambda i: (i, 0)),
        pl.BlockSpec((128, 128), lambda i: (0, 0)),
        pl.BlockSpec((1, 128), lambda i: (0, 0)),
    ],
    out_specs=pl.BlockSpec((BP, 128), lambda i: (i, 0)),
    out_shape=jax.ShapeDtypeStruct((NPK, 128), jnp.float32),
)


def _tc3_body(s_ref, g2_ref, dinv_ref, b2_ref, wl_ref, bl_ref, be_ref, bo_ref,
              out_ref, acc_ref):
    i = pl.program_id(0)
    dinv = dinv_ref[...]
    sp = s_ref[...]
    s = sp[0] + sp[1]
    h = jnp.maximum((s + g2_ref[...]) * dinv + b2_ref[...], 0.0)
    zp = jnp.dot(h, wl_ref[...], preferred_element_type=jnp.float32)
    ones = jnp.ones((BP, 1), jnp.float32)
    giota = lax.broadcasted_iota(jnp.int32, (BP, NG), 1)
    part = jnp.zeros((NG, 2), jnp.float32)
    for b_ref, col in ((be_ref, 0), (bo_ref, 1)):
        b = b_ref[0, 0, :]
        onehot = (b[:, None] == giota).astype(jnp.float32)
        vals = jnp.where(b[:, None] >= 0,
                         jnp.concatenate([zp[:, col:col + 1], ones], axis=1),
                         0.0)
        part = part + lax.dot_general(onehot, vals, (((0,), (0,)), ((), ())),
                                      preferred_element_type=jnp.float32)

    @pl.when(i == 0)
    def _():
        acc_ref[...] = jnp.zeros_like(acc_ref)

    acc_ref[...] += part
    out_ref[0, :] = (acc_ref[:, 0] / jnp.maximum(acc_ref[:, 1], 1.0)
                     + bl_ref[0, 0])


_tc_stage3 = pl.pallas_call(
    _tc3_body,
    grid=(GN,),
    in_specs=[
        pl.BlockSpec((NC, BP, 128), lambda i: (0, i, 0)),
        pl.BlockSpec((BP, 128), lambda i: (i, 0)),
        pl.BlockSpec((BP, 128), lambda i: (i, 0)),
        pl.BlockSpec((1, 128), lambda i: (0, 0)),
        pl.BlockSpec((128, 2), lambda i: (0, 0)),
        pl.BlockSpec((1, 1), lambda i: (0, 0)),
        pl.BlockSpec((1, 1, BP), lambda i: (i, 0, 0)),
        pl.BlockSpec((1, 1, BP), lambda i: (i, 0, 0)),
    ],
    out_specs=pl.BlockSpec((1, NG), lambda i: (0, 0)),
    out_shape=jax.ShapeDtypeStruct((1, NG), jnp.float32),
    scratch_shapes=[pltpu.VMEM((NG, 2), jnp.float32)],
)


def _blockdiag2(w):
    r, c = w.shape
    z = jnp.zeros((r, c), w.dtype)
    return jnp.concatenate(
        [jnp.concatenate([w, z], axis=1), jnp.concatenate([z, w], axis=1)],
        axis=0)


def kernel(x, edge_index, batch, W1, b1, W2, b2, Wlin, blin):
    e4 = edge_index.reshape(2, NW, CH, K)
    ones1 = jnp.ones((K,), jnp.float32)
    batch_pad = jnp.concatenate([batch, jnp.full((NP - N,), -1, jnp.int32)])
    be = batch_pad[0::2].reshape(GN, 1, BP)
    bo = batch_pad[1::2].reshape(GN, 1, BP)
    w1bd = _blockdiag2(W1)
    w2bd = _blockdiag2(W2)
    wlbd = _blockdiag2(Wlin)
    b1p = jnp.tile(b1, 2).reshape(1, 128)
    b2p = jnp.tile(b2, 2).reshape(1, 128)

    ddb = _sc_degree(e4, ones1)
    ddb_p = ddb.reshape(NC, NPP, 128)
    g1p, dinvp = _tc_stage1(x.reshape(N // 2, 2 * IN_DIM), w1bd, ddb_p)
    s1 = _sc_scatter(g1p.reshape(N, D), e4)
    g2p = _tc_stage2(s1.reshape(NC, NPP, 128), g1p, dinvp, w2bd, b1p)
    s2 = _sc_scatter(g2p.reshape(N, D), e4)
    out = _tc_stage3(s2.reshape(NC, NPP, 128), g2p, dinvp, b2p, wlbd,
                     blin.reshape(1, 1), be, bo)
    return out.reshape(-1)

# --- scband reference (transcript-rebuilt; emitter-appended) ---
"""Pipeline reference for scband-syntax-gcn-73718818669021 (READ-ONLY COPY).

The authoritative reference and input builder live on the scoring server;
editing this copy changes nothing except your own understanding.
"""

import jax, jax.numpy as jnp
import numpy as np

N = 10000
E = 320000
IN_DIM = 128
HID = 64
NUM_GRAPHS = 64


def setup_inputs(seed: int = 0) -> dict:
    key = jax.random.key(seed)
    ks = jax.random.split(key, 9)
    x = jax.random.normal(ks[0], (N, IN_DIM), dtype=jnp.float32)
    edge_index = jax.random.randint(ks[1], (2, E), 0, N, dtype=jnp.int32)
    batch = jnp.sort(jax.random.randint(ks[2], (N,), 0, NUM_GRAPHS, dtype=jnp.int32))
    W1 = jax.random.normal(ks[3], (IN_DIM, HID), dtype=jnp.float32) * 0.05
    b1 = jnp.zeros((HID,), dtype=jnp.float32)
    W2 = jax.random.normal(ks[4], (HID, HID), dtype=jnp.float32) * 0.05
    b2 = jnp.zeros((HID,), dtype=jnp.float32)
    Wlin = jax.random.normal(ks[5], (HID, 1), dtype=jnp.float32) * 0.05
    blin = jnp.zeros((1,), dtype=jnp.float32)
    return {"x": x, "edge_index": edge_index, "batch": batch,
            "W1": W1, "b1": b1, "W2": W2, "b2": b2,
            "Wlin": Wlin, "blin": blin}


def gcn_conv(x, edge_index, W, b):
    # GCNConv: out = D^{-1/2} (A + I) D^{-1/2} (x @ W) + b
    n = x.shape[0]
    h = x @ W
    src = edge_index[0]
    dst = edge_index[1]
    loop = jnp.arange(n, dtype=src.dtype)
    src = jnp.concatenate([src, loop])
    dst = jnp.concatenate([dst, loop])
    deg = jnp.zeros((n,), dtype=h.dtype).at[dst].add(1.0)
    dinv = jax.lax.rsqrt(jnp.maximum(deg, 1.0))
    norm = dinv[src] * dinv[dst]
    msg = h[src] * norm[:, None]
    out = jax.ops.segment_sum(msg, dst, num_segments=n)
    return out + b


def reference(x, edge_index, batch, W1, b1, W2, b2, Wlin, blin):
    # Dropout is identity in eval mode.
    h = jax.nn.relu(gcn_conv(x, edge_index, W1, b1))
    h = jax.nn.relu(gcn_conv(h, edge_index, W2, b2))
    # global_mean_pool over batch assignment vector
    ones = jnp.ones((h.shape[0],), dtype=h.dtype)
    counts = jax.ops.segment_sum(ones, batch, num_segments=NUM_GRAPHS)
    sums = jax.ops.segment_sum(h, batch, num_segments=NUM_GRAPHS)
    pooled = sums / jnp.maximum(counts, 1.0)[:, None]
    return (pooled @ Wlin + blin).reshape(-1)

if __name__ == "__main__":
    import jax
    _d = setup_inputs()
    print(jax.jit(kernel)(*tuple(_d.values())))

</pallas_src>

<mosaic_0001>
#map = affine_map<(d0, d1) -> (0, 0, 0, 0)>
#map1 = affine_map<(d0, d1) -> (0)>
#map2 = affine_map<(d0, d1) -> (0, 0, 0)>
module attributes {stable_mosaic.version = 14 : i64} {
  func.func @_sc_degree(%arg0: i32, %arg1: i32, %arg2: memref<2x32x125x80xi32, #tpu.memory_space<hbm>>, %arg3: memref<80xf32, #tpu.memory_space<hbm>>, %arg4: memref<2x10240x64xf32, #tpu.memory_space<hbm>>, %arg5: memref<125x80xi32, #tpu.memory_space<vmem>>, %arg6: memref<80xf32, #tpu.memory_space<vmem>>, %arg7: memref<640xf32, #tpu.memory_space<vmem>>, %arg8: memref<640x64xf32, #tpu.memory_space<vmem>>, %arg9: memref<10240xf32, #tpu.memory_space<vmem_shared>>, %arg10: memref<!tpu.dma_semaphore, #tpu.memory_space<semaphore_mem>>) attributes {dimension_semantics = [#tpu.dimension_semantics<core_parallel>, #tpu.dimension_semantics<subcore_parallel>], iteration_bounds = array<i64: 2, 16>, scalar_prefetch = 0 : i64, scratch_operands = 6 : i64, tpu.core_type = #tpu.core_type<sc_vector_subcore>, window_params = [{transform_indices = #map}, {transform_indices = #map1}, {transform_indices = #map2}]} {
    %mul3A = arith.constant 16 : i32
    %mul3A_0 = arith.muli %arg0, %mul3A : i32
    %add3A = arith.addi %mul3A_0, %arg1 : i32
    %run_scoped3A = arith.constant 1 : i32
    "tpu.region"() ({
      %run_scoped3A_32 = tpu.sem_alloc : memref<!tpu.dma_semaphore, #tpu.memory_space<semaphore_mem>>
      %dma_start3A = arith.constant 0 : i32
      %dma_start3A_33 = arith.constant 0 : i32
      %dma_start3A_34 = tpu.memref_slice %arg2[%run_scoped3A, %add3A, %dma_start3A, %dma_start3A_33] : memref<2x32x125x80xi32, #tpu.memory_space<hbm>> -> memref<1x1x125x80xi32, #tpu.memory_space<hbm>>
      %dma_start3A_35 = tpu.memref_squeeze %dma_start3A_34 : memref<1x1x125x80xi32, #tpu.memory_space<hbm>> -> memref<125x80xi32, #tpu.memory_space<hbm>>
      %dma_start3A_36 = arith.constant 0 : i32
      %dma_start3A_37 = arith.constant 0 : i32
      %dma_start3A_38 = tpu.memref_slice %arg2[%run_scoped3A, %add3A, %dma_start3A_36, %dma_start3A_37] : memref<2x32x125x80xi32, #tpu.memory_space<hbm>> -> memref<1x1x125x80xi32, #tpu.memory_space<hbm>>
      %dma_start3A_39 = tpu.memref_squeeze %dma_start3A_38 : memref<1x1x125x80xi32, #tpu.memory_space<hbm>> -> memref<125x80xi32, #tpu.memory_space<hbm>>
      tpu.enqueue_dma source(%dma_start3A_39 : memref<125x80xi32, #tpu.memory_space<hbm>>) target(%arg5 : memref<125x80xi32, #tpu.memory_space<vmem>>) target_semaphore(%run_scoped3A_32 : memref<!tpu.dma_semaphore, #tpu.memory_space<semaphore_mem>>)
      %dma_wait3A = arith.constant 0 : i32
      %dma_wait3A_40 = arith.constant 0 : i32
      %dma_wait3A_41 = tpu.memref_slice %arg2[%run_scoped3A, %add3A, %dma_wait3A, %dma_wait3A_40] : memref<2x32x125x80xi32, #tpu.memory_space<hbm>> -> memref<1x1x125x80xi32, #tpu.memory_space<hbm>>
      %dma_wait3A_42 = tpu.memref_squeeze %dma_wait3A_41 : memref<1x1x125x80xi32, #tpu.memory_space<hbm>> -> memref<125x80xi32, #tpu.memory_space<hbm>>
      %dma_wait3A_43 = arith.constant 0 : i32
      %dma_wait3A_44 = arith.constant 0 : i32
      %dma_wait3A_45 = tpu.memref_slice %arg2[%run_scoped3A, %add3A, %dma_wait3A_43, %dma_wait3A_44] : memref<2x32x125x80xi32, #tpu.memory_space<hbm>> -> memref<1x1x125x80xi32, #tpu.memory_space<hbm>>
      %dma_wait3A_46 = tpu.memref_squeeze %dma_wait3A_45 : memref<1x1x125x80xi32, #tpu.memory_space<hbm>> -> memref<125x80xi32, #tpu.memory_space<hbm>>
      tpu.wait_dma2 semaphore(%run_scoped3A_32 : memref<!tpu.dma_semaphore, #tpu.memory_space<semaphore_mem>>) src(%dma_wait3A_46 : memref<125x80xi32, #tpu.memory_space<hbm>>) dst(%arg5 : memref<125x80xi32, #tpu.memory_space<vmem>>)
      tpu.yield
    }) : () -> ()
    "tpu.region"() ({
      %run_scoped3A_32 = tpu.sem_alloc : memref<!tpu.dma_semaphore, #tpu.memory_space<semaphore_mem>>
      tpu.enqueue_dma source(%arg3 : memref<80xf32, #tpu.memory_space<hbm>>) target(%arg6 : memref<80xf32, #tpu.memory_space<vmem>>) target_semaphore(%run_scoped3A_32 : memref<!tpu.dma_semaphore, #tpu.memory_space<semaphore_mem>>)
      tpu.wait_dma2 semaphore(%run_scoped3A_32 : memref<!tpu.dma_semaphore, #tpu.memory_space<semaphore_mem>>) src(%arg3 : memref<80xf32, #tpu.memory_space<hbm>>) dst(%arg6 : memref<80xf32, #tpu.memory_space<vmem>>)
      tpu.yield
    }) : () -> ()
    %broadcast_in_dim3A = arith.constant 0.000000e+00 : f32
    %broadcast_in_dim3A_1 = vector.broadcast %broadcast_in_dim3A : f32 to vector<16xf32>
    %scan3A = arith.constant 0 : i32
    %scan3A_2 = arith.constant 0 : i32
    %scan3A_3 = arith.constant 40 : i32
    %scan3A_4 = arith.addi %scan3A_2, %scan3A_3 : i32
    %scan3A_5 = arith.constant 1 : i32
    scf.for %scan3A_32 = %scan3A_2 to %scan3A_4 step %scan3A_5  : i32 {
      %mul3A_33 = arith.constant 16 : i32
      %mul3A_34 = arith.muli %scan3A_32, %mul3A_33 : i32
      %swap3A = arith.index_cast %mul3A_34 : i32 to index
      %swap3A_35 = tpu.vector_load %arg7[%swap3A] {strides = array<i32>} : memref<640xf32, #tpu.memory_space<vmem>>, vector<16xf32>,
      %swap3A_36 = vector.shape_cast %swap3A_35 : vector<16xf32> to vector<16xf32>
      %swap3A_37 = vector.shape_cast %broadcast_in_dim3A_1 : vector<16xf32> to vector<16xf32>
      tpu.vector_store %arg7[%swap3A], %swap3A_37 {strides = array<i32>} : memref<640xf32, #tpu.memory_space<vmem>>, vector<16xf32>,
    }
    %scan3A_6 = arith.constant 40 : i32
    %mul3A_7 = arith.constant 640 : i32
    %mul3A_8 = arith.muli %arg1, %mul3A_7 : i32
    "tpu.region"() ({
      %run_scoped3A_32 = tpu.sem_alloc : memref<!tpu.dma_semaphore, #tpu.memory_space<semaphore_mem>>
      %dma_start3A = tpu.memref_slice %arg9[%mul3A_8] : memref<10240xf32, #tpu.memory_space<vmem_shared>> -> memref<640xf32, #tpu.memory_space<vmem_shared>>
      %dma_start3A_33 = tpu.memref_slice %arg9[%mul3A_8] : memref<10240xf32, #tpu.memory_space<vmem_shared>> -> memref<640xf32, #tpu.memory_space<vmem_shared>>
      tpu.enqueue_dma source(%arg7 : memref<640xf32, #tpu.memory_space<vmem>>) target(%dma_start3A_33 : memref<640xf32, #tpu.memory_space<vmem_shared>>) target_semaphore(%run_scoped3A_32 : memref<!tpu.dma_semaphore, #tpu.memory_space<semaphore_mem>>)
      %dma_wait3A = tpu.memref_slice %arg9[%mul3A_8] : memref<10240xf32, #tpu.memory_space<vmem_shared>> -> memref<640xf32, #tpu.memory_space<vmem_shared>>
      %dma_wait3A_34 = tpu.memref_slice %arg9[%mul3A_8] : memref<10240xf32, #tpu.memory_space<vmem_shared>> -> memref<640xf32, #tpu.memory_space<vmem_shared>>
      tpu.wait_dma2 semaphore(%run_scoped3A_32 : memref<!tpu.dma_semaphore, #tpu.memory_space<semaphore_mem>>) src(%arg7 : memref<640xf32, #tpu.memory_space<vmem>>) dst(%dma_wait3A_34 : memref<640xf32, #tpu.memory_space<vmem_shared>>)
      tpu.yield
    }) : () -> ()
    %barrier3A = arith.constant 0 : index
    tpu.barrier barrier_id(%barrier3A)
    %scan3A_9 = arith.constant 0 : i32
    %scan3A_10 = arith.constant 0 : i32
    %scan3A_11 = arith.constant 125 : i32
    %scan3A_12 = arith.addi %scan3A_10, %scan3A_11 : i32
    %scan3A_13 = arith.constant 1 : i32
    scf.for %scan3A_32 = %scan3A_10 to %scan3A_12 step %scan3A_13  : i32 {
      %dma_start3A = arith.constant 0 : i32
      %dma_start3A_33 = tpu.memref_slice %arg5[%scan3A_32, %dma_start3A] : memref<125x80xi32, #tpu.memory_space<vmem>> -> memref<1x80xi32, #tpu.memory_space<vmem>>
      %dma_start3A_34 = tpu.memref_squeeze %dma_start3A_33 : memref<1x80xi32, #tpu.memory_space<vmem>> -> memref<80xi32, #tpu.memory_space<vmem>>
      %dma_start3A_35 = arith.constant 0 : i32
      %dma_start3A_36 = tpu.memref_slice %arg9[%dma_start3A_35] : memref<10240xf32, #tpu.memory_space<vmem_shared>> -> memref<10240xf32, #tpu.memory_space<vmem_shared>>
      tpu.enqueue_indirect_dma source(%arg6 : memref<80xf32, #tpu.memory_space<vmem>>) target(%dma_start3A_36 : memref<10240xf32, #tpu.memory_space<vmem_shared>>) offsets(%dma_start3A_34 : memref<80xi32, #tpu.memory_space<vmem>>) semaphore(%arg10 : memref<!tpu.dma_semaphore, #tpu.memory_space<semaphore_mem>>) {add = true}
    }
    %scan3A_14 = arith.constant 125 : i32
    %scan3A_15 = arith.constant 0 : i32
    %scan3A_16 = arith.constant 0 : i32
    %scan3A_17 = arith.constant 125 : i32
    %scan3A_18 = arith.addi %scan3A_16, %scan3A_17 : i32
    %scan3A_19 = arith.constant 1 : i32
    scf.for %scan3A_32 = %scan3A_16 to %scan3A_18 step %scan3A_19  : i32 {
      %dma_wait3A = arith.constant 0 : i32
      %dma_wait3A_33 = tpu.memref_slice %arg5[%scan3A_32, %dma_wait3A] : memref<125x80xi32, #tpu.memory_space<vmem>> -> memref<1x80xi32, #tpu.memory_space<vmem>>
      %dma_wait3A_34 = tpu.memref_squeeze %dma_wait3A_33 : memref<1x80xi32, #tpu.memory_space<vmem>> -> memref<80xi32, #tpu.memory_space<vmem>>
      %dma_wait3A_35 = arith.constant 0 : i32
      %dma_wait3A_36 = tpu.memref_slice %arg9[%dma_wait3A_35] : memref<10240xf32, #tpu.memory_space<vmem_shared>> -> memref<10240xf32, #tpu.memory_space<vmem_shared>>
      tpu.wait_indirect_dma semaphore(%arg10 : memref<!tpu.dma_semaphore, #tpu.memory_space<semaphore_mem>>) src(%arg6 : memref<80xf32, #tpu.memory_space<vmem>>) dst(%dma_wait3A_36 : memref<10240xf32, #tpu.memory_space<vmem_shared>>)
    }
    %scan3A_20 = arith.constant 125 : i32
    %barrier3A_21 = arith.constant 0 : index
    tpu.barrier barrier_id(%barrier3A_21)
    %mul3A_22 = arith.constant 640 : i32
    %mul3A_23 = arith.muli %arg1, %mul3A_22 : i32
    "tpu.region"() ({
      %run_scoped3A_32 = tpu.sem_alloc : memref<!tpu.dma_semaphore, #tpu.memory_space<semaphore_mem>>
      %dma_start3A = tpu.memref_slice %arg9[%mul3A_23] : memref<10240xf32, #tpu.memory_space<vmem_shared>> -> memref<640xf32, #tpu.memory_space<vmem_shared>>
      %dma_start3A_33 = tpu.memref_slice %arg9[%mul3A_23] : memref<10240xf32, #tpu.memory_space<vmem_shared>> -> memref<640xf32, #tpu.memory_space<vmem_shared>>
      tpu.enqueue_dma source(%dma_start3A_33 : memref<640xf32, #tpu.memory_space<vmem_shared>>) target(%arg7 : memref<640xf32, #tpu.memory_space<vmem>>) target_semaphore(%run_scoped3A_32 : memref<!tpu.dma_semaphore, #tpu.memory_space<semaphore_mem>>)
      %dma_wait3A = tpu.memref_slice %arg9[%mul3A_23] : memref<10240xf32, #tpu.memory_space<vmem_shared>> -> memref<640xf32, #tpu.memory_space<vmem_shared>>
      %dma_wait3A_34 = tpu.memref_slice %arg9[%mul3A_23] : memref<10240xf32, #tpu.memory_space<vmem_shared>> -> memref<640xf32, #tpu.memory_space<vmem_shared>>
      tpu.wait_dma2 semaphore(%run_scoped3A_32 : memref<!tpu.dma_semaphore, #tpu.memory_space<semaphore_mem>>) src(%dma_wait3A_34 : memref<640xf32, #tpu.memory_space<vmem_shared>>) dst(%arg7 : memref<640xf32, #tpu.memory_space<vmem>>)
      tpu.yield
    }) : () -> ()
    %scan3A_24 = arith.constant 0 : i32
    %scan3A_25 = arith.constant 0 : i32
    %scan3A_26 = arith.constant 40 : i32
    %scan3A_27 = arith.addi %scan3A_25, %scan3A_26 : i32
    %scan3A_28 = arith.constant 1 : i32
    scf.for %scan3A_32 = %scan3A_25 to %scan3A_27 step %scan3A_28  : i32 {
      %mul3A_33 = arith.constant 16 : i32
      %mul3A_34 = arith.muli %scan3A_32, %mul3A_33 : i32
      %get3A = arith.index_cast %mul3A_34 : i32 to index
      %get3A_35 = tpu.vector_load %arg7[%get3A] {strides = array<i32>} : memref<640xf32, #tpu.memory_space<vmem>>, vector<16xf32>,
      %get3A_36 = vector.shape_cast %get3A_35 : vector<16xf32> to vector<16xf32>
      %slice3A = vector.extract_strided_slice %get3A_36 {offsets = [0], sizes = [1], strides = [1]} : vector<16xf32> to vector<1xf32>
      %squeeze3A = vector.extract %slice3A[0] : f32 from vector<1xf32>
      %broadcast_in_dim3A_37 = vector.broadcast %squeeze3A : f32 to vector<16xf32>
      %add3A_38 = arith.constant 0 : i32
      %add3A_39 = arith.addi %mul3A_34, %add3A_38 : i32
      %swap3A = arith.index_cast %add3A_39 : i32 to index
      %swap3A_40 = arith.constant 0 : index
      %swap3A_41 = tpu.vector_load %arg8[%swap3A, %swap3A_40] {strides = array<i32>} : memref<640x64xf32, #tpu.memory_space<vmem>>, vector<1x16xf32>,
      %swap3A_42 = vector.shape_cast %swap3A_41 : vector<1x16xf32> to vector<16xf32>
      %swap3A_43 = vector.shape_cast %broadcast_in_dim3A_37 : vector<16xf32> to vector<1x16xf32>
      tpu.vector_store %arg8[%swap3A, %swap3A_40], %swap3A_43 {strides = array<i32>} : memref<640x64xf32, #tpu.memory_space<vmem>>, vector<1x16xf32>,
      %add3A_44 = arith.constant 0 : i32
      %add3A_45 = arith.addi %mul3A_34, %add3A_44 : i32
      %swap3A_46 = arith.index_cast %add3A_45 : i32 to index
      %swap3A_47 = arith.constant 16 : index
      %swap3A_48 = tpu.vector_load %arg8[%swap3A_46, %swap3A_47] {strides = array<i32>} : memref<640x64xf32, #tpu.memory_space<vmem>>, vector<1x16xf32>,
      %swap3A_49 = vector.shape_cast %swap3A_48 : vector<1x16xf32> to vector<16xf32>
      %swap3A_50 = vector.shape_cast %broadcast_in_dim3A_37 : vector<16xf32> to vector<1x16xf32>
      tpu.vector_store %arg8[%swap3A_46, %swap3A_47], %swap3A_50 {strides = array<i32>} : memref<640x64xf32, #tpu.memory_space<vmem>>, vector<1x16xf32>,
      %add3A_51 = arith.constant 0 : i32
      %add3A_52 = arith.addi %mul3A_34, %add3A_51 : i32
      %swap3A_53 = arith.index_cast %add3A_52 : i32 to index
      %swap3A_54 = arith.constant 32 : index
      %swap3A_55 = tpu.vector_load %arg8[%swap3A_53, %swap3A_54] {strides = array<i32>} : memref<640x64xf32, #tpu.memory_space<vmem>>, vector<1x16xf32>,
      %swap3A_56 = vector.shape_cast %swap3A_55 : vector<1x16xf32> to vector<16xf32>
      %swap3A_57 = vector.shape_cast %broadcast_in_dim3A_37 : vector<16xf32> to vector<1x16xf32>
      tpu.vector_store %arg8[%swap3A_53, %swap3A_54], %swap3A_57 {strides = array<i32>} : memref<640x64xf32, #tpu.memory_space<vmem>>, vector<1x16xf32>,
      %add3A_58 = arith.constant 0 : i32
      %add3A_59 = arith.addi %mul3A_34, %add3A_58 : i32
      %swap3A_60 = arith.index_cast %add3A_59 : i32 to index
      %swap3A_61 = arith.constant 48 : index
      %swap3A_62 = tpu.vector_load %arg8[%swap3A_60, %swap3A_61] {strides = array<i32>} : memref<640x64xf32, #tpu.memory_space<vmem>>, vector<1x16xf32>,
      %swap3A_63 = vector.shape_cast %swap3A_62 : vector<1x16xf32> to vector<16xf32>
      %swap3A_64 = vector.shape_cast %broadcast_in_dim3A_37 : vector<16xf32> to vector<1x16xf32>
      tpu.vector_store %arg8[%swap3A_60, %swap3A_61], %swap3A_64 {strides = array<i32>} : memref<640x64xf32, #tpu.memory_space<vmem>>, vector<1x16xf32>,
      %slice3A_65 = vector.extract_strided_slice %get3A_36 {offsets = [1], sizes = [1], strides = [1]} : vector<16xf32> to vector<1xf32>
      %squeeze3A_66 = vector.extract %slice3A_65[0] : f32 from vector<1xf32>
      %broadcast_in_dim3A_67 = vector.broadcast %squeeze3A_66 : f32 to vector<16xf32>
      %add3A_68 = arith.constant 1 : i32
      %add3A_69 = arith.addi %mul3A_34, %add3A_68 : i32
      %swap3A_70 = arith.index_cast %add3A_69 : i32 to index
      %swap3A_71 = arith.constant 0 : index
      %swap3A_72 = tpu.vector_load %arg8[%swap3A_70, %swap3A_71] {strides = array<i32>} : memref<640x64xf32, #tpu.memory_space<vmem>>, vector<1x16xf32>,
      %swap3A_73 = vector.shape_cast %swap3A_72 : vector<1x16xf32> to vector<16xf32>
      %swap3A_74 = vector.shape_cast %broadcast_in_dim3A_67 : vector<16xf32> to vector<1x16xf32>
      tpu.vector_store %arg8[%swap3A_70, %swap3A_71], %swap3A_74 {strides = array<i32>} : memref<640x64xf32, #tpu.memory_space<vmem>>, vector<1x16xf32>,
      %add3A_75 = arith.constant 1 : i32
      %add3A_76 = arith.addi %mul3A_34, %add3A_75 : i32
      %swap3A_77 = arith.index_cast %add3A_76 : i32 to index
      %swap3A_78 = arith.constant 16 : index
      %swap3A_79 = tpu.vector_load %arg8[%swap3A_77, %swap3A_78] {strides = array<i32>} : memref<640x64xf32, #tpu.memory_space<vmem>>, vector<1x16xf32>,
      %swap3A_80 = vector.shape_cast %swap3A_79 : vector<1x16xf32> to vector<16xf32>
      %swap3A_81 = vector.shape_cast %broadcast_in_dim3A_67 : vector<16xf32> to vector<1x16xf32>
      tpu.vector_store %arg8[%swap3A_77, %swap3A_78], %swap3A_81 {strides = array<i32>} : memref<640x64xf32, #tpu.memory_space<vmem>>, vector<1x16xf32>,
      %add3A_82 = arith.constant 1 : i32
      %add3A_83 = arith.addi %mul3A_34, %add3A_82 : i32
      %swap3A_84 = arith.index_cast %add3A_83 : i32 to index
      %swap3A_85 = arith.constant 32 : index
      %swap3A_86 = tpu.vector_load %arg8[%swap3A_84, %swap3A_85] {strides = array<i32>} : memref<640x64xf32, #tpu.memory_space<vmem>>, vector<1x16xf32>,
      %swap3A_87 = vector.shape_cast %swap3A_86 : vector<1x16xf32> to vector<16xf32>
      %swap3A_88 = vector.shape_cast %broadcast_in_dim3A_67 : vector<16xf32> to vector<1x16xf32>
      tpu.vector_store %arg8[%swap3A_84, %swap3A_85], %swap3A_88 {strides = array<i32>} : memref<640x64xf32, #tpu.memory_space<vmem>>, vector<1x16xf32>,
      %add3A_89 = arith.constant 1 : i32
      %add3A_90 = arith.addi %mul3A_34, %add3A_89 : i32
      %swap3A_91 = arith.index_cast %add3A_90 : i32 to index
      %swap3A_92 = arith.constant 48 : index
      %swap3A_93 = tpu.vector_load %arg8[%swap3A_91, %swap3A_92] {strides = array<i32>} : memref<640x64xf32, #tpu.memory_space<vmem>>, vector<1x16xf32>,
      %swap3A_94 = vector.shape_cast %swap3A_93 : vector<1x16xf32> to vector<16xf32>
      %swap3A_95 = vector.shape_cast %broadcast_in_dim3A_67 : vector<16xf32> to vector<1x16xf32>
      tpu.vector_store %arg8[%swap3A_91, %swap3A_92], %swap3A_95 {strides = array<i32>} : memref<640x64xf32, #tpu.memory_space<vmem>>, vector<1x16xf32>,
      %slice3A_96 = vector.extract_strided_slice %get3A_36 {offsets = [2], sizes = [1], strides = [1]} : vector<16xf32> to vector<1xf32>
      %squeeze3A_97 = vector.extract %slice3A_96[0] : f32 from vector<1xf32>
      %broadcast_in_dim3A_98 = vector.broadcast %squeeze3A_97 : f32 to vector<16xf32>
      %add3A_99 = arith.constant 2 : i32
      %add3A_100 = arith.addi %mul3A_34, %add3A_99 : i32
      %swap3A_101 = arith.index_cast %add3A_100 : i32 to index
      %swap3A_102 = arith.constant 0 : index
      %swap3A_103 = tpu.vector_load %arg8[%swap3A_101, %swap3A_102] {strides = array<i32>} : memref<640x64xf32, #tpu.memory_space<vmem>>, vector<1x16xf32>,
      %swap3A_104 = vector.shape_cast %swap3A_103 : vector<1x16xf32> to vector<16xf32>
      %swap3A_105 = vector.shape_cast %broadcast_in_dim3A_98 : vector<16xf32> to vector<1x16xf32>
      tpu.vector_store %arg8[%swap3A_101, %swap3A_102], %swap3A_105 {strides = array<i32>} : memref<640x64xf32, #tpu.memory_space<vmem>>, vector<1x16xf32>,
      %add3A_106 = arith.constant 2 : i32
      %add3A_107 = arith.addi %mul3A_34, %add3A_106 : i32
      %swap3A_108 = arith.index_cast %add3A_107 : i32 to index
      %swap3A_109 = arith.constant 16 : index
      %swap3A_110 = tpu.vector_load %arg8[%swap3A_108, %swap3A_109] {strides = array<i32>} : memref<640x64xf32, #tpu.memory_space<vmem>>, vector<1x16xf32>,
      %swap3A_111 = vector.shape_cast %swap3A_110 : vector<1x16xf32> to vector<16xf32>
      %swap3A_112 = vector.shape_cast %broadcast_in_dim3A_98 : vector<16xf32> to vector<1x16xf32>
      tpu.vector_store %arg8[%swap3A_108, %swap3A_109], %swap3A_112 {strides = array<i32>} : memref<640x64xf32, #tpu.memory_space<vmem>>, vector<1x16xf32>,
      %add3A_113 = arith.constant 2 : i32
      %add3A_114 = arith.addi %mul3A_34, %add3A_113 : i32
      %swap3A_115 = arith.index_cast %add3A_114 : i32 to index
      %swap3A_116 = arith.constant 32 : index
      %swap3A_117 = tpu.vector_load %arg8[%swap3A_115, %swap3A_116] {strides = array<i32>} : memref<640x64xf32, #tpu.memory_space<vmem>>, vector<1x16xf32>,
      %swap3A_118 = vector.shape_cast %swap3A_117 : vector<1x16xf32> to vector<16xf32>
      %swap3A_119 = vector.shape_cast %broadcast_in_dim3A_98 : vector<16xf32> to vector<1x16xf32>
      tpu.vector_store %arg8[%swap3A_115, %swap3A_116], %swap3A_119 {strides = array<i32>} : memref<640x64xf32, #tpu.memory_space<vmem>>, vector<1x16xf32>,
      %add3A_120 = arith.constant 2 : i32
      %add3A_121 = arith.addi %mul3A_34, %add3A_120 : i32
      %swap3A_122 = arith.index_cast %add3A_121 : i32 to index
      %swap3A_123 = arith.constant 48 : index
      %swap3A_124 = tpu.vector_load %arg8[%swap3A_122, %swap3A_123] {strides = array<i32>} : memref<640x64xf32, #tpu.memory_space<vmem>>, vector<1x16xf32>,
      %swap3A_125 = vector.shape_cast %swap3A_124 : vector<1x16xf32> to vector<16xf32>
      %swap3A_126 = vector.shape_cast %broadcast_in_dim3A_98 : vector<16xf32> to vector<1x16xf32>
      tpu.vector_store %arg8[%swap3A_122, %swap3A_123], %swap3A_126 {strides = array<i32>} : memref<640x64xf32, #tpu.memory_space<vmem>>, vector<1x16xf32>,
      %slice3A_127 = vector.extract_strided_slice %get3A_36 {offsets = [3], sizes = [1], strides = [1]} : vector<16xf32> to vector<1xf32>
      %squeeze3A_128 = vector.extract %slice3A_127[0] : f32 from vector<1xf32>
      %broadcast_in_dim3A_129 = vector.broadcast %squeeze3A_128 : f32 to vector<16xf32>
      %add3A_130 = arith.constant 3 : i32
      %add3A_131 = arith.addi %mul3A_34, %add3A_130 : i32
      %swap3A_132 = arith.index_cast %add3A_131 : i32 to index
      %swap3A_133 = arith.constant 0 : index
      %swap3A_134 = tpu.vector_load %arg8[%swap3A_132, %swap3A_133] {strides = array<i32>} : memref<640x64xf32, #tpu.memory_space<vmem>>, vector<1x16xf32>,
      %swap3A_135 = vector.shape_cast %swap3A_134 : vector<1x16xf32> to vector<16xf32>
      %swap3A_136 = vector.shape_cast %broadcast_in_dim3A_129 : vector<16xf32> to vector<1x16xf32>
      tpu.vector_store %arg8[%swap3A_132, %swap3A_133], %swap3A_136 {strides = array<i32>} : memref<640x64xf32, #tpu.memory_space<vmem>>, vector<1x16xf32>,
      %add3A_137 = arith.constant 3 : i32
      %add3A_138 = arith.addi %mul3A_34, %add3A_137 : i32
      %swap3A_139 = arith.index_cast %add3A_138 : i32 to index
      %swap3A_140 = arith.constant 16 : index
      %swap3A_141 = tpu.vector_load %arg8[%swap3A_139, %swap3A_140] {strides = array<i32>} : memref<640x64xf32, #tpu.memory_space<vmem>>, vector<1x16xf32>,
      %swap3A_142 = vector.shape_cast %swap3A_141 : vector<1x16xf32> to vector<16xf32>
      %swap3A_143 = vector.shape_cast %broadcast_in_dim3A_129 : vector<16xf32> to vector<1x16xf32>
      tpu.vector_store %arg8[%swap3A_139, %swap3A_140], %swap3A_143 {strides = array<i32>} : memref<640x64xf32, #tpu.memory_space<vmem>>, vector<1x16xf32>,
      %add3A_144 = arith.constant 3 : i32
      %add3A_145 = arith.addi %mul3A_34, %add3A_144 : i32
      %swap3A_146 = arith.index_cast %add3A_145 : i32 to index
      %swap3A_147 = arith.constant 32 : index
      %swap3A_148 = tpu.vector_load %arg8[%swap3A_146, %swap3A_147] {strides = array<i32>} : memref<640x64xf32, #tpu.memory_space<vmem>>, vector<1x16xf32>,
      %swap3A_149 = vector.shape_cast %swap3A_148 : vector<1x16xf32> to vector<16xf32>
      %swap3A_150 = vector.shape_cast %broadcast_in_dim3A_129 : vector<16xf32> to vector<1x16xf32>
      tpu.vector_store %arg8[%swap3A_146, %swap3A_147], %swap3A_150 {strides = array<i32>} : memref<640x64xf32, #tpu.memory_space<vmem>>, vector<1x16xf32>,
      %add3A_151 = arith.constant 3 : i32
      %add3A_152 = arith.addi %mul3A_34, %add3A_151 : i32
      %swap3A_153 = arith.index_cast %add3A_152 : i32 to index
      %swap3A_154 = arith.constant 48 : index
      %swap3A_155 = tpu.vector_load %arg8[%swap3A_153, %swap3A_154] {strides = array<i32>} : memref<640x64xf32, #tpu.memory_space<vmem>>, vector<1x16xf32>,
      %swap3A_156 = vector.shape_cast %swap3A_155 : vector<1x16xf32> to vector<16xf32>
      %swap3A_157 = vector.shape_cast %broadcast_in_dim3A_129 : vector<16xf32> to vector<1x16xf32>
      tpu.vector_store %arg8[%swap3A_153, %swap3A_154], %swap3A_157 {strides = array<i32>} : memref<640x64xf32, #tpu.memory_space<vmem>>, vector<1x16xf32>,
      %slice3A_158 = vector.extract_strided_slice %get3A_36 {offsets = [4], sizes = [1], strides = [1]} : vector<16xf32> to vector<1xf32>
      %squeeze3A_159 = vector.extract %slice3A_158[0] : f32 from vector<1xf32>
      %broadcast_in_dim3A_160 = vector.broadcast %squeeze3A_159 : f32 to vector<16xf32>
      %add3A_161 = arith.constant 4 : i32
      %add3A_162 = arith.addi %mul3A_34, %add3A_161 : i32
      %swap3A_163 = arith.index_cast %add3A_162 : i32 to index
      %swap3A_164 = arith.constant 0 : index
      %swap3A_165 = tpu.vector_load %arg8[%swap3A_163, %swap3A_164] {strides = array<i32>} : memref<640x64xf32, #tpu.memory_space<vmem>>, vector<1x16xf32>,
      %swap3A_166 = vector.shape_cast %swap3A_165 : vector<1x16xf32> to vector<16xf32>
      %swap3A_167 = vector.shape_cast %broadcast_in_dim3A_160 : vector<16xf32> to vector<1x16xf32>
      tpu.vector_store %arg8[%swap3A_163, %swap3A_164], %swap3A_167 {strides = array<i32>} : memref<640x64xf32, #tpu.memory_space<vmem>>, vector<1x16xf32>,
      %add3A_168 = arith.constant 4 : i32
      %add3A_169 = arith.addi %mul3A_34, %add3A_168 : i32
      %swap3A_170 = arith.index_cast %add3A_169 : i32 to index
      %swap3A_171 = arith.constant 16 : index
      %swap3A_172 = tpu.vector_load %arg8[%swap3A_170, %swap3A_171] {strides = array<i32>} : memref<640x64xf32, #tpu.memory_space<vmem>>, vector<1x16xf32>,
      %swap3A_173 = vector.shape_cast %swap3A_172 : vector<1x16xf32> to vector<16xf32>
      %swap3A_174 = vector.shape_cast %broadcast_in_dim3A_160 : vector<16xf32> to vector<1x16xf32>
      tpu.vector_store %arg8[%swap3A_170, %swap3A_171], %swap3A_174 {strides = array<i32>} : memref<640x64xf32, #tpu.memory_space<vmem>>, vector<1x16xf32>,
      %add3A_175 = arith.constant 4 : i32
      %add3A_176 = arith.addi %mul3A_34, %add3A_175 : i32
      %swap3A_177 = arith.index_cast %add3A_176 : i32 to index
      %swap3A_178 = arith.constant 32 : index
      %swap3A_179 = tpu.vector_load %arg8[%swap3A_177, %swap3A_178] {strides = array<i32>} : memref<640x64xf32, #tpu.memory_space<vmem>>, vector<1x16xf32>,
      %swap3A_180 = vector.shape_cast %swap3A_179 : vector<1x16xf32> to vector<16xf32>
      %swap3A_181 = vector.shape_cast %broadcast_in_dim3A_160 : vector<16xf32> to vector<1x16xf32>
      tpu.vector_store %arg8[%swap3A_177, %swap3A_178], %swap3A_181 {strides = array<i32>} : memref<640x64xf32, #tpu.memory_space<vmem>>, vector<1x16xf32>,
      %add3A_182 = arith.constant 4 : i32
      %add3A_183 = arith.addi %mul3A_34, %add3A_182 : i32
      %swap3A_184 = arith.index_cast %add3A_183 : i32 to index
      %swap3A_185 = arith.constant 48 : index
      %swap3A_186 = tpu.vector_load %arg8[%swap3A_184, %swap3A_185] {strides = array<i32>} : memref<640x64xf32, #tpu.memory_space<vmem>>, vector<1x16xf32>,
      %swap3A_187 = vector.shape_cast %swap3A_186 : vector<1x16xf32> to vector<16xf32>
      %swap3A_188 = vector.shape_cast %broadcast_in_dim3A_160 : vector<16xf32> to vector<1x16xf32>
      tpu.vector_store %arg8[%swap3A_184, %swap3A_185], %swap3A_188 {strides = array<i32>} : memref<640x64xf32, #tpu.memory_space<vmem>>, vector<1x16xf32>,
      %slice3A_189 = vector.extract_strided_slice %get3A_36 {offsets = [5], sizes = [1], strides = [1]} : vector<16xf32> to vector<1xf32>
      %squeeze3A_190 = vector.extract %slice3A_189[0] : f32 from vector<1xf32>
      %broadcast_in_dim3A_191 = vector.broadcast %squeeze3A_190 : f32 to vector<16xf32>
      %add3A_192 = arith.constant 5 : i32
      %add3A_193 = arith.addi %mul3A_34, %add3A_192 : i32
      %swap3A_194 = arith.index_cast %add3A_193 : i32 to index
      %swap3A_195 = arith.constant 0 : index
      %swap3A_196 = tpu.vector_load %arg8[%swap3A_194, %swap3A_195] {strides = array<i32>} : memref<640x64xf32, #tpu.memory_space<vmem>>, vector<1x16xf32>,
      %swap3A_197 = vector.shape_cast %swap3A_196 : vector<1x16xf32> to vector<16xf32>
      %swap3A_198 = vector.shape_cast %broadcast_in_dim3A_191 : vector<16xf32> to vector<1x16xf32>
      tpu.vector_store %arg8[%swap3A_194, %swap3A_195], %swap3A_198 {strides = array<i32>} : memref<640x64xf32, #tpu.memory_space<vmem>>, vector<1x16xf32>,
      %add3A_199 = arith.constant 5 : i32
      %add3A_200 = arith.addi %mul3A_34, %add3A_199 : i32
      %swap3A_201 = arith.index_cast %add3A_200 : i32 to index
      %swap3A_202 = arith.constant 16 : index
      %swap3A_203 = tpu.vector_load %arg8[%swap3A_201, %swap3A_202] {strides = array<i32>} : memref<640x64xf32, #tpu.memory_space<vmem>>, vector<1x16xf32>,
      %swap3A_204 = vector.shape_cast %swap3A_203 : vector<1x16xf32> to vector<16xf32>
      %swap3A_205 = vector.shape_cast %broadcast_in_dim3A_191 : vector<16xf32> to vector<1x16xf32>
      tpu.vector_store %arg8[%swap3A_201, %swap3A_202], %swap3A_205 {strides = array<i32>} : memref<640x64xf32, #tpu.memory_space<vmem>>, vector<1x16xf32>,
      %add3A_206 = arith.constant 5 : i32
      %add3A_207 = arith.addi %mul3A_34, %add3A_206 : i32
      %swap3A_208 = arith.index_cast %add3A_207 : i32 to index
      %swap3A_209 = arith.constant 32 : index
      %swap3A_210 = tpu.vector_load %arg8[%swap3A_208, %swap3A_209] {strides = array<i32>} : memref<640x64xf32, #tpu.memory_space<vmem>>, vector<1x16xf32>,
      %swap3A_211 = vector.shape_cast %swap3A_210 : vector<1x16xf32> to vector<16xf32>
      %swap3A_212 = vector.shape_cast %broadcast_in_dim3A_191 : vector<16xf32> to vector<1x16xf32>
      tpu.vector_store %arg8[%swap3A_208, %swap3A_209], %swap3A_212 {strides = array<i32>} : memref<640x64xf32, #tpu.memory_space<vmem>>, vector<1x16xf32>,
      %add3A_213 = arith.constant 5 : i32
      %add3A_214 = arith.addi %mul3A_34, %add3A_213 : i32
      %swap3A_215 = arith.index_cast %add3A_214 : i32 to index
      %swap3A_216 = arith.constant 48 : index
      %swap3A_217 = tpu.vector_load %arg8[%swap3A_215, %swap3A_216] {strides = array<i32>} : memref<640x64xf32, #tpu.memory_space<vmem>>, vector<1x16xf32>,
      %swap3A_218 = vector.shape_cast %swap3A_217 : vector<1x16xf32> to vector<16xf32>
      %swap3A_219 = vector.shape_cast %broadcast_in_dim3A_191 : vector<16xf32> to vector<1x16xf32>
      tpu.vector_store %arg8[%swap3A_215, %swap3A_216], %swap3A_219 {strides = array<i32>} : memref<640x64xf32, #tpu.memory_space<vmem>>, vector<1x16xf32>,
      %slice3A_220 = vector.extract_strided_slice %get3A_36 {offsets = [6], sizes = [1], strides = [1]} : vector<16xf32> to vector<1xf32>
      %squeeze3A_221 = vector.extract %slice3A_220[0] : f32 from vector<1xf32>
      %broadcast_in_dim3A_222 = vector.broadcast %squeeze3A_221 : f32 to vector<16xf32>
      %add3A_223 = arith.constant 6 : i32
      %add3A_224 = arith.addi %mul3A_34, %add3A_223 : i32
      %swap3A_225 = arith.index_cast %add3A_224 : i32 to index
      %swap3A_226 = arith.constant 0 : index
      %swap3A_227 = tpu.vector_load %arg8[%swap3A_225, %swap3A_226] {strides = array<i32>} : memref<640x64xf32, #tpu.memory_space<vmem>>, vector<1x16xf32>,
      %swap3A_228 = vector.shape_cast %swap3A_227 : vector<1x16xf32> to vector<16xf32>
      %swap3A_229 = vector.shape_cast %broadcast_in_dim3A_222 : vector<16xf32> to vector<1x16xf32>
      tpu.vector_store %arg8[%swap3A_225, %swap3A_226], %swap3A_229 {strides = array<i32>} : memref<640x64xf32, #tpu.memory_space<vmem>>, vector<1x16xf32>,
      %add3A_230 = arith.constant 6 : i32
      %add3A_231 = arith.addi %mul3A_34, %add3A_230 : i32
      %swap3A_232 = arith.index_cast %add3A_231 : i32 to index
      %swap3A_233 = arith.constant 16 : index
      %swap3A_234 = tpu.vector_load %arg8[%swap3A_232, %swap3A_233] {strides = array<i32>} : memref<640x64xf32, #tpu.memory_space<vmem>>, vector<1x16xf32>,
      %swap3A_235 = vector.shape_cast %swap3A_234 : vector<1x16xf32> to vector<16xf32>
      %swap3A_236 = vector.shape_cast %broadcast_in_dim3A_222 : vector<16xf32> to vector<1x16xf32>
      tpu.vector_store %arg8[%swap3A_232, %swap3A_233], %swap3A_236 {strides = array<i32>} : memref<640x64xf32, #tpu.memory_space<vmem>>, vector<1x16xf32>,
      %add3A_237 = arith.constant 6 : i32
      %add3A_238 = arith.addi %mul3A_34, %add3A_237 : i32
      %swap3A_239 = arith.index_cast %add3A_238 : i32 to index
      %swap3A_240 = arith.constant 32 : index
      %swap3A_241 = tpu.vector_load %arg8[%swap3A_239, %swap3A_240] {strides = array<i32>} : memref<640x64xf32, #tpu.memory_space<vmem>>, vector<1x16xf32>,
      %swap3A_242 = vector.shape_cast %swap3A_241 : vector<1x16xf32> to vector<16xf32>
      %swap3A_243 = vector.shape_cast %broadcast_in_dim3A_222 : vector<16xf32> to vector<1x16xf32>
      tpu.vector_store %arg8[%swap3A_239, %swap3A_240], %swap3A_243 {strides = array<i32>} : memref<640x64xf32, #tpu.memory_space<vmem>>, vector<1x16xf32>,
      %add3A_244 = arith.constant 6 : i32
      %add3A_245 = arith.addi %mul3A_34, %add3A_244 : i32
      %swap3A_246 = arith.index_cast %add3A_245 : i32 to index
      %swap3A_247 = arith.constant 48 : index
      %swap3A_248 = tpu.vector_load %arg8[%swap3A_246, %swap3A_247] {strides = array<i32>} : memref<640x64xf32, #tpu.memory_space<vmem>>, vector<1x16xf32>,
      %swap3A_249 = vector.shape_cast %swap3A_248 : vector<1x16xf32> to vector<16xf32>
      %swap3A_250 = vector.shape_cast %broadcast_in_dim3A_222 : vector<16xf32> to vector<1x16xf32>
      tpu.vector_store %arg8[%swap3A_246, %swap3A_247], %swap3A_250 {strides = array<i32>} : memref<640x64xf32, #tpu.memory_space<vmem>>, vector<1x16xf32>,
      %slice3A_251 = vector.extract_strided_slice %get3A_36 {offsets = [7], sizes = [1], strides = [1]} : vector<16xf32> to vector<1xf32>
      %squeeze3A_252 = vector.extract %slice3A_251[0] : f32 from vector<1xf32>
      %broadcast_in_dim3A_253 = vector.broadcast %squeeze3A_252 : f32 to vector<16xf32>
      %add3A_254 = arith.constant 7 : i32
      %add3A_255 = arith.addi %mul3A_34, %add3A_254 : i32
      %swap3A_256 = arith.index_cast %add3A_255 : i32 to index
      %swap3A_257 = arith.constant 0 : index
      %swap3A_258 = tpu.vector_load %arg8[%swap3A_256, %swap3A_257] {strides = array<i32>} : memref<640x64xf32, #tpu.memory_space<vmem>>, vector<1x16xf32>,
      %swap3A_259 = vector.shape_cast %swap3A_258 : vector<1x16xf32> to vector<16xf32>
      %swap3A_260 = vector.shape_cast %broadcast_in_dim3A_253 : vector<16xf32> to vector<1x16xf32>
      tpu.vector_store %arg8[%swap3A_256, %swap3A_257], %swap3A_260 {strides = array<i32>} : memref<640x64xf32, #tpu.memory_space<vmem>>, vector<1x16xf32>,
      %add3A_261 = arith.constant 7 : i32
      %add3A_262 = arith.addi %mul3A_34, %add3A_261 : i32
      %swap3A_263 = arith.index_cast %add3A_262 : i32 to index
      %swap3A_264 = arith.constant 16 : index
      %swap3A_265 = tpu.vector_load %arg8[%swap3A_263, %swap3A_264] {strides = array<i32>} : memref<640x64xf32, #tpu.memory_space<vmem>>, vector<1x16xf32>,
      %swap3A_266 = vector.shape_cast %swap3A_265 : vector<1x16xf32> to vector<16xf32>
      %swap3A_267 = vector.shape_cast %broadcast_in_dim3A_253 : vector<16xf32> to vector<1x16xf32>
      tpu.vector_store %arg8[%swap3A_263, %swap3A_264], %swap3A_267 {strides = array<i32>} : memref<640x64xf32, #tpu.memory_space<vmem>>, vector<1x16xf32>,
      %add3A_268 = arith.constant 7 : i32
      %add3A_269 = arith.addi %mul3A_34, %add3A_268 : i32
      %swap3A_270 = arith.index_cast %add3A_269 : i32 to index
      %swap3A_271 = arith.constant 32 : index
      %swap3A_272 = tpu.vector_load %arg8[%swap3A_270, %swap3A_271] {strides = array<i32>} : memref<640x64xf32, #tpu.memory_space<vmem>>, vector<1x16xf32>,
      %swap3A_273 = vector.shape_cast %swap3A_272 : vector<1x16xf32> to vector<16xf32>
      %swap3A_274 = vector.shape_cast %broadcast_in_dim3A_253 : vector<16xf32> to vector<1x16xf32>
      tpu.vector_store %arg8[%swap3A_270, %swap3A_271], %swap3A_274 {strides = array<i32>} : memref<640x64xf32, #tpu.memory_space<vmem>>, vector<1x16xf32>,
      %add3A_275 = arith.constant 7 : i32
      %add3A_276 = arith.addi %mul3A_34, %add3A_275 : i32
      %swap3A_277 = arith.index_cast %add3A_276 : i32 to index
      %swap3A_278 = arith.constant 48 : index
      %swap3A_279 = tpu.vector_load %arg8[%swap3A_277, %swap3A_278] {strides = array<i32>} : memref<640x64xf32, #tpu.memory_space<vmem>>, vector<1x16xf32>,
      %swap3A_280 = vector.shape_cast %swap3A_279 : vector<1x16xf32> to vector<16xf32>
      %swap3A_281 = vector.shape_cast %broadcast_in_dim3A_253 : vector<16xf32> to vector<1x16xf32>
      tpu.vector_store %arg8[%swap3A_277, %swap3A_278], %swap3A_281 {strides = array<i32>} : memref<640x64xf32, #tpu.memory_space<vmem>>, vector<1x16xf32>,
      %slice3A_282 = vector.extract_strided_slice %get3A_36 {offsets = [8], sizes = [1], strides = [1]} : vector<16xf32> to vector<1xf32>
      %squeeze3A_283 = vector.extract %slice3A_282[0] : f32 from vector<1xf32>
      %broadcast_in_dim3A_284 = vector.broadcast %squeeze3A_283 : f32 to vector<16xf32>
      %add3A_285 = arith.constant 8 : i32
      %add3A_286 = arith.addi %mul3A_34, %add3A_285 : i32
      %swap3A_287 = arith.index_cast %add3A_286 : i32 to index
      %swap3A_288 = arith.constant 0 : index
      %swap3A_289 = tpu.vector_load %arg8[%swap3A_287, %swap3A_288] {strides = array<i32>} : memref<640x64xf32, #tpu.memory_space<vmem>>, vector<1x16xf32>,
      %swap3A_290 = vector.shape_cast %swap3A_289 : vector<1x16xf32> to vector<16xf32>
      %swap3A_291 = vector.shape_cast %broadcast_in_dim3A_284 : vector<16xf32> to vector<1x16xf32>
      tpu.vector_store %arg8[%swap3A_287, %swap3A_288], %swap3A_291 {strides = array<i32>} : memref<640x64xf32, #tpu.memory_space<vmem>>, vector<1x16xf32>,
      %add3A_292 = arith.constant 8 : i32
      %add3A_293 = arith.addi %mul3A_34, %add3A_292 : i32
      %swap3A_294 = arith.index_cast %add3A_293 : i32 to index
      %swap3A_295 = arith.constant 16 : index
      %swap3A_296 = tpu.vector_load %arg8[%swap3A_294, %swap3A_295] {strides = array<i32>} : memref<640x64xf32, #tpu.memory_space<vmem>>, vector<1x16xf32>,
      %swap3A_297 = vector.shape_cast %swap3A_296 : vector<1x16xf32> to vector<16xf32>
      %swap3A_298 = vector.shape_cast %broadcast_in_dim3A_284 : vector<16xf32> to vector<1x16xf32>
      tpu.vector_store %arg8[%swap3A_294, %swap3A_295], %swap3A_298 {strides = array<i32>} : memref<640x64xf32, #tpu.memory_space<vmem>>, vector<1x16xf32>,
      %add3A_299 = arith.constant 8 : i32
      %add3A_300 = arith.addi %mul3A_34, %add3A_299 : i32
      %swap3A_301 = arith.index_cast %add3A_300 : i32 to index
      %swap3A_302 = arith.constant 32 : index
      %swap3A_303 = tpu.vector_load %arg8[%swap3A_301, %swap3A_302] {strides = array<i32>} : memref<640x64xf32, #tpu.memory_space<vmem>>, vector<1x16xf32>,
      %swap3A_304 = vector.shape_cast %swap3A_303 : vector<1x16xf32> to vector<16xf32>
      %swap3A_305 = vector.shape_cast %broadcast_in_dim3A_284 : vector<16xf32> to vector<1x16xf32>
      tpu.vector_store %arg8[%swap3A_301, %swap3A_302], %swap3A_305 {strides = array<i32>} : memref<640x64xf32, #tpu.memory_space<vmem>>, vector<1x16xf32>,
      %add3A_306 = arith.constant 8 : i32
      %add3A_307 = arith.addi %mul3A_34, %add3A_306 : i32
      %swap3A_308 = arith.index_cast %add3A_307 : i32 to index
      %swap3A_309 = arith.constant 48 : index
      %swap3A_310 = tpu.vector_load %arg8[%swap3A_308, %swap3A_309] {strides = array<i32>} : memref<640x64xf32, #tpu.memory_space<vmem>>, vector<1x16xf32>,
      %swap3A_311 = vector.shape_cast %swap3A_310 : vector<1x16xf32> to vector<16xf32>
      %swap3A_312 = vector.shape_cast %broadcast_in_dim3A_284 : vector<16xf32> to vector<1x16xf32>
      tpu.vector_store %arg8[%swap3A_308, %swap3A_309], %swap3A_312 {strides = array<i32>} : memref<640x64xf32, #tpu.memory_space<vmem>>, vector<1x16xf32>,
      %slice3A_313 = vector.extract_strided_slice %get3A_36 {offsets = [9], sizes = [1], strides = [1]} : vector<16xf32> to vector<1xf32>
      %squeeze3A_314 = vector.extract %slice3A_313[0] : f32 from vector<1xf32>
      %broadcast_in_dim3A_315 = vector.broadcast %squeeze3A_314 : f32 to vector<16xf32>
      %add3A_316 = arith.constant 9 : i32
      %add3A_317 = arith.addi %mul3A_34, %add3A_316 : i32
      %swap3A_318 = arith.index_cast %add3A_317 : i32 to index
      %swap3A_319 = arith.constant 0 : index
      %swap3A_320 = tpu.vector_load %arg8[%swap3A_318, %swap3A_319] {strides = array<i32>} : memref<640x64xf32, #tpu.memory_space<vmem>>, vector<1x16xf32>,
      %swap3A_321 = vector.shape_cast %swap3A_320 : vector<1x16xf32> to vector<16xf32>
      %swap3A_322 = vector.shape_cast %broadcast_in_dim3A_315 : vector<16xf32> to vector<1x16xf32>
      tpu.vector_store %arg8[%swap3A_318, %swap3A_319], %swap3A_322 {strides = array<i32>} : memref<640x64xf32, #tpu.memory_space<vmem>>, vector<1x16xf32>,
      %add3A_323 = arith.constant 9 : i32
      %add3A_324 = arith.addi %mul3A_34, %add3A_323 : i32
      %swap3A_325 = arith.index_cast %add3A_324 : i32 to index
      %swap3A_326 = arith.constant 16 : index
      %swap3A_327 = tpu.vector_load %arg8[%swap3A_325, %swap3A_326] {strides = array<i32>} : memref<640x64xf32, #tpu.memory_space<vmem>>, vector<1x16xf32>,
      %swap3A_328 = vector.shape_cast %swap3A_327 : vector<1x16xf32> to vector<16xf32>
      %swap3A_329 = vector.shape_cast %broadcast_in_dim3A_315 : vector<16xf32> to vector<1x16xf32>
      tpu.vector_store %arg8[%swap3A_325, %swap3A_326], %swap3A_329 {strides = array<i32>} : memref<640x64xf32, #tpu.memory_space<vmem>>, vector<1x16xf32>,
      %add3A_330 = arith.constant 9 : i32
      %add3A_331 = arith.addi %mul3A_34, %add3A_330 : i32
      %swap3A_332 = arith.index_cast %add3A_331 : i32 to index
      %swap3A_333 = arith.constant 32 : index
      %swap3A_334 = tpu.vector_load %arg8[%swap3A_332, %swap3A_333] {strides = array<i32>} : memref<640x64xf32, #tpu.memory_space<vmem>>, vector<1x16xf32>,
      %swap3A_335 = vector.shape_cast %swap3A_334 : vector<1x16xf32> to vector<16xf32>
      %swap3A_336 = vector.shape_cast %broadcast_in_dim3A_315 : vector<16xf32> to vector<1x16xf32>
      tpu.vector_store %arg8[%swap3A_332, %swap3A_333], %swap3A_336 {strides = array<i32>} : memref<640x64xf32, #tpu.memory_space<vmem>>, vector<1x16xf32>,
      %add3A_337 = arith.constant 9 : i32
      %add3A_338 = arith.addi %mul3A_34, %add3A_337 : i32
      %swap3A_339 = arith.index_cast %add3A_338 : i32 to index
      %swap3A_340 = arith.constant 48 : index
      %swap3A_341 = tpu.vector_load %arg8[%swap3A_339, %swap3A_340] {strides = array<i32>} : memref<640x64xf32, #tpu.memory_space<vmem>>, vector<1x16xf32>,
      %swap3A_342 = vector.shape_cast %swap3A_341 : vector<1x16xf32> to vector<16xf32>
      %swap3A_343 = vector.shape_cast %broadcast_in_dim3A_315 : vector<16xf32> to vector<1x16xf32>
      tpu.vector_store %arg8[%swap3A_339, %swap3A_340], %swap3A_343 {strides = array<i32>} : memref<640x64xf32, #tpu.memory_space<vmem>>, vector<1x16xf32>,
      %slice3A_344 = vector.extract_strided_slice %get3A_36 {offsets = [10], sizes = [1], strides = [1]} : vector<16xf32> to vector<1xf32>
      %squeeze3A_345 = vector.extract %slice3A_344[0] : f32 from vector<1xf32>
      %broadcast_in_dim3A_346 = vector.broadcast %squeeze3A_345 : f32 to vector<16xf32>
      %add3A_347 = arith.constant 10 : i32
      %add3A_348 = arith.addi %mul3A_34, %add3A_347 : i32
      %swap3A_349 = arith.index_cast %add3A_348 : i32 to index
      %swap3A_350 = arith.constant 0 : index
      %swap3A_351 = tpu.vector_load %arg8[%swap3A_349, %swap3A_350] {strides = array<i32>} : memref<640x64xf32, #tpu.memory_space<vmem>>, vector<1x16xf32>,
      %swap3A_352 = vector.shape_cast %swap3A_351 : vector<1x16xf32> to vector<16xf32>
      %swap3A_353 = vector.shape_cast %broadcast_in_dim3A_346 : vector<16xf32> to vector<1x16xf32>
      tpu.vector_store %arg8[%swap3A_349, %swap3A_350], %swap3A_353 {strides = array<i32>} : memref<640x64xf32, #tpu.memory_space<vmem>>, vector<1x16xf32>,
      %add3A_354 = arith.constant 10 : i32
      %add3A_355 = arith.addi %mul3A_34, %add3A_354 : i32
      %swap3A_356 = arith.index_cast %add3A_355 : i32 to index
      %swap3A_357 = arith.constant 16 : index
      %swap3A_358 = tpu.vector_load %arg8[%swap3A_356, %swap3A_357] {strides = array<i32>} : memref<640x64xf32, #tpu.memory_space<vmem>>, vector<1x16xf32>,
      %swap3A_359 = vector.shape_cast %swap3A_358 : vector<1x16xf32> to vector<16xf32>
      %swap3A_360 = vector.shape_cast %broadcast_in_dim3A_346 : vector<16xf32> to vector<1x16xf32>
      tpu.vector_store %arg8[%swap3A_356, %swap3A_357], %swap3A_360 {strides = array<i32>} : memref<640x64xf32, #tpu.memory_space<vmem>>, vector<1x16xf32>,
      %add3A_361 = arith.constant 10 : i32
      %add3A_362 = arith.addi %mul3A_34, %add3A_361 : i32
      %swap3A_363 = arith.index_cast %add3A_362 : i32 to index
      %swap3A_364 = arith.constant 32 : index
      %swap3A_365 = tpu.vector_load %arg8[%swap3A_363, %swap3A_364] {strides = array<i32>} : memref<640x64xf32, #tpu.memory_space<vmem>>, vector<1x16xf32>,
      %swap3A_366 = vector.shape_cast %swap3A_365 : vector<1x16xf32> to vector<16xf32>
      %swap3A_367 = vector.shape_cast %broadcast_in_dim3A_346 : vector<16xf32> to vector<1x16xf32>
      tpu.vector_store %arg8[%swap3A_363, %swap3A_364], %swap3A_367 {strides = array<i32>} : memref<640x64xf32, #tpu.memory_space<vmem>>, vector<1x16xf32>,
      %add3A_368 = arith.constant 10 : i32
      %add3A_369 = arith.addi %mul3A_34, %add3A_368 : i32
      %swap3A_370 = arith.index_cast %add3A_369 : i32 to index
      %swap3A_371 = arith.constant 48 : index
      %swap3A_372 = tpu.vector_load %arg8[%swap3A_370, %swap3A_371] {strides = array<i32>} : memref<640x64xf32, #tpu.memory_space<vmem>>, vector<1x16xf32>,
      %swap3A_373 = vector.shape_cast %swap3A_372 : vector<1x16xf32> to vector<16xf32>
      %swap3A_374 = vector.shape_cast %broadcast_in_dim3A_346 : vector<16xf32> to vector<1x16xf32>
      tpu.vector_store %arg8[%swap3A_370, %swap3A_371], %swap3A_374 {strides = array<i32>} : memref<640x64xf32, #tpu.memory_space<vmem>>, vector<1x16xf32>,
      %slice3A_375 = vector.extract_strided_slice %get3A_36 {offsets = [11], sizes = [1], strides = [1]} : vector<16xf32> to vector<1xf32>
      %squeeze3A_376 = vector.extract %slice3A_375[0] : f32 from vector<1xf32>
      %broadcast_in_dim3A_377 = vector.broadcast %squeeze3A_376 : f32 to vector<16xf32>
      %add3A_378 = arith.constant 11 : i32
      %add3A_379 = arith.addi %mul3A_34, %add3A_378 : i32
      %swap3A_380 = arith.index_cast %add3A_379 : i32 to index
      %swap3A_381 = arith.constant 0 : index
      %swap3A_382 = tpu.vector_load %arg8[%swap3A_380, %swap3A_381] {strides = array<i32>} : memref<640x64xf32, #tpu.memory_space<vmem>>, vector<1x16xf32>,
      %swap3A_383 = vector.shape_cast %swap3A_382 : vector<1x16xf32> to vector<16xf32>
      %swap3A_384 = vector.shape_cast %broadcast_in_dim3A_377 : vector<16xf32> to vector<1x16xf32>
      tpu.vector_store %arg8[%swap3A_380, %swap3A_381], %swap3A_384 {strides = array<i32>} : memref<640x64xf32, #tpu.memory_space<vmem>>, vector<1x16xf32>,
      %add3A_385 = arith.constant 11 : i32
      %add3A_386 = arith.addi %mul3A_34, %add3A_385 : i32
      %swap3A_387 = arith.index_cast %add3A_386 : i32 to index
      %swap3A_388 = arith.constant 16 : index
      %swap3A_389 = tpu.vector_load %arg8[%swap3A_387, %swap3A_388] {strides = array<i32>} : memref<640x64xf32, #tpu.memory_space<vmem>>, vector<1x16xf32>,
      %swap3A_390 = vector.shape_cast %swap3A_389 : vector<1x16xf32> to vector<16xf32>
      %swap3A_391 = vector.shape_cast %broadcast_in_dim3A_377 : vector<16xf32> to vector<1x16xf32>
      tpu.vector_store %arg8[%swap3A_387, %swap3A_388], %swap3A_391 {strides = array<i32>} : memref<640x64xf32, #tpu.memory_space<vmem>>, vector<1x16xf32>,
      %add3A_392 = arith.constant 11 : i32
      %add3A_393 = arith.addi %mul3A_34, %add3A_392 : i32
      %swap3A_394 = arith.index_cast %add3A_393 : i32 to index
      %swap3A_395 = arith.constant 32 : index
      %swap3A_396 = tpu.vector_load %arg8[%swap3A_394, %swap3A_395] {strides = array<i32>} : memref<640x64xf32, #tpu.memory_space<vmem>>, vector<1x16xf32>,
      %swap3A_397 = vector.shape_cast %swap3A_396 : vector<1x16xf32> to vector<16xf32>
      %swap3A_398 = vector.shape_cast %broadcast_in_dim3A_377 : vector<16xf32> to vector<1x16xf32>
      tpu.vector_store %arg8[%swap3A_394, %swap3A_395], %swap3A_398 {strides = array<i32>} : memref<640x64xf32, #tpu.memory_space<vmem>>, vector<1x16xf32>,
      %add3A_399 = arith.constant 11 : i32
      %add3A_400 = arith.addi %mul3A_34, %add3A_399 : i32
      %swap3A_401 = arith.index_cast %add3A_400 : i32 to index
      %swap3A_402 = arith.constant 48 : index
      %swap3A_403 = tpu.vector_load %arg8[%swap3A_401, %swap3A_402] {strides = array<i32>} : memref<640x64xf32, #tpu.memory_space<vmem>>, vector<1x16xf32>,
      %swap3A_404 = vector.shape_cast %swap3A_403 : vector<1x16xf32> to vector<16xf32>
      %swap3A_405 = vector.shape_cast %broadcast_in_dim3A_377 : vector<16xf32> to vector<1x16xf32>
      tpu.vector_store %arg8[%swap3A_401, %swap3A_402], %swap3A_405 {strides = array<i32>} : memref<640x64xf32, #tpu.memory_space<vmem>>, vector<1x16xf32>,
      %slice3A_406 = vector.extract_strided_slice %get3A_36 {offsets = [12], sizes = [1], strides = [1]} : vector<16xf32> to vector<1xf32>
      %squeeze3A_407 = vector.extract %slice3A_406[0] : f32 from vector<1xf32>
      %broadcast_in_dim3A_408 = vector.broadcast %squeeze3A_407 : f32 to vector<16xf32>
      %add3A_409 = arith.constant 12 : i32
      %add3A_410 = arith.addi %mul3A_34, %add3A_409 : i32
      %swap3A_411 = arith.index_cast %add3A_410 : i32 to index
      %swap3A_412 = arith.constant 0 : index
      %swap3A_413 = tpu.vector_load %arg8[%swap3A_411, %swap3A_412] {strides = array<i32>} : memref<640x64xf32, #tpu.memory_space<vmem>>, vector<1x16xf32>,
      %swap3A_414 = vector.shape_cast %swap3A_413 : vector<1x16xf32> to vector<16xf32>
      %swap3A_415 = vector.shape_cast %broadcast_in_dim3A_408 : vector<16xf32> to vector<1x16xf32>
      tpu.vector_store %arg8[%swap3A_411, %swap3A_412], %swap3A_415 {strides = array<i32>} : memref<640x64xf32, #tpu.memory_space<vmem>>, vector<1x16xf32>,
      %add3A_416 = arith.constant 12 : i32
      %add3A_417 = arith.addi %mul3A_34, %add3A_416 : i32
      %swap3A_418 = arith.index_cast %add3A_417 : i32 to index
      %swap3A_419 = arith.constant 16 : index
      %swap3A_420 = tpu.vector_load %arg8[%swap3A_418, %swap3A_419] {strides = array<i32>} : memref<640x64xf32, #tpu.memory_space<vmem>>, vector<1x16xf32>,
      %swap3A_421 = vector.shape_cast %swap3A_420 : vector<1x16xf32> to vector<16xf32>
      %swap3A_422 = vector.shape_cast %broadcast_in_dim3A_408 : vector<16xf32> to vector<1x16xf32>
      tpu.vector_store %arg8[%swap3A_418, %swap3A_419], %swap3A_422 {strides = array<i32>} : memref<640x64xf32, #tpu.memory_space<vmem>>, vector<1x16xf32>,
      %add3A_423 = arith.constant 12 : i32
      %add3A_424 = arith.addi %mul3A_34, %add3A_423 : i32
      %swap3A_425 = arith.index_cast %add3A_424 : i32 to index
      %swap3A_426 = arith.constant 32 : index
      %swap3A_427 = tpu.vector_load %arg8[%swap3A_425, %swap3A_426] {strides = array<i32>} : memref<640x64xf32, #tpu.memory_space<vmem>>, vector<1x16xf32>,
      %swap3A_428 = vector.shape_cast %swap3A_427 : vector<1x16xf32> to vector<16xf32>
      %swap3A_429 = vector.shape_cast %broadcast_in_dim3A_408 : vector<16xf32> to vector<1x16xf32>
      tpu.vector_store %arg8[%swap3A_425, %swap3A_426], %swap3A_429 {strides = array<i32>} : memref<640x64xf32, #tpu.memory_space<vmem>>, vector<1x16xf32>,
      %add3A_430 = arith.constant 12 : i32
      %add3A_431 = arith.addi %mul3A_34, %add3A_430 : i32
      %swap3A_432 = arith.index_cast %add3A_431 : i32 to index
      %swap3A_433 = arith.constant 48 : index
      %swap3A_434 = tpu.vector_load %arg8[%swap3A_432, %swap3A_433] {strides = array<i32>} : memref<640x64xf32, #tpu.memory_space<vmem>>, vector<1x16xf32>,
      %swap3A_435 = vector.shape_cast %swap3A_434 : vector<1x16xf32> to vector<16xf32>
      %swap3A_436 = vector.shape_cast %broadcast_in_dim3A_408 : vector<16xf32> to vector<1x16xf32>
      tpu.vector_store %arg8[%swap3A_432, %swap3A_433], %swap3A_436 {strides = array<i32>} : memref<640x64xf32, #tpu.memory_space<vmem>>, vector<1x16xf32>,
      %slice3A_437 = vector.extract_strided_slice %get3A_36 {offsets = [13], sizes = [1], strides = [1]} : vector<16xf32> to vector<1xf32>
      %squeeze3A_438 = vector.extract %slice3A_437[0] : f32 from vector<1xf32>
      %broadcast_in_dim3A_439 = vector.broadcast %squeeze3A_438 : f32 to vector<16xf32>
      %add3A_440 = arith.constant 13 : i32
      %add3A_441 = arith.addi %mul3A_34, %add3A_440 : i32
      %swap3A_442 = arith.index_cast %add3A_441 : i32 to index
      %swap3A_443 = arith.constant 0 : index
      %swap3A_444 = tpu.vector_load %arg8[%swap3A_442, %swap3A_443] {strides = array<i32>} : memref<640x64xf32, #tpu.memory_space<vmem>>, vector<1x16xf32>,
      %swap3A_445 = vector.shape_cast %swap3A_444 : vector<1x16xf32> to vector<16xf32>
      %swap3A_446 = vector.shape_cast %broadcast_in_dim3A_439 : vector<16xf32> to vector<1x16xf32>
      tpu.vector_store %arg8[%swap3A_442, %swap3A_443], %swap3A_446 {strides = array<i32>} : memref<640x64xf32, #tpu.memory_space<vmem>>, vector<1x16xf32>,
      %add3A_447 = arith.constant 13 : i32
      %add3A_448 = arith.addi %mul3A_34, %add3A_447 : i32
      %swap3A_449 = arith.index_cast %add3A_448 : i32 to index
      %swap3A_450 = arith.constant 16 : index
      %swap3A_451 = tpu.vector_load %arg8[%swap3A_449, %swap3A_450] {strides = array<i32>} : memref<640x64xf32, #tpu.memory_space<vmem>>, vector<1x16xf32>,
      %swap3A_452 = vector.shape_cast %swap3A_451 : vector<1x16xf32> to vector<16xf32>
      %swap3A_453 = vector.shape_cast %broadcast_in_dim3A_439 : vector<16xf32> to vector<1x16xf32>
      tpu.vector_store %arg8[%swap3A_449, %swap3A_450], %swap3A_453 {strides = array<i32>} : memref<640x64xf32, #tpu.memory_space<vmem>>, vector<1x16xf32>,
      %add3A_454 = arith.constant 13 : i32
      %add3A_455 = arith.addi %mul3A_34, %add3A_454 : i32
      %swap3A_456 = arith.index_cast %add3A_455 : i32 to index
      %swap3A_457 = arith.constant 32 : index
      %swap3A_458 = tpu.vector_load %arg8[%swap3A_456, %swap3A_457] {strides = array<i32>} : memref<640x64xf32, #tpu.memory_space<vmem>>, vector<1x16xf32>,
      %swap3A_459 = vector.shape_cast %swap3A_458 : vector<1x16xf32> to vector<16xf32>
      %swap3A_460 = vector.shape_cast %broadcast_in_dim3A_439 : vector<16xf32> to vector<1x16xf32>
      tpu.vector_store %arg8[%swap3A_456, %swap3A_457], %swap3A_460 {strides = array<i32>} : memref<640x64xf32, #tpu.memory_space<vmem>>, vector<1x16xf32>,
      %add3A_461 = arith.constant 13 : i32
      %add3A_462 = arith.addi %mul3A_34, %add3A_461 : i32
      %swap3A_463 = arith.index_cast %add3A_462 : i32 to index
      %swap3A_464 = arith.constant 48 : index
      %swap3A_465 = tpu.vector_load %arg8[%swap3A_463, %swap3A_464] {strides = array<i32>} : memref<640x64xf32, #tpu.memory_space<vmem>>, vector<1x16xf32>,
      %swap3A_466 = vector.shape_cast %swap3A_465 : vector<1x16xf32> to vector<16xf32>
      %swap3A_467 = vector.shape_cast %broadcast_in_dim3A_439 : vector<16xf32> to vector<1x16xf32>
      tpu.vector_store %arg8[%swap3A_463, %swap3A_464], %swap3A_467 {strides = array<i32>} : memref<640x64xf32, #tpu.memory_space<vmem>>, vector<1x16xf32>,
      %slice3A_468 = vector.extract_strided_slice %get3A_36 {offsets = [14], sizes = [1], strides = [1]} : vector<16xf32> to vector<1xf32>
      %squeeze3A_469 = vector.extract %slice3A_468[0] : f32 from vector<1xf32>
      %broadcast_in_dim3A_470 = vector.broadcast %squeeze3A_469 : f32 to vector<16xf32>
      %add3A_471 = arith.constant 14 : i32
      %add3A_472 = arith.addi %mul3A_34, %add3A_471 : i32
      %swap3A_473 = arith.index_cast %add3A_472 : i32 to index
      %swap3A_474 = arith.constant 0 : index
      %swap3A_475 = tpu.vector_load %arg8[%swap3A_473, %swap3A_474] {strides = array<i32>} : memref<640x64xf32, #tpu.memory_space<vmem>>, vector<1x16xf32>,
      %swap3A_476 = vector.shape_cast %swap3A_475 : vector<1x16xf32> to vector<16xf32>
      %swap3A_477 = vector.shape_cast %broadcast_in_dim3A_470 : vector<16xf32> to vector<1x16xf32>
      tpu.vector_store %arg8[%swap3A_473, %swap3A_474], %swap3A_477 {strides = array<i32>} : memref<640x64xf32, #tpu.memory_space<vmem>>, vector<1x16xf32>,
      %add3A_478 = arith.constant 14 : i32
      %add3A_479 = arith.addi %mul3A_34, %add3A_478 : i32
      %swap3A_480 = arith.index_cast %add3A_479 : i32 to index
      %swap3A_481 = arith.constant 16 : index
      %swap3A_482 = tpu.vector_load %arg8[%swap3A_480, %swap3A_481] {strides = array<i32>} : memref<640x64xf32, #tpu.memory_space<vmem>>, vector<1x16xf32>,
      %swap3A_483 = vector.shape_cast %swap3A_482 : vector<1x16xf32> to vector<16xf32>
      %swap3A_484 = vector.shape_cast %broadcast_in_dim3A_470 : vector<16xf32> to vector<1x16xf32>
      tpu.vector_store %arg8[%swap3A_480, %swap3A_481], %swap3A_484 {strides = array<i32>} : memref<640x64xf32, #tpu.memory_space<vmem>>, vector<1x16xf32>,
      %add3A_485 = arith.constant 14 : i32
      %add3A_486 = arith.addi %mul3A_34, %add3A_485 : i32
      %swap3A_487 = arith.index_cast %add3A_486 : i32 to index
      %swap3A_488 = arith.constant 32 : index
      %swap3A_489 = tpu.vector_load %arg8[%swap3A_487, %swap3A_488] {strides = array<i32>} : memref<640x64xf32, #tpu.memory_space<vmem>>, vector<1x16xf32>,
      %swap3A_490 = vector.shape_cast %swap3A_489 : vector<1x16xf32> to vector<16xf32>
      %swap3A_491 = vector.shape_cast %broadcast_in_dim3A_470 : vector<16xf32> to vector<1x16xf32>
      tpu.vector_store %arg8[%swap3A_487, %swap3A_488], %swap3A_491 {strides = array<i32>} : memref<640x64xf32, #tpu.memory_space<vmem>>, vector<1x16xf32>,
      %add3A_492 = arith.constant 14 : i32
      %add3A_493 = arith.addi %mul3A_34, %add3A_492 : i32
      %swap3A_494 = arith.index_cast %add3A_493 : i32 to index
      %swap3A_495 = arith.constant 48 : index
      %swap3A_496 = tpu.vector_load %arg8[%swap3A_494, %swap3A_495] {strides = array<i32>} : memref<640x64xf32, #tpu.memory_space<vmem>>, vector<1x16xf32>,
      %swap3A_497 = vector.shape_cast %swap3A_496 : vector<1x16xf32> to vector<16xf32>
      %swap3A_498 = vector.shape_cast %broadcast_in_dim3A_470 : vector<16xf32> to vector<1x16xf32>
      tpu.vector_store %arg8[%swap3A_494, %swap3A_495], %swap3A_498 {strides = array<i32>} : memref<640x64xf32, #tpu.memory_space<vmem>>, vector<1x16xf32>,
      %slice3A_499 = vector.extract_strided_slice %get3A_36 {offsets = [15], sizes = [1], strides = [1]} : vector<16xf32> to vector<1xf32>
      %squeeze3A_500 = vector.extract %slice3A_499[0] : f32 from vector<1xf32>
      %broadcast_in_dim3A_501 = vector.broadcast %squeeze3A_500 : f32 to vector<16xf32>
      %add3A_502 = arith.constant 15 : i32
      %add3A_503 = arith.addi %mul3A_34, %add3A_502 : i32
      %swap3A_504 = arith.index_cast %add3A_503 : i32 to index
      %swap3A_505 = arith.constant 0 : index
      %swap3A_506 = tpu.vector_load %arg8[%swap3A_504, %swap3A_505] {strides = array<i32>} : memref<640x64xf32, #tpu.memory_space<vmem>>, vector<1x16xf32>,
      %swap3A_507 = vector.shape_cast %swap3A_506 : vector<1x16xf32> to vector<16xf32>
      %swap3A_508 = vector.shape_cast %broadcast_in_dim3A_501 : vector<16xf32> to vector<1x16xf32>
      tpu.vector_store %arg8[%swap3A_504, %swap3A_505], %swap3A_508 {strides = array<i32>} : memref<640x64xf32, #tpu.memory_space<vmem>>, vector<1x16xf32>,
      %add3A_509 = arith.constant 15 : i32
      %add3A_510 = arith.addi %mul3A_34, %add3A_509 : i32
      %swap3A_511 = arith.index_cast %add3A_510 : i32 to index
      %swap3A_512 = arith.constant 16 : index
      %swap3A_513 = tpu.vector_load %arg8[%swap3A_511, %swap3A_512] {strides = array<i32>} : memref<640x64xf32, #tpu.memory_space<vmem>>, vector<1x16xf32>,
      %swap3A_514 = vector.shape_cast %swap3A_513 : vector<1x16xf32> to vector<16xf32>
      %swap3A_515 = vector.shape_cast %broadcast_in_dim3A_501 : vector<16xf32> to vector<1x16xf32>
      tpu.vector_store %arg8[%swap3A_511, %swap3A_512], %swap3A_515 {strides = array<i32>} : memref<640x64xf32, #tpu.memory_space<vmem>>, vector<1x16xf32>,
      %add3A_516 = arith.constant 15 : i32
      %add3A_517 = arith.addi %mul3A_34, %add3A_516 : i32
      %swap3A_518 = arith.index_cast %add3A_517 : i32 to index
      %swap3A_519 = arith.constant 32 : index
      %swap3A_520 = tpu.vector_load %arg8[%swap3A_518, %swap3A_519] {strides = array<i32>} : memref<640x64xf32, #tpu.memory_space<vmem>>, vector<1x16xf32>,
      %swap3A_521 = vector.shape_cast %swap3A_520 : vector<1x16xf32> to vector<16xf32>
      %swap3A_522 = vector.shape_cast %broadcast_in_dim3A_501 : vector<16xf32> to vector<1x16xf32>
      tpu.vector_store %arg8[%swap3A_518, %swap3A_519], %swap3A_522 {strides = array<i32>} : memref<640x64xf32, #tpu.memory_space<vmem>>, vector<1x16xf32>,
      %add3A_523 = arith.constant 15 : i32
      %add3A_524 = arith.addi %mul3A_34, %add3A_523 : i32
      %swap3A_525 = arith.index_cast %add3A_524 : i32 to index
      %swap3A_526 = arith.constant 48 : index
      %swap3A_527 = tpu.vector_load %arg8[%swap3A_525, %swap3A_526] {strides = array<i32>} : memref<640x64xf32, #tpu.memory_space<vmem>>, vector<1x16xf32>,
      %swap3A_528 = vector.shape_cast %swap3A_527 : vector<1x16xf32> to vector<16xf32>
      %swap3A_529 = vector.shape_cast %broadcast_in_dim3A_501 : vector<16xf32> to vector<1x16xf32>
      tpu.vector_store %arg8[%swap3A_525, %swap3A_526], %swap3A_529 {strides = array<i32>} : memref<640x64xf32, #tpu.memory_space<vmem>>, vector<1x16xf32>,
    }
    %scan3A_29 = arith.constant 40 : i32
    %mul3A_30 = arith.constant 640 : i32
    %mul3A_31 = arith.muli %arg1, %mul3A_30 : i32
    "tpu.region"() ({
      %run_scoped3A_32 = tpu.sem_alloc : memref<!tpu.dma_semaphore, #tpu.memory_space<semaphore_mem>>
      %dma_start3A = arith.constant 0 : i32
      %dma_start3A_33 = tpu.memref_slice %arg4[%arg0, %mul3A_31, %dma_start3A] : memref<2x10240x64xf32, #tpu.memory_space<hbm>> -> memref<1x640x64xf32, #tpu.memory_space<hbm>>
      %dma_start3A_34 = tpu.memref_squeeze %dma_start3A_33 : memref<1x640x64xf32, #tpu.memory_space<hbm>> -> memref<640x64xf32, #tpu.memory_space<hbm>>
      %dma_start3A_35 = arith.constant 0 : i32
      %dma_start3A_36 = tpu.memref_slice %arg4[%arg0, %mul3A_31, %dma_start3A_35] : memref<2x10240x64xf32, #tpu.memory_space<hbm>> -> memref<1x640x64xf32, #tpu.memory_space<hbm>>
      %dma_start3A_37 = tpu.memref_squeeze %dma_start3A_36 : memref<1x640x64xf32, #tpu.memory_space<hbm>> -> memref<640x64xf32, #tpu.memory_space<hbm>>
      tpu.enqueue_dma source(%arg8 : memref<640x64xf32, #tpu.memory_space<vmem>>) target(%dma_start3A_37 : memref<640x64xf32, #tpu.memory_space<hbm>>) target_semaphore(%run_scoped3A_32 : memref<!tpu.dma_semaphore, #tpu.memory_space<semaphore_mem>>)
      %dma_wait3A = arith.constant 0 : i32
      %dma_wait3A_38 = tpu.memref_slice %arg4[%arg0, %mul3A_31, %dma_wait3A] : memref<2x10240x64xf32, #tpu.memory_space<hbm>> -> memref<1x640x64xf32, #tpu.memory_space<hbm>>
      %dma_wait3A_39 = tpu.memref_squeeze %dma_wait3A_38 : memref<1x640x64xf32, #tpu.memory_space<hbm>> -> memref<640x64xf32, #tpu.memory_space<hbm>>
      %dma_wait3A_40 = arith.constant 0 : i32
      %dma_wait3A_41 = tpu.memref_slice %arg4[%arg0, %mul3A_31, %dma_wait3A_40] : memref<2x10240x64xf32, #tpu.memory_space<hbm>> -> memref<1x640x64xf32, #tpu.memory_space<hbm>>
      %dma_wait3A_42 = tpu.memref_squeeze %dma_wait3A_41 : memref<1x640x64xf32, #tpu.memory_space<hbm>> -> memref<640x64xf32, #tpu.memory_space<hbm>>
      tpu.wait_dma2 semaphore(%run_scoped3A_32 : memref<!tpu.dma_semaphore, #tpu.memory_space<semaphore_mem>>) src(%arg8 : memref<640x64xf32, #tpu.memory_space<vmem>>) dst(%dma_wait3A_42 : memref<640x64xf32, #tpu.memory_space<hbm>>)
      tpu.yield
    }) : () -> ()
    return
  }
}

#map = affine_map<(d0, d1) -> (0, 0)>
#map1 = affine_map<(d0, d1) -> (0, 0, 0, 0)>
#map2 = affine_map<(d0, d1) -> (0, 0, 0)>
module attributes {stable_mosaic.version = 14 : i64} {
  func.func @_sc_scatter(%arg0: i32, %arg1: i32, %arg2: memref<10000x64xf32, #tpu.memory_space<hbm>>, %arg3: memref<2x32x125x80xi32, #tpu.memory_space<hbm>>, %arg4: memref<2x10240x64xf32, #tpu.memory_space<hbm>>, %arg5: memref<125x80xi32, #tpu.memory_space<vmem>>, %arg6: memref<125x80xi32, #tpu.memory_space<vmem>>, %arg7: memref<5x80x64xf32, #tpu.memory_space<vmem>>, %arg8: memref<80x64xf32, #tpu.memory_space<vmem>>, %arg9: memref<10240x64xf32, #tpu.memory_space<vmem_shared>>, %arg10: memref<!tpu.dma_semaphore, #tpu.memory_space<semaphore_mem>>, %arg11: memref<!tpu.dma_semaphore, #tpu.memory_space<semaphore_mem>>, %arg12: memref<!tpu.dma_semaphore, #tpu.memory_space<semaphore_mem>>, %arg13: memref<!tpu.dma_semaphore, #tpu.memory_space<semaphore_mem>>, %arg14: memref<!tpu.dma_semaphore, #tpu.memory_space<semaphore_mem>>, %arg15: memref<!tpu.dma_semaphore, #tpu.memory_space<semaphore_mem>>, %arg16: memref<!tpu.dma_semaphore, #tpu.memory_space<semaphore_mem>>, %arg17: memref<!tpu.dma_semaphore, #tpu.memory_space<semaphore_mem>>, %arg18: memref<!tpu.dma_semaphore, #tpu.memory_space<semaphore_mem>>, %arg19: memref<!tpu.dma_semaphore, #tpu.memory_space<semaphore_mem>>) attributes {dimension_semantics = [#tpu.dimension_semantics<core_parallel>, #tpu.dimension_semantics<subcore_parallel>], iteration_bounds = array<i64: 2, 16>, scalar_prefetch = 0 : i64, scratch_operands = 15 : i64, tpu.core_type = #tpu.core_type<sc_vector_subcore>, window_params = [{transform_indices = #map}, {transform_indices = #map1}, {transform_indices = #map2}]} {
    %mul3A = arith.constant 16 : i32
    %mul3A_0 = arith.muli %arg0, %mul3A : i32
    %add3A = arith.addi %mul3A_0, %arg1 : i32
    %run_scoped3A = arith.constant 0 : i32
    "tpu.region"() ({
      %run_scoped3A_145 = tpu.sem_alloc : memref<!tpu.dma_semaphore, #tpu.memory_space<semaphore_mem>>
      %dma_start3A_146 = arith.constant 0 : i32
      %dma_start3A_147 = arith.constant 0 : i32
      %dma_start3A_148 = tpu.memref_slice %arg3[%run_scoped3A, %add3A, %dma_start3A_146, %dma_start3A_147] : memref<2x32x125x80xi32, #tpu.memory_space<hbm>> -> memref<1x1x125x80xi32, #tpu.memory_space<hbm>>
      %dma_start3A_149 = tpu.memref_squeeze %dma_start3A_148 : memref<1x1x125x80xi32, #tpu.memory_space<hbm>> -> memref<125x80xi32, #tpu.memory_space<hbm>>
      %dma_start3A_150 = arith.constant 0 : i32
      %dma_start3A_151 = arith.constant 0 : i32
      %dma_start3A_152 = tpu.memref_slice %arg3[%run_scoped3A, %add3A, %dma_start3A_150, %dma_start3A_151] : memref<2x32x125x80xi32, #tpu.memory_space<hbm>> -> memref<1x1x125x80xi32, #tpu.memory_space<hbm>>
      %dma_start3A_153 = tpu.memref_squeeze %dma_start3A_152 : memref<1x1x125x80xi32, #tpu.memory_space<hbm>> -> memref<125x80xi32, #tpu.memory_space<hbm>>
      tpu.enqueue_dma source(%dma_start3A_153 : memref<125x80xi32, #tpu.memory_space<hbm>>) target(%arg5 : memref<125x80xi32, #tpu.memory_space<vmem>>) target_semaphore(%run_scoped3A_145 : memref<!tpu.dma_semaphore, #tpu.memory_space<semaphore_mem>>)
      %dma_wait3A_154 = arith.constant 0 : i32
      %dma_wait3A_155 = arith.constant 0 : i32
      %dma_wait3A_156 = tpu.memref_slice %arg3[%run_scoped3A, %add3A, %dma_wait3A_154, %dma_wait3A_155] : memref<2x32x125x80xi32, #tpu.memory_space<hbm>> -> memref<1x1x125x80xi32, #tpu.memory_space<hbm>>
      %dma_wait3A_157 = tpu.memref_squeeze %dma_wait3A_156 : memref<1x1x125x80xi32, #tpu.memory_space<hbm>> -> memref<125x80xi32, #tpu.memory_space<hbm>>
      %dma_wait3A_158 = arith.constant 0 : i32
      %dma_wait3A_159 = arith.constant 0 : i32
      %dma_wait3A_160 = tpu.memref_slice %arg3[%run_scoped3A, %add3A, %dma_wait3A_158, %dma_wait3A_159] : memref<2x32x125x80xi32, #tpu.memory_space<hbm>> -> memref<1x1x125x80xi32, #tpu.memory_space<hbm>>
      %dma_wait3A_161 = tpu.memref_squeeze %dma_wait3A_160 : memref<1x1x125x80xi32, #tpu.memory_space<hbm>> -> memref<125x80xi32, #tpu.memory_space<hbm>>
      tpu.wait_dma2 semaphore(%run_scoped3A_145 : memref<!tpu.dma_semaphore, #tpu.memory_space<semaphore_mem>>) src(%dma_wait3A_161 : memref<125x80xi32, #tpu.memory_space<hbm>>) dst(%arg5 : memref<125x80xi32, #tpu.memory_space<vmem>>)
      tpu.yield
    }) : () -> ()
    %run_scoped3A_1 = arith.constant 1 : i32
    "tpu.region"() ({
      %run_scoped3A_145 = tpu.sem_alloc : memref<!tpu.dma_semaphore, #tpu.memory_space<semaphore_mem>>
      %dma_start3A_146 = arith.constant 0 : i32
      %dma_start3A_147 = arith.constant 0 : i32
      %dma_start3A_148 = tpu.memref_slice %arg3[%run_scoped3A_1, %add3A, %dma_start3A_146, %dma_start3A_147] : memref<2x32x125x80xi32, #tpu.memory_space<hbm>> -> memref<1x1x125x80xi32, #tpu.memory_space<hbm>>
      %dma_start3A_149 = tpu.memref_squeeze %dma_start3A_148 : memref<1x1x125x80xi32, #tpu.memory_space<hbm>> -> memref<125x80xi32, #tpu.memory_space<hbm>>
      %dma_start3A_150 = arith.constant 0 : i32
      %dma_start3A_151 = arith.constant 0 : i32
      %dma_start3A_152 = tpu.memref_slice %arg3[%run_scoped3A_1, %add3A, %dma_start3A_150, %dma_start3A_151] : memref<2x32x125x80xi32, #tpu.memory_space<hbm>> -> memref<1x1x125x80xi32, #tpu.memory_space<hbm>>
      %dma_start3A_153 = tpu.memref_squeeze %dma_start3A_152 : memref<1x1x125x80xi32, #tpu.memory_space<hbm>> -> memref<125x80xi32, #tpu.memory_space<hbm>>
      tpu.enqueue_dma source(%dma_start3A_153 : memref<125x80xi32, #tpu.memory_space<hbm>>) target(%arg6 : memref<125x80xi32, #tpu.memory_space<vmem>>) target_semaphore(%run_scoped3A_145 : memref<!tpu.dma_semaphore, #tpu.memory_space<semaphore_mem>>)
      %dma_wait3A_154 = arith.constant 0 : i32
      %dma_wait3A_155 = arith.constant 0 : i32
      %dma_wait3A_156 = tpu.memref_slice %arg3[%run_scoped3A_1, %add3A, %dma_wait3A_154, %dma_wait3A_155] : memref<2x32x125x80xi32, #tpu.memory_space<hbm>> -> memref<1x1x125x80xi32, #tpu.memory_space<hbm>>
      %dma_wait3A_157 = tpu.memref_squeeze %dma_wait3A_156 : memref<1x1x125x80xi32, #tpu.memory_space<hbm>> -> memref<125x80xi32, #tpu.memory_space<hbm>>
      %dma_wait3A_158 = arith.constant 0 : i32
      %dma_wait3A_159 = arith.constant 0 : i32
      %dma_wait3A_160 = tpu.memref_slice %arg3[%run_scoped3A_1, %add3A, %dma_wait3A_158, %dma_wait3A_159] : memref<2x32x125x80xi32, #tpu.memory_space<hbm>> -> memref<1x1x125x80xi32, #tpu.memory_space<hbm>>
      %dma_wait3A_161 = tpu.memref_squeeze %dma_wait3A_160 : memref<1x1x125x80xi32, #tpu.memory_space<hbm>> -> memref<125x80xi32, #tpu.memory_space<hbm>>
      tpu.wait_dma2 semaphore(%run_scoped3A_145 : memref<!tpu.dma_semaphore, #tpu.memory_space<semaphore_mem>>) src(%dma_wait3A_161 : memref<125x80xi32, #tpu.memory_space<hbm>>) dst(%arg6 : memref<125x80xi32, #tpu.memory_space<vmem>>)
      tpu.yield
    }) : () -> ()
    %dma_start3A = arith.constant 0 : i32
    %dma_start3A_2 = arith.constant 0 : i32
    %dma_start3A_3 = arith.constant 0 : i32
    %dma_start3A_4 = arith.constant 0 : i32
    %dma_start3A_5 = tpu.memref_slice %arg7[%dma_start3A_2, %dma_start3A_3, %dma_start3A_4] : memref<5x80x64xf32, #tpu.memory_space<vmem>> -> memref<1x80x64xf32, #tpu.memory_space<vmem>>
    %dma_start3A_6 = tpu.memref_squeeze %dma_start3A_5 : memref<1x80x64xf32, #tpu.memory_space<vmem>> -> memref<80x64xf32, #tpu.memory_space<vmem>>
    %dma_start3A_7 = arith.constant 0 : i32
    %dma_start3A_8 = tpu.memref_slice %arg5[%dma_start3A, %dma_start3A_7] : memref<125x80xi32, #tpu.memory_space<vmem>> -> memref<1x80xi32, #tpu.memory_space<vmem>>
    %dma_start3A_9 = tpu.memref_squeeze %dma_start3A_8 : memref<1x80xi32, #tpu.memory_space<vmem>> -> memref<80xi32, #tpu.memory_space<vmem>>
    %dma_start3A_10 = arith.constant 0 : i32
    %dma_start3A_11 = arith.constant 0 : i32
    %dma_start3A_12 = tpu.memref_slice %arg2[%dma_start3A_10, %dma_start3A_11] : memref<10000x64xf32, #tpu.memory_space<hbm>> -> memref<10000x64xf32, #tpu.memory_space<hbm>>
    tpu.enqueue_indirect_dma source(%dma_start3A_12 : memref<10000x64xf32, #tpu.memory_space<hbm>>) target(%dma_start3A_6 : memref<80x64xf32, #tpu.memory_space<vmem>>) offsets(%dma_start3A_9 : memref<80xi32, #tpu.memory_space<vmem>>) semaphore(%arg10 : memref<!tpu.dma_semaphore, #tpu.memory_space<semaphore_mem>>)
    %dma_start3A_13 = arith.constant 1 : i32
    %dma_start3A_14 = arith.constant 1 : i32
    %dma_start3A_15 = arith.constant 0 : i32
    %dma_start3A_16 = arith.constant 0 : i32
    %dma_start3A_17 = tpu.memref_slice %arg7[%dma_start3A_14, %dma_start3A_15, %dma_start3A_16] : memref<5x80x64xf32, #tpu.memory_space<vmem>> -> memref<1x80x64xf32, #tpu.memory_space<vmem>>
    %dma_start3A_18 = tpu.memref_squeeze %dma_start3A_17 : memref<1x80x64xf32, #tpu.memory_space<vmem>> -> memref<80x64xf32, #tpu.memory_space<vmem>>
    %dma_start3A_19 = arith.constant 0 : i32
    %dma_start3A_20 = tpu.memref_slice %arg5[%dma_start3A_13, %dma_start3A_19] : memref<125x80xi32, #tpu.memory_space<vmem>> -> memref<1x80xi32, #tpu.memory_space<vmem>>
    %dma_start3A_21 = tpu.memref_squeeze %dma_start3A_20 : memref<1x80xi32, #tpu.memory_space<vmem>> -> memref<80xi32, #tpu.memory_space<vmem>>
    %dma_start3A_22 = arith.constant 0 : i32
    %dma_start3A_23 = arith.constant 0 : i32
    %dma_start3A_24 = tpu.memref_slice %arg2[%dma_start3A_22, %dma_start3A_23] : memref<10000x64xf32, #tpu.memory_space<hbm>> -> memref<10000x64xf32, #tpu.memory_space<hbm>>
    tpu.enqueue_indirect_dma source(%dma_start3A_24 : memref<10000x64xf32, #tpu.memory_space<hbm>>) target(%dma_start3A_18 : memref<80x64xf32, #tpu.memory_space<vmem>>) offsets(%dma_start3A_21 : memref<80xi32, #tpu.memory_space<vmem>>) semaphore(%arg11 : memref<!tpu.dma_semaphore, #tpu.memory_space<semaphore_mem>>)
    %dma_start3A_25 = arith.constant 2 : i32
    %dma_start3A_26 = arith.constant 2 : i32
    %dma_start3A_27 = arith.constant 0 : i32
    %dma_start3A_28 = arith.constant 0 : i32
    %dma_start3A_29 = tpu.memref_slice %arg7[%dma_start3A_26, %dma_start3A_27, %dma_start3A_28] : memref<5x80x64xf32, #tpu.memory_space<vmem>> -> memref<1x80x64xf32, #tpu.memory_space<vmem>>
    %dma_start3A_30 = tpu.memref_squeeze %dma_start3A_29 : memref<1x80x64xf32, #tpu.memory_space<vmem>> -> memref<80x64xf32, #tpu.memory_space<vmem>>
    %dma_start3A_31 = arith.constant 0 : i32
    %dma_start3A_32 = tpu.memref_slice %arg5[%dma_start3A_25, %dma_start3A_31] : memref<125x80xi32, #tpu.memory_space<vmem>> -> memref<1x80xi32, #tpu.memory_space<vmem>>
    %dma_start3A_33 = tpu.memref_squeeze %dma_start3A_32 : memref<1x80xi32, #tpu.memory_space<vmem>> -> memref<80xi32, #tpu.memory_space<vmem>>
    %dma_start3A_34 = arith.constant 0 : i32
    %dma_start3A_35 = arith.constant 0 : i32
    %dma_start3A_36 = tpu.memref_slice %arg2[%dma_start3A_34, %dma_start3A_35] : memref<10000x64xf32, #tpu.memory_space<hbm>> -> memref<10000x64xf32, #tpu.memory_space<hbm>>
    tpu.enqueue_indirect_dma source(%dma_start3A_36 : memref<10000x64xf32, #tpu.memory_space<hbm>>) target(%dma_start3A_30 : memref<80x64xf32, #tpu.memory_space<vmem>>) offsets(%dma_start3A_33 : memref<80xi32, #tpu.memory_space<vmem>>) semaphore(%arg12 : memref<!tpu.dma_semaphore, #tpu.memory_space<semaphore_mem>>)
    %broadcast_in_dim3A = arith.constant 0.000000e+00 : f32
    %broadcast_in_dim3A_37 = vector.broadcast %broadcast_in_dim3A : f32 to vector<16xf32>
    %scan3A = arith.constant 0 : i32
    %scan3A_38 = arith.constant 0 : i32
    %scan3A_39 = arith.constant 80 : i32
    %scan3A_40 = arith.addi %scan3A_38, %scan3A_39 : i32
    %scan3A_41 = arith.constant 1 : i32
    scf.for %scan3A_145 = %scan3A_38 to %scan3A_40 step %scan3A_41  : i32 {
      %swap3A = arith.index_cast %scan3A_145 : i32 to index
      %swap3A_146 = arith.constant 0 : index
      %swap3A_147 = tpu.vector_load %arg8[%swap3A, %swap3A_146] {strides = array<i32>} : memref<80x64xf32, #tpu.memory_space<vmem>>, vector<1x16xf32>,
      %swap3A_148 = vector.shape_cast %swap3A_147 : vector<1x16xf32> to vector<16xf32>
      %swap3A_149 = vector.shape_cast %broadcast_in_dim3A_37 : vector<16xf32> to vector<1x16xf32>
      tpu.vector_store %arg8[%swap3A, %swap3A_146], %swap3A_149 {strides = array<i32>} : memref<80x64xf32, #tpu.memory_space<vmem>>, vector<1x16xf32>,
      %swap3A_150 = arith.index_cast %scan3A_145 : i32 to index
      %swap3A_151 = arith.constant 16 : index
      %swap3A_152 = tpu.vector_load %arg8[%swap3A_150, %swap3A_151] {strides = array<i32>} : memref<80x64xf32, #tpu.memory_space<vmem>>, vector<1x16xf32>,
      %swap3A_153 = vector.shape_cast %swap3A_152 : vector<1x16xf32> to vector<16xf32>
      %swap3A_154 = vector.shape_cast %broadcast_in_dim3A_37 : vector<16xf32> to vector<1x16xf32>
      tpu.vector_store %arg8[%swap3A_150, %swap3A_151], %swap3A_154 {strides = array<i32>} : memref<80x64xf32, #tpu.memory_space<vmem>>, vector<1x16xf32>,
      %swap3A_155 = arith.index_cast %scan3A_145 : i32 to index
      %swap3A_156 = arith.constant 32 : index
      %swap3A_157 = tpu.vector_load %arg8[%swap3A_155, %swap3A_156] {strides = array<i32>} : memref<80x64xf32, #tpu.memory_space<vmem>>, vector<1x16xf32>,
      %swap3A_158 = vector.shape_cast %swap3A_157 : vector<1x16xf32> to vector<16xf32>
      %swap3A_159 = vector.shape_cast %broadcast_in_dim3A_37 : vector<16xf32> to vector<1x16xf32>
      tpu.vector_store %arg8[%swap3A_155, %swap3A_156], %swap3A_159 {strides = array<i32>} : memref<80x64xf32, #tpu.memory_space<vmem>>, vector<1x16xf32>,
      %swap3A_160 = arith.index_cast %scan3A_145 : i32 to index
      %swap3A_161 = arith.constant 48 : index
      %swap3A_162 = tpu.vector_load %arg8[%swap3A_160, %swap3A_161] {strides = array<i32>} : memref<80x64xf32, #tpu.memory_space<vmem>>, vector<1x16xf32>,
      %swap3A_163 = vector.shape_cast %swap3A_162 : vector<1x16xf32> to vector<16xf32>
      %swap3A_164 = vector.shape_cast %broadcast_in_dim3A_37 : vector<16xf32> to vector<1x16xf32>
      tpu.vector_store %arg8[%swap3A_160, %swap3A_161], %swap3A_164 {strides = array<i32>} : memref<80x64xf32, #tpu.memory_space<vmem>>, vector<1x16xf32>,
    }
    %scan3A_42 = arith.constant 80 : i32
    %mul3A_43 = arith.constant 640 : i32
    %mul3A_44 = arith.muli %arg1, %mul3A_43 : i32
    %add3A_45 = arith.constant 0 : i32
    %add3A_46 = arith.addi %mul3A_44, %add3A_45 : i32
    "tpu.region"() ({
      %run_scoped3A_145 = tpu.sem_alloc : memref<!tpu.dma_semaphore, #tpu.memory_space<semaphore_mem>>
      %dma_start3A_146 = arith.constant 0 : i32
      %dma_start3A_147 = tpu.memref_slice %arg9[%add3A_46, %dma_start3A_146] : memref<10240x64xf32, #tpu.memory_space<vmem_shared>> -> memref<80x64xf32, #tpu.memory_space<vmem_shared>>
      %dma_start3A_148 = arith.constant 0 : i32
      %dma_start3A_149 = tpu.memref_slice %arg9[%add3A_46, %dma_start3A_148] : memref<10240x64xf32, #tpu.memory_space<vmem_shared>> -> memref<80x64xf32, #tpu.memory_space<vmem_shared>>
      tpu.enqueue_dma source(%arg8 : memref<80x64xf32, #tpu.memory_space<vmem>>) target(%dma_start3A_149 : memref<80x64xf32, #tpu.memory_space<vmem_shared>>) target_semaphore(%run_scoped3A_145 : memref<!tpu.dma_semaphore, #tpu.memory_space<semaphore_mem>>)
      %dma_wait3A_150 = arith.constant 0 : i32
      %dma_wait3A_151 = tpu.memref_slice %arg9[%add3A_46, %dma_wait3A_150] : memref<10240x64xf32, #tpu.memory_space<vmem_shared>> -> memref<80x64xf32, #tpu.memory_space<vmem_shared>>
      %dma_wait3A_152 = arith.constant 0 : i32
      %dma_wait3A_153 = tpu.memref_slice %arg9[%add3A_46, %dma_wait3A_152] : memref<10240x64xf32, #tpu.memory_space<vmem_shared>> -> memref<80x64xf32, #tpu.memory_space<vmem_shared>>
      tpu.wait_dma2 semaphore(%run_scoped3A_145 : memref<!tpu.dma_semaphore, #tpu.memory_space<semaphore_mem>>) src(%arg8 : memref<80x64xf32, #tpu.memory_space<vmem>>) dst(%dma_wait3A_153 : memref<80x64xf32, #tpu.memory_space<vmem_shared>>)
      tpu.yield
    }) : () -> ()
    %mul3A_47 = arith.constant 640 : i32
    %mul3A_48 = arith.muli %arg1, %mul3A_47 : i32
    %add3A_49 = arith.constant 80 : i32
    %add3A_50 = arith.addi %mul3A_48, %add3A_49 : i32
    "tpu.region"() ({
      %run_scoped3A_145 = tpu.sem_alloc : memref<!tpu.dma_semaphore, #tpu.memory_space<semaphore_mem>>
      %dma_start3A_146 = arith.constant 0 : i32
      %dma_start3A_147 = tpu.memref_slice %arg9[%add3A_50, %dma_start3A_146] : memref<10240x64xf32, #tpu.memory_space<vmem_shared>> -> memref<80x64xf32, #tpu.memory_space<vmem_shared>>
      %dma_start3A_148 = arith.constant 0 : i32
      %dma_start3A_149 = tpu.memref_slice %arg9[%add3A_50, %dma_start3A_148] : memref<10240x64xf32, #tpu.memory_space<vmem_shared>> -> memref<80x64xf32, #tpu.memory_space<vmem_shared>>
      tpu.enqueue_dma source(%arg8 : memref<80x64xf32, #tpu.memory_space<vmem>>) target(%dma_start3A_149 : memref<80x64xf32, #tpu.memory_space<vmem_shared>>) target_semaphore(%run_scoped3A_145 : memref<!tpu.dma_semaphore, #tpu.memory_space<semaphore_mem>>)
      %dma_wait3A_150 = arith.constant 0 : i32
      %dma_wait3A_151 = tpu.memref_slice %arg9[%add3A_50, %dma_wait3A_150] : memref<10240x64xf32, #tpu.memory_space<vmem_shared>> -> memref<80x64xf32, #tpu.memory_space<vmem_shared>>
      %dma_wait3A_152 = arith.constant 0 : i32
      %dma_wait3A_153 = tpu.memref_slice %arg9[%add3A_50, %dma_wait3A_152] : memref<10240x64xf32, #tpu.memory_space<vmem_shared>> -> memref<80x64xf32, #tpu.memory_space<vmem_shared>>
      tpu.wait_dma2 semaphore(%run_scoped3A_145 : memref<!tpu.dma_semaphore, #tpu.memory_space<semaphore_mem>>) src(%arg8 : memref<80x64xf32, #tpu.memory_space<vmem>>) dst(%dma_wait3A_153 : memref<80x64xf32, #tpu.memory_space<vmem_shared>>)
      tpu.yield
    }) : () -> ()
    %mul3A_51 = arith.constant 640 : i32
    %mul3A_52 = arith.muli %arg1, %mul3A_51 : i32
    %add3A_53 = arith.constant 160 : i32
    %add3A_54 = arith.addi %mul3A_52, %add3A_53 : i32
    "tpu.region"() ({
      %run_scoped3A_145 = tpu.sem_alloc : memref<!tpu.dma_semaphore, #tpu.memory_space<semaphore_mem>>
      %dma_start3A_146 = arith.constant 0 : i32
      %dma_start3A_147 = tpu.memref_slice %arg9[%add3A_54, %dma_start3A_146] : memref<10240x64xf32, #tpu.memory_space<vmem_shared>> -> memref<80x64xf32, #tpu.memory_space<vmem_shared>>
      %dma_start3A_148 = arith.constant 0 : i32
      %dma_start3A_149 = tpu.memref_slice %arg9[%add3A_54, %dma_start3A_148] : memref<10240x64xf32, #tpu.memory_space<vmem_shared>> -> memref<80x64xf32, #tpu.memory_space<vmem_shared>>
      tpu.enqueue_dma source(%arg8 : memref<80x64xf32, #tpu.memory_space<vmem>>) target(%dma_start3A_149 : memref<80x64xf32, #tpu.memory_space<vmem_shared>>) target_semaphore(%run_scoped3A_145 : memref<!tpu.dma_semaphore, #tpu.memory_space<semaphore_mem>>)
      %dma_wait3A_150 = arith.constant 0 : i32
      %dma_wait3A_151 = tpu.memref_slice %arg9[%add3A_54, %dma_wait3A_150] : memref<10240x64xf32, #tpu.memory_space<vmem_shared>> -> memref<80x64xf32, #tpu.memory_space<vmem_shared>>
      %dma_wait3A_152 = arith.constant 0 : i32
      %dma_wait3A_153 = tpu.memref_slice %arg9[%add3A_54, %dma_wait3A_152] : memref<10240x64xf32, #tpu.memory_space<vmem_shared>> -> memref<80x64xf32, #tpu.memory_space<vmem_shared>>
      tpu.wait_dma2 semaphore(%run_scoped3A_145 : memref<!tpu.dma_semaphore, #tpu.memory_space<semaphore_mem>>) src(%arg8 : memref<80x64xf32, #tpu.memory_space<vmem>>) dst(%dma_wait3A_153 : memref<80x64xf32, #tpu.memory_space<vmem_shared>>)
      tpu.yield
    }) : () -> ()
    %mul3A_55 = arith.constant 640 : i32
    %mul3A_56 = arith.muli %arg1, %mul3A_55 : i32
    %add3A_57 = arith.constant 240 : i32
    %add3A_58 = arith.addi %mul3A_56, %add3A_57 : i32
    "tpu.region"() ({
      %run_scoped3A_145 = tpu.sem_alloc : memref<!tpu.dma_semaphore, #tpu.memory_space<semaphore_mem>>
      %dma_start3A_146 = arith.constant 0 : i32
      %dma_start3A_147 = tpu.memref_slice %arg9[%add3A_58, %dma_start3A_146] : memref<10240x64xf32, #tpu.memory_space<vmem_shared>> -> memref<80x64xf32, #tpu.memory_space<vmem_shared>>
      %dma_start3A_148 = arith.constant 0 : i32
      %dma_start3A_149 = tpu.memref_slice %arg9[%add3A_58, %dma_start3A_148] : memref<10240x64xf32, #tpu.memory_space<vmem_shared>> -> memref<80x64xf32, #tpu.memory_space<vmem_shared>>
      tpu.enqueue_dma source(%arg8 : memref<80x64xf32, #tpu.memory_space<vmem>>) target(%dma_start3A_149 : memref<80x64xf32, #tpu.memory_space<vmem_shared>>) target_semaphore(%run_scoped3A_145 : memref<!tpu.dma_semaphore, #tpu.memory_space<semaphore_mem>>)
      %dma_wait3A_150 = arith.constant 0 : i32
      %dma_wait3A_151 = tpu.memref_slice %arg9[%add3A_58, %dma_wait3A_150] : memref<10240x64xf32, #tpu.memory_space<vmem_shared>> -> memref<80x64xf32, #tpu.memory_space<vmem_shared>>
      %dma_wait3A_152 = arith.constant 0 : i32
      %dma_wait3A_153 = tpu.memref_slice %arg9[%add3A_58, %dma_wait3A_152] : memref<10240x64xf32, #tpu.memory_space<vmem_shared>> -> memref<80x64xf32, #tpu.memory_space<vmem_shared>>
      tpu.wait_dma2 semaphore(%run_scoped3A_145 : memref<!tpu.dma_semaphore, #tpu.memory_space<semaphore_mem>>) src(%arg8 : memref<80x64xf32, #tpu.memory_space<vmem>>) dst(%dma_wait3A_153 : memref<80x64xf32, #tpu.memory_space<vmem_shared>>)
      tpu.yield
    }) : () -> ()
    %mul3A_59 = arith.constant 640 : i32
    %mul3A_60 = arith.muli %arg1, %mul3A_59 : i32
    %add3A_61 = arith.constant 320 : i32
    %add3A_62 = arith.addi %mul3A_60, %add3A_61 : i32
    "tpu.region"() ({
      %run_scoped3A_145 = tpu.sem_alloc : memref<!tpu.dma_semaphore, #tpu.memory_space<semaphore_mem>>
      %dma_start3A_146 = arith.constant 0 : i32
      %dma_start3A_147 = tpu.memref_slice %arg9[%add3A_62, %dma_start3A_146] : memref<10240x64xf32, #tpu.memory_space<vmem_shared>> -> memref<80x64xf32, #tpu.memory_space<vmem_shared>>
      %dma_start3A_148 = arith.constant 0 : i32
      %dma_start3A_149 = tpu.memref_slice %arg9[%add3A_62, %dma_start3A_148] : memref<10240x64xf32, #tpu.memory_space<vmem_shared>> -> memref<80x64xf32, #tpu.memory_space<vmem_shared>>
      tpu.enqueue_dma source(%arg8 : memref<80x64xf32, #tpu.memory_space<vmem>>) target(%dma_start3A_149 : memref<80x64xf32, #tpu.memory_space<vmem_shared>>) target_semaphore(%run_scoped3A_145 : memref<!tpu.dma_semaphore, #tpu.memory_space<semaphore_mem>>)
      %dma_wait3A_150 = arith.constant 0 : i32
      %dma_wait3A_151 = tpu.memref_slice %arg9[%add3A_62, %dma_wait3A_150] : memref<10240x64xf32, #tpu.memory_space<vmem_shared>> -> memref<80x64xf32, #tpu.memory_space<vmem_shared>>
      %dma_wait3A_152 = arith.constant 0 : i32
      %dma_wait3A_153 = tpu.memref_slice %arg9[%add3A_62, %dma_wait3A_152] : memref<10240x64xf32, #tpu.memory_space<vmem_shared>> -> memref<80x64xf32, #tpu.memory_space<vmem_shared>>
      tpu.wait_dma2 semaphore(%run_scoped3A_145 : memref<!tpu.dma_semaphore, #tpu.memory_space<semaphore_mem>>) src(%arg8 : memref<80x64xf32, #tpu.memory_space<vmem>>) dst(%dma_wait3A_153 : memref<80x64xf32, #tpu.memory_space<vmem_shared>>)
      tpu.yield
    }) : () -> ()
    %mul3A_63 = arith.constant 640 : i32
    %mul3A_64 = arith.muli %arg1, %mul3A_63 : i32
    %add3A_65 = arith.constant 400 : i32
    %add3A_66 = arith.addi %mul3A_64, %add3A_65 : i32
    "tpu.region"() ({
      %run_scoped3A_145 = tpu.sem_alloc : memref<!tpu.dma_semaphore, #tpu.memory_space<semaphore_mem>>
      %dma_start3A_146 = arith.constant 0 : i32
      %dma_start3A_147 = tpu.memref_slice %arg9[%add3A_66, %dma_start3A_146] : memref<10240x64xf32, #tpu.memory_space<vmem_shared>> -> memref<80x64xf32, #tpu.memory_space<vmem_shared>>
      %dma_start3A_148 = arith.constant 0 : i32
      %dma_start3A_149 = tpu.memref_slice %arg9[%add3A_66, %dma_start3A_148] : memref<10240x64xf32, #tpu.memory_space<vmem_shared>> -> memref<80x64xf32, #tpu.memory_space<vmem_shared>>
      tpu.enqueue_dma source(%arg8 : memref<80x64xf32, #tpu.memory_space<vmem>>) target(%dma_start3A_149 : memref<80x64xf32, #tpu.memory_space<vmem_shared>>) target_semaphore(%run_scoped3A_145 : memref<!tpu.dma_semaphore, #tpu.memory_space<semaphore_mem>>)
      %dma_wait3A_150 = arith.constant 0 : i32
      %dma_wait3A_151 = tpu.memref_slice %arg9[%add3A_66, %dma_wait3A_150] : memref<10240x64xf32, #tpu.memory_space<vmem_shared>> -> memref<80x64xf32, #tpu.memory_space<vmem_shared>>
      %dma_wait3A_152 = arith.constant 0 : i32
      %dma_wait3A_153 = tpu.memref_slice %arg9[%add3A_66, %dma_wait3A_152] : memref<10240x64xf32, #tpu.memory_space<vmem_shared>> -> memref<80x64xf32, #tpu.memory_space<vmem_shared>>
      tpu.wait_dma2 semaphore(%run_scoped3A_145 : memref<!tpu.dma_semaphore, #tpu.memory_space<semaphore_mem>>) src(%arg8 : memref<80x64xf32, #tpu.memory_space<vmem>>) dst(%dma_wait3A_153 : memref<80x64xf32, #tpu.memory_space<vmem_shared>>)
      tpu.yield
    }) : () -> ()
    %mul3A_67 = arith.constant 640 : i32
    %mul3A_68 = arith.muli %arg1, %mul3A_67 : i32
    %add3A_69 = arith.constant 480 : i32
    %add3A_70 = arith.addi %mul3A_68, %add3A_69 : i32
    "tpu.region"() ({
      %run_scoped3A_145 = tpu.sem_alloc : memref<!tpu.dma_semaphore, #tpu.memory_space<semaphore_mem>>
      %dma_start3A_146 = arith.constant 0 : i32
      %dma_start3A_147 = tpu.memref_slice %arg9[%add3A_70, %dma_start3A_146] : memref<10240x64xf32, #tpu.memory_space<vmem_shared>> -> memref<80x64xf32, #tpu.memory_space<vmem_shared>>
      %dma_start3A_148 = arith.constant 0 : i32
      %dma_start3A_149 = tpu.memref_slice %arg9[%add3A_70, %dma_start3A_148] : memref<10240x64xf32, #tpu.memory_space<vmem_shared>> -> memref<80x64xf32, #tpu.memory_space<vmem_shared>>
      tpu.enqueue_dma source(%arg8 : memref<80x64xf32, #tpu.memory_space<vmem>>) target(%dma_start3A_149 : memref<80x64xf32, #tpu.memory_space<vmem_shared>>) target_semaphore(%run_scoped3A_145 : memref<!tpu.dma_semaphore, #tpu.memory_space<semaphore_mem>>)
      %dma_wait3A_150 = arith.constant 0 : i32
      %dma_wait3A_151 = tpu.memref_slice %arg9[%add3A_70, %dma_wait3A_150] : memref<10240x64xf32, #tpu.memory_space<vmem_shared>> -> memref<80x64xf32, #tpu.memory_space<vmem_shared>>
      %dma_wait3A_152 = arith.constant 0 : i32
      %dma_wait3A_153 = tpu.memref_slice %arg9[%add3A_70, %dma_wait3A_152] : memref<10240x64xf32, #tpu.memory_space<vmem_shared>> -> memref<80x64xf32, #tpu.memory_space<vmem_shared>>
      tpu.wait_dma2 semaphore(%run_scoped3A_145 : memref<!tpu.dma_semaphore, #tpu.memory_space<semaphore_mem>>) src(%arg8 : memref<80x64xf32, #tpu.memory_space<vmem>>) dst(%dma_wait3A_153 : memref<80x64xf32, #tpu.memory_space<vmem_shared>>)
      tpu.yield
    }) : () -> ()
    %mul3A_71 = arith.constant 640 : i32
    %mul3A_72 = arith.muli %arg1, %mul3A_71 : i32
    %add3A_73 = arith.constant 560 : i32
    %add3A_74 = arith.addi %mul3A_72, %add3A_73 : i32
    "tpu.region"() ({
      %run_scoped3A_145 = tpu.sem_alloc : memref<!tpu.dma_semaphore, #tpu.memory_space<semaphore_mem>>
      %dma_start3A_146 = arith.constant 0 : i32
      %dma_start3A_147 = tpu.memref_slice %arg9[%add3A_74, %dma_start3A_146] : memref<10240x64xf32, #tpu.memory_space<vmem_shared>> -> memref<80x64xf32, #tpu.memory_space<vmem_shared>>
      %dma_start3A_148 = arith.constant 0 : i32
      %dma_start3A_149 = tpu.memref_slice %arg9[%add3A_74, %dma_start3A_148] : memref<10240x64xf32, #tpu.memory_space<vmem_shared>> -> memref<80x64xf32, #tpu.memory_space<vmem_shared>>
      tpu.enqueue_dma source(%arg8 : memref<80x64xf32, #tpu.memory_space<vmem>>) target(%dma_start3A_149 : memref<80x64xf32, #tpu.memory_space<vmem_shared>>) target_semaphore(%run_scoped3A_145 : memref<!tpu.dma_semaphore, #tpu.memory_space<semaphore_mem>>)
      %dma_wait3A_150 = arith.constant 0 : i32
      %dma_wait3A_151 = tpu.memref_slice %arg9[%add3A_74, %dma_wait3A_150] : memref<10240x64xf32, #tpu.memory_space<vmem_shared>> -> memref<80x64xf32, #tpu.memory_space<vmem_shared>>
      %dma_wait3A_152 = arith.constant 0 : i32
      %dma_wait3A_153 = tpu.memref_slice %arg9[%add3A_74, %dma_wait3A_152] : memref<10240x64xf32, #tpu.memory_space<vmem_shared>> -> memref<80x64xf32, #tpu.memory_space<vmem_shared>>
      tpu.wait_dma2 semaphore(%run_scoped3A_145 : memref<!tpu.dma_semaphore, #tpu.memory_space<semaphore_mem>>) src(%arg8 : memref<80x64xf32, #tpu.memory_space<vmem>>) dst(%dma_wait3A_153 : memref<80x64xf32, #tpu.memory_space<vmem_shared>>)
      tpu.yield
    }) : () -> ()
    %barrier3A = arith.constant 0 : index
    tpu.barrier barrier_id(%barrier3A)
    %scan3A_75 = arith.constant 0 : i32
    %scan3A_76 = arith.constant 0 : i32
    %scan3A_77 = arith.constant 25 : i32
    %scan3A_78 = arith.addi %scan3A_76, %scan3A_77 : i32
    %scan3A_79 = arith.constant 1 : i32
    scf.for %scan3A_145 = %scan3A_76 to %scan3A_78 step %scan3A_79  : i32 {
      %mul3A_146 = arith.constant 5 : i32
      %mul3A_147 = arith.muli %mul3A_146, %scan3A_145 : i32
      %add3A_148 = arith.constant 0 : i32
      %add3A_149 = arith.addi %mul3A_147, %add3A_148 : i32
      %dma_wait3A_150 = arith.constant 0 : i32
      %dma_wait3A_151 = arith.constant 0 : i32
      %dma_wait3A_152 = arith.constant 0 : i32
      %dma_wait3A_153 = tpu.memref_slice %arg7[%dma_wait3A_150, %dma_wait3A_151, %dma_wait3A_152] : memref<5x80x64xf32, #tpu.memory_space<vmem>> -> memref<1x80x64xf32, #tpu.memory_space<vmem>>
      %dma_wait3A_154 = tpu.memref_squeeze %dma_wait3A_153 : memref<1x80x64xf32, #tpu.memory_space<vmem>> -> memref<80x64xf32, #tpu.memory_space<vmem>>
      %dma_wait3A_155 = arith.constant 0 : i32
      %dma_wait3A_156 = tpu.memref_slice %arg5[%add3A_149, %dma_wait3A_155] : memref<125x80xi32, #tpu.memory_space<vmem>> -> memref<1x80xi32, #tpu.memory_space<vmem>>
      %dma_wait3A_157 = tpu.memref_squeeze %dma_wait3A_156 : memref<1x80xi32, #tpu.memory_space<vmem>> -> memref<80xi32, #tpu.memory_space<vmem>>
      %dma_wait3A_158 = arith.constant 0 : i32
      %dma_wait3A_159 = arith.constant 0 : i32
      %dma_wait3A_160 = tpu.memref_slice %arg2[%dma_wait3A_158, %dma_wait3A_159] : memref<10000x64xf32, #tpu.memory_space<hbm>> -> memref<10000x64xf32, #tpu.memory_space<hbm>>
      tpu.wait_indirect_dma semaphore(%arg10 : memref<!tpu.dma_semaphore, #tpu.memory_space<semaphore_mem>>) src(%dma_wait3A_160 : memref<10000x64xf32, #tpu.memory_space<hbm>>) dst(%dma_wait3A_154 : memref<80x64xf32, #tpu.memory_space<vmem>>)
      %dma_start3A_161 = arith.constant 0 : i32
      %dma_start3A_162 = arith.constant 0 : i32
      %dma_start3A_163 = arith.constant 0 : i32
      %dma_start3A_164 = tpu.memref_slice %arg7[%dma_start3A_161, %dma_start3A_162, %dma_start3A_163] : memref<5x80x64xf32, #tpu.memory_space<vmem>> -> memref<1x80x64xf32, #tpu.memory_space<vmem>>
      %dma_start3A_165 = tpu.memref_squeeze %dma_start3A_164 : memref<1x80x64xf32, #tpu.memory_space<vmem>> -> memref<80x64xf32, #tpu.memory_space<vmem>>
      %dma_start3A_166 = arith.constant 0 : i32
      %dma_start3A_167 = tpu.memref_slice %arg6[%add3A_149, %dma_start3A_166] : memref<125x80xi32, #tpu.memory_space<vmem>> -> memref<1x80xi32, #tpu.memory_space<vmem>>
      %dma_start3A_168 = tpu.memref_squeeze %dma_start3A_167 : memref<1x80xi32, #tpu.memory_space<vmem>> -> memref<80xi32, #tpu.memory_space<vmem>>
      %dma_start3A_169 = arith.constant 0 : i32
      %dma_start3A_170 = arith.constant 0 : i32
      %dma_start3A_171 = tpu.memref_slice %arg9[%dma_start3A_169, %dma_start3A_170] : memref<10240x64xf32, #tpu.memory_space<vmem_shared>> -> memref<10240x64xf32, #tpu.memory_space<vmem_shared>>
      tpu.enqueue_indirect_dma source(%dma_start3A_165 : memref<80x64xf32, #tpu.memory_space<vmem>>) target(%dma_start3A_171 : memref<10240x64xf32, #tpu.memory_space<vmem_shared>>) offsets(%dma_start3A_168 : memref<80xi32, #tpu.memory_space<vmem>>) semaphore(%arg15 : memref<!tpu.dma_semaphore, #tpu.memory_space<semaphore_mem>>) {add = true}
      %add3A_172 = arith.constant 3 : i32
      %add3A_173 = arith.addi %add3A_149, %add3A_172 : i32
      %lt3A = arith.constant 125 : i32
      %lt3A_174 = arith.cmpi slt, %add3A_173, %lt3A : i32
      %convert_element_type3A = arith.extui %lt3A_174 : i1 to i32
      %cond3A = arith.constant 0 : i32
      %cond3A_175 = arith.cmpi ne, %convert_element_type3A, %cond3A : i32
      scf.if %cond3A_175 {
        %ge3A = arith.constant 2 : i32
        %ge3A_308 = arith.cmpi sge, %add3A_149, %ge3A : i32
        %convert_element_type3A_309 = arith.extui %ge3A_308 : i1 to i32
        %cond3A_310 = arith.constant 0 : i32
        %cond3A_311 = arith.cmpi ne, %convert_element_type3A_309, %cond3A_310 : i32
        scf.if %cond3A_311 {
          %sub3A = arith.constant 2 : i32
          %sub3A_325 = arith.subi %add3A_149, %sub3A : i32
          %dma_wait3A_326 = arith.constant 3 : i32
          %dma_wait3A_327 = arith.constant 0 : i32
          %dma_wait3A_328 = arith.constant 0 : i32
          %dma_wait3A_329 = tpu.memref_slice %arg7[%dma_wait3A_326, %dma_wait3A_327, %dma_wait3A_328] : memref<5x80x64xf32, #tpu.memory_space<vmem>> -> memref<1x80x64xf32, #tpu.memory_space<vmem>>
          %dma_wait3A_330 = tpu.memref_squeeze %dma_wait3A_329 : memref<1x80x64xf32, #tpu.memory_space<vmem>> -> memref<80x64xf32, #tpu.memory_space<vmem>>
          %dma_wait3A_331 = arith.constant 0 : i32
          %dma_wait3A_332 = tpu.memref_slice %arg6[%sub3A_325, %dma_wait3A_331] : memref<125x80xi32, #tpu.memory_space<vmem>> -> memref<1x80xi32, #tpu.memory_space<vmem>>
          %dma_wait3A_333 = tpu.memref_squeeze %dma_wait3A_332 : memref<1x80xi32, #tpu.memory_space<vmem>> -> memref<80xi32, #tpu.memory_space<vmem>>
          %dma_wait3A_334 = arith.constant 0 : i32
          %dma_wait3A_335 = arith.constant 0 : i32
          %dma_wait3A_336 = tpu.memref_slice %arg9[%dma_wait3A_334, %dma_wait3A_335] : memref<10240x64xf32, #tpu.memory_space<vmem_shared>> -> memref<10240x64xf32, #tpu.memory_space<vmem_shared>>
          tpu.wait_indirect_dma semaphore(%arg18 : memref<!tpu.dma_semaphore, #tpu.memory_space<semaphore_mem>>) src(%dma_wait3A_330 : memref<80x64xf32, #tpu.memory_space<vmem>>) dst(%dma_wait3A_336 : memref<10240x64xf32, #tpu.memory_space<vmem_shared>>)
        } else {
        }
        %add3A_312 = arith.constant 3 : i32
        %add3A_313 = arith.addi %add3A_149, %add3A_312 : i32
        %dma_start3A_314 = arith.constant 3 : i32
        %dma_start3A_315 = arith.constant 0 : i32
        %dma_start3A_316 = arith.constant 0 : i32
        %dma_start3A_317 = tpu.memref_slice %arg7[%dma_start3A_314, %dma_start3A_315, %dma_start3A_316] : memref<5x80x64xf32, #tpu.memory_space<vmem>> -> memref<1x80x64xf32, #tpu.memory_space<vmem>>
        %dma_start3A_318 = tpu.memref_squeeze %dma_start3A_317 : memref<1x80x64xf32, #tpu.memory_space<vmem>> -> memref<80x64xf32, #tpu.memory_space<vmem>>
        %dma_start3A_319 = arith.constant 0 : i32
        %dma_start3A_320 = tpu.memref_slice %arg5[%add3A_313, %dma_start3A_319] : memref<125x80xi32, #tpu.memory_space<vmem>> -> memref<1x80xi32, #tpu.memory_space<vmem>>
        %dma_start3A_321 = tpu.memref_squeeze %dma_start3A_320 : memref<1x80xi32, #tpu.memory_space<vmem>> -> memref<80xi32, #tpu.memory_space<vmem>>
        %dma_start3A_322 = arith.constant 0 : i32
        %dma_start3A_323 = arith.constant 0 : i32
        %dma_start3A_324 = tpu.memref_slice %arg2[%dma_start3A_322, %dma_start3A_323] : memref<10000x64xf32, #tpu.memory_space<hbm>> -> memref<10000x64xf32, #tpu.memory_space<hbm>>
        tpu.enqueue_indirect_dma source(%dma_start3A_324 : memref<10000x64xf32, #tpu.memory_space<hbm>>) target(%dma_start3A_318 : memref<80x64xf32, #tpu.memory_space<vmem>>) offsets(%dma_start3A_321 : memref<80xi32, #tpu.memory_space<vmem>>) semaphore(%arg13 : memref<!tpu.dma_semaphore, #tpu.memory_space<semaphore_mem>>)
      } else {
      }
      %mul3A_176 = arith.constant 5 : i32
      %mul3A_177 = arith.muli %mul3A_176, %scan3A_145 : i32
      %add3A_178 = arith.constant 1 : i32
      %add3A_179 = arith.addi %mul3A_177, %add3A_178 : i32
      %dma_wait3A_180 = arith.constant 1 : i32
      %dma_wait3A_181 = arith.constant 0 : i32
      %dma_wait3A_182 = arith.constant 0 : i32
      %dma_wait3A_183 = tpu.memref_slice %arg7[%dma_wait3A_180, %dma_wait3A_181, %dma_wait3A_182] : memref<5x80x64xf32, #tpu.memory_space<vmem>> -> memref<1x80x64xf32, #tpu.memory_space<vmem>>
      %dma_wait3A_184 = tpu.memref_squeeze %dma_wait3A_183 : memref<1x80x64xf32, #tpu.memory_space<vmem>> -> memref<80x64xf32, #tpu.memory_space<vmem>>
      %dma_wait3A_185 = arith.constant 0 : i32
      %dma_wait3A_186 = tpu.memref_slice %arg5[%add3A_179, %dma_wait3A_185] : memref<125x80xi32, #tpu.memory_space<vmem>> -> memref<1x80xi32, #tpu.memory_space<vmem>>
      %dma_wait3A_187 = tpu.memref_squeeze %dma_wait3A_186 : memref<1x80xi32, #tpu.memory_space<vmem>> -> memref<80xi32, #tpu.memory_space<vmem>>
      %dma_wait3A_188 = arith.constant 0 : i32
      %dma_wait3A_189 = arith.constant 0 : i32
      %dma_wait3A_190 = tpu.memref_slice %arg2[%dma_wait3A_188, %dma_wait3A_189] : memref<10000x64xf32, #tpu.memory_space<hbm>> -> memref<10000x64xf32, #tpu.memory_space<hbm>>
      tpu.wait_indirect_dma semaphore(%arg11 : memref<!tpu.dma_semaphore, #tpu.memory_space<semaphore_mem>>) src(%dma_wait3A_190 : memref<10000x64xf32, #tpu.memory_space<hbm>>) dst(%dma_wait3A_184 : memref<80x64xf32, #tpu.memory_space<vmem>>)
      %dma_start3A_191 = arith.constant 1 : i32
      %dma_start3A_192 = arith.constant 0 : i32
      %dma_start3A_193 = arith.constant 0 : i32
      %dma_start3A_194 = tpu.memref_slice %arg7[%dma_start3A_191, %dma_start3A_192, %dma_start3A_193] : memref<5x80x64xf32, #tpu.memory_space<vmem>> -> memref<1x80x64xf32, #tpu.memory_space<vmem>>
      %dma_start3A_195 = tpu.memref_squeeze %dma_start3A_194 : memref<1x80x64xf32, #tpu.memory_space<vmem>> -> memref<80x64xf32, #tpu.memory_space<vmem>>
      %dma_start3A_196 = arith.constant 0 : i32
      %dma_start3A_197 = tpu.memref_slice %arg6[%add3A_179, %dma_start3A_196] : memref<125x80xi32, #tpu.memory_space<vmem>> -> memref<1x80xi32, #tpu.memory_space<vmem>>
      %dma_start3A_198 = tpu.memref_squeeze %dma_start3A_197 : memref<1x80xi32, #tpu.memory_space<vmem>> -> memref<80xi32, #tpu.memory_space<vmem>>
      %dma_start3A_199 = arith.constant 0 : i32
      %dma_start3A_200 = arith.constant 0 : i32
      %dma_start3A_201 = tpu.memref_slice %arg9[%dma_start3A_199, %dma_start3A_200] : memref<10240x64xf32, #tpu.memory_space<vmem_shared>> -> memref<10240x64xf32, #tpu.memory_space<vmem_shared>>
      tpu.enqueue_indirect_dma source(%dma_start3A_195 : memref<80x64xf32, #tpu.memory_space<vmem>>) target(%dma_start3A_201 : memref<10240x64xf32, #tpu.memory_space<vmem_shared>>) offsets(%dma_start3A_198 : memref<80xi32, #tpu.memory_space<vmem>>) semaphore(%arg16 : memref<!tpu.dma_semaphore, #tpu.memory_space<semaphore_mem>>) {add = true}
      %add3A_202 = arith.constant 3 : i32
      %add3A_203 = arith.addi %add3A_179, %add3A_202 : i32
      %lt3A_204 = arith.constant 125 : i32
      %lt3A_205 = arith.cmpi slt, %add3A_203, %lt3A_204 : i32
      %convert_element_type3A_206 = arith.extui %lt3A_205 : i1 to i32
      %cond3A_207 = arith.constant 0 : i32
      %cond3A_208 = arith.cmpi ne, %convert_element_type3A_206, %cond3A_207 : i32
      scf.if %cond3A_208 {
        %ge3A = arith.constant 2 : i32
        %ge3A_308 = arith.cmpi sge, %add3A_179, %ge3A : i32
        %convert_element_type3A_309 = arith.extui %ge3A_308 : i1 to i32
        %cond3A_310 = arith.constant 0 : i32
        %cond3A_311 = arith.cmpi ne, %convert_element_type3A_309, %cond3A_310 : i32
        scf.if %cond3A_311 {
          %sub3A = arith.constant 2 : i32
          %sub3A_325 = arith.subi %add3A_179, %sub3A : i32
          %dma_wait3A_326 = arith.constant 4 : i32
          %dma_wait3A_327 = arith.constant 0 : i32
          %dma_wait3A_328 = arith.constant 0 : i32
          %dma_wait3A_329 = tpu.memref_slice %arg7[%dma_wait3A_326, %dma_wait3A_327, %dma_wait3A_328] : memref<5x80x64xf32, #tpu.memory_space<vmem>> -> memref<1x80x64xf32, #tpu.memory_space<vmem>>
          %dma_wait3A_330 = tpu.memref_squeeze %dma_wait3A_329 : memref<1x80x64xf32, #tpu.memory_space<vmem>> -> memref<80x64xf32, #tpu.memory_space<vmem>>
          %dma_wait3A_331 = arith.constant 0 : i32
          %dma_wait3A_332 = tpu.memref_slice %arg6[%sub3A_325, %dma_wait3A_331] : memref<125x80xi32, #tpu.memory_space<vmem>> -> memref<1x80xi32, #tpu.memory_space<vmem>>
          %dma_wait3A_333 = tpu.memref_squeeze %dma_wait3A_332 : memref<1x80xi32, #tpu.memory_space<vmem>> -> memref<80xi32, #tpu.memory_space<vmem>>
          %dma_wait3A_334 = arith.constant 0 : i32
          %dma_wait3A_335 = arith.constant 0 : i32
          %dma_wait3A_336 = tpu.memref_slice %arg9[%dma_wait3A_334, %dma_wait3A_335] : memref<10240x64xf32, #tpu.memory_space<vmem_shared>> -> memref<10240x64xf32, #tpu.memory_space<vmem_shared>>
          tpu.wait_indirect_dma semaphore(%arg19 : memref<!tpu.dma_semaphore, #tpu.memory_space<semaphore_mem>>) src(%dma_wait3A_330 : memref<80x64xf32, #tpu.memory_space<vmem>>) dst(%dma_wait3A_336 : memref<10240x64xf32, #tpu.memory_space<vmem_shared>>)
        } else {
        }
        %add3A_312 = arith.constant 3 : i32
        %add3A_313 = arith.addi %add3A_179, %add3A_312 : i32
        %dma_start3A_314 = arith.constant 4 : i32
        %dma_start3A_315 = arith.constant 0 : i32
        %dma_start3A_316 = arith.constant 0 : i32
        %dma_start3A_317 = tpu.memref_slice %arg7[%dma_start3A_314, %dma_start3A_315, %dma_start3A_316] : memref<5x80x64xf32, #tpu.memory_space<vmem>> -> memref<1x80x64xf32, #tpu.memory_space<vmem>>
        %dma_start3A_318 = tpu.memref_squeeze %dma_start3A_317 : memref<1x80x64xf32, #tpu.memory_space<vmem>> -> memref<80x64xf32, #tpu.memory_space<vmem>>
        %dma_start3A_319 = arith.constant 0 : i32
        %dma_start3A_320 = tpu.memref_slice %arg5[%add3A_313, %dma_start3A_319] : memref<125x80xi32, #tpu.memory_space<vmem>> -> memref<1x80xi32, #tpu.memory_space<vmem>>
        %dma_start3A_321 = tpu.memref_squeeze %dma_start3A_320 : memref<1x80xi32, #tpu.memory_space<vmem>> -> memref<80xi32, #tpu.memory_space<vmem>>
        %dma_start3A_322 = arith.constant 0 : i32
        %dma_start3A_323 = arith.constant 0 : i32
        %dma_start3A_324 = tpu.memref_slice %arg2[%dma_start3A_322, %dma_start3A_323] : memref<10000x64xf32, #tpu.memory_space<hbm>> -> memref<10000x64xf32, #tpu.memory_space<hbm>>
        tpu.enqueue_indirect_dma source(%dma_start3A_324 : memref<10000x64xf32, #tpu.memory_space<hbm>>) target(%dma_start3A_318 : memref<80x64xf32, #tpu.memory_space<vmem>>) offsets(%dma_start3A_321 : memref<80xi32, #tpu.memory_space<vmem>>) semaphore(%arg14 : memref<!tpu.dma_semaphore, #tpu.memory_space<semaphore_mem>>)
      } else {
      }
      %mul3A_209 = arith.constant 5 : i32
      %mul3A_210 = arith.muli %mul3A_209, %scan3A_145 : i32
      %add3A_211 = arith.constant 2 : i32
      %add3A_212 = arith.addi %mul3A_210, %add3A_211 : i32
      %dma_wait3A_213 = arith.constant 2 : i32
      %dma_wait3A_214 = arith.constant 0 : i32
      %dma_wait3A_215 = arith.constant 0 : i32
      %dma_wait3A_216 = tpu.memref_slice %arg7[%dma_wait3A_213, %dma_wait3A_214, %dma_wait3A_215] : memref<5x80x64xf32, #tpu.memory_space<vmem>> -> memref<1x80x64xf32, #tpu.memory_space<vmem>>
      %dma_wait3A_217 = tpu.memref_squeeze %dma_wait3A_216 : memref<1x80x64xf32, #tpu.memory_space<vmem>> -> memref<80x64xf32, #tpu.memory_space<vmem>>
      %dma_wait3A_218 = arith.constant 0 : i32
      %dma_wait3A_219 = tpu.memref_slice %arg5[%add3A_212, %dma_wait3A_218] : memref<125x80xi32, #tpu.memory_space<vmem>> -> memref<1x80xi32, #tpu.memory_space<vmem>>
      %dma_wait3A_220 = tpu.memref_squeeze %dma_wait3A_219 : memref<1x80xi32, #tpu.memory_space<vmem>> -> memref<80xi32, #tpu.memory_space<vmem>>
      %dma_wait3A_221 = arith.constant 0 : i32
      %dma_wait3A_222 = arith.constant 0 : i32
      %dma_wait3A_223 = tpu.memref_slice %arg2[%dma_wait3A_221, %dma_wait3A_222] : memref<10000x64xf32, #tpu.memory_space<hbm>> -> memref<10000x64xf32, #tpu.memory_space<hbm>>
      tpu.wait_indirect_dma semaphore(%arg12 : memref<!tpu.dma_semaphore, #tpu.memory_space<semaphore_mem>>) src(%dma_wait3A_223 : memref<10000x64xf32, #tpu.memory_space<hbm>>) dst(%dma_wait3A_217 : memref<80x64xf32, #tpu.memory_space<vmem>>)
      %dma_start3A_224 = arith.constant 2 : i32
      %dma_start3A_225 = arith.constant 0 : i32
      %dma_start3A_226 = arith.constant 0 : i32
      %dma_start3A_227 = tpu.memref_slice %arg7[%dma_start3A_224, %dma_start3A_225, %dma_start3A_226] : memref<5x80x64xf32, #tpu.memory_space<vmem>> -> memref<1x80x64xf32, #tpu.memory_space<vmem>>
      %dma_start3A_228 = tpu.memref_squeeze %dma_start3A_227 : memref<1x80x64xf32, #tpu.memory_space<vmem>> -> memref<80x64xf32, #tpu.memory_space<vmem>>
      %dma_start3A_229 = arith.constant 0 : i32
      %dma_start3A_230 = tpu.memref_slice %arg6[%add3A_212, %dma_start3A_229] : memref<125x80xi32, #tpu.memory_space<vmem>> -> memref<1x80xi32, #tpu.memory_space<vmem>>
      %dma_start3A_231 = tpu.memref_squeeze %dma_start3A_230 : memref<1x80xi32, #tpu.memory_space<vmem>> -> memref<80xi32, #tpu.memory_space<vmem>>
      %dma_start3A_232 = arith.constant 0 : i32
      %dma_start3A_233 = arith.constant 0 : i32
      %dma_start3A_234 = tpu.memref_slice %arg9[%dma_start3A_232, %dma_start3A_233] : memref<10240x64xf32, #tpu.memory_space<vmem_shared>> -> memref<10240x64xf32, #tpu.memory_space<vmem_shared>>
      tpu.enqueue_indirect_dma source(%dma_start3A_228 : memref<80x64xf32, #tpu.memory_space<vmem>>) target(%dma_start3A_234 : memref<10240x64xf32, #tpu.memory_space<vmem_shared>>) offsets(%dma_start3A_231 : memref<80xi32, #tpu.memory_space<vmem>>) semaphore(%arg17 : memref<!tpu.dma_semaphore, #tpu.memory_space<semaphore_mem>>) {add = true}
      %add3A_235 = arith.constant 3 : i32
      %add3A_236 = arith.addi %add3A_212, %add3A_235 : i32
      %lt3A_237 = arith.constant 125 : i32
      %lt3A_238 = arith.cmpi slt, %add3A_236, %lt3A_237 : i32
      %convert_element_type3A_239 = arith.extui %lt3A_238 : i1 to i32
      %cond3A_240 = arith.constant 0 : i32
      %cond3A_241 = arith.cmpi ne, %convert_element_type3A_239, %cond3A_240 : i32
      scf.if %cond3A_241 {
        %ge3A = arith.constant 2 : i32
        %ge3A_308 = arith.cmpi sge, %add3A_212, %ge3A : i32
        %convert_element_type3A_309 = arith.extui %ge3A_308 : i1 to i32
        %cond3A_310 = arith.constant 0 : i32
        %cond3A_311 = arith.cmpi ne, %convert_element_type3A_309, %cond3A_310 : i32
        scf.if %cond3A_311 {
          %sub3A = arith.constant 2 : i32
          %sub3A_325 = arith.subi %add3A_212, %sub3A : i32
          %dma_wait3A_326 = arith.constant 0 : i32
          %dma_wait3A_327 = arith.constant 0 : i32
          %dma_wait3A_328 = arith.constant 0 : i32
          %dma_wait3A_329 = tpu.memref_slice %arg7[%dma_wait3A_326, %dma_wait3A_327, %dma_wait3A_328] : memref<5x80x64xf32, #tpu.memory_space<vmem>> -> memref<1x80x64xf32, #tpu.memory_space<vmem>>
          %dma_wait3A_330 = tpu.memref_squeeze %dma_wait3A_329 : memref<1x80x64xf32, #tpu.memory_space<vmem>> -> memref<80x64xf32, #tpu.memory_space<vmem>>
          %dma_wait3A_331 = arith.constant 0 : i32
          %dma_wait3A_332 = tpu.memref_slice %arg6[%sub3A_325, %dma_wait3A_331] : memref<125x80xi32, #tpu.memory_space<vmem>> -> memref<1x80xi32, #tpu.memory_space<vmem>>
          %dma_wait3A_333 = tpu.memref_squeeze %dma_wait3A_332 : memref<1x80xi32, #tpu.memory_space<vmem>> -> memref<80xi32, #tpu.memory_space<vmem>>
          %dma_wait3A_334 = arith.constant 0 : i32
          %dma_wait3A_335 = arith.constant 0 : i32
          %dma_wait3A_336 = tpu.memref_slice %arg9[%dma_wait3A_334, %dma_wait3A_335] : memref<10240x64xf32, #tpu.memory_space<vmem_shared>> -> memref<10240x64xf32, #tpu.memory_space<vmem_shared>>
          tpu.wait_indirect_dma semaphore(%arg15 : memref<!tpu.dma_semaphore, #tpu.memory_space<semaphore_mem>>) src(%dma_wait3A_330 : memref<80x64xf32, #tpu.memory_space<vmem>>) dst(%dma_wait3A_336 : memref<10240x64xf32, #tpu.memory_space<vmem_shared>>)
        } else {
        }
        %add3A_312 = arith.constant 3 : i32
        %add3A_313 = arith.addi %add3A_212, %add3A_312 : i32
        %dma_start3A_314 = arith.constant 0 : i32
        %dma_start3A_315 = arith.constant 0 : i32
        %dma_start3A_316 = arith.constant 0 : i32
        %dma_start3A_317 = tpu.memref_slice %arg7[%dma_start3A_314, %dma_start3A_315, %dma_start3A_316] : memref<5x80x64xf32, #tpu.memory_space<vmem>> -> memref<1x80x64xf32, #tpu.memory_space<vmem>>
        %dma_start3A_318 = tpu.memref_squeeze %dma_start3A_317 : memref<1x80x64xf32, #tpu.memory_space<vmem>> -> memref<80x64xf32, #tpu.memory_space<vmem>>
        %dma_start3A_319 = arith.constant 0 : i32
        %dma_start3A_320 = tpu.memref_slice %arg5[%add3A_313, %dma_start3A_319] : memref<125x80xi32, #tpu.memory_space<vmem>> -> memref<1x80xi32, #tpu.memory_space<vmem>>
        %dma_start3A_321 = tpu.memref_squeeze %dma_start3A_320 : memref<1x80xi32, #tpu.memory_space<vmem>> -> memref<80xi32, #tpu.memory_space<vmem>>
        %dma_start3A_322 = arith.constant 0 : i32
        %dma_start3A_323 = arith.constant 0 : i32
        %dma_start3A_324 = tpu.memref_slice %arg2[%dma_start3A_322, %dma_start3A_323] : memref<10000x64xf32, #tpu.memory_space<hbm>> -> memref<10000x64xf32, #tpu.memory_space<hbm>>
        tpu.enqueue_indirect_dma source(%dma_start3A_324 : memref<10000x64xf32, #tpu.memory_space<hbm>>) target(%dma_start3A_318 : memref<80x64xf32, #tpu.memory_space<vmem>>) offsets(%dma_start3A_321 : memref<80xi32, #tpu.memory_space<vmem>>) semaphore(%arg10 : memref<!tpu.dma_semaphore, #tpu.memory_space<semaphore_mem>>)
      } else {
      }
      %mul3A_242 = arith.constant 5 : i32
      %mul3A_243 = arith.muli %mul3A_242, %scan3A_145 : i32
      %add3A_244 = arith.constant 3 : i32
      %add3A_245 = arith.addi %mul3A_243, %add3A_244 : i32
      %dma_wait3A_246 = arith.constant 3 : i32
      %dma_wait3A_247 = arith.constant 0 : i32
      %dma_wait3A_248 = arith.constant 0 : i32
      %dma_wait3A_249 = tpu.memref_slice %arg7[%dma_wait3A_246, %dma_wait3A_247, %dma_wait3A_248] : memref<5x80x64xf32, #tpu.memory_space<vmem>> -> memref<1x80x64xf32, #tpu.memory_space<vmem>>
      %dma_wait3A_250 = tpu.memref_squeeze %dma_wait3A_249 : memref<1x80x64xf32, #tpu.memory_space<vmem>> -> memref<80x64xf32, #tpu.memory_space<vmem>>
      %dma_wait3A_251 = arith.constant 0 : i32
      %dma_wait3A_252 = tpu.memref_slice %arg5[%add3A_245, %dma_wait3A_251] : memref<125x80xi32, #tpu.memory_space<vmem>> -> memref<1x80xi32, #tpu.memory_space<vmem>>
      %dma_wait3A_253 = tpu.memref_squeeze %dma_wait3A_252 : memref<1x80xi32, #tpu.memory_space<vmem>> -> memref<80xi32, #tpu.memory_space<vmem>>
      %dma_wait3A_254 = arith.constant 0 : i32
      %dma_wait3A_255 = arith.constant 0 : i32
      %dma_wait3A_256 = tpu.memref_slice %arg2[%dma_wait3A_254, %dma_wait3A_255] : memref<10000x64xf32, #tpu.memory_space<hbm>> -> memref<10000x64xf32, #tpu.memory_space<hbm>>
      tpu.wait_indirect_dma semaphore(%arg13 : memref<!tpu.dma_semaphore, #tpu.memory_space<semaphore_mem>>) src(%dma_wait3A_256 : memref<10000x64xf32, #tpu.memory_space<hbm>>) dst(%dma_wait3A_250 : memref<80x64xf32, #tpu.memory_space<vmem>>)
      %dma_start3A_257 = arith.constant 3 : i32
      %dma_start3A_258 = arith.constant 0 : i32
      %dma_start3A_259 = arith.constant 0 : i32
      %dma_start3A_260 = tpu.memref_slice %arg7[%dma_start3A_257, %dma_start3A_258, %dma_start3A_259] : memref<5x80x64xf32, #tpu.memory_space<vmem>> -> memref<1x80x64xf32, #tpu.memory_space<vmem>>
      %dma_start3A_261 = tpu.memref_squeeze %dma_start3A_260 : memref<1x80x64xf32, #tpu.memory_space<vmem>> -> memref<80x64xf32, #tpu.memory_space<vmem>>
      %dma_start3A_262 = arith.constant 0 : i32
      %dma_start3A_263 = tpu.memref_slice %arg6[%add3A_245, %dma_start3A_262] : memref<125x80xi32, #tpu.memory_space<vmem>> -> memref<1x80xi32, #tpu.memory_space<vmem>>
      %dma_start3A_264 = tpu.memref_squeeze %dma_start3A_263 : memref<1x80xi32, #tpu.memory_space<vmem>> -> memref<80xi32, #tpu.memory_space<vmem>>
      %dma_start3A_265 = arith.constant 0 : i32
      %dma_start3A_266 = arith.constant 0 : i32
      %dma_start3A_267 = tpu.memref_slice %arg9[%dma_start3A_265, %dma_start3A_266] : memref<10240x64xf32, #tpu.memory_space<vmem_shared>> -> memref<10240x64xf32, #tpu.memory_space<vmem_shared>>
      tpu.enqueue_indirect_dma source(%dma_start3A_261 : memref<80x64xf32, #tpu.memory_space<vmem>>) target(%dma_start3A_267 : memref<10240x64xf32, #tpu.memory_space<vmem_shared>>) offsets(%dma_start3A_264 : memref<80xi32, #tpu.memory_space<vmem>>) semaphore(%arg18 : memref<!tpu.dma_semaphore, #tpu.memory_space<semaphore_mem>>) {add = true}
      %add3A_268 = arith.constant 3 : i32
      %add3A_269 = arith.addi %add3A_245, %add3A_268 : i32
      %lt3A_270 = arith.constant 125 : i32
      %lt3A_271 = arith.cmpi slt, %add3A_269, %lt3A_270 : i32
      %convert_element_type3A_272 = arith.extui %lt3A_271 : i1 to i32
      %cond3A_273 = arith.constant 0 : i32
      %cond3A_274 = arith.cmpi ne, %convert_element_type3A_272, %cond3A_273 : i32
      scf.if %cond3A_274 {
        %ge3A = arith.constant 2 : i32
        %ge3A_308 = arith.cmpi sge, %add3A_245, %ge3A : i32
        %convert_element_type3A_309 = arith.extui %ge3A_308 : i1 to i32
        %cond3A_310 = arith.constant 0 : i32
        %cond3A_311 = arith.cmpi ne, %convert_element_type3A_309, %cond3A_310 : i32
        scf.if %cond3A_311 {
          %sub3A = arith.constant 2 : i32
          %sub3A_325 = arith.subi %add3A_245, %sub3A : i32
          %dma_wait3A_326 = arith.constant 1 : i32
          %dma_wait3A_327 = arith.constant 0 : i32
          %dma_wait3A_328 = arith.constant 0 : i32
          %dma_wait3A_329 = tpu.memref_slice %arg7[%dma_wait3A_326, %dma_wait3A_327, %dma_wait3A_328] : memref<5x80x64xf32, #tpu.memory_space<vmem>> -> memref<1x80x64xf32, #tpu.memory_space<vmem>>
          %dma_wait3A_330 = tpu.memref_squeeze %dma_wait3A_329 : memref<1x80x64xf32, #tpu.memory_space<vmem>> -> memref<80x64xf32, #tpu.memory_space<vmem>>
          %dma_wait3A_331 = arith.constant 0 : i32
          %dma_wait3A_332 = tpu.memref_slice %arg6[%sub3A_325, %dma_wait3A_331] : memref<125x80xi32, #tpu.memory_space<vmem>> -> memref<1x80xi32, #tpu.memory_space<vmem>>
          %dma_wait3A_333 = tpu.memref_squeeze %dma_wait3A_332 : memref<1x80xi32, #tpu.memory_space<vmem>> -> memref<80xi32, #tpu.memory_space<vmem>>
          %dma_wait3A_334 = arith.constant 0 : i32
          %dma_wait3A_335 = arith.constant 0 : i32
          %dma_wait3A_336 = tpu.memref_slice %arg9[%dma_wait3A_334, %dma_wait3A_335] : memref<10240x64xf32, #tpu.memory_space<vmem_shared>> -> memref<10240x64xf32, #tpu.memory_space<vmem_shared>>
          tpu.wait_indirect_dma semaphore(%arg16 : memref<!tpu.dma_semaphore, #tpu.memory_space<semaphore_mem>>) src(%dma_wait3A_330 : memref<80x64xf32, #tpu.memory_space<vmem>>) dst(%dma_wait3A_336 : memref<10240x64xf32, #tpu.memory_space<vmem_shared>>)
        } else {
        }
        %add3A_312 = arith.constant 3 : i32
        %add3A_313 = arith.addi %add3A_245, %add3A_312 : i32
        %dma_start3A_314 = arith.constant 1 : i32
        %dma_start3A_315 = arith.constant 0 : i32
        %dma_start3A_316 = arith.constant 0 : i32
        %dma_start3A_317 = tpu.memref_slice %arg7[%dma_start3A_314, %dma_start3A_315, %dma_start3A_316] : memref<5x80x64xf32, #tpu.memory_space<vmem>> -> memref<1x80x64xf32, #tpu.memory_space<vmem>>
        %dma_start3A_318 = tpu.memref_squeeze %dma_start3A_317 : memref<1x80x64xf32, #tpu.memory_space<vmem>> -> memref<80x64xf32, #tpu.memory_space<vmem>>
        %dma_start3A_319 = arith.constant 0 : i32
        %dma_start3A_320 = tpu.memref_slice %arg5[%add3A_313, %dma_start3A_319] : memref<125x80xi32, #tpu.memory_space<vmem>> -> memref<1x80xi32, #tpu.memory_space<vmem>>
        %dma_start3A_321 = tpu.memref_squeeze %dma_start3A_320 : memref<1x80xi32, #tpu.memory_space<vmem>> -> memref<80xi32, #tpu.memory_space<vmem>>
        %dma_start3A_322 = arith.constant 0 : i32
        %dma_start3A_323 = arith.constant 0 : i32
        %dma_start3A_324 = tpu.memref_slice %arg2[%dma_start3A_322, %dma_start3A_323] : memref<10000x64xf32, #tpu.memory_space<hbm>> -> memref<10000x64xf32, #tpu.memory_space<hbm>>
        tpu.enqueue_indirect_dma source(%dma_start3A_324 : memref<10000x64xf32, #tpu.memory_space<hbm>>) target(%dma_start3A_318 : memref<80x64xf32, #tpu.memory_space<vmem>>) offsets(%dma_start3A_321 : memref<80xi32, #tpu.memory_space<vmem>>) semaphore(%arg11 : memref<!tpu.dma_semaphore, #tpu.memory_space<semaphore_mem>>)
      } else {
      }
      %mul3A_275 = arith.constant 5 : i32
      %mul3A_276 = arith.muli %mul3A_275, %scan3A_145 : i32
      %add3A_277 = arith.constant 4 : i32
      %add3A_278 = arith.addi %mul3A_276, %add3A_277 : i32
      %dma_wait3A_279 = arith.constant 4 : i32
      %dma_wait3A_280 = arith.constant 0 : i32
      %dma_wait3A_281 = arith.constant 0 : i32
      %dma_wait3A_282 = tpu.memref_slice %arg7[%dma_wait3A_279, %dma_wait3A_280, %dma_wait3A_281] : memref<5x80x64xf32, #tpu.memory_space<vmem>> -> memref<1x80x64xf32, #tpu.memory_space<vmem>>
      %dma_wait3A_283 = tpu.memref_squeeze %dma_wait3A_282 : memref<1x80x64xf32, #tpu.memory_space<vmem>> -> memref<80x64xf32, #tpu.memory_space<vmem>>
      %dma_wait3A_284 = arith.constant 0 : i32
      %dma_wait3A_285 = tpu.memref_slice %arg5[%add3A_278, %dma_wait3A_284] : memref<125x80xi32, #tpu.memory_space<vmem>> -> memref<1x80xi32, #tpu.memory_space<vmem>>
      %dma_wait3A_286 = tpu.memref_squeeze %dma_wait3A_285 : memref<1x80xi32, #tpu.memory_space<vmem>> -> memref<80xi32, #tpu.memory_space<vmem>>
      %dma_wait3A_287 = arith.constant 0 : i32
      %dma_wait3A_288 = arith.constant 0 : i32
      %dma_wait3A_289 = tpu.memref_slice %arg2[%dma_wait3A_287, %dma_wait3A_288] : memref<10000x64xf32, #tpu.memory_space<hbm>> -> memref<10000x64xf32, #tpu.memory_space<hbm>>
      tpu.wait_indirect_dma semaphore(%arg14 : memref<!tpu.dma_semaphore, #tpu.memory_space<semaphore_mem>>) src(%dma_wait3A_289 : memref<10000x64xf32, #tpu.memory_space<hbm>>) dst(%dma_wait3A_283 : memref<80x64xf32, #tpu.memory_space<vmem>>)
      %dma_start3A_290 = arith.constant 4 : i32
      %dma_start3A_291 = arith.constant 0 : i32
      %dma_start3A_292 = arith.constant 0 : i32
      %dma_start3A_293 = tpu.memref_slice %arg7[%dma_start3A_290, %dma_start3A_291, %dma_start3A_292] : memref<5x80x64xf32, #tpu.memory_space<vmem>> -> memref<1x80x64xf32, #tpu.memory_space<vmem>>
      %dma_start3A_294 = tpu.memref_squeeze %dma_start3A_293 : memref<1x80x64xf32, #tpu.memory_space<vmem>> -> memref<80x64xf32, #tpu.memory_space<vmem>>
      %dma_start3A_295 = arith.constant 0 : i32
      %dma_start3A_296 = tpu.memref_slice %arg6[%add3A_278, %dma_start3A_295] : memref<125x80xi32, #tpu.memory_space<vmem>> -> memref<1x80xi32, #tpu.memory_space<vmem>>
      %dma_start3A_297 = tpu.memref_squeeze %dma_start3A_296 : memref<1x80xi32, #tpu.memory_space<vmem>> -> memref<80xi32, #tpu.memory_space<vmem>>
      %dma_start3A_298 = arith.constant 0 : i32
      %dma_start3A_299 = arith.constant 0 : i32
      %dma_start3A_300 = tpu.memref_slice %arg9[%dma_start3A_298, %dma_start3A_299] : memref<10240x64xf32, #tpu.memory_space<vmem_shared>> -> memref<10240x64xf32, #tpu.memory_space<vmem_shared>>
      tpu.enqueue_indirect_dma source(%dma_start3A_294 : memref<80x64xf32, #tpu.memory_space<vmem>>) target(%dma_start3A_300 : memref<10240x64xf32, #tpu.memory_space<vmem_shared>>) offsets(%dma_start3A_297 : memref<80xi32, #tpu.memory_space<vmem>>) semaphore(%arg19 : memref<!tpu.dma_semaphore, #tpu.memory_space<semaphore_mem>>) {add = true}
      %add3A_301 = arith.constant 3 : i32
      %add3A_302 = arith.addi %add3A_278, %add3A_301 : i32
      %lt3A_303 = arith.constant 125 : i32
      %lt3A_304 = arith.cmpi slt, %add3A_302, %lt3A_303 : i32
      %convert_element_type3A_305 = arith.extui %lt3A_304 : i1 to i32
      %cond3A_306 = arith.constant 0 : i32
      %cond3A_307 = arith.cmpi ne, %convert_element_type3A_305, %cond3A_306 : i32
      scf.if %cond3A_307 {
        %ge3A = arith.constant 2 : i32
        %ge3A_308 = arith.cmpi sge, %add3A_278, %ge3A : i32
        %convert_element_type3A_309 = arith.extui %ge3A_308 : i1 to i32
        %cond3A_310 = arith.constant 0 : i32
        %cond3A_311 = arith.cmpi ne, %convert_element_type3A_309, %cond3A_310 : i32
        scf.if %cond3A_311 {
          %sub3A = arith.constant 2 : i32
          %sub3A_325 = arith.subi %add3A_278, %sub3A : i32
          %dma_wait3A_326 = arith.constant 2 : i32
          %dma_wait3A_327 = arith.constant 0 : i32
          %dma_wait3A_328 = arith.constant 0 : i32
          %dma_wait3A_329 = tpu.memref_slice %arg7[%dma_wait3A_326, %dma_wait3A_327, %dma_wait3A_328] : memref<5x80x64xf32, #tpu.memory_space<vmem>> -> memref<1x80x64xf32, #tpu.memory_space<vmem>>
          %dma_wait3A_330 = tpu.memref_squeeze %dma_wait3A_329 : memref<1x80x64xf32, #tpu.memory_space<vmem>> -> memref<80x64xf32, #tpu.memory_space<vmem>>
          %dma_wait3A_331 = arith.constant 0 : i32
          %dma_wait3A_332 = tpu.memref_slice %arg6[%sub3A_325, %dma_wait3A_331] : memref<125x80xi32, #tpu.memory_space<vmem>> -> memref<1x80xi32, #tpu.memory_space<vmem>>
          %dma_wait3A_333 = tpu.memref_squeeze %dma_wait3A_332 : memref<1x80xi32, #tpu.memory_space<vmem>> -> memref<80xi32, #tpu.memory_space<vmem>>
          %dma_wait3A_334 = arith.constant 0 : i32
          %dma_wait3A_335 = arith.constant 0 : i32
          %dma_wait3A_336 = tpu.memref_slice %arg9[%dma_wait3A_334, %dma_wait3A_335] : memref<10240x64xf32, #tpu.memory_space<vmem_shared>> -> memref<10240x64xf32, #tpu.memory_space<vmem_shared>>
          tpu.wait_indirect_dma semaphore(%arg17 : memref<!tpu.dma_semaphore, #tpu.memory_space<semaphore_mem>>) src(%dma_wait3A_330 : memref<80x64xf32, #tpu.memory_space<vmem>>) dst(%dma_wait3A_336 : memref<10240x64xf32, #tpu.memory_space<vmem_shared>>)
        } else {
        }
        %add3A_312 = arith.constant 3 : i32
        %add3A_313 = arith.addi %add3A_278, %add3A_312 : i32
        %dma_start3A_314 = arith.constant 2 : i32
        %dma_start3A_315 = arith.constant 0 : i32
        %dma_start3A_316 = arith.constant 0 : i32
        %dma_start3A_317 = tpu.memref_slice %arg7[%dma_start3A_314, %dma_start3A_315, %dma_start3A_316] : memref<5x80x64xf32, #tpu.memory_space<vmem>> -> memref<1x80x64xf32, #tpu.memory_space<vmem>>
        %dma_start3A_318 = tpu.memref_squeeze %dma_start3A_317 : memref<1x80x64xf32, #tpu.memory_space<vmem>> -> memref<80x64xf32, #tpu.memory_space<vmem>>
        %dma_start3A_319 = arith.constant 0 : i32
        %dma_start3A_320 = tpu.memref_slice %arg5[%add3A_313, %dma_start3A_319] : memref<125x80xi32, #tpu.memory_space<vmem>> -> memref<1x80xi32, #tpu.memory_space<vmem>>
        %dma_start3A_321 = tpu.memref_squeeze %dma_start3A_320 : memref<1x80xi32, #tpu.memory_space<vmem>> -> memref<80xi32, #tpu.memory_space<vmem>>
        %dma_start3A_322 = arith.constant 0 : i32
        %dma_start3A_323 = arith.constant 0 : i32
        %dma_start3A_324 = tpu.memref_slice %arg2[%dma_start3A_322, %dma_start3A_323] : memref<10000x64xf32, #tpu.memory_space<hbm>> -> memref<10000x64xf32, #tpu.memory_space<hbm>>
        tpu.enqueue_indirect_dma source(%dma_start3A_324 : memref<10000x64xf32, #tpu.memory_space<hbm>>) target(%dma_start3A_318 : memref<80x64xf32, #tpu.memory_space<vmem>>) offsets(%dma_start3A_321 : memref<80xi32, #tpu.memory_space<vmem>>) semaphore(%arg12 : memref<!tpu.dma_semaphore, #tpu.memory_space<semaphore_mem>>)
      } else {
      }
    }
    %scan3A_80 = arith.constant 25 : i32
    %dma_wait3A = arith.constant 0 : i32
    %dma_wait3A_81 = arith.constant 120 : i32
    %dma_wait3A_82 = arith.constant 0 : i32
    %dma_wait3A_83 = arith.constant 0 : i32
    %dma_wait3A_84 = tpu.memref_slice %arg7[%dma_wait3A, %dma_wait3A_82, %dma_wait3A_83] : memref<5x80x64xf32, #tpu.memory_space<vmem>> -> memref<1x80x64xf32, #tpu.memory_space<vmem>>
    %dma_wait3A_85 = tpu.memref_squeeze %dma_wait3A_84 : memref<1x80x64xf32, #tpu.memory_space<vmem>> -> memref<80x64xf32, #tpu.memory_space<vmem>>
    %dma_wait3A_86 = arith.constant 0 : i32
    %dma_wait3A_87 = tpu.memref_slice %arg6[%dma_wait3A_81, %dma_wait3A_86] : memref<125x80xi32, #tpu.memory_space<vmem>> -> memref<1x80xi32, #tpu.memory_space<vmem>>
    %dma_wait3A_88 = tpu.memref_squeeze %dma_wait3A_87 : memref<1x80xi32, #tpu.memory_space<vmem>> -> memref<80xi32, #tpu.memory_space<vmem>>
    %dma_wait3A_89 = arith.constant 0 : i32
    %dma_wait3A_90 = arith.constant 0 : i32
    %dma_wait3A_91 = tpu.memref_slice %arg9[%dma_wait3A_89, %dma_wait3A_90] : memref<10240x64xf32, #tpu.memory_space<vmem_shared>> -> memref<10240x64xf32, #tpu.memory_space<vmem_shared>>
    tpu.wait_indirect_dma semaphore(%arg15 : memref<!tpu.dma_semaphore, #tpu.memory_space<semaphore_mem>>) src(%dma_wait3A_85 : memref<80x64xf32, #tpu.memory_space<vmem>>) dst(%dma_wait3A_91 : memref<10240x64xf32, #tpu.memory_space<vmem_shared>>)
    %dma_wait3A_92 = arith.constant 1 : i32
    %dma_wait3A_93 = arith.constant 121 : i32
    %dma_wait3A_94 = arith.constant 0 : i32
    %dma_wait3A_95 = arith.constant 0 : i32
    %dma_wait3A_96 = tpu.memref_slice %arg7[%dma_wait3A_92, %dma_wait3A_94, %dma_wait3A_95] : memref<5x80x64xf32, #tpu.memory_space<vmem>> -> memref<1x80x64xf32, #tpu.memory_space<vmem>>
    %dma_wait3A_97 = tpu.memref_squeeze %dma_wait3A_96 : memref<1x80x64xf32, #tpu.memory_space<vmem>> -> memref<80x64xf32, #tpu.memory_space<vmem>>
    %dma_wait3A_98 = arith.constant 0 : i32
    %dma_wait3A_99 = tpu.memref_slice %arg6[%dma_wait3A_93, %dma_wait3A_98] : memref<125x80xi32, #tpu.memory_space<vmem>> -> memref<1x80xi32, #tpu.memory_space<vmem>>
    %dma_wait3A_100 = tpu.memref_squeeze %dma_wait3A_99 : memref<1x80xi32, #tpu.memory_space<vmem>> -> memref<80xi32, #tpu.memory_space<vmem>>
    %dma_wait3A_101 = arith.constant 0 : i32
    %dma_wait3A_102 = arith.constant 0 : i32
    %dma_wait3A_103 = tpu.memref_slice %arg9[%dma_wait3A_101, %dma_wait3A_102] : memref<10240x64xf32, #tpu.memory_space<vmem_shared>> -> memref<10240x64xf32, #tpu.memory_space<vmem_shared>>
    tpu.wait_indirect_dma semaphore(%arg16 : memref<!tpu.dma_semaphore, #tpu.memory_space<semaphore_mem>>) src(%dma_wait3A_97 : memref<80x64xf32, #tpu.memory_space<vmem>>) dst(%dma_wait3A_103 : memref<10240x64xf32, #tpu.memory_space<vmem_shared>>)
    %dma_wait3A_104 = arith.constant 2 : i32
    %dma_wait3A_105 = arith.constant 122 : i32
    %dma_wait3A_106 = arith.constant 0 : i32
    %dma_wait3A_107 = arith.constant 0 : i32
    %dma_wait3A_108 = tpu.memref_slice %arg7[%dma_wait3A_104, %dma_wait3A_106, %dma_wait3A_107] : memref<5x80x64xf32, #tpu.memory_space<vmem>> -> memref<1x80x64xf32, #tpu.memory_space<vmem>>
    %dma_wait3A_109 = tpu.memref_squeeze %dma_wait3A_108 : memref<1x80x64xf32, #tpu.memory_space<vmem>> -> memref<80x64xf32, #tpu.memory_space<vmem>>
    %dma_wait3A_110 = arith.constant 0 : i32
    %dma_wait3A_111 = tpu.memref_slice %arg6[%dma_wait3A_105, %dma_wait3A_110] : memref<125x80xi32, #tpu.memory_space<vmem>> -> memref<1x80xi32, #tpu.memory_space<vmem>>
    %dma_wait3A_112 = tpu.memref_squeeze %dma_wait3A_111 : memref<1x80xi32, #tpu.memory_space<vmem>> -> memref<80xi32, #tpu.memory_space<vmem>>
    %dma_wait3A_113 = arith.constant 0 : i32
    %dma_wait3A_114 = arith.constant 0 : i32
    %dma_wait3A_115 = tpu.memref_slice %arg9[%dma_wait3A_113, %dma_wait3A_114] : memref<10240x64xf32, #tpu.memory_space<vmem_shared>> -> memref<10240x64xf32, #tpu.memory_space<vmem_shared>>
    tpu.wait_indirect_dma semaphore(%arg17 : memref<!tpu.dma_semaphore, #tpu.memory_space<semaphore_mem>>) src(%dma_wait3A_109 : memref<80x64xf32, #tpu.memory_space<vmem>>) dst(%dma_wait3A_115 : memref<10240x64xf32, #tpu.memory_space<vmem_shared>>)
    %dma_wait3A_116 = arith.constant 3 : i32
    %dma_wait3A_117 = arith.constant 123 : i32
    %dma_wait3A_118 = arith.constant 0 : i32
    %dma_wait3A_119 = arith.constant 0 : i32
    %dma_wait3A_120 = tpu.memref_slice %arg7[%dma_wait3A_116, %dma_wait3A_118, %dma_wait3A_119] : memref<5x80x64xf32, #tpu.memory_space<vmem>> -> memref<1x80x64xf32, #tpu.memory_space<vmem>>
    %dma_wait3A_121 = tpu.memref_squeeze %dma_wait3A_120 : memref<1x80x64xf32, #tpu.memory_space<vmem>> -> memref<80x64xf32, #tpu.memory_space<vmem>>
    %dma_wait3A_122 = arith.constant 0 : i32
    %dma_wait3A_123 = tpu.memref_slice %arg6[%dma_wait3A_117, %dma_wait3A_122] : memref<125x80xi32, #tpu.memory_space<vmem>> -> memref<1x80xi32, #tpu.memory_space<vmem>>
    %dma_wait3A_124 = tpu.memref_squeeze %dma_wait3A_123 : memref<1x80xi32, #tpu.memory_space<vmem>> -> memref<80xi32, #tpu.memory_space<vmem>>
    %dma_wait3A_125 = arith.constant 0 : i32
    %dma_wait3A_126 = arith.constant 0 : i32
    %dma_wait3A_127 = tpu.memref_slice %arg9[%dma_wait3A_125, %dma_wait3A_126] : memref<10240x64xf32, #tpu.memory_space<vmem_shared>> -> memref<10240x64xf32, #tpu.memory_space<vmem_shared>>
    tpu.wait_indirect_dma semaphore(%arg18 : memref<!tpu.dma_semaphore, #tpu.memory_space<semaphore_mem>>) src(%dma_wait3A_121 : memref<80x64xf32, #tpu.memory_space<vmem>>) dst(%dma_wait3A_127 : memref<10240x64xf32, #tpu.memory_space<vmem_shared>>)
    %dma_wait3A_128 = arith.constant 4 : i32
    %dma_wait3A_129 = arith.constant 124 : i32
    %dma_wait3A_130 = arith.constant 0 : i32
    %dma_wait3A_131 = arith.constant 0 : i32
    %dma_wait3A_132 = tpu.memref_slice %arg7[%dma_wait3A_128, %dma_wait3A_130, %dma_wait3A_131] : memref<5x80x64xf32, #tpu.memory_space<vmem>> -> memref<1x80x64xf32, #tpu.memory_space<vmem>>
    %dma_wait3A_133 = tpu.memref_squeeze %dma_wait3A_132 : memref<1x80x64xf32, #tpu.memory_space<vmem>> -> memref<80x64xf32, #tpu.memory_space<vmem>>
    %dma_wait3A_134 = arith.constant 0 : i32
    %dma_wait3A_135 = tpu.memref_slice %arg6[%dma_wait3A_129, %dma_wait3A_134] : memref<125x80xi32, #tpu.memory_space<vmem>> -> memref<1x80xi32, #tpu.memory_space<vmem>>
    %dma_wait3A_136 = tpu.memref_squeeze %dma_wait3A_135 : memref<1x80xi32, #tpu.memory_space<vmem>> -> memref<80xi32, #tpu.memory_space<vmem>>
    %dma_wait3A_137 = arith.constant 0 : i32
    %dma_wait3A_138 = arith.constant 0 : i32
    %dma_wait3A_139 = tpu.memref_slice %arg9[%dma_wait3A_137, %dma_wait3A_138] : memref<10240x64xf32, #tpu.memory_space<vmem_shared>> -> memref<10240x64xf32, #tpu.memory_space<vmem_shared>>
    tpu.wait_indirect_dma semaphore(%arg19 : memref<!tpu.dma_semaphore, #tpu.memory_space<semaphore_mem>>) src(%dma_wait3A_133 : memref<80x64xf32, #tpu.memory_space<vmem>>) dst(%dma_wait3A_139 : memref<10240x64xf32, #tpu.memory_space<vmem_shared>>)
    %barrier3A_140 = arith.constant 0 : index
    tpu.barrier barrier_id(%barrier3A_140)
    %mul3A_141 = arith.constant 640 : i32
    %mul3A_142 = arith.muli %arg1, %mul3A_141 : i32
    %mul3A_143 = arith.constant 640 : i32
    %mul3A_144 = arith.muli %arg1, %mul3A_143 : i32
    "tpu.region"() ({
      %run_scoped3A_145 = tpu.sem_alloc : memref<!tpu.dma_semaphore, #tpu.memory_space<semaphore_mem>>
      %dma_start3A_146 = arith.constant 0 : i32
      %dma_start3A_147 = tpu.memref_slice %arg4[%arg0, %mul3A_144, %dma_start3A_146] : memref<2x10240x64xf32, #tpu.memory_space<hbm>> -> memref<1x640x64xf32, #tpu.memory_space<hbm>>
      %dma_start3A_148 = tpu.memref_squeeze %dma_start3A_147 : memref<1x640x64xf32, #tpu.memory_space<hbm>> -> memref<640x64xf32, #tpu.memory_space<hbm>>
      %dma_start3A_149 = arith.constant 0 : i32
      %dma_start3A_150 = tpu.memref_slice %arg9[%mul3A_142, %dma_start3A_149] : memref<10240x64xf32, #tpu.memory_space<vmem_shared>> -> memref<640x64xf32, #tpu.memory_space<vmem_shared>>
      tpu.enqueue_dma source(%dma_start3A_150 : memref<640x64xf32, #tpu.memory_space<vmem_shared>>) target(%dma_start3A_148 : memref<640x64xf32, #tpu.memory_space<hbm>>) target_semaphore(%run_scoped3A_145 : memref<!tpu.dma_semaphore, #tpu.memory_space<semaphore_mem>>)
      %dma_wait3A_151 = arith.constant 0 : i32
      %dma_wait3A_152 = tpu.memref_slice %arg4[%arg0, %mul3A_144, %dma_wait3A_151] : memref<2x10240x64xf32, #tpu.memory_space<hbm>> -> memref<1x640x64xf32, #tpu.memory_space<hbm>>
      %dma_wait3A_153 = tpu.memref_squeeze %dma_wait3A_152 : memref<1x640x64xf32, #tpu.memory_space<hbm>> -> memref<640x64xf32, #tpu.memory_space<hbm>>
      %dma_wait3A_154 = arith.constant 0 : i32
      %dma_wait3A_155 = tpu.memref_slice %arg9[%mul3A_142, %dma_wait3A_154] : memref<10240x64xf32, #tpu.memory_space<vmem_shared>> -> memref<640x64xf32, #tpu.memory_space<vmem_shared>>
      tpu.wait_dma2 semaphore(%run_scoped3A_145 : memref<!tpu.dma_semaphore, #tpu.memory_space<semaphore_mem>>) src(%dma_wait3A_155 : memref<640x64xf32, #tpu.memory_space<vmem_shared>>) dst(%dma_wait3A_153 : memref<640x64xf32, #tpu.memory_space<hbm>>)
      tpu.yield
    }) : () -> ()
    return
  }
}

#map = affine_map<(d0, d1) -> (0, 0)>
#map1 = affine_map<(d0, d1) -> (0, 0, 0, 0)>
#map2 = affine_map<(d0, d1) -> (0, 0, 0)>
module attributes {stable_mosaic.version = 14 : i64} {
  func.func @_sc_scatter(%arg0: i32, %arg1: i32, %arg2: memref<10000x64xf32, #tpu.memory_space<hbm>>, %arg3: memref<2x32x125x80xi32, #tpu.memory_space<hbm>>, %arg4: memref<2x10240x64xf32, #tpu.memory_space<hbm>>, %arg5: memref<125x80xi32, #tpu.memory_space<vmem>>, %arg6: memref<125x80xi32, #tpu.memory_space<vmem>>, %arg7: memref<5x80x64xf32, #tpu.memory_space<vmem>>, %arg8: memref<80x64xf32, #tpu.memory_space<vmem>>, %arg9: memref<10240x64xf32, #tpu.memory_space<vmem_shared>>, %arg10: memref<!tpu.dma_semaphore, #tpu.memory_space<semaphore_mem>>, %arg11: memref<!tpu.dma_semaphore, #tpu.memory_space<semaphore_mem>>, %arg12: memref<!tpu.dma_semaphore, #tpu.memory_space<semaphore_mem>>, %arg13: memref<!tpu.dma_semaphore, #tpu.memory_space<semaphore_mem>>, %arg14: memref<!tpu.dma_semaphore, #tpu.memory_space<semaphore_mem>>, %arg15: memref<!tpu.dma_semaphore, #tpu.memory_space<semaphore_mem>>, %arg16: memref<!tpu.dma_semaphore, #tpu.memory_space<semaphore_mem>>, %arg17: memref<!tpu.dma_semaphore, #tpu.memory_space<semaphore_mem>>, %arg18: memref<!tpu.dma_semaphore, #tpu.memory_space<semaphore_mem>>, %arg19: memref<!tpu.dma_semaphore, #tpu.memory_space<semaphore_mem>>) attributes {dimension_semantics = [#tpu.dimension_semantics<core_parallel>, #tpu.dimension_semantics<subcore_parallel>], iteration_bounds = array<i64: 2, 16>, scalar_prefetch = 0 : i64, scratch_operands = 15 : i64, tpu.core_type = #tpu.core_type<sc_vector_subcore>, window_params = [{transform_indices = #map}, {transform_indices = #map1}, {transform_indices = #map2}]} {
    %mul3A = arith.constant 16 : i32
    %mul3A_0 = arith.muli %arg0, %mul3A : i32
    %add3A = arith.addi %mul3A_0, %arg1 : i32
    %run_scoped3A = arith.constant 0 : i32
    "tpu.region"() ({
      %run_scoped3A_145 = tpu.sem_alloc : memref<!tpu.dma_semaphore, #tpu.memory_space<semaphore_mem>>
      %dma_start3A_146 = arith.constant 0 : i32
      %dma_start3A_147 = arith.constant 0 : i32
      %dma_start3A_148 = tpu.memref_slice %arg3[%run_scoped3A, %add3A, %dma_start3A_146, %dma_start3A_147] : memref<2x32x125x80xi32, #tpu.memory_space<hbm>> -> memref<1x1x125x80xi32, #tpu.memory_space<hbm>>
      %dma_start3A_149 = tpu.memref_squeeze %dma_start3A_148 : memref<1x1x125x80xi32, #tpu.memory_space<hbm>> -> memref<125x80xi32, #tpu.memory_space<hbm>>
      %dma_start3A_150 = arith.constant 0 : i32
      %dma_start3A_151 = arith.constant 0 : i32
      %dma_start3A_152 = tpu.memref_slice %arg3[%run_scoped3A, %add3A, %dma_start3A_150, %dma_start3A_151] : memref<2x32x125x80xi32, #tpu.memory_space<hbm>> -> memref<1x1x125x80xi32, #tpu.memory_space<hbm>>
      %dma_start3A_153 = tpu.memref_squeeze %dma_start3A_152 : memref<1x1x125x80xi32, #tpu.memory_space<hbm>> -> memref<125x80xi32, #tpu.memory_space<hbm>>
      tpu.enqueue_dma source(%dma_start3A_153 : memref<125x80xi32, #tpu.memory_space<hbm>>) target(%arg5 : memref<125x80xi32, #tpu.memory_space<vmem>>) target_semaphore(%run_scoped3A_145 : memref<!tpu.dma_semaphore, #tpu.memory_space<semaphore_mem>>)
      %dma_wait3A_154 = arith.constant 0 : i32
      %dma_wait3A_155 = arith.constant 0 : i32
      %dma_wait3A_156 = tpu.memref_slice %arg3[%run_scoped3A, %add3A, %dma_wait3A_154, %dma_wait3A_155] : memref<2x32x125x80xi32, #tpu.memory_space<hbm>> -> memref<1x1x125x80xi32, #tpu.memory_space<hbm>>
      %dma_wait3A_157 = tpu.memref_squeeze %dma_wait3A_156 : memref<1x1x125x80xi32, #tpu.memory_space<hbm>> -> memref<125x80xi32, #tpu.memory_space<hbm>>
      %dma_wait3A_158 = arith.constant 0 : i32
      %dma_wait3A_159 = arith.constant 0 : i32
      %dma_wait3A_160 = tpu.memref_slice %arg3[%run_scoped3A, %add3A, %dma_wait3A_158, %dma_wait3A_159] : memref<2x32x125x80xi32, #tpu.memory_space<hbm>> -> memref<1x1x125x80xi32, #tpu.memory_space<hbm>>
      %dma_wait3A_161 = tpu.memref_squeeze %dma_wait3A_160 : memref<1x1x125x80xi32, #tpu.memory_space<hbm>> -> memref<125x80xi32, #tpu.memory_space<hbm>>
      tpu.wait_dma2 semaphore(%run_scoped3A_145 : memref<!tpu.dma_semaphore, #tpu.memory_space<semaphore_mem>>) src(%dma_wait3A_161 : memref<125x80xi32, #tpu.memory_space<hbm>>) dst(%arg5 : memref<125x80xi32, #tpu.memory_space<vmem>>)
      tpu.yield
    }) : () -> ()
    %run_scoped3A_1 = arith.constant 1 : i32
    "tpu.region"() ({
      %run_scoped3A_145 = tpu.sem_alloc : memref<!tpu.dma_semaphore, #tpu.memory_space<semaphore_mem>>
      %dma_start3A_146 = arith.constant 0 : i32
      %dma_start3A_147 = arith.constant 0 : i32
      %dma_start3A_148 = tpu.memref_slice %arg3[%run_scoped3A_1, %add3A, %dma_start3A_146, %dma_start3A_147] : memref<2x32x125x80xi32, #tpu.memory_space<hbm>> -> memref<1x1x125x80xi32, #tpu.memory_space<hbm>>
      %dma_start3A_149 = tpu.memref_squeeze %dma_start3A_148 : memref<1x1x125x80xi32, #tpu.memory_space<hbm>> -> memref<125x80xi32, #tpu.memory_space<hbm>>
      %dma_start3A_150 = arith.constant 0 : i32
      %dma_start3A_151 = arith.constant 0 : i32
      %dma_start3A_152 = tpu.memref_slice %arg3[%run_scoped3A_1, %add3A, %dma_start3A_150, %dma_start3A_151] : memref<2x32x125x80xi32, #tpu.memory_space<hbm>> -> memref<1x1x125x80xi32, #tpu.memory_space<hbm>>
      %dma_start3A_153 = tpu.memref_squeeze %dma_start3A_152 : memref<1x1x125x80xi32, #tpu.memory_space<hbm>> -> memref<125x80xi32, #tpu.memory_space<hbm>>
      tpu.enqueue_dma source(%dma_start3A_153 : memref<125x80xi32, #tpu.memory_space<hbm>>) target(%arg6 : memref<125x80xi32, #tpu.memory_space<vmem>>) target_semaphore(%run_scoped3A_145 : memref<!tpu.dma_semaphore, #tpu.memory_space<semaphore_mem>>)
      %dma_wait3A_154 = arith.constant 0 : i32
      %dma_wait3A_155 = arith.constant 0 : i32
      %dma_wait3A_156 = tpu.memref_slice %arg3[%run_scoped3A_1, %add3A, %dma_wait3A_154, %dma_wait3A_155] : memref<2x32x125x80xi32, #tpu.memory_space<hbm>> -> memref<1x1x125x80xi32, #tpu.memory_space<hbm>>
      %dma_wait3A_157 = tpu.memref_squeeze %dma_wait3A_156 : memref<1x1x125x80xi32, #tpu.memory_space<hbm>> -> memref<125x80xi32, #tpu.memory_space<hbm>>
      %dma_wait3A_158 = arith.constant 0 : i32
      %dma_wait3A_159 = arith.constant 0 : i32
      %dma_wait3A_160 = tpu.memref_slice %arg3[%run_scoped3A_1, %add3A, %dma_wait3A_158, %dma_wait3A_159] : memref<2x32x125x80xi32, #tpu.memory_space<hbm>> -> memref<1x1x125x80xi32, #tpu.memory_space<hbm>>
      %dma_wait3A_161 = tpu.memref_squeeze %dma_wait3A_160 : memref<1x1x125x80xi32, #tpu.memory_space<hbm>> -> memref<125x80xi32, #tpu.memory_space<hbm>>
      tpu.wait_dma2 semaphore(%run_scoped3A_145 : memref<!tpu.dma_semaphore, #tpu.memory_space<semaphore_mem>>) src(%dma_wait3A_161 : memref<125x80xi32, #tpu.memory_space<hbm>>) dst(%arg6 : memref<125x80xi32, #tpu.memory_space<vmem>>)
      tpu.yield
    }) : () -> ()
    %dma_start3A = arith.constant 0 : i32
    %dma_start3A_2 = arith.constant 0 : i32
    %dma_start3A_3 = arith.constant 0 : i32
    %dma_start3A_4 = arith.constant 0 : i32
    %dma_start3A_5 = tpu.memref_slice %arg7[%dma_start3A_2, %dma_start3A_3, %dma_start3A_4] : memref<5x80x64xf32, #tpu.memory_space<vmem>> -> memref<1x80x64xf32, #tpu.memory_space<vmem>>
    %dma_start3A_6 = tpu.memref_squeeze %dma_start3A_5 : memref<1x80x64xf32, #tpu.memory_space<vmem>> -> memref<80x64xf32, #tpu.memory_space<vmem>>
    %dma_start3A_7 = arith.constant 0 : i32
    %dma_start3A_8 = tpu.memref_slice %arg5[%dma_start3A, %dma_start3A_7] : memref<125x80xi32, #tpu.memory_space<vmem>> -> memref<1x80xi32, #tpu.memory_space<vmem>>
    %dma_start3A_9 = tpu.memref_squeeze %dma_start3A_8 : memref<1x80xi32, #tpu.memory_space<vmem>> -> memref<80xi32, #tpu.memory_space<vmem>>
    %dma_start3A_10 = arith.constant 0 : i32
    %dma_start3A_11 = arith.constant 0 : i32
    %dma_start3A_12 = tpu.memref_slice %arg2[%dma_start3A_10, %dma_start3A_11] : memref<10000x64xf32, #tpu.memory_space<hbm>> -> memref<10000x64xf32, #tpu.memory_space<hbm>>
    tpu.enqueue_indirect_dma source(%dma_start3A_12 : memref<10000x64xf32, #tpu.memory_space<hbm>>) target(%dma_start3A_6 : memref<80x64xf32, #tpu.memory_space<vmem>>) offsets(%dma_start3A_9 : memref<80xi32, #tpu.memory_space<vmem>>) semaphore(%arg10 : memref<!tpu.dma_semaphore, #tpu.memory_space<semaphore_mem>>)
    %dma_start3A_13 = arith.constant 1 : i32
    %dma_start3A_14 = arith.constant 1 : i32
    %dma_start3A_15 = arith.constant 0 : i32
    %dma_start3A_16 = arith.constant 0 : i32
    %dma_start3A_17 = tpu.memref_slice %arg7[%dma_start3A_14, %dma_start3A_15, %dma_start3A_16] : memref<5x80x64xf32, #tpu.memory_space<vmem>> -> memref<1x80x64xf32, #tpu.memory_space<vmem>>
    %dma_start3A_18 = tpu.memref_squeeze %dma_start3A_17 : memref<1x80x64xf32, #tpu.memory_space<vmem>> -> memref<80x64xf32, #tpu.memory_space<vmem>>
    %dma_start3A_19 = arith.constant 0 : i32
    %dma_start3A_20 = tpu.memref_slice %arg5[%dma_start3A_13, %dma_start3A_19] : memref<125x80xi32, #tpu.memory_space<vmem>> -> memref<1x80xi32, #tpu.memory_space<vmem>>
    %dma_start3A_21 = tpu.memref_squeeze %dma_start3A_20 : memref<1x80xi32, #tpu.memory_space<vmem>> -> memref<80xi32, #tpu.memory_space<vmem>>
    %dma_start3A_22 = arith.constant 0 : i32
    %dma_start3A_23 = arith.constant 0 : i32
    %dma_start3A_24 = tpu.memref_slice %arg2[%dma_start3A_22, %dma_start3A_23] : memref<10000x64xf32, #tpu.memory_space<hbm>> -> memref<10000x64xf32, #tpu.memory_space<hbm>>
    tpu.enqueue_indirect_dma source(%dma_start3A_24 : memref<10000x64xf32, #tpu.memory_space<hbm>>) target(%dma_start3A_18 : memref<80x64xf32, #tpu.memory_space<vmem>>) offsets(%dma_start3A_21 : memref<80xi32, #tpu.memory_space<vmem>>) semaphore(%arg11 : memref<!tpu.dma_semaphore, #tpu.memory_space<semaphore_mem>>)
    %dma_start3A_25 = arith.constant 2 : i32
    %dma_start3A_26 = arith.constant 2 : i32
    %dma_start3A_27 = arith.constant 0 : i32
    %dma_start3A_28 = arith.constant 0 : i32
    %dma_start3A_29 = tpu.memref_slice %arg7[%dma_start3A_26, %dma_start3A_27, %dma_start3A_28] : memref<5x80x64xf32, #tpu.memory_space<vmem>> -> memref<1x80x64xf32, #tpu.memory_space<vmem>>
    %dma_start3A_30 = tpu.memref_squeeze %dma_start3A_29 : memref<1x80x64xf32, #tpu.memory_space<vmem>> -> memref<80x64xf32, #tpu.memory_space<vmem>>
    %dma_start3A_31 = arith.constant 0 : i32
    %dma_start3A_32 = tpu.memref_slice %arg5[%dma_start3A_25, %dma_start3A_31] : memref<125x80xi32, #tpu.memory_space<vmem>> -> memref<1x80xi32, #tpu.memory_space<vmem>>
    %dma_start3A_33 = tpu.memref_squeeze %dma_start3A_32 : memref<1x80xi32, #tpu.memory_space<vmem>> -> memref<80xi32, #tpu.memory_space<vmem>>
    %dma_start3A_34 = arith.constant 0 : i32
    %dma_start3A_35 = arith.constant 0 : i32
    %dma_start3A_36 = tpu.memref_slice %arg2[%dma_start3A_34, %dma_start3A_35] : memref<10000x64xf32, #tpu.memory_space<hbm>> -> memref<10000x64xf32, #tpu.memory_space<hbm>>
    tpu.enqueue_indirect_dma source(%dma_start3A_36 : memref<10000x64xf32, #tpu.memory_space<hbm>>) target(%dma_start3A_30 : memref<80x64xf32, #tpu.memory_space<vmem>>) offsets(%dma_start3A_33 : memref<80xi32, #tpu.memory_space<vmem>>) semaphore(%arg12 : memref<!tpu.dma_semaphore, #tpu.memory_space<semaphore_mem>>)
    %broadcast_in_dim3A = arith.constant 0.000000e+00 : f32
    %broadcast_in_dim3A_37 = vector.broadcast %broadcast_in_dim3A : f32 to vector<16xf32>
    %scan3A = arith.constant 0 : i32
    %scan3A_38 = arith.constant 0 : i32
    %scan3A_39 = arith.constant 80 : i32
    %scan3A_40 = arith.addi %scan3A_38, %scan3A_39 : i32
    %scan3A_41 = arith.constant 1 : i32
    scf.for %scan3A_145 = %scan3A_38 to %scan3A_40 step %scan3A_41  : i32 {
      %swap3A = arith.index_cast %scan3A_145 : i32 to index
      %swap3A_146 = arith.constant 0 : index
      %swap3A_147 = tpu.vector_load %arg8[%swap3A, %swap3A_146] {strides = array<i32>} : memref<80x64xf32, #tpu.memory_space<vmem>>, vector<1x16xf32>,
      %swap3A_148 = vector.shape_cast %swap3A_147 : vector<1x16xf32> to vector<16xf32>
      %swap3A_149 = vector.shape_cast %broadcast_in_dim3A_37 : vector<16xf32> to vector<1x16xf32>
      tpu.vector_store %arg8[%swap3A, %swap3A_146], %swap3A_149 {strides = array<i32>} : memref<80x64xf32, #tpu.memory_space<vmem>>, vector<1x16xf32>,
      %swap3A_150 = arith.index_cast %scan3A_145 : i32 to index
      %swap3A_151 = arith.constant 16 : index
      %swap3A_152 = tpu.vector_load %arg8[%swap3A_150, %swap3A_151] {strides = array<i32>} : memref<80x64xf32, #tpu.memory_space<vmem>>, vector<1x16xf32>,
      %swap3A_153 = vector.shape_cast %swap3A_152 : vector<1x16xf32> to vector<16xf32>
      %swap3A_154 = vector.shape_cast %broadcast_in_dim3A_37 : vector<16xf32> to vector<1x16xf32>
      tpu.vector_store %arg8[%swap3A_150, %swap3A_151], %swap3A_154 {strides = array<i32>} : memref<80x64xf32, #tpu.memory_space<vmem>>, vector<1x16xf32>,
      %swap3A_155 = arith.index_cast %scan3A_145 : i32 to index
      %swap3A_156 = arith.constant 32 : index
      %swap3A_157 = tpu.vector_load %arg8[%swap3A_155, %swap3A_156] {strides = array<i32>} : memref<80x64xf32, #tpu.memory_space<vmem>>, vector<1x16xf32>,
      %swap3A_158 = vector.shape_cast %swap3A_157 : vector<1x16xf32> to vector<16xf32>
      %swap3A_159 = vector.shape_cast %broadcast_in_dim3A_37 : vector<16xf32> to vector<1x16xf32>
      tpu.vector_store %arg8[%swap3A_155, %swap3A_156], %swap3A_159 {strides = array<i32>} : memref<80x64xf32, #tpu.memory_space<vmem>>, vector<1x16xf32>,
      %swap3A_160 = arith.index_cast %scan3A_145 : i32 to index
      %swap3A_161 = arith.constant 48 : index
      %swap3A_162 = tpu.vector_load %arg8[%swap3A_160, %swap3A_161] {strides = array<i32>} : memref<80x64xf32, #tpu.memory_space<vmem>>, vector<1x16xf32>,
      %swap3A_163 = vector.shape_cast %swap3A_162 : vector<1x16xf32> to vector<16xf32>
      %swap3A_164 = vector.shape_cast %broadcast_in_dim3A_37 : vector<16xf32> to vector<1x16xf32>
      tpu.vector_store %arg8[%swap3A_160, %swap3A_161], %swap3A_164 {strides = array<i32>} : memref<80x64xf32, #tpu.memory_space<vmem>>, vector<1x16xf32>,
    }
    %scan3A_42 = arith.constant 80 : i32
    %mul3A_43 = arith.constant 640 : i32
    %mul3A_44 = arith.muli %arg1, %mul3A_43 : i32
    %add3A_45 = arith.constant 0 : i32
    %add3A_46 = arith.addi %mul3A_44, %add3A_45 : i32
    "tpu.region"() ({
      %run_scoped3A_145 = tpu.sem_alloc : memref<!tpu.dma_semaphore, #tpu.memory_space<semaphore_mem>>
      %dma_start3A_146 = arith.constant 0 : i32
      %dma_start3A_147 = tpu.memref_slice %arg9[%add3A_46, %dma_start3A_146] : memref<10240x64xf32, #tpu.memory_space<vmem_shared>> -> memref<80x64xf32, #tpu.memory_space<vmem_shared>>
      %dma_start3A_148 = arith.constant 0 : i32
      %dma_start3A_149 = tpu.memref_slice %arg9[%add3A_46, %dma_start3A_148] : memref<10240x64xf32, #tpu.memory_space<vmem_shared>> -> memref<80x64xf32, #tpu.memory_space<vmem_shared>>
      tpu.enqueue_dma source(%arg8 : memref<80x64xf32, #tpu.memory_space<vmem>>) target(%dma_start3A_149 : memref<80x64xf32, #tpu.memory_space<vmem_shared>>) target_semaphore(%run_scoped3A_145 : memref<!tpu.dma_semaphore, #tpu.memory_space<semaphore_mem>>)
      %dma_wait3A_150 = arith.constant 0 : i32
      %dma_wait3A_151 = tpu.memref_slice %arg9[%add3A_46, %dma_wait3A_150] : memref<10240x64xf32, #tpu.memory_space<vmem_shared>> -> memref<80x64xf32, #tpu.memory_space<vmem_shared>>
      %dma_wait3A_152 = arith.constant 0 : i32
      %dma_wait3A_153 = tpu.memref_slice %arg9[%add3A_46, %dma_wait3A_152] : memref<10240x64xf32, #tpu.memory_space<vmem_shared>> -> memref<80x64xf32, #tpu.memory_space<vmem_shared>>
      tpu.wait_dma2 semaphore(%run_scoped3A_145 : memref<!tpu.dma_semaphore, #tpu.memory_space<semaphore_mem>>) src(%arg8 : memref<80x64xf32, #tpu.memory_space<vmem>>) dst(%dma_wait3A_153 : memref<80x64xf32, #tpu.memory_space<vmem_shared>>)
      tpu.yield
    }) : () -> ()
    %mul3A_47 = arith.constant 640 : i32
    %mul3A_48 = arith.muli %arg1, %mul3A_47 : i32
    %add3A_49 = arith.constant 80 : i32
    %add3A_50 = arith.addi %mul3A_48, %add3A_49 : i32
    "tpu.region"() ({
      %run_scoped3A_145 = tpu.sem_alloc : memref<!tpu.dma_semaphore, #tpu.memory_space<semaphore_mem>>
      %dma_start3A_146 = arith.constant 0 : i32
      %dma_start3A_147 = tpu.memref_slice %arg9[%add3A_50, %dma_start3A_146] : memref<10240x64xf32, #tpu.memory_space<vmem_shared>> -> memref<80x64xf32, #tpu.memory_space<vmem_shared>>
      %dma_start3A_148 = arith.constant 0 : i32
      %dma_start3A_149 = tpu.memref_slice %arg9[%add3A_50, %dma_start3A_148] : memref<10240x64xf32, #tpu.memory_space<vmem_shared>> -> memref<80x64xf32, #tpu.memory_space<vmem_shared>>
      tpu.enqueue_dma source(%arg8 : memref<80x64xf32, #tpu.memory_space<vmem>>) target(%dma_start3A_149 : memref<80x64xf32, #tpu.memory_space<vmem_shared>>) target_semaphore(%run_scoped3A_145 : memref<!tpu.dma_semaphore, #tpu.memory_space<semaphore_mem>>)
      %dma_wait3A_150 = arith.constant 0 : i32
      %dma_wait3A_151 = tpu.memref_slice %arg9[%add3A_50, %dma_wait3A_150] : memref<10240x64xf32, #tpu.memory_space<vmem_shared>> -> memref<80x64xf32, #tpu.memory_space<vmem_shared>>
      %dma_wait3A_152 = arith.constant 0 : i32
      %dma_wait3A_153 = tpu.memref_slice %arg9[%add3A_50, %dma_wait3A_152] : memref<10240x64xf32, #tpu.memory_space<vmem_shared>> -> memref<80x64xf32, #tpu.memory_space<vmem_shared>>
      tpu.wait_dma2 semaphore(%run_scoped3A_145 : memref<!tpu.dma_semaphore, #tpu.memory_space<semaphore_mem>>) src(%arg8 : memref<80x64xf32, #tpu.memory_space<vmem>>) dst(%dma_wait3A_153 : memref<80x64xf32, #tpu.memory_space<vmem_shared>>)
      tpu.yield
    }) : () -> ()
    %mul3A_51 = arith.constant 640 : i32
    %mul3A_52 = arith.muli %arg1, %mul3A_51 : i32
    %add3A_53 = arith.constant 160 : i32
    %add3A_54 = arith.addi %mul3A_52, %add3A_53 : i32
    "tpu.region"() ({
      %run_scoped3A_145 = tpu.sem_alloc : memref<!tpu.dma_semaphore, #tpu.memory_space<semaphore_mem>>
      %dma_start3A_146 = arith.constant 0 : i32
      %dma_start3A_147 = tpu.memref_slice %arg9[%add3A_54, %dma_start3A_146] : memref<10240x64xf32, #tpu.memory_space<vmem_shared>> -> memref<80x64xf32, #tpu.memory_space<vmem_shared>>
      %dma_start3A_148 = arith.constant 0 : i32
      %dma_start3A_149 = tpu.memref_slice %arg9[%add3A_54, %dma_start3A_148] : memref<10240x64xf32, #tpu.memory_space<vmem_shared>> -> memref<80x64xf32, #tpu.memory_space<vmem_shared>>
      tpu.enqueue_dma source(%arg8 : memref<80x64xf32, #tpu.memory_space<vmem>>) target(%dma_start3A_149 : memref<80x64xf32, #tpu.memory_space<vmem_shared>>) target_semaphore(%run_scoped3A_145 : memref<!tpu.dma_semaphore, #tpu.memory_space<semaphore_mem>>)
      %dma_wait3A_150 = arith.constant 0 : i32
      %dma_wait3A_151 = tpu.memref_slice %arg9[%add3A_54, %dma_wait3A_150] : memref<10240x64xf32, #tpu.memory_space<vmem_shared>> -> memref<80x64xf32, #tpu.memory_space<vmem_shared>>
      %dma_wait3A_152 = arith.constant 0 : i32
      %dma_wait3A_153 = tpu.memref_slice %arg9[%add3A_54, %dma_wait3A_152] : memref<10240x64xf32, #tpu.memory_space<vmem_shared>> -> memref<80x64xf32, #tpu.memory_space<vmem_shared>>
      tpu.wait_dma2 semaphore(%run_scoped3A_145 : memref<!tpu.dma_semaphore, #tpu.memory_space<semaphore_mem>>) src(%arg8 : memref<80x64xf32, #tpu.memory_space<vmem>>) dst(%dma_wait3A_153 : memref<80x64xf32, #tpu.memory_space<vmem_shared>>)
      tpu.yield
    }) : () -> ()
    %mul3A_55 = arith.constant 640 : i32
    %mul3A_56 = arith.muli %arg1, %mul3A_55 : i32
    %add3A_57 = arith.constant 240 : i32
    %add3A_58 = arith.addi %mul3A_56, %add3A_57 : i32
    "tpu.region"() ({
      %run_scoped3A_145 = tpu.sem_alloc : memref<!tpu.dma_semaphore, #tpu.memory_space<semaphore_mem>>
      %dma_start3A_146 = arith.constant 0 : i32
      %dma_start3A_147 = tpu.memref_slice %arg9[%add3A_58, %dma_start3A_146] : memref<10240x64xf32, #tpu.memory_space<vmem_shared>> -> memref<80x64xf32, #tpu.memory_space<vmem_shared>>
      %dma_start3A_148 = arith.constant 0 : i32
      %dma_start3A_149 = tpu.memref_slice %arg9[%add3A_58, %dma_start3A_148] : memref<10240x64xf32, #tpu.memory_space<vmem_shared>> -> memref<80x64xf32, #tpu.memory_space<vmem_shared>>
      tpu.enqueue_dma source(%arg8 : memref<80x64xf32, #tpu.memory_space<vmem>>) target(%dma_start3A_149 : memref<80x64xf32, #tpu.memory_space<vmem_shared>>) target_semaphore(%run_scoped3A_145 : memref<!tpu.dma_semaphore, #tpu.memory_space<semaphore_mem>>)
      %dma_wait3A_150 = arith.constant 0 : i32
      %dma_wait3A_151 = tpu.memref_slice %arg9[%add3A_58, %dma_wait3A_150] : memref<10240x64xf32, #tpu.memory_space<vmem_shared>> -> memref<80x64xf32, #tpu.memory_space<vmem_shared>>
      %dma_wait3A_152 = arith.constant 0 : i32
      %dma_wait3A_153 = tpu.memref_slice %arg9[%add3A_58, %dma_wait3A_152] : memref<10240x64xf32, #tpu.memory_space<vmem_shared>> -> memref<80x64xf32, #tpu.memory_space<vmem_shared>>
      tpu.wait_dma2 semaphore(%run_scoped3A_145 : memref<!tpu.dma_semaphore, #tpu.memory_space<semaphore_mem>>) src(%arg8 : memref<80x64xf32, #tpu.memory_space<vmem>>) dst(%dma_wait3A_153 : memref<80x64xf32, #tpu.memory_space<vmem_shared>>)
      tpu.yield
    }) : () -> ()
    %mul3A_59 = arith.constant 640 : i32
    %mul3A_60 = arith.muli %arg1, %mul3A_59 : i32
    %add3A_61 = arith.constant 320 : i32
    %add3A_62 = arith.addi %mul3A_60, %add3A_61 : i32
    "tpu.region"() ({
      %run_scoped3A_145 = tpu.sem_alloc : memref<!tpu.dma_semaphore, #tpu.memory_space<semaphore_mem>>
      %dma_start3A_146 = arith.constant 0 : i32
      %dma_start3A_147 = tpu.memref_slice %arg9[%add3A_62, %dma_start3A_146] : memref<10240x64xf32, #tpu.memory_space<vmem_shared>> -> memref<80x64xf32, #tpu.memory_space<vmem_shared>>
      %dma_start3A_148 = arith.constant 0 : i32
      %dma_start3A_149 = tpu.memref_slice %arg9[%add3A_62, %dma_start3A_148] : memref<10240x64xf32, #tpu.memory_space<vmem_shared>> -> memref<80x64xf32, #tpu.memory_space<vmem_shared>>
      tpu.enqueue_dma source(%arg8 : memref<80x64xf32, #tpu.memory_space<vmem>>) target(%dma_start3A_149 : memref<80x64xf32, #tpu.memory_space<vmem_shared>>) target_semaphore(%run_scoped3A_145 : memref<!tpu.dma_semaphore, #tpu.memory_space<semaphore_mem>>)
      %dma_wait3A_150 = arith.constant 0 : i32
      %dma_wait3A_151 = tpu.memref_slice %arg9[%add3A_62, %dma_wait3A_150] : memref<10240x64xf32, #tpu.memory_space<vmem_shared>> -> memref<80x64xf32, #tpu.memory_space<vmem_shared>>
      %dma_wait3A_152 = arith.constant 0 : i32
      %dma_wait3A_153 = tpu.memref_slice %arg9[%add3A_62, %dma_wait3A_152] : memref<10240x64xf32, #tpu.memory_space<vmem_shared>> -> memref<80x64xf32, #tpu.memory_space<vmem_shared>>
      tpu.wait_dma2 semaphore(%run_scoped3A_145 : memref<!tpu.dma_semaphore, #tpu.memory_space<semaphore_mem>>) src(%arg8 : memref<80x64xf32, #tpu.memory_space<vmem>>) dst(%dma_wait3A_153 : memref<80x64xf32, #tpu.memory_space<vmem_shared>>)
      tpu.yield
    }) : () -> ()
    %mul3A_63 = arith.constant 640 : i32
    %mul3A_64 = arith.muli %arg1, %mul3A_63 : i32
    %add3A_65 = arith.constant 400 : i32
    %add3A_66 = arith.addi %mul3A_64, %add3A_65 : i32
    "tpu.region"() ({
      %run_scoped3A_145 = tpu.sem_alloc : memref<!tpu.dma_semaphore, #tpu.memory_space<semaphore_mem>>
      %dma_start3A_146 = arith.constant 0 : i32
      %dma_start3A_147 = tpu.memref_slice %arg9[%add3A_66, %dma_start3A_146] : memref<10240x64xf32, #tpu.memory_space<vmem_shared>> -> memref<80x64xf32, #tpu.memory_space<vmem_shared>>
      %dma_start3A_148 = arith.constant 0 : i32
      %dma_start3A_149 = tpu.memref_slice %arg9[%add3A_66, %dma_start3A_148] : memref<10240x64xf32, #tpu.memory_space<vmem_shared>> -> memref<80x64xf32, #tpu.memory_space<vmem_shared>>
      tpu.enqueue_dma source(%arg8 : memref<80x64xf32, #tpu.memory_space<vmem>>) target(%dma_start3A_149 : memref<80x64xf32, #tpu.memory_space<vmem_shared>>) target_semaphore(%run_scoped3A_145 : memref<!tpu.dma_semaphore, #tpu.memory_space<semaphore_mem>>)
      %dma_wait3A_150 = arith.constant 0 : i32
      %dma_wait3A_151 = tpu.memref_slice %arg9[%add3A_66, %dma_wait3A_150] : memref<10240x64xf32, #tpu.memory_space<vmem_shared>> -> memref<80x64xf32, #tpu.memory_space<vmem_shared>>
      %dma_wait3A_152 = arith.constant 0 : i32
      %dma_wait3A_153 = tpu.memref_slice %arg9[%add3A_66, %dma_wait3A_152] : memref<10240x64xf32, #tpu.memory_space<vmem_shared>> -> memref<80x64xf32, #tpu.memory_space<vmem_shared>>
      tpu.wait_dma2 semaphore(%run_scoped3A_145 : memref<!tpu.dma_semaphore, #tpu.memory_space<semaphore_mem>>) src(%arg8 : memref<80x64xf32, #tpu.memory_space<vmem>>) dst(%dma_wait3A_153 : memref<80x64xf32, #tpu.memory_space<vmem_shared>>)
      tpu.yield
    }) : () -> ()
    %mul3A_67 = arith.constant 640 : i32
    %mul3A_68 = arith.muli %arg1, %mul3A_67 : i32
    %add3A_69 = arith.constant 480 : i32
    %add3A_70 = arith.addi %mul3A_68, %add3A_69 : i32
    "tpu.region"() ({
      %run_scoped3A_145 = tpu.sem_alloc : memref<!tpu.dma_semaphore, #tpu.memory_space<semaphore_mem>>
      %dma_start3A_146 = arith.constant 0 : i32
      %dma_start3A_147 = tpu.memref_slice %arg9[%add3A_70, %dma_start3A_146] : memref<10240x64xf32, #tpu.memory_space<vmem_shared>> -> memref<80x64xf32, #tpu.memory_space<vmem_shared>>
      %dma_start3A_148 = arith.constant 0 : i32
      %dma_start3A_149 = tpu.memref_slice %arg9[%add3A_70, %dma_start3A_148] : memref<10240x64xf32, #tpu.memory_space<vmem_shared>> -> memref<80x64xf32, #tpu.memory_space<vmem_shared>>
      tpu.enqueue_dma source(%arg8 : memref<80x64xf32, #tpu.memory_space<vmem>>) target(%dma_start3A_149 : memref<80x64xf32, #tpu.memory_space<vmem_shared>>) target_semaphore(%run_scoped3A_145 : memref<!tpu.dma_semaphore, #tpu.memory_space<semaphore_mem>>)
      %dma_wait3A_150 = arith.constant 0 : i32
      %dma_wait3A_151 = tpu.memref_slice %arg9[%add3A_70, %dma_wait3A_150] : memref<10240x64xf32, #tpu.memory_space<vmem_shared>> -> memref<80x64xf32, #tpu.memory_space<vmem_shared>>
      %dma_wait3A_152 = arith.constant 0 : i32
      %dma_wait3A_153 = tpu.memref_slice %arg9[%add3A_70, %dma_wait3A_152] : memref<10240x64xf32, #tpu.memory_space<vmem_shared>> -> memref<80x64xf32, #tpu.memory_space<vmem_shared>>
      tpu.wait_dma2 semaphore(%run_scoped3A_145 : memref<!tpu.dma_semaphore, #tpu.memory_space<semaphore_mem>>) src(%arg8 : memref<80x64xf32, #tpu.memory_space<vmem>>) dst(%dma_wait3A_153 : memref<80x64xf32, #tpu.memory_space<vmem_shared>>)
      tpu.yield
    }) : () -> ()
    %mul3A_71 = arith.constant 640 : i32
    %mul3A_72 = arith.muli %arg1, %mul3A_71 : i32
    %add3A_73 = arith.constant 560 : i32
    %add3A_74 = arith.addi %mul3A_72, %add3A_73 : i32
    "tpu.region"() ({
      %run_scoped3A_145 = tpu.sem_alloc : memref<!tpu.dma_semaphore, #tpu.memory_space<semaphore_mem>>
      %dma_start3A_146 = arith.constant 0 : i32
      %dma_start3A_147 = tpu.memref_slice %arg9[%add3A_74, %dma_start3A_146] : memref<10240x64xf32, #tpu.memory_space<vmem_shared>> -> memref<80x64xf32, #tpu.memory_space<vmem_shared>>
      %dma_start3A_148 = arith.constant 0 : i32
      %dma_start3A_149 = tpu.memref_slice %arg9[%add3A_74, %dma_start3A_148] : memref<10240x64xf32, #tpu.memory_space<vmem_shared>> -> memref<80x64xf32, #tpu.memory_space<vmem_shared>>
      tpu.enqueue_dma source(%arg8 : memref<80x64xf32, #tpu.memory_space<vmem>>) target(%dma_start3A_149 : memref<80x64xf32, #tpu.memory_space<vmem_shared>>) target_semaphore(%run_scoped3A_145 : memref<!tpu.dma_semaphore, #tpu.memory_space<semaphore_mem>>)
      %dma_wait3A_150 = arith.constant 0 : i32
      %dma_wait3A_151 = tpu.memref_slice %arg9[%add3A_74, %dma_wait3A_150] : memref<10240x64xf32, #tpu.memory_space<vmem_shared>> -> memref<80x64xf32, #tpu.memory_space<vmem_shared>>
      %dma_wait3A_152 = arith.constant 0 : i32
      %dma_wait3A_153 = tpu.memref_slice %arg9[%add3A_74, %dma_wait3A_152] : memref<10240x64xf32, #tpu.memory_space<vmem_shared>> -> memref<80x64xf32, #tpu.memory_space<vmem_shared>>
      tpu.wait_dma2 semaphore(%run_scoped3A_145 : memref<!tpu.dma_semaphore, #tpu.memory_space<semaphore_mem>>) src(%arg8 : memref<80x64xf32, #tpu.memory_space<vmem>>) dst(%dma_wait3A_153 : memref<80x64xf32, #tpu.memory_space<vmem_shared>>)
      tpu.yield
    }) : () -> ()
    %barrier3A = arith.constant 0 : index
    tpu.barrier barrier_id(%barrier3A)
    %scan3A_75 = arith.constant 0 : i32
    %scan3A_76 = arith.constant 0 : i32
    %scan3A_77 = arith.constant 25 : i32
    %scan3A_78 = arith.addi %scan3A_76, %scan3A_77 : i32
    %scan3A_79 = arith.constant 1 : i32
    scf.for %scan3A_145 = %scan3A_76 to %scan3A_78 step %scan3A_79  : i32 {
      %mul3A_146 = arith.constant 5 : i32
      %mul3A_147 = arith.muli %mul3A_146, %scan3A_145 : i32
      %add3A_148 = arith.constant 0 : i32
      %add3A_149 = arith.addi %mul3A_147, %add3A_148 : i32
      %dma_wait3A_150 = arith.constant 0 : i32
      %dma_wait3A_151 = arith.constant 0 : i32
      %dma_wait3A_152 = arith.constant 0 : i32
      %dma_wait3A_153 = tpu.memref_slice %arg7[%dma_wait3A_150, %dma_wait3A_151, %dma_wait3A_152] : memref<5x80x64xf32, #tpu.memory_space<vmem>> -> memref<1x80x64xf32, #tpu.memory_space<vmem>>
      %dma_wait3A_154 = tpu.memref_squeeze %dma_wait3A_153 : memref<1x80x64xf32, #tpu.memory_space<vmem>> -> memref<80x64xf32, #tpu.memory_space<vmem>>
      %dma_wait3A_155 = arith.constant 0 : i32
      %dma_wait3A_156 = tpu.memref_slice %arg5[%add3A_149, %dma_wait3A_155] : memref<125x80xi32, #tpu.memory_space<vmem>> -> memref<1x80xi32, #tpu.memory_space<vmem>>
      %dma_wait3A_157 = tpu.memref_squeeze %dma_wait3A_156 : memref<1x80xi32, #tpu.memory_space<vmem>> -> memref<80xi32, #tpu.memory_space<vmem>>
      %dma_wait3A_158 = arith.constant 0 : i32
      %dma_wait3A_159 = arith.constant 0 : i32
      %dma_wait3A_160 = tpu.memref_slice %arg2[%dma_wait3A_158, %dma_wait3A_159] : memref<10000x64xf32, #tpu.memory_space<hbm>> -> memref<10000x64xf32, #tpu.memory_space<hbm>>
      tpu.wait_indirect_dma semaphore(%arg10 : memref<!tpu.dma_semaphore, #tpu.memory_space<semaphore_mem>>) src(%dma_wait3A_160 : memref<10000x64xf32, #tpu.memory_space<hbm>>) dst(%dma_wait3A_154 : memref<80x64xf32, #tpu.memory_space<vmem>>)
      %dma_start3A_161 = arith.constant 0 : i32
      %dma_start3A_162 = arith.constant 0 : i32
      %dma_start3A_163 = arith.constant 0 : i32
      %dma_start3A_164 = tpu.memref_slice %arg7[%dma_start3A_161, %dma_start3A_162, %dma_start3A_163] : memref<5x80x64xf32, #tpu.memory_space<vmem>> -> memref<1x80x64xf32, #tpu.memory_space<vmem>>
      %dma_start3A_165 = tpu.memref_squeeze %dma_start3A_164 : memref<1x80x64xf32, #tpu.memory_space<vmem>> -> memref<80x64xf32, #tpu.memory_space<vmem>>
      %dma_start3A_166 = arith.constant 0 : i32
      %dma_start3A_167 = tpu.memref_slice %arg6[%add3A_149, %dma_start3A_166] : memref<125x80xi32, #tpu.memory_space<vmem>> -> memref<1x80xi32, #tpu.memory_space<vmem>>
      %dma_start3A_168 = tpu.memref_squeeze %dma_start3A_167 : memref<1x80xi32, #tpu.memory_space<vmem>> -> memref<80xi32, #tpu.memory_space<vmem>>
      %dma_start3A_169 = arith.constant 0 : i32
      %dma_start3A_170 = arith.constant 0 : i32
      %dma_start3A_171 = tpu.memref_slice %arg9[%dma_start3A_169, %dma_start3A_170] : memref<10240x64xf32, #tpu.memory_space<vmem_shared>> -> memref<10240x64xf32, #tpu.memory_space<vmem_shared>>
      tpu.enqueue_indirect_dma source(%dma_start3A_165 : memref<80x64xf32, #tpu.memory_space<vmem>>) target(%dma_start3A_171 : memref<10240x64xf32, #tpu.memory_space<vmem_shared>>) offsets(%dma_start3A_168 : memref<80xi32, #tpu.memory_space<vmem>>) semaphore(%arg15 : memref<!tpu.dma_semaphore, #tpu.memory_space<semaphore_mem>>) {add = true}
      %add3A_172 = arith.constant 3 : i32
      %add3A_173 = arith.addi %add3A_149, %add3A_172 : i32
      %lt3A = arith.constant 125 : i32
      %lt3A_174 = arith.cmpi slt, %add3A_173, %lt3A : i32
      %convert_element_type3A = arith.extui %lt3A_174 : i1 to i32
      %cond3A = arith.constant 0 : i32
      %cond3A_175 = arith.cmpi ne, %convert_element_type3A, %cond3A : i32
      scf.if %cond3A_175 {
        %ge3A = arith.constant 2 : i32
        %ge3A_308 = arith.cmpi sge, %add3A_149, %ge3A : i32
        %convert_element_type3A_309 = arith.extui %ge3A_308 : i1 to i32
        %cond3A_310 = arith.constant 0 : i32
        %cond3A_311 = arith.cmpi ne, %convert_element_type3A_309, %cond3A_310 : i32
        scf.if %cond3A_311 {
          %sub3A = arith.constant 2 : i32
          %sub3A_325 = arith.subi %add3A_149, %sub3A : i32
          %dma_wait3A_326 = arith.constant 3 : i32
          %dma_wait3A_327 = arith.constant 0 : i32
          %dma_wait3A_328 = arith.constant 0 : i32
          %dma_wait3A_329 = tpu.memref_slice %arg7[%dma_wait3A_326, %dma_wait3A_327, %dma_wait3A_328] : memref<5x80x64xf32, #tpu.memory_space<vmem>> -> memref<1x80x64xf32, #tpu.memory_space<vmem>>
          %dma_wait3A_330 = tpu.memref_squeeze %dma_wait3A_329 : memref<1x80x64xf32, #tpu.memory_space<vmem>> -> memref<80x64xf32, #tpu.memory_space<vmem>>
          %dma_wait3A_331 = arith.constant 0 : i32
          %dma_wait3A_332 = tpu.memref_slice %arg6[%sub3A_325, %dma_wait3A_331] : memref<125x80xi32, #tpu.memory_space<vmem>> -> memref<1x80xi32, #tpu.memory_space<vmem>>
          %dma_wait3A_333 = tpu.memref_squeeze %dma_wait3A_332 : memref<1x80xi32, #tpu.memory_space<vmem>> -> memref<80xi32, #tpu.memory_space<vmem>>
          %dma_wait3A_334 = arith.constant 0 : i32
          %dma_wait3A_335 = arith.constant 0 : i32
          %dma_wait3A_336 = tpu.memref_slice %arg9[%dma_wait3A_334, %dma_wait3A_335] : memref<10240x64xf32, #tpu.memory_space<vmem_shared>> -> memref<10240x64xf32, #tpu.memory_space<vmem_shared>>
          tpu.wait_indirect_dma semaphore(%arg18 : memref<!tpu.dma_semaphore, #tpu.memory_space<semaphore_mem>>) src(%dma_wait3A_330 : memref<80x64xf32, #tpu.memory_space<vmem>>) dst(%dma_wait3A_336 : memref<10240x64xf32, #tpu.memory_space<vmem_shared>>)
        } else {
        }
        %add3A_312 = arith.constant 3 : i32
        %add3A_313 = arith.addi %add3A_149, %add3A_312 : i32
        %dma_start3A_314 = arith.constant 3 : i32
        %dma_start3A_315 = arith.constant 0 : i32
        %dma_start3A_316 = arith.constant 0 : i32
        %dma_start3A_317 = tpu.memref_slice %arg7[%dma_start3A_314, %dma_start3A_315, %dma_start3A_316] : memref<5x80x64xf32, #tpu.memory_space<vmem>> -> memref<1x80x64xf32, #tpu.memory_space<vmem>>
        %dma_start3A_318 = tpu.memref_squeeze %dma_start3A_317 : memref<1x80x64xf32, #tpu.memory_space<vmem>> -> memref<80x64xf32, #tpu.memory_space<vmem>>
        %dma_start3A_319 = arith.constant 0 : i32
        %dma_start3A_320 = tpu.memref_slice %arg5[%add3A_313, %dma_start3A_319] : memref<125x80xi32, #tpu.memory_space<vmem>> -> memref<1x80xi32, #tpu.memory_space<vmem>>
        %dma_start3A_321 = tpu.memref_squeeze %dma_start3A_320 : memref<1x80xi32, #tpu.memory_space<vmem>> -> memref<80xi32, #tpu.memory_space<vmem>>
        %dma_start3A_322 = arith.constant 0 : i32
        %dma_start3A_323 = arith.constant 0 : i32
        %dma_start3A_324 = tpu.memref_slice %arg2[%dma_start3A_322, %dma_start3A_323] : memref<10000x64xf32, #tpu.memory_space<hbm>> -> memref<10000x64xf32, #tpu.memory_space<hbm>>
        tpu.enqueue_indirect_dma source(%dma_start3A_324 : memref<10000x64xf32, #tpu.memory_space<hbm>>) target(%dma_start3A_318 : memref<80x64xf32, #tpu.memory_space<vmem>>) offsets(%dma_start3A_321 : memref<80xi32, #tpu.memory_space<vmem>>) semaphore(%arg13 : memref<!tpu.dma_semaphore, #tpu.memory_space<semaphore_mem>>)
      } else {
      }
      %mul3A_176 = arith.constant 5 : i32
      %mul3A_177 = arith.muli %mul3A_176, %scan3A_145 : i32
      %add3A_178 = arith.constant 1 : i32
      %add3A_179 = arith.addi %mul3A_177, %add3A_178 : i32
      %dma_wait3A_180 = arith.constant 1 : i32
      %dma_wait3A_181 = arith.constant 0 : i32
      %dma_wait3A_182 = arith.constant 0 : i32
      %dma_wait3A_183 = tpu.memref_slice %arg7[%dma_wait3A_180, %dma_wait3A_181, %dma_wait3A_182] : memref<5x80x64xf32, #tpu.memory_space<vmem>> -> memref<1x80x64xf32, #tpu.memory_space<vmem>>
      %dma_wait3A_184 = tpu.memref_squeeze %dma_wait3A_183 : memref<1x80x64xf32, #tpu.memory_space<vmem>> -> memref<80x64xf32, #tpu.memory_space<vmem>>
      %dma_wait3A_185 = arith.constant 0 : i32
      %dma_wait3A_186 = tpu.memref_slice %arg5[%add3A_179, %dma_wait3A_185] : memref<125x80xi32, #tpu.memory_space<vmem>> -> memref<1x80xi32, #tpu.memory_space<vmem>>
      %dma_wait3A_187 = tpu.memref_squeeze %dma_wait3A_186 : memref<1x80xi32, #tpu.memory_space<vmem>> -> memref<80xi32, #tpu.memory_space<vmem>>
      %dma_wait3A_188 = arith.constant 0 : i32
      %dma_wait3A_189 = arith.constant 0 : i32
      %dma_wait3A_190 = tpu.memref_slice %arg2[%dma_wait3A_188, %dma_wait3A_189] : memref<10000x64xf32, #tpu.memory_space<hbm>> -> memref<10000x64xf32, #tpu.memory_space<hbm>>
      tpu.wait_indirect_dma semaphore(%arg11 : memref<!tpu.dma_semaphore, #tpu.memory_space<semaphore_mem>>) src(%dma_wait3A_190 : memref<10000x64xf32, #tpu.memory_space<hbm>>) dst(%dma_wait3A_184 : memref<80x64xf32, #tpu.memory_space<vmem>>)
      %dma_start3A_191 = arith.constant 1 : i32
      %dma_start3A_192 = arith.constant 0 : i32
      %dma_start3A_193 = arith.constant 0 : i32
      %dma_start3A_194 = tpu.memref_slice %arg7[%dma_start3A_191, %dma_start3A_192, %dma_start3A_193] : memref<5x80x64xf32, #tpu.memory_space<vmem>> -> memref<1x80x64xf32, #tpu.memory_space<vmem>>
      %dma_start3A_195 = tpu.memref_squeeze %dma_start3A_194 : memref<1x80x64xf32, #tpu.memory_space<vmem>> -> memref<80x64xf32, #tpu.memory_space<vmem>>
      %dma_start3A_196 = arith.constant 0 : i32
      %dma_start3A_197 = tpu.memref_slice %arg6[%add3A_179, %dma_start3A_196] : memref<125x80xi32, #tpu.memory_space<vmem>> -> memref<1x80xi32, #tpu.memory_space<vmem>>
      %dma_start3A_198 = tpu.memref_squeeze %dma_start3A_197 : memref<1x80xi32, #tpu.memory_space<vmem>> -> memref<80xi32, #tpu.memory_space<vmem>>
      %dma_start3A_199 = arith.constant 0 : i32
      %dma_start3A_200 = arith.constant 0 : i32
      %dma_start3A_201 = tpu.memref_slice %arg9[%dma_start3A_199, %dma_start3A_200] : memref<10240x64xf32, #tpu.memory_space<vmem_shared>> -> memref<10240x64xf32, #tpu.memory_space<vmem_shared>>
      tpu.enqueue_indirect_dma source(%dma_start3A_195 : memref<80x64xf32, #tpu.memory_space<vmem>>) target(%dma_start3A_201 : memref<10240x64xf32, #tpu.memory_space<vmem_shared>>) offsets(%dma_start3A_198 : memref<80xi32, #tpu.memory_space<vmem>>) semaphore(%arg16 : memref<!tpu.dma_semaphore, #tpu.memory_space<semaphore_mem>>) {add = true}
      %add3A_202 = arith.constant 3 : i32
      %add3A_203 = arith.addi %add3A_179, %add3A_202 : i32
      %lt3A_204 = arith.constant 125 : i32
      %lt3A_205 = arith.cmpi slt, %add3A_203, %lt3A_204 : i32
      %convert_element_type3A_206 = arith.extui %lt3A_205 : i1 to i32
      %cond3A_207 = arith.constant 0 : i32
      %cond3A_208 = arith.cmpi ne, %convert_element_type3A_206, %cond3A_207 : i32
      scf.if %cond3A_208 {
        %ge3A = arith.constant 2 : i32
        %ge3A_308 = arith.cmpi sge, %add3A_179, %ge3A : i32
        %convert_element_type3A_309 = arith.extui %ge3A_308 : i1 to i32
        %cond3A_310 = arith.constant 0 : i32
        %cond3A_311 = arith.cmpi ne, %convert_element_type3A_309, %cond3A_310 : i32
        scf.if %cond3A_311 {
          %sub3A = arith.constant 2 : i32
          %sub3A_325 = arith.subi %add3A_179, %sub3A : i32
          %dma_wait3A_326 = arith.constant 4 : i32
          %dma_wait3A_327 = arith.constant 0 : i32
          %dma_wait3A_328 = arith.constant 0 : i32
          %dma_wait3A_329 = tpu.memref_slice %arg7[%dma_wait3A_326, %dma_wait3A_327, %dma_wait3A_328] : memref<5x80x64xf32, #tpu.memory_space<vmem>> -> memref<1x80x64xf32, #tpu.memory_space<vmem>>
          %dma_wait3A_330 = tpu.memref_squeeze %dma_wait3A_329 : memref<1x80x64xf32, #tpu.memory_space<vmem>> -> memref<80x64xf32, #tpu.memory_space<vmem>>
          %dma_wait3A_331 = arith.constant 0 : i32
          %dma_wait3A_332 = tpu.memref_slice %arg6[%sub3A_325, %dma_wait3A_331] : memref<125x80xi32, #tpu.memory_space<vmem>> -> memref<1x80xi32, #tpu.memory_space<vmem>>
          %dma_wait3A_333 = tpu.memref_squeeze %dma_wait3A_332 : memref<1x80xi32, #tpu.memory_space<vmem>> -> memref<80xi32, #tpu.memory_space<vmem>>
          %dma_wait3A_334 = arith.constant 0 : i32
          %dma_wait3A_335 = arith.constant 0 : i32
          %dma_wait3A_336 = tpu.memref_slice %arg9[%dma_wait3A_334, %dma_wait3A_335] : memref<10240x64xf32, #tpu.memory_space<vmem_shared>> -> memref<10240x64xf32, #tpu.memory_space<vmem_shared>>
          tpu.wait_indirect_dma semaphore(%arg19 : memref<!tpu.dma_semaphore, #tpu.memory_space<semaphore_mem>>) src(%dma_wait3A_330 : memref<80x64xf32, #tpu.memory_space<vmem>>) dst(%dma_wait3A_336 : memref<10240x64xf32, #tpu.memory_space<vmem_shared>>)
        } else {
        }
        %add3A_312 = arith.constant 3 : i32
        %add3A_313 = arith.addi %add3A_179, %add3A_312 : i32
        %dma_start3A_314 = arith.constant 4 : i32
        %dma_start3A_315 = arith.constant 0 : i32
        %dma_start3A_316 = arith.constant 0 : i32
        %dma_start3A_317 = tpu.memref_slice %arg7[%dma_start3A_314, %dma_start3A_315, %dma_start3A_316] : memref<5x80x64xf32, #tpu.memory_space<vmem>> -> memref<1x80x64xf32, #tpu.memory_space<vmem>>
        %dma_start3A_318 = tpu.memref_squeeze %dma_start3A_317 : memref<1x80x64xf32, #tpu.memory_space<vmem>> -> memref<80x64xf32, #tpu.memory_space<vmem>>
        %dma_start3A_319 = arith.constant 0 : i32
        %dma_start3A_320 = tpu.memref_slice %arg5[%add3A_313, %dma_start3A_319] : memref<125x80xi32, #tpu.memory_space<vmem>> -> memref<1x80xi32, #tpu.memory_space<vmem>>
        %dma_start3A_321 = tpu.memref_squeeze %dma_start3A_320 : memref<1x80xi32, #tpu.memory_space<vmem>> -> memref<80xi32, #tpu.memory_space<vmem>>
        %dma_start3A_322 = arith.constant 0 : i32
        %dma_start3A_323 = arith.constant 0 : i32
        %dma_start3A_324 = tpu.memref_slice %arg2[%dma_start3A_322, %dma_start3A_323] : memref<10000x64xf32, #tpu.memory_space<hbm>> -> memref<10000x64xf32, #tpu.memory_space<hbm>>
        tpu.enqueue_indirect_dma source(%dma_start3A_324 : memref<10000x64xf32, #tpu.memory_space<hbm>>) target(%dma_start3A_318 : memref<80x64xf32, #tpu.memory_space<vmem>>) offsets(%dma_start3A_321 : memref<80xi32, #tpu.memory_space<vmem>>) semaphore(%arg14 : memref<!tpu.dma_semaphore, #tpu.memory_space<semaphore_mem>>)
      } else {
      }
      %mul3A_209 = arith.constant 5 : i32
      %mul3A_210 = arith.muli %mul3A_209, %scan3A_145 : i32
      %add3A_211 = arith.constant 2 : i32
      %add3A_212 = arith.addi %mul3A_210, %add3A_211 : i32
      %dma_wait3A_213 = arith.constant 2 : i32
      %dma_wait3A_214 = arith.constant 0 : i32
      %dma_wait3A_215 = arith.constant 0 : i32
      %dma_wait3A_216 = tpu.memref_slice %arg7[%dma_wait3A_213, %dma_wait3A_214, %dma_wait3A_215] : memref<5x80x64xf32, #tpu.memory_space<vmem>> -> memref<1x80x64xf32, #tpu.memory_space<vmem>>
      %dma_wait3A_217 = tpu.memref_squeeze %dma_wait3A_216 : memref<1x80x64xf32, #tpu.memory_space<vmem>> -> memref<80x64xf32, #tpu.memory_space<vmem>>
      %dma_wait3A_218 = arith.constant 0 : i32
      %dma_wait3A_219 = tpu.memref_slice %arg5[%add3A_212, %dma_wait3A_218] : memref<125x80xi32, #tpu.memory_space<vmem>> -> memref<1x80xi32, #tpu.memory_space<vmem>>
      %dma_wait3A_220 = tpu.memref_squeeze %dma_wait3A_219 : memref<1x80xi32, #tpu.memory_space<vmem>> -> memref<80xi32, #tpu.memory_space<vmem>>
      %dma_wait3A_221 = arith.constant 0 : i32
      %dma_wait3A_222 = arith.constant 0 : i32
      %dma_wait3A_223 = tpu.memref_slice %arg2[%dma_wait3A_221, %dma_wait3A_222] : memref<10000x64xf32, #tpu.memory_space<hbm>> -> memref<10000x64xf32, #tpu.memory_space<hbm>>
      tpu.wait_indirect_dma semaphore(%arg12 : memref<!tpu.dma_semaphore, #tpu.memory_space<semaphore_mem>>) src(%dma_wait3A_223 : memref<10000x64xf32, #tpu.memory_space<hbm>>) dst(%dma_wait3A_217 : memref<80x64xf32, #tpu.memory_space<vmem>>)
      %dma_start3A_224 = arith.constant 2 : i32
      %dma_start3A_225 = arith.constant 0 : i32
      %dma_start3A_226 = arith.constant 0 : i32
      %dma_start3A_227 = tpu.memref_slice %arg7[%dma_start3A_224, %dma_start3A_225, %dma_start3A_226] : memref<5x80x64xf32, #tpu.memory_space<vmem>> -> memref<1x80x64xf32, #tpu.memory_space<vmem>>
      %dma_start3A_228 = tpu.memref_squeeze %dma_start3A_227 : memref<1x80x64xf32, #tpu.memory_space<vmem>> -> memref<80x64xf32, #tpu.memory_space<vmem>>
      %dma_start3A_229 = arith.constant 0 : i32
      %dma_start3A_230 = tpu.memref_slice %arg6[%add3A_212, %dma_start3A_229] : memref<125x80xi32, #tpu.memory_space<vmem>> -> memref<1x80xi32, #tpu.memory_space<vmem>>
      %dma_start3A_231 = tpu.memref_squeeze %dma_start3A_230 : memref<1x80xi32, #tpu.memory_space<vmem>> -> memref<80xi32, #tpu.memory_space<vmem>>
      %dma_start3A_232 = arith.constant 0 : i32
      %dma_start3A_233 = arith.constant 0 : i32
      %dma_start3A_234 = tpu.memref_slice %arg9[%dma_start3A_232, %dma_start3A_233] : memref<10240x64xf32, #tpu.memory_space<vmem_shared>> -> memref<10240x64xf32, #tpu.memory_space<vmem_shared>>
      tpu.enqueue_indirect_dma source(%dma_start3A_228 : memref<80x64xf32, #tpu.memory_space<vmem>>) target(%dma_start3A_234 : memref<10240x64xf32, #tpu.memory_space<vmem_shared>>) offsets(%dma_start3A_231 : memref<80xi32, #tpu.memory_space<vmem>>) semaphore(%arg17 : memref<!tpu.dma_semaphore, #tpu.memory_space<semaphore_mem>>) {add = true}
      %add3A_235 = arith.constant 3 : i32
      %add3A_236 = arith.addi %add3A_212, %add3A_235 : i32
      %lt3A_237 = arith.constant 125 : i32
      %lt3A_238 = arith.cmpi slt, %add3A_236, %lt3A_237 : i32
      %convert_element_type3A_239 = arith.extui %lt3A_238 : i1 to i32
      %cond3A_240 = arith.constant 0 : i32
      %cond3A_241 = arith.cmpi ne, %convert_element_type3A_239, %cond3A_240 : i32
      scf.if %cond3A_241 {
        %ge3A = arith.constant 2 : i32
        %ge3A_308 = arith.cmpi sge, %add3A_212, %ge3A : i32
        %convert_element_type3A_309 = arith.extui %ge3A_308 : i1 to i32
        %cond3A_310 = arith.constant 0 : i32
        %cond3A_311 = arith.cmpi ne, %convert_element_type3A_309, %cond3A_310 : i32
        scf.if %cond3A_311 {
          %sub3A = arith.constant 2 : i32
          %sub3A_325 = arith.subi %add3A_212, %sub3A : i32
          %dma_wait3A_326 = arith.constant 0 : i32
          %dma_wait3A_327 = arith.constant 0 : i32
          %dma_wait3A_328 = arith.constant 0 : i32
          %dma_wait3A_329 = tpu.memref_slice %arg7[%dma_wait3A_326, %dma_wait3A_327, %dma_wait3A_328] : memref<5x80x64xf32, #tpu.memory_space<vmem>> -> memref<1x80x64xf32, #tpu.memory_space<vmem>>
          %dma_wait3A_330 = tpu.memref_squeeze %dma_wait3A_329 : memref<1x80x64xf32, #tpu.memory_space<vmem>> -> memref<80x64xf32, #tpu.memory_space<vmem>>
          %dma_wait3A_331 = arith.constant 0 : i32
          %dma_wait3A_332 = tpu.memref_slice %arg6[%sub3A_325, %dma_wait3A_331] : memref<125x80xi32, #tpu.memory_space<vmem>> -> memref<1x80xi32, #tpu.memory_space<vmem>>
          %dma_wait3A_333 = tpu.memref_squeeze %dma_wait3A_332 : memref<1x80xi32, #tpu.memory_space<vmem>> -> memref<80xi32, #tpu.memory_space<vmem>>
          %dma_wait3A_334 = arith.constant 0 : i32
          %dma_wait3A_335 = arith.constant 0 : i32
          %dma_wait3A_336 = tpu.memref_slice %arg9[%dma_wait3A_334, %dma_wait3A_335] : memref<10240x64xf32, #tpu.memory_space<vmem_shared>> -> memref<10240x64xf32, #tpu.memory_space<vmem_shared>>
          tpu.wait_indirect_dma semaphore(%arg15 : memref<!tpu.dma_semaphore, #tpu.memory_space<semaphore_mem>>) src(%dma_wait3A_330 : memref<80x64xf32, #tpu.memory_space<vmem>>) dst(%dma_wait3A_336 : memref<10240x64xf32, #tpu.memory_space<vmem_shared>>)
        } else {
        }
        %add3A_312 = arith.constant 3 : i32
        %add3A_313 = arith.addi %add3A_212, %add3A_312 : i32
        %dma_start3A_314 = arith.constant 0 : i32
        %dma_start3A_315 = arith.constant 0 : i32
        %dma_start3A_316 = arith.constant 0 : i32
        %dma_start3A_317 = tpu.memref_slice %arg7[%dma_start3A_314, %dma_start3A_315, %dma_start3A_316] : memref<5x80x64xf32, #tpu.memory_space<vmem>> -> memref<1x80x64xf32, #tpu.memory_space<vmem>>
        %dma_start3A_318 = tpu.memref_squeeze %dma_start3A_317 : memref<1x80x64xf32, #tpu.memory_space<vmem>> -> memref<80x64xf32, #tpu.memory_space<vmem>>
        %dma_start3A_319 = arith.constant 0 : i32
        %dma_start3A_320 = tpu.memref_slice %arg5[%add3A_313, %dma_start3A_319] : memref<125x80xi32, #tpu.memory_space<vmem>> -> memref<1x80xi32, #tpu.memory_space<vmem>>
        %dma_start3A_321 = tpu.memref_squeeze %dma_start3A_320 : memref<1x80xi32, #tpu.memory_space<vmem>> -> memref<80xi32, #tpu.memory_space<vmem>>
        %dma_start3A_322 = arith.constant 0 : i32
        %dma_start3A_323 = arith.constant 0 : i32
        %dma_start3A_324 = tpu.memref_slice %arg2[%dma_start3A_322, %dma_start3A_323] : memref<10000x64xf32, #tpu.memory_space<hbm>> -> memref<10000x64xf32, #tpu.memory_space<hbm>>
        tpu.enqueue_indirect_dma source(%dma_start3A_324 : memref<10000x64xf32, #tpu.memory_space<hbm>>) target(%dma_start3A_318 : memref<80x64xf32, #tpu.memory_space<vmem>>) offsets(%dma_start3A_321 : memref<80xi32, #tpu.memory_space<vmem>>) semaphore(%arg10 : memref<!tpu.dma_semaphore, #tpu.memory_space<semaphore_mem>>)
      } else {
      }
      %mul3A_242 = arith.constant 5 : i32
      %mul3A_243 = arith.muli %mul3A_242, %scan3A_145 : i32
      %add3A_244 = arith.constant 3 : i32
      %add3A_245 = arith.addi %mul3A_243, %add3A_244 : i32
      %dma_wait3A_246 = arith.constant 3 : i32
      %dma_wait3A_247 = arith.constant 0 : i32
      %dma_wait3A_248 = arith.constant 0 : i32
      %dma_wait3A_249 = tpu.memref_slice %arg7[%dma_wait3A_246, %dma_wait3A_247, %dma_wait3A_248] : memref<5x80x64xf32, #tpu.memory_space<vmem>> -> memref<1x80x64xf32, #tpu.memory_space<vmem>>
      %dma_wait3A_250 = tpu.memref_squeeze %dma_wait3A_249 : memref<1x80x64xf32, #tpu.memory_space<vmem>> -> memref<80x64xf32, #tpu.memory_space<vmem>>
      %dma_wait3A_251 = arith.constant 0 : i32
      %dma_wait3A_252 = tpu.memref_slice %arg5[%add3A_245, %dma_wait3A_251] : memref<125x80xi32, #tpu.memory_space<vmem>> -> memref<1x80xi32, #tpu.memory_space<vmem>>
      %dma_wait3A_253 = tpu.memref_squeeze %dma_wait3A_252 : memref<1x80xi32, #tpu.memory_space<vmem>> -> memref<80xi32, #tpu.memory_space<vmem>>
      %dma_wait3A_254 = arith.constant 0 : i32
      %dma_wait3A_255 = arith.constant 0 : i32
      %dma_wait3A_256 = tpu.memref_slice %arg2[%dma_wait3A_254, %dma_wait3A_255] : memref<10000x64xf32, #tpu.memory_space<hbm>> -> memref<10000x64xf32, #tpu.memory_space<hbm>>
      tpu.wait_indirect_dma semaphore(%arg13 : memref<!tpu.dma_semaphore, #tpu.memory_space<semaphore_mem>>) src(%dma_wait3A_256 : memref<10000x64xf32, #tpu.memory_space<hbm>>) dst(%dma_wait3A_250 : memref<80x64xf32, #tpu.memory_space<vmem>>)
      %dma_start3A_257 = arith.constant 3 : i32
      %dma_start3A_258 = arith.constant 0 : i32
      %dma_start3A_259 = arith.constant 0 : i32
      %dma_start3A_260 = tpu.memref_slice %arg7[%dma_start3A_257, %dma_start3A_258, %dma_start3A_259] : memref<5x80x64xf32, #tpu.memory_space<vmem>> -> memref<1x80x64xf32, #tpu.memory_space<vmem>>
      %dma_start3A_261 = tpu.memref_squeeze %dma_start3A_260 : memref<1x80x64xf32, #tpu.memory_space<vmem>> -> memref<80x64xf32, #tpu.memory_space<vmem>>
      %dma_start3A_262 = arith.constant 0 : i32
      %dma_start3A_263 = tpu.memref_slice %arg6[%add3A_245, %dma_start3A_262] : memref<125x80xi32, #tpu.memory_space<vmem>> -> memref<1x80xi32, #tpu.memory_space<vmem>>
      %dma_start3A_264 = tpu.memref_squeeze %dma_start3A_263 : memref<1x80xi32, #tpu.memory_space<vmem>> -> memref<80xi32, #tpu.memory_space<vmem>>
      %dma_start3A_265 = arith.constant 0 : i32
      %dma_start3A_266 = arith.constant 0 : i32
      %dma_start3A_267 = tpu.memref_slice %arg9[%dma_start3A_265, %dma_start3A_266] : memref<10240x64xf32, #tpu.memory_space<vmem_shared>> -> memref<10240x64xf32, #tpu.memory_space<vmem_shared>>
      tpu.enqueue_indirect_dma source(%dma_start3A_261 : memref<80x64xf32, #tpu.memory_space<vmem>>) target(%dma_start3A_267 : memref<10240x64xf32, #tpu.memory_space<vmem_shared>>) offsets(%dma_start3A_264 : memref<80xi32, #tpu.memory_space<vmem>>) semaphore(%arg18 : memref<!tpu.dma_semaphore, #tpu.memory_space<semaphore_mem>>) {add = true}
      %add3A_268 = arith.constant 3 : i32
      %add3A_269 = arith.addi %add3A_245, %add3A_268 : i32
      %lt3A_270 = arith.constant 125 : i32
      %lt3A_271 = arith.cmpi slt, %add3A_269, %lt3A_270 : i32
      %convert_element_type3A_272 = arith.extui %lt3A_271 : i1 to i32
      %cond3A_273 = arith.constant 0 : i32
      %cond3A_274 = arith.cmpi ne, %convert_element_type3A_272, %cond3A_273 : i32
      scf.if %cond3A_274 {
        %ge3A = arith.constant 2 : i32
        %ge3A_308 = arith.cmpi sge, %add3A_245, %ge3A : i32
        %convert_element_type3A_309 = arith.extui %ge3A_308 : i1 to i32
        %cond3A_310 = arith.constant 0 : i32
        %cond3A_311 = arith.cmpi ne, %convert_element_type3A_309, %cond3A_310 : i32
        scf.if %cond3A_311 {
          %sub3A = arith.constant 2 : i32
          %sub3A_325 = arith.subi %add3A_245, %sub3A : i32
          %dma_wait3A_326 = arith.constant 1 : i32
          %dma_wait3A_327 = arith.constant 0 : i32
          %dma_wait3A_328 = arith.constant 0 : i32
          %dma_wait3A_329 = tpu.memref_slice %arg7[%dma_wait3A_326, %dma_wait3A_327, %dma_wait3A_328] : memref<5x80x64xf32, #tpu.memory_space<vmem>> -> memref<1x80x64xf32, #tpu.memory_space<vmem>>
          %dma_wait3A_330 = tpu.memref_squeeze %dma_wait3A_329 : memref<1x80x64xf32, #tpu.memory_space<vmem>> -> memref<80x64xf32, #tpu.memory_space<vmem>>
          %dma_wait3A_331 = arith.constant 0 : i32
          %dma_wait3A_332 = tpu.memref_slice %arg6[%sub3A_325, %dma_wait3A_331] : memref<125x80xi32, #tpu.memory_space<vmem>> -> memref<1x80xi32, #tpu.memory_space<vmem>>
          %dma_wait3A_333 = tpu.memref_squeeze %dma_wait3A_332 : memref<1x80xi32, #tpu.memory_space<vmem>> -> memref<80xi32, #tpu.memory_space<vmem>>
          %dma_wait3A_334 = arith.constant 0 : i32
          %dma_wait3A_335 = arith.constant 0 : i32
          %dma_wait3A_336 = tpu.memref_slice %arg9[%dma_wait3A_334, %dma_wait3A_335] : memref<10240x64xf32, #tpu.memory_space<vmem_shared>> -> memref<10240x64xf32, #tpu.memory_space<vmem_shared>>
          tpu.wait_indirect_dma semaphore(%arg16 : memref<!tpu.dma_semaphore, #tpu.memory_space<semaphore_mem>>) src(%dma_wait3A_330 : memref<80x64xf32, #tpu.memory_space<vmem>>) dst(%dma_wait3A_336 : memref<10240x64xf32, #tpu.memory_space<vmem_shared>>)
        } else {
        }
        %add3A_312 = arith.constant 3 : i32
        %add3A_313 = arith.addi %add3A_245, %add3A_312 : i32
        %dma_start3A_314 = arith.constant 1 : i32
        %dma_start3A_315 = arith.constant 0 : i32
        %dma_start3A_316 = arith.constant 0 : i32
        %dma_start3A_317 = tpu.memref_slice %arg7[%dma_start3A_314, %dma_start3A_315, %dma_start3A_316] : memref<5x80x64xf32, #tpu.memory_space<vmem>> -> memref<1x80x64xf32, #tpu.memory_space<vmem>>
        %dma_start3A_318 = tpu.memref_squeeze %dma_start3A_317 : memref<1x80x64xf32, #tpu.memory_space<vmem>> -> memref<80x64xf32, #tpu.memory_space<vmem>>
        %dma_start3A_319 = arith.constant 0 : i32
        %dma_start3A_320 = tpu.memref_slice %arg5[%add3A_313, %dma_start3A_319] : memref<125x80xi32, #tpu.memory_space<vmem>> -> memref<1x80xi32, #tpu.memory_space<vmem>>
        %dma_start3A_321 = tpu.memref_squeeze %dma_start3A_320 : memref<1x80xi32, #tpu.memory_space<vmem>> -> memref<80xi32, #tpu.memory_space<vmem>>
        %dma_start3A_322 = arith.constant 0 : i32
        %dma_start3A_323 = arith.constant 0 : i32
        %dma_start3A_324 = tpu.memref_slice %arg2[%dma_start3A_322, %dma_start3A_323] : memref<10000x64xf32, #tpu.memory_space<hbm>> -> memref<10000x64xf32, #tpu.memory_space<hbm>>
        tpu.enqueue_indirect_dma source(%dma_start3A_324 : memref<10000x64xf32, #tpu.memory_space<hbm>>) target(%dma_start3A_318 : memref<80x64xf32, #tpu.memory_space<vmem>>) offsets(%dma_start3A_321 : memref<80xi32, #tpu.memory_space<vmem>>) semaphore(%arg11 : memref<!tpu.dma_semaphore, #tpu.memory_space<semaphore_mem>>)
      } else {
      }
      %mul3A_275 = arith.constant 5 : i32
      %mul3A_276 = arith.muli %mul3A_275, %scan3A_145 : i32
      %add3A_277 = arith.constant 4 : i32
      %add3A_278 = arith.addi %mul3A_276, %add3A_277 : i32
      %dma_wait3A_279 = arith.constant 4 : i32
      %dma_wait3A_280 = arith.constant 0 : i32
      %dma_wait3A_281 = arith.constant 0 : i32
      %dma_wait3A_282 = tpu.memref_slice %arg7[%dma_wait3A_279, %dma_wait3A_280, %dma_wait3A_281] : memref<5x80x64xf32, #tpu.memory_space<vmem>> -> memref<1x80x64xf32, #tpu.memory_space<vmem>>
      %dma_wait3A_283 = tpu.memref_squeeze %dma_wait3A_282 : memref<1x80x64xf32, #tpu.memory_space<vmem>> -> memref<80x64xf32, #tpu.memory_space<vmem>>
      %dma_wait3A_284 = arith.constant 0 : i32
      %dma_wait3A_285 = tpu.memref_slice %arg5[%add3A_278, %dma_wait3A_284] : memref<125x80xi32, #tpu.memory_space<vmem>> -> memref<1x80xi32, #tpu.memory_space<vmem>>
      %dma_wait3A_286 = tpu.memref_squeeze %dma_wait3A_285 : memref<1x80xi32, #tpu.memory_space<vmem>> -> memref<80xi32, #tpu.memory_space<vmem>>
      %dma_wait3A_287 = arith.constant 0 : i32
      %dma_wait3A_288 = arith.constant 0 : i32
      %dma_wait3A_289 = tpu.memref_slice %arg2[%dma_wait3A_287, %dma_wait3A_288] : memref<10000x64xf32, #tpu.memory_space<hbm>> -> memref<10000x64xf32, #tpu.memory_space<hbm>>
      tpu.wait_indirect_dma semaphore(%arg14 : memref<!tpu.dma_semaphore, #tpu.memory_space<semaphore_mem>>) src(%dma_wait3A_289 : memref<10000x64xf32, #tpu.memory_space<hbm>>) dst(%dma_wait3A_283 : memref<80x64xf32, #tpu.memory_space<vmem>>)
      %dma_start3A_290 = arith.constant 4 : i32
      %dma_start3A_291 = arith.constant 0 : i32
      %dma_start3A_292 = arith.constant 0 : i32
      %dma_start3A_293 = tpu.memref_slice %arg7[%dma_start3A_290, %dma_start3A_291, %dma_start3A_292] : memref<5x80x64xf32, #tpu.memory_space<vmem>> -> memref<1x80x64xf32, #tpu.memory_space<vmem>>
      %dma_start3A_294 = tpu.memref_squeeze %dma_start3A_293 : memref<1x80x64xf32, #tpu.memory_space<vmem>> -> memref<80x64xf32, #tpu.memory_space<vmem>>
      %dma_start3A_295 = arith.constant 0 : i32
      %dma_start3A_296 = tpu.memref_slice %arg6[%add3A_278, %dma_start3A_295] : memref<125x80xi32, #tpu.memory_space<vmem>> -> memref<1x80xi32, #tpu.memory_space<vmem>>
      %dma_start3A_297 = tpu.memref_squeeze %dma_start3A_296 : memref<1x80xi32, #tpu.memory_space<vmem>> -> memref<80xi32, #tpu.memory_space<vmem>>
      %dma_start3A_298 = arith.constant 0 : i32
      %dma_start3A_299 = arith.constant 0 : i32
      %dma_start3A_300 = tpu.memref_slice %arg9[%dma_start3A_298, %dma_start3A_299] : memref<10240x64xf32, #tpu.memory_space<vmem_shared>> -> memref<10240x64xf32, #tpu.memory_space<vmem_shared>>
      tpu.enqueue_indirect_dma source(%dma_start3A_294 : memref<80x64xf32, #tpu.memory_space<vmem>>) target(%dma_start3A_300 : memref<10240x64xf32, #tpu.memory_space<vmem_shared>>) offsets(%dma_start3A_297 : memref<80xi32, #tpu.memory_space<vmem>>) semaphore(%arg19 : memref<!tpu.dma_semaphore, #tpu.memory_space<semaphore_mem>>) {add = true}
      %add3A_301 = arith.constant 3 : i32
      %add3A_302 = arith.addi %add3A_278, %add3A_301 : i32
      %lt3A_303 = arith.constant 125 : i32
      %lt3A_304 = arith.cmpi slt, %add3A_302, %lt3A_303 : i32
      %convert_element_type3A_305 = arith.extui %lt3A_304 : i1 to i32
      %cond3A_306 = arith.constant 0 : i32
      %cond3A_307 = arith.cmpi ne, %convert_element_type3A_305, %cond3A_306 : i32
      scf.if %cond3A_307 {
        %ge3A = arith.constant 2 : i32
        %ge3A_308 = arith.cmpi sge, %add3A_278, %ge3A : i32
        %convert_element_type3A_309 = arith.extui %ge3A_308 : i1 to i32
        %cond3A_310 = arith.constant 0 : i32
        %cond3A_311 = arith.cmpi ne, %convert_element_type3A_309, %cond3A_310 : i32
        scf.if %cond3A_311 {
          %sub3A = arith.constant 2 : i32
          %sub3A_325 = arith.subi %add3A_278, %sub3A : i32
          %dma_wait3A_326 = arith.constant 2 : i32
          %dma_wait3A_327 = arith.constant 0 : i32
          %dma_wait3A_328 = arith.constant 0 : i32
          %dma_wait3A_329 = tpu.memref_slice %arg7[%dma_wait3A_326, %dma_wait3A_327, %dma_wait3A_328] : memref<5x80x64xf32, #tpu.memory_space<vmem>> -> memref<1x80x64xf32, #tpu.memory_space<vmem>>
          %dma_wait3A_330 = tpu.memref_squeeze %dma_wait3A_329 : memref<1x80x64xf32, #tpu.memory_space<vmem>> -> memref<80x64xf32, #tpu.memory_space<vmem>>
          %dma_wait3A_331 = arith.constant 0 : i32
          %dma_wait3A_332 = tpu.memref_slice %arg6[%sub3A_325, %dma_wait3A_331] : memref<125x80xi32, #tpu.memory_space<vmem>> -> memref<1x80xi32, #tpu.memory_space<vmem>>
          %dma_wait3A_333 = tpu.memref_squeeze %dma_wait3A_332 : memref<1x80xi32, #tpu.memory_space<vmem>> -> memref<80xi32, #tpu.memory_space<vmem>>
          %dma_wait3A_334 = arith.constant 0 : i32
          %dma_wait3A_335 = arith.constant 0 : i32
          %dma_wait3A_336 = tpu.memref_slice %arg9[%dma_wait3A_334, %dma_wait3A_335] : memref<10240x64xf32, #tpu.memory_space<vmem_shared>> -> memref<10240x64xf32, #tpu.memory_space<vmem_shared>>
          tpu.wait_indirect_dma semaphore(%arg17 : memref<!tpu.dma_semaphore, #tpu.memory_space<semaphore_mem>>) src(%dma_wait3A_330 : memref<80x64xf32, #tpu.memory_space<vmem>>) dst(%dma_wait3A_336 : memref<10240x64xf32, #tpu.memory_space<vmem_shared>>)
        } else {
        }
        %add3A_312 = arith.constant 3 : i32
        %add3A_313 = arith.addi %add3A_278, %add3A_312 : i32
        %dma_start3A_314 = arith.constant 2 : i32
        %dma_start3A_315 = arith.constant 0 : i32
        %dma_start3A_316 = arith.constant 0 : i32
        %dma_start3A_317 = tpu.memref_slice %arg7[%dma_start3A_314, %dma_start3A_315, %dma_start3A_316] : memref<5x80x64xf32, #tpu.memory_space<vmem>> -> memref<1x80x64xf32, #tpu.memory_space<vmem>>
        %dma_start3A_318 = tpu.memref_squeeze %dma_start3A_317 : memref<1x80x64xf32, #tpu.memory_space<vmem>> -> memref<80x64xf32, #tpu.memory_space<vmem>>
        %dma_start3A_319 = arith.constant 0 : i32
        %dma_start3A_320 = tpu.memref_slice %arg5[%add3A_313, %dma_start3A_319] : memref<125x80xi32, #tpu.memory_space<vmem>> -> memref<1x80xi32, #tpu.memory_space<vmem>>
        %dma_start3A_321 = tpu.memref_squeeze %dma_start3A_320 : memref<1x80xi32, #tpu.memory_space<vmem>> -> memref<80xi32, #tpu.memory_space<vmem>>
        %dma_start3A_322 = arith.constant 0 : i32
        %dma_start3A_323 = arith.constant 0 : i32
        %dma_start3A_324 = tpu.memref_slice %arg2[%dma_start3A_322, %dma_start3A_323] : memref<10000x64xf32, #tpu.memory_space<hbm>> -> memref<10000x64xf32, #tpu.memory_space<hbm>>
        tpu.enqueue_indirect_dma source(%dma_start3A_324 : memref<10000x64xf32, #tpu.memory_space<hbm>>) target(%dma_start3A_318 : memref<80x64xf32, #tpu.memory_space<vmem>>) offsets(%dma_start3A_321 : memref<80xi32, #tpu.memory_space<vmem>>) semaphore(%arg12 : memref<!tpu.dma_semaphore, #tpu.memory_space<semaphore_mem>>)
      } else {
      }
    }
    %scan3A_80 = arith.constant 25 : i32
    %dma_wait3A = arith.constant 0 : i32
    %dma_wait3A_81 = arith.constant 120 : i32
    %dma_wait3A_82 = arith.constant 0 : i32
    %dma_wait3A_83 = arith.constant 0 : i32
    %dma_wait3A_84 = tpu.memref_slice %arg7[%dma_wait3A, %dma_wait3A_82, %dma_wait3A_83] : memref<5x80x64xf32, #tpu.memory_space<vmem>> -> memref<1x80x64xf32, #tpu.memory_space<vmem>>
    %dma_wait3A_85 = tpu.memref_squeeze %dma_wait3A_84 : memref<1x80x64xf32, #tpu.memory_space<vmem>> -> memref<80x64xf32, #tpu.memory_space<vmem>>
    %dma_wait3A_86 = arith.constant 0 : i32
    %dma_wait3A_87 = tpu.memref_slice %arg6[%dma_wait3A_81, %dma_wait3A_86] : memref<125x80xi32, #tpu.memory_space<vmem>> -> memref<1x80xi32, #tpu.memory_space<vmem>>
    %dma_wait3A_88 = tpu.memref_squeeze %dma_wait3A_87 : memref<1x80xi32, #tpu.memory_space<vmem>> -> memref<80xi32, #tpu.memory_space<vmem>>
    %dma_wait3A_89 = arith.constant 0 : i32
    %dma_wait3A_90 = arith.constant 0 : i32
    %dma_wait3A_91 = tpu.memref_slice %arg9[%dma_wait3A_89, %dma_wait3A_90] : memref<10240x64xf32, #tpu.memory_space<vmem_shared>> -> memref<10240x64xf32, #tpu.memory_space<vmem_shared>>
    tpu.wait_indirect_dma semaphore(%arg15 : memref<!tpu.dma_semaphore, #tpu.memory_space<semaphore_mem>>) src(%dma_wait3A_85 : memref<80x64xf32, #tpu.memory_space<vmem>>) dst(%dma_wait3A_91 : memref<10240x64xf32, #tpu.memory_space<vmem_shared>>)
    %dma_wait3A_92 = arith.constant 1 : i32
    %dma_wait3A_93 = arith.constant 121 : i32
    %dma_wait3A_94 = arith.constant 0 : i32
    %dma_wait3A_95 = arith.constant 0 : i32
    %dma_wait3A_96 = tpu.memref_slice %arg7[%dma_wait3A_92, %dma_wait3A_94, %dma_wait3A_95] : memref<5x80x64xf32, #tpu.memory_space<vmem>> -> memref<1x80x64xf32, #tpu.memory_space<vmem>>
    %dma_wait3A_97 = tpu.memref_squeeze %dma_wait3A_96 : memref<1x80x64xf32, #tpu.memory_space<vmem>> -> memref<80x64xf32, #tpu.memory_space<vmem>>
    %dma_wait3A_98 = arith.constant 0 : i32
    %dma_wait3A_99 = tpu.memref_slice %arg6[%dma_wait3A_93, %dma_wait3A_98] : memref<125x80xi32, #tpu.memory_space<vmem>> -> memref<1x80xi32, #tpu.memory_space<vmem>>
    %dma_wait3A_100 = tpu.memref_squeeze %dma_wait3A_99 : memref<1x80xi32, #tpu.memory_space<vmem>> -> memref<80xi32, #tpu.memory_space<vmem>>
    %dma_wait3A_101 = arith.constant 0 : i32
    %dma_wait3A_102 = arith.constant 0 : i32
    %dma_wait3A_103 = tpu.memref_slice %arg9[%dma_wait3A_101, %dma_wait3A_102] : memref<10240x64xf32, #tpu.memory_space<vmem_shared>> -> memref<10240x64xf32, #tpu.memory_space<vmem_shared>>
    tpu.wait_indirect_dma semaphore(%arg16 : memref<!tpu.dma_semaphore, #tpu.memory_space<semaphore_mem>>) src(%dma_wait3A_97 : memref<80x64xf32, #tpu.memory_space<vmem>>) dst(%dma_wait3A_103 : memref<10240x64xf32, #tpu.memory_space<vmem_shared>>)
    %dma_wait3A_104 = arith.constant 2 : i32
    %dma_wait3A_105 = arith.constant 122 : i32
    %dma_wait3A_106 = arith.constant 0 : i32
    %dma_wait3A_107 = arith.constant 0 : i32
    %dma_wait3A_108 = tpu.memref_slice %arg7[%dma_wait3A_104, %dma_wait3A_106, %dma_wait3A_107] : memref<5x80x64xf32, #tpu.memory_space<vmem>> -> memref<1x80x64xf32, #tpu.memory_space<vmem>>
    %dma_wait3A_109 = tpu.memref_squeeze %dma_wait3A_108 : memref<1x80x64xf32, #tpu.memory_space<vmem>> -> memref<80x64xf32, #tpu.memory_space<vmem>>
    %dma_wait3A_110 = arith.constant 0 : i32
    %dma_wait3A_111 = tpu.memref_slice %arg6[%dma_wait3A_105, %dma_wait3A_110] : memref<125x80xi32, #tpu.memory_space<vmem>> -> memref<1x80xi32, #tpu.memory_space<vmem>>
    %dma_wait3A_112 = tpu.memref_squeeze %dma_wait3A_111 : memref<1x80xi32, #tpu.memory_space<vmem>> -> memref<80xi32, #tpu.memory_space<vmem>>
    %dma_wait3A_113 = arith.constant 0 : i32
    %dma_wait3A_114 = arith.constant 0 : i32
    %dma_wait3A_115 = tpu.memref_slice %arg9[%dma_wait3A_113, %dma_wait3A_114] : memref<10240x64xf32, #tpu.memory_space<vmem_shared>> -> memref<10240x64xf32, #tpu.memory_space<vmem_shared>>
    tpu.wait_indirect_dma semaphore(%arg17 : memref<!tpu.dma_semaphore, #tpu.memory_space<semaphore_mem>>) src(%dma_wait3A_109 : memref<80x64xf32, #tpu.memory_space<vmem>>) dst(%dma_wait3A_115 : memref<10240x64xf32, #tpu.memory_space<vmem_shared>>)
    %dma_wait3A_116 = arith.constant 3 : i32
    %dma_wait3A_117 = arith.constant 123 : i32
    %dma_wait3A_118 = arith.constant 0 : i32
    %dma_wait3A_119 = arith.constant 0 : i32
    %dma_wait3A_120 = tpu.memref_slice %arg7[%dma_wait3A_116, %dma_wait3A_118, %dma_wait3A_119] : memref<5x80x64xf32, #tpu.memory_space<vmem>> -> memref<1x80x64xf32, #tpu.memory_space<vmem>>
    %dma_wait3A_121 = tpu.memref_squeeze %dma_wait3A_120 : memref<1x80x64xf32, #tpu.memory_space<vmem>> -> memref<80x64xf32, #tpu.memory_space<vmem>>
    %dma_wait3A_122 = arith.constant 0 : i32
    %dma_wait3A_123 = tpu.memref_slice %arg6[%dma_wait3A_117, %dma_wait3A_122] : memref<125x80xi32, #tpu.memory_space<vmem>> -> memref<1x80xi32, #tpu.memory_space<vmem>>
    %dma_wait3A_124 = tpu.memref_squeeze %dma_wait3A_123 : memref<1x80xi32, #tpu.memory_space<vmem>> -> memref<80xi32, #tpu.memory_space<vmem>>
    %dma_wait3A_125 = arith.constant 0 : i32
    %dma_wait3A_126 = arith.constant 0 : i32
    %dma_wait3A_127 = tpu.memref_slice %arg9[%dma_wait3A_125, %dma_wait3A_126] : memref<10240x64xf32, #tpu.memory_space<vmem_shared>> -> memref<10240x64xf32, #tpu.memory_space<vmem_shared>>
    tpu.wait_indirect_dma semaphore(%arg18 : memref<!tpu.dma_semaphore, #tpu.memory_space<semaphore_mem>>) src(%dma_wait3A_121 : memref<80x64xf32, #tpu.memory_space<vmem>>) dst(%dma_wait3A_127 : memref<10240x64xf32, #tpu.memory_space<vmem_shared>>)
    %dma_wait3A_128 = arith.constant 4 : i32
    %dma_wait3A_129 = arith.constant 124 : i32
    %dma_wait3A_130 = arith.constant 0 : i32
    %dma_wait3A_131 = arith.constant 0 : i32
    %dma_wait3A_132 = tpu.memref_slice %arg7[%dma_wait3A_128, %dma_wait3A_130, %dma_wait3A_131] : memref<5x80x64xf32, #tpu.memory_space<vmem>> -> memref<1x80x64xf32, #tpu.memory_space<vmem>>
    %dma_wait3A_133 = tpu.memref_squeeze %dma_wait3A_132 : memref<1x80x64xf32, #tpu.memory_space<vmem>> -> memref<80x64xf32, #tpu.memory_space<vmem>>
    %dma_wait3A_134 = arith.constant 0 : i32
    %dma_wait3A_135 = tpu.memref_slice %arg6[%dma_wait3A_129, %dma_wait3A_134] : memref<125x80xi32, #tpu.memory_space<vmem>> -> memref<1x80xi32, #tpu.memory_space<vmem>>
    %dma_wait3A_136 = tpu.memref_squeeze %dma_wait3A_135 : memref<1x80xi32, #tpu.memory_space<vmem>> -> memref<80xi32, #tpu.memory_space<vmem>>
    %dma_wait3A_137 = arith.constant 0 : i32
    %dma_wait3A_138 = arith.constant 0 : i32
    %dma_wait3A_139 = tpu.memref_slice %arg9[%dma_wait3A_137, %dma_wait3A_138] : memref<10240x64xf32, #tpu.memory_space<vmem_shared>> -> memref<10240x64xf32, #tpu.memory_space<vmem_shared>>
    tpu.wait_indirect_dma semaphore(%arg19 : memref<!tpu.dma_semaphore, #tpu.memory_space<semaphore_mem>>) src(%dma_wait3A_133 : memref<80x64xf32, #tpu.memory_space<vmem>>) dst(%dma_wait3A_139 : memref<10240x64xf32, #tpu.memory_space<vmem_shared>>)
    %barrier3A_140 = arith.constant 0 : index
    tpu.barrier barrier_id(%barrier3A_140)
    %mul3A_141 = arith.constant 640 : i32
    %mul3A_142 = arith.muli %arg1, %mul3A_141 : i32
    %mul3A_143 = arith.constant 640 : i32
    %mul3A_144 = arith.muli %arg1, %mul3A_143 : i32
    "tpu.region"() ({
      %run_scoped3A_145 = tpu.sem_alloc : memref<!tpu.dma_semaphore, #tpu.memory_space<semaphore_mem>>
      %dma_start3A_146 = arith.constant 0 : i32
      %dma_start3A_147 = tpu.memref_slice %arg4[%arg0, %mul3A_144, %dma_start3A_146] : memref<2x10240x64xf32, #tpu.memory_space<hbm>> -> memref<1x640x64xf32, #tpu.memory_space<hbm>>
      %dma_start3A_148 = tpu.memref_squeeze %dma_start3A_147 : memref<1x640x64xf32, #tpu.memory_space<hbm>> -> memref<640x64xf32, #tpu.memory_space<hbm>>
      %dma_start3A_149 = arith.constant 0 : i32
      %dma_start3A_150 = tpu.memref_slice %arg9[%mul3A_142, %dma_start3A_149] : memref<10240x64xf32, #tpu.memory_space<vmem_shared>> -> memref<640x64xf32, #tpu.memory_space<vmem_shared>>
      tpu.enqueue_dma source(%dma_start3A_150 : memref<640x64xf32, #tpu.memory_space<vmem_shared>>) target(%dma_start3A_148 : memref<640x64xf32, #tpu.memory_space<hbm>>) target_semaphore(%run_scoped3A_145 : memref<!tpu.dma_semaphore, #tpu.memory_space<semaphore_mem>>)
      %dma_wait3A_151 = arith.constant 0 : i32
      %dma_wait3A_152 = tpu.memref_slice %arg4[%arg0, %mul3A_144, %dma_wait3A_151] : memref<2x10240x64xf32, #tpu.memory_space<hbm>> -> memref<1x640x64xf32, #tpu.memory_space<hbm>>
      %dma_wait3A_153 = tpu.memref_squeeze %dma_wait3A_152 : memref<1x640x64xf32, #tpu.memory_space<hbm>> -> memref<640x64xf32, #tpu.memory_space<hbm>>
      %dma_wait3A_154 = arith.constant 0 : i32
      %dma_wait3A_155 = tpu.memref_slice %arg9[%mul3A_142, %dma_wait3A_154] : memref<10240x64xf32, #tpu.memory_space<vmem_shared>> -> memref<640x64xf32, #tpu.memory_space<vmem_shared>>
      tpu.wait_dma2 semaphore(%run_scoped3A_145 : memref<!tpu.dma_semaphore, #tpu.memory_space<semaphore_mem>>) src(%dma_wait3A_155 : memref<640x64xf32, #tpu.memory_space<vmem_shared>>) dst(%dma_wait3A_153 : memref<640x64xf32, #tpu.memory_space<hbm>>)
      tpu.yield
    }) : () -> ()
    return
  }
}

module attributes {stable_mosaic.version = 14 : i64} {
  func.func @_tc1_body(%arg0: i32, %arg1: memref<1024x256xf32, #tpu.memory_space<vmem>>, %arg2: memref<256x128xf32, #tpu.memory_space<vmem>>, %arg3: memref<2x1024x128xf32, #tpu.memory_space<vmem>>, %arg4: memref<1024x128xf32, #tpu.memory_space<vmem>>, %arg5: memref<1024x128xf32, #tpu.memory_space<vmem>>) attributes {dimension_semantics = [#tpu.dimension_semantics<arbitrary>], iteration_bounds = array<i64: 5>, scalar_prefetch = 0 : i64, scratch_operands = 0 : i64, tpu.core_type = #tpu.core_type<tc>, window_params = [{transform_indices = @transform_0, window_bounds = array<i64: 1024, 256>}, {pipeline_mode = #tpu.pipeline_mode<synchronous>, transform_indices = @transform_1, window_bounds = array<i64: 256, 128>}, {transform_indices = @transform_2, window_bounds = array<i64: 2, 1024, 128>}, {transform_indices = @transform_3, window_bounds = array<i64: 1024, 128>}, {transform_indices = @transform_4, window_bounds = array<i64: 1024, 128>}]} {
    %get3A = arith.constant 0 : index
    %get3A_0 = arith.constant 0 : index
    %get3A_1 = arith.constant 0 : index
    %get3A_2 = vector.load %arg3[%get3A, %get3A_0, %get3A_1] : memref<2x1024x128xf32, #tpu.memory_space<vmem>>, vector<2x1024x128xf32>
    %slice3A = vector.extract_strided_slice %get3A_2 {offsets = [0, 0, 0], sizes = [1, 1024, 128], strides = [1, 1, 1]} : vector<2x1024x128xf32> to vector<1x1024x128xf32>
    %squeeze3A = vector.shape_cast %slice3A : vector<1x1024x128xf32> to vector<1024x128xf32>
    %slice3A_3 = vector.extract_strided_slice %get3A_2 {offsets = [1, 0, 0], sizes = [1, 1024, 128], strides = [1, 1, 1]} : vector<2x1024x128xf32> to vector<1x1024x128xf32>
    %squeeze3A_4 = vector.shape_cast %slice3A_3 : vector<1x1024x128xf32> to vector<1024x128xf32>
    %add3A = arith.addf %squeeze3A, %squeeze3A_4 : vector<1024x128xf32>
    %add3A_5 = arith.constant 1.000000e+00 : f32
    %add3A_6 = vector.broadcast %add3A_5 : f32 to vector<1024x128xf32>
    %add3A_7 = arith.addf %add3A, %add3A_6 : vector<1024x128xf32>
    %max3A = arith.constant 1.000000e+00 : f32
    %max3A_8 = vector.broadcast %max3A : f32 to vector<1024x128xf32>
    %max3A_9 = arith.maximumf %add3A_7, %max3A_8 : vector<1024x128xf32>
    %rsqrt3A = math.rsqrt %max3A_9 : vector<1024x128xf32>
    %get3A_10 = arith.constant 0 : index
    %get3A_11 = arith.constant 0 : index
    %get3A_12 = vector.load %arg1[%get3A_10, %get3A_11] : memref<1024x256xf32, #tpu.memory_space<vmem>>, vector<1024x256xf32>
    %get3A_13 = arith.constant 0 : index
    %get3A_14 = arith.constant 0 : index
    %get3A_15 = vector.load %arg2[%get3A_13, %get3A_14] : memref<256x128xf32, #tpu.memory_space<vmem>>, vector<256x128xf32>
    %dot_general3A = arith.constant dense<0.000000e+00> : vector<1024x128xf32>
    %dot_general3A_16 = tpu.matmul %get3A_12, %get3A_15, %dot_general3A {dimension_numbers = #tpu.dot_dimension_numbers<[1], [0], [0], [1], [0, 0, 1, 1], [], []>, transpose_lhs_hint = false} : vector<1024x256xf32>, vector<256x128xf32>, vector<1024x128xf32> -> vector<1024x128xf32>
    %mul3A = arith.mulf %dot_general3A_16, %rsqrt3A : vector<1024x128xf32>
    %swap3A = arith.constant 0 : index
    %swap3A_17 = arith.constant 0 : index
    %swap3A_18 = vector.load %arg4[%swap3A, %swap3A_17] : memref<1024x128xf32, #tpu.memory_space<vmem>>, vector<1024x128xf32>
    tpu.vector_store %arg4[%swap3A, %swap3A_17], %mul3A {strides = array<i32>} : memref<1024x128xf32, #tpu.memory_space<vmem>>, vector<1024x128xf32>,
    %swap3A_19 = arith.constant 0 : index
    %swap3A_20 = arith.constant 0 : index
    %swap3A_21 = vector.load %arg5[%swap3A_19, %swap3A_20] : memref<1024x128xf32, #tpu.memory_space<vmem>>, vector<1024x128xf32>
    tpu.vector_store %arg5[%swap3A_19, %swap3A_20], %rsqrt3A {strides = array<i32>} : memref<1024x128xf32, #tpu.memory_space<vmem>>, vector<1024x128xf32>,
    return
  }
  func.func @transform_0(%arg0: i32) -> (i32, i32) {
    %c0_i32 = arith.constant 0 : i32
    %c0_i32_0 = arith.constant 0 : i32
    return %arg0, %c0_i32 : i32, i32
  }
  func.func @transform_1(%arg0: i32) -> (i32, i32) {
    %c0_i32 = arith.constant 0 : i32
    %c0_i32_0 = arith.constant 0 : i32
    %c0_i32_1 = arith.constant 0 : i32
    return %c0_i32, %c0_i32_0 : i32, i32
  }
  func.func @transform_2(%arg0: i32) -> (i32, i32, i32) {
    %c0_i32 = arith.constant 0 : i32
    %c0_i32_0 = arith.constant 0 : i32
    %c0_i32_1 = arith.constant 0 : i32
    return %c0_i32, %arg0, %c0_i32_0 : i32, i32, i32
  }
  func.func @transform_3(%arg0: i32) -> (i32, i32) {
    %c0_i32 = arith.constant 0 : i32
    %c0_i32_0 = arith.constant 0 : i32
    return %arg0, %c0_i32 : i32, i32
  }
  func.func @transform_4(%arg0: i32) -> (i32, i32) {
    %c0_i32 = arith.constant 0 : i32
    %c0_i32_0 = arith.constant 0 : i32
    return %arg0, %c0_i32 : i32, i32
  }
}

module attributes {stable_mosaic.version = 14 : i64} {
  func.func @_tc2_body(%arg0: i32, %arg1: memref<2x1024x128xf32, #tpu.memory_space<vmem>>, %arg2: memref<1024x128xf32, #tpu.memory_space<vmem>>, %arg3: memref<1024x128xf32, #tpu.memory_space<vmem>>, %arg4: memref<128x128xf32, #tpu.memory_space<vmem>>, %arg5: memref<1x128xf32, #tpu.memory_space<vmem>>, %arg6: memref<1024x128xf32, #tpu.memory_space<vmem>>) attributes {dimension_semantics = [#tpu.dimension_semantics<arbitrary>], iteration_bounds = array<i64: 5>, scalar_prefetch = 0 : i64, scratch_operands = 0 : i64, tpu.core_type = #tpu.core_type<tc>, window_params = [{transform_indices = @transform_0, window_bounds = array<i64: 2, 1024, 128>}, {transform_indices = @transform_1, window_bounds = array<i64: 1024, 128>}, {transform_indices = @transform_2, window_bounds = array<i64: 1024, 128>}, {pipeline_mode = #tpu.pipeline_mode<synchronous>, transform_indices = @transform_3, window_bounds = array<i64: 128, 128>}, {pipeline_mode = #tpu.pipeline_mode<synchronous>, transform_indices = @transform_4, window_bounds = array<i64: 1, 128>}, {transform_indices = @transform_5, window_bounds = array<i64: 1024, 128>}]} {
    %get3A = arith.constant 0 : index
    %get3A_0 = arith.constant 0 : index
    %get3A_1 = vector.load %arg3[%get3A, %get3A_0] : memref<1024x128xf32, #tpu.memory_space<vmem>>, vector<1024x128xf32>
    %get3A_2 = arith.constant 0 : index
    %get3A_3 = arith.constant 0 : index
    %get3A_4 = arith.constant 0 : index
    %get3A_5 = vector.load %arg1[%get3A_2, %get3A_3, %get3A_4] : memref<2x1024x128xf32, #tpu.memory_space<vmem>>, vector<2x1024x128xf32>
    %slice3A = vector.extract_strided_slice %get3A_5 {offsets = [0, 0, 0], sizes = [1, 1024, 128], strides = [1, 1, 1]} : vector<2x1024x128xf32> to vector<1x1024x128xf32>
    %squeeze3A = vector.shape_cast %slice3A : vector<1x1024x128xf32> to vector<1024x128xf32>
    %slice3A_6 = vector.extract_strided_slice %get3A_5 {offsets = [1, 0, 0], sizes = [1, 1024, 128], strides = [1, 1, 1]} : vector<2x1024x128xf32> to vector<1x1024x128xf32>
    %squeeze3A_7 = vector.shape_cast %slice3A_6 : vector<1x1024x128xf32> to vector<1024x128xf32>
    %add3A = arith.addf %squeeze3A, %squeeze3A_7 : vector<1024x128xf32>
    %get3A_8 = arith.constant 0 : index
    %get3A_9 = arith.constant 0 : index
    %get3A_10 = vector.load %arg2[%get3A_8, %get3A_9] : memref<1024x128xf32, #tpu.memory_space<vmem>>, vector<1024x128xf32>
    %add3A_11 = arith.addf %add3A, %get3A_10 : vector<1024x128xf32>
    %mul3A = arith.mulf %add3A_11, %get3A_1 : vector<1024x128xf32>
    %get3A_12 = arith.constant 0 : index
    %get3A_13 = arith.constant 0 : index
    %get3A_14 = vector.load %arg5[%get3A_12, %get3A_13] : memref<1x128xf32, #tpu.memory_space<vmem>>, vector<1x128xf32>
    %add3A_15 = vector.broadcast %get3A_14 : vector<1x128xf32> to vector<1024x128xf32>
    %add3A_16 = arith.addf %mul3A, %add3A_15 : vector<1024x128xf32>
    %max3A = arith.constant 0.000000e+00 : f32
    %max3A_17 = vector.broadcast %max3A : f32 to vector<1024x128xf32>
    %max3A_18 = arith.maximumf %add3A_16, %max3A_17 : vector<1024x128xf32>
    %get3A_19 = arith.constant 0 : index
    %get3A_20 = arith.constant 0 : index
    %get3A_21 = vector.load %arg4[%get3A_19, %get3A_20] : memref<128x128xf32, #tpu.memory_space<vmem>>, vector<128x128xf32>
    %dot_general3A = arith.constant dense<0.000000e+00> : vector<1024x128xf32>
    %dot_general3A_22 = tpu.matmul %max3A_18, %get3A_21, %dot_general3A {dimension_numbers = #tpu.dot_dimension_numbers<[1], [0], [0], [1], [0, 0, 1, 1], [], []>, transpose_lhs_hint = false} : vector<1024x128xf32>, vector<128x128xf32>, vector<1024x128xf32> -> vector<1024x128xf32>
    %mul3A_23 = arith.mulf %dot_general3A_22, %get3A_1 : vector<1024x128xf32>
    %swap3A = arith.constant 0 : index
    %swap3A_24 = arith.constant 0 : index
    %swap3A_25 = vector.load %arg6[%swap3A, %swap3A_24] : memref<1024x128xf32, #tpu.memory_space<vmem>>, vector<1024x128xf32>
    tpu.vector_store %arg6[%swap3A, %swap3A_24], %mul3A_23 {strides = array<i32>} : memref<1024x128xf32, #tpu.memory_space<vmem>>, vector<1024x128xf32>,
    return
  }
  func.func @transform_0(%arg0: i32) -> (i32, i32, i32) {
    %c0_i32 = arith.constant 0 : i32
    %c0_i32_0 = arith.constant 0 : i32
    %c0_i32_1 = arith.constant 0 : i32
    return %c0_i32, %arg0, %c0_i32_0 : i32, i32, i32
  }
  func.func @transform_1(%arg0: i32) -> (i32, i32) {
    %c0_i32 = arith.constant 0 : i32
    %c0_i32_0 = arith.constant 0 : i32
    return %arg0, %c0_i32 : i32, i32
  }
  func.func @transform_2(%arg0: i32) -> (i32, i32) {
    %c0_i32 = arith.constant 0 : i32
    %c0_i32_0 = arith.constant 0 : i32
    return %arg0, %c0_i32 : i32, i32
  }
  func.func @transform_3(%arg0: i32) -> (i32, i32) {
    %c0_i32 = arith.constant 0 : i32
    %c0_i32_0 = arith.constant 0 : i32
    %c0_i32_1 = arith.constant 0 : i32
    return %c0_i32, %c0_i32_0 : i32, i32
  }
  func.func @transform_4(%arg0: i32) -> (i32, i32) {
    %c0_i32 = arith.constant 0 : i32
    %c0_i32_0 = arith.constant 0 : i32
    %c0_i32_1 = arith.constant 0 : i32
    return %c0_i32, %c0_i32_0 : i32, i32
  }
  func.func @transform_5(%arg0: i32) -> (i32, i32) {
    %c0_i32 = arith.constant 0 : i32
    %c0_i32_0 = arith.constant 0 : i32
    return %arg0, %c0_i32 : i32, i32
  }
}

module attributes {stable_mosaic.version = 14 : i64} {
  func.func @_tc3_body(%arg0: i32, %arg1: memref<2x1024x128xf32, #tpu.memory_space<vmem>>, %arg2: memref<1024x128xf32, #tpu.memory_space<vmem>>, %arg3: memref<1024x128xf32, #tpu.memory_space<vmem>>, %arg4: memref<1x128xf32, #tpu.memory_space<vmem>>, %arg5: memref<128x2xf32, #tpu.memory_space<vmem>>, %arg6: memref<1x1xf32, #tpu.memory_space<vmem>>, %arg7: memref<1x1x1024xi32, #tpu.memory_space<vmem>>, %arg8: memref<1x1x1024xi32, #tpu.memory_space<vmem>>, %arg9: memref<1x64xf32, #tpu.memory_space<vmem>>, %arg10: memref<64x2xf32, #tpu.memory_space<vmem>>) attributes {dimension_semantics = [#tpu.dimension_semantics<arbitrary>], iteration_bounds = array<i64: 5>, scalar_prefetch = 0 : i64, scratch_operands = 1 : i64, tpu.core_type = #tpu.core_type<tc>, window_params = [{transform_indices = @transform_0, window_bounds = array<i64: 2, 1024, 128>}, {transform_indices = @transform_1, window_bounds = array<i64: 1024, 128>}, {transform_indices = @transform_2, window_bounds = array<i64: 1024, 128>}, {pipeline_mode = #tpu.pipeline_mode<synchronous>, transform_indices = @transform_3, window_bounds = array<i64: 1, 128>}, {pipeline_mode = #tpu.pipeline_mode<synchronous>, transform_indices = @transform_4, window_bounds = array<i64: 128, 2>}, {pipeline_mode = #tpu.pipeline_mode<synchronous>, transform_indices = @transform_5, window_bounds = array<i64: 1, 1>}, {transform_indices = @transform_6, window_bounds = array<i64: 1, 1, 1024>}, {transform_indices = @transform_7, window_bounds = array<i64: 1, 1, 1024>}, {pipeline_mode = #tpu.pipeline_mode<synchronous>, transform_indices = @transform_8, window_bounds = array<i64: 1, 64>}]} {
    %get3A = arith.constant 0 : index
    %get3A_0 = arith.constant 0 : index
    %get3A_1 = vector.load %arg3[%get3A, %get3A_0] : memref<1024x128xf32, #tpu.memory_space<vmem>>, vector<1024x128xf32>
    %get3A_2 = arith.constant 0 : index
    %get3A_3 = arith.constant 0 : index
    %get3A_4 = arith.constant 0 : index
    %get3A_5 = vector.load %arg1[%get3A_2, %get3A_3, %get3A_4] : memref<2x1024x128xf32, #tpu.memory_space<vmem>>, vector<2x1024x128xf32>
    %slice3A = vector.extract_strided_slice %get3A_5 {offsets = [0, 0, 0], sizes = [1, 1024, 128], strides = [1, 1, 1]} : vector<2x1024x128xf32> to vector<1x1024x128xf32>
    %squeeze3A = vector.shape_cast %slice3A : vector<1x1024x128xf32> to vector<1024x128xf32>
    %slice3A_6 = vector.extract_strided_slice %get3A_5 {offsets = [1, 0, 0], sizes = [1, 1024, 128], strides = [1, 1, 1]} : vector<2x1024x128xf32> to vector<1x1024x128xf32>
    %squeeze3A_7 = vector.shape_cast %slice3A_6 : vector<1x1024x128xf32> to vector<1024x128xf32>
    %add3A = arith.addf %squeeze3A, %squeeze3A_7 : vector<1024x128xf32>
    %get3A_8 = arith.constant 0 : index
    %get3A_9 = arith.constant 0 : index
    %get3A_10 = vector.load %arg2[%get3A_8, %get3A_9] : memref<1024x128xf32, #tpu.memory_space<vmem>>, vector<1024x128xf32>
    %add3A_11 = arith.addf %add3A, %get3A_10 : vector<1024x128xf32>
    %mul3A = arith.mulf %add3A_11, %get3A_1 : vector<1024x128xf32>
    %get3A_12 = arith.constant 0 : index
    %get3A_13 = arith.constant 0 : index
    %get3A_14 = vector.load %arg4[%get3A_12, %get3A_13] : memref<1x128xf32, #tpu.memory_space<vmem>>, vector<1x128xf32>
    %add3A_15 = vector.broadcast %get3A_14 : vector<1x128xf32> to vector<1024x128xf32>
    %add3A_16 = arith.addf %mul3A, %add3A_15 : vector<1024x128xf32>
    %max3A = arith.constant 0.000000e+00 : f32
    %max3A_17 = vector.broadcast %max3A : f32 to vector<1024x128xf32>
    %max3A_18 = arith.maximumf %add3A_16, %max3A_17 : vector<1024x128xf32>
    %get3A_19 = arith.constant 0 : index
    %get3A_20 = arith.constant 0 : index
    %get3A_21 = vector.load %arg5[%get3A_19, %get3A_20] : memref<128x2xf32, #tpu.memory_space<vmem>>, vector<128x2xf32>
    %dot_general3A = arith.constant dense<0.000000e+00> : vector<1024x2xf32>
    %dot_general3A_22 = tpu.matmul %max3A_18, %get3A_21, %dot_general3A {dimension_numbers = #tpu.dot_dimension_numbers<[1], [0], [0], [1], [0, 0, 1, 1], [], []>, transpose_lhs_hint = false} : vector<1024x128xf32>, vector<128x2xf32>, vector<1024x2xf32> -> vector<1024x2xf32>
    %broadcast_in_dim3A = arith.constant 1.000000e+00 : f32
    %broadcast_in_dim3A_23 = vector.broadcast %broadcast_in_dim3A : f32 to vector<1024x1xf32>
    %iota3A = tpu.iota {dimensions = array<i32: 1>} : vector<1024x64xi32>
    %broadcast_in_dim3A_24 = arith.constant 0.000000e+00 : f32
    %broadcast_in_dim3A_25 = vector.broadcast %broadcast_in_dim3A_24 : f32 to vector<64x2xf32>
    %get3A_26 = arith.constant 0 : index
    %get3A_27 = arith.constant 0 : index
    %get3A_28 = arith.constant 0 : index
    %get3A_29 = vector.load %arg7[%get3A_26, %get3A_27, %get3A_28] : memref<1x1x1024xi32, #tpu.memory_space<vmem>>, vector<1x1x1024xi32>
    %get3A_30 = vector.shape_cast %get3A_29 : vector<1x1x1024xi32> to vector<1024xi32>
    %broadcast_in_dim3A_31 = vector.shape_cast %get3A_30 : vector<1024xi32> to vector<1024x1xi32>
    %eq3A = vector.broadcast %broadcast_in_dim3A_31 : vector<1024x1xi32> to vector<1024x64xi32>
    %eq3A_32 = arith.cmpi eq, %eq3A, %iota3A : vector<1024x64xi32>
    %convert_element_type3A = arith.extui %eq3A_32 : vector<1024x64xi1> to vector<1024x64xi32>
    %convert_element_type3A_33 = arith.sitofp %convert_element_type3A : vector<1024x64xi32> to vector<1024x64xf32>
    %broadcast_in_dim3A_34 = vector.shape_cast %get3A_30 : vector<1024xi32> to vector<1024x1xi32>
    %ge3A = arith.constant 0 : i32
    %ge3A_35 = vector.broadcast %ge3A : i32 to vector<1024x1xi32>
    %ge3A_36 = arith.cmpi sge, %broadcast_in_dim3A_34, %ge3A_35 : vector<1024x1xi32>
    %slice3A_37 = vector.extract_strided_slice %dot_general3A_22 {offsets = [0, 0], sizes = [1024, 1], strides = [1, 1]} : vector<1024x2xf32> to vector<1024x1xf32>
    %concatenate3A = tpu.concatenate %slice3A_37, %broadcast_in_dim3A_23 in 1 : vector<1024x1xf32>, vector<1024x1xf32> -> vector<1024x2xf32>
    %jit3A = arith.constant 0.000000e+00 : f32
    %broadcast_in_dim3A_38 = vector.shape_cast %ge3A_36 : vector<1024x1xi1> to vector<1024x1xi1>
    %broadcast_in_dim3A_39 = vector.broadcast %broadcast_in_dim3A_38 : vector<1024x1xi1> to vector<1024x2xi1>
    %broadcast_in_dim3A_40 = vector.broadcast %jit3A : f32 to vector<1024x2xf32>
    %select_n3A = arith.select %broadcast_in_dim3A_39, %concatenate3A, %broadcast_in_dim3A_40 : vector<1024x2xi1>, vector<1024x2xf32>
    %dot_general3A_41 = arith.constant dense<0.000000e+00> : vector<64x2xf32>
    %dot_general3A_42 = tpu.matmul %convert_element_type3A_33, %select_n3A, %dot_general3A_41 {dimension_numbers = #tpu.dot_dimension_numbers<[0], [0], [1], [1], [0, 1, 1, 1], [], []>, transpose_lhs_hint = false} : vector<1024x64xf32>, vector<1024x2xf32>, vector<64x2xf32> -> vector<64x2xf32>
    %add3A_43 = arith.addf %broadcast_in_dim3A_25, %dot_general3A_42 : vector<64x2xf32>
    %get3A_44 = arith.constant 0 : index
    %get3A_45 = arith.constant 0 : index
    %get3A_46 = arith.constant 0 : index
    %get3A_47 = vector.load %arg8[%get3A_44, %get3A_45, %get3A_46] : memref<1x1x1024xi32, #tpu.memory_space<vmem>>, vector<1x1x1024xi32>
    %get3A_48 = vector.shape_cast %get3A_47 : vector<1x1x1024xi32> to vector<1024xi32>
    %broadcast_in_dim3A_49 = vector.shape_cast %get3A_48 : vector<1024xi32> to vector<1024x1xi32>
    %eq3A_50 = vector.broadcast %broadcast_in_dim3A_49 : vector<1024x1xi32> to vector<1024x64xi32>
    %eq3A_51 = arith.cmpi eq, %eq3A_50, %iota3A : vector<1024x64xi32>
    %convert_element_type3A_52 = arith.extui %eq3A_51 : vector<1024x64xi1> to vector<1024x64xi32>
    %convert_element_type3A_53 = arith.sitofp %convert_element_type3A_52 : vector<1024x64xi32> to vector<1024x64xf32>
    %broadcast_in_dim3A_54 = vector.shape_cast %get3A_48 : vector<1024xi32> to vector<1024x1xi32>
    %ge3A_55 = arith.constant 0 : i32
    %ge3A_56 = vector.broadcast %ge3A_55 : i32 to vector<1024x1xi32>
    %ge3A_57 = arith.cmpi sge, %broadcast_in_dim3A_54, %ge3A_56 : vector<1024x1xi32>
    %slice3A_58 = vector.extract_strided_slice %dot_general3A_22 {offsets = [0, 1], sizes = [1024, 1], strides = [1, 1]} : vector<1024x2xf32> to vector<1024x1xf32>
    %concatenate3A_59 = tpu.concatenate %slice3A_58, %broadcast_in_dim3A_23 in 1 : vector<1024x1xf32>, vector<1024x1xf32> -> vector<1024x2xf32>
    %jit3A_60 = arith.constant 0.000000e+00 : f32
    %broadcast_in_dim3A_61 = vector.shape_cast %ge3A_57 : vector<1024x1xi1> to vector<1024x1xi1>
    %broadcast_in_dim3A_62 = vector.broadcast %broadcast_in_dim3A_61 : vector<1024x1xi1> to vector<1024x2xi1>
    %broadcast_in_dim3A_63 = vector.broadcast %jit3A_60 : f32 to vector<1024x2xf32>
    %select_n3A_64 = arith.select %broadcast_in_dim3A_62, %concatenate3A_59, %broadcast_in_dim3A_63 : vector<1024x2xi1>, vector<1024x2xf32>
    %dot_general3A_65 = arith.constant dense<0.000000e+00> : vector<64x2xf32>
    %dot_general3A_66 = tpu.matmul %convert_element_type3A_53, %select_n3A_64, %dot_general3A_65 {dimension_numbers = #tpu.dot_dimension_numbers<[0], [0], [1], [1], [0, 1, 1, 1], [], []>, transpose_lhs_hint = false} : vector<1024x64xf32>, vector<1024x2xf32>, vector<64x2xf32> -> vector<64x2xf32>
    %add3A_67 = arith.addf %add3A_43, %dot_general3A_66 : vector<64x2xf32>
    %eq3A_68 = arith.constant 0 : i32
    %eq3A_69 = arith.cmpi eq, %arg0, %eq3A_68 : i32
    %convert_element_type3A_70 = arith.extui %eq3A_69 : i1 to i32
    %cond3A = arith.constant 0 : i32
    %cond3A_71 = arith.cmpi ne, %convert_element_type3A_70, %cond3A : i32
    scf.if %cond3A_71 {
      %broadcast_in_dim3A_100 = arith.constant 0.000000e+00 : f32
      %broadcast_in_dim3A_101 = vector.broadcast %broadcast_in_dim3A_100 : f32 to vector<64x2xf32>
      %swap3A_102 = arith.constant 0 : index
      %swap3A_103 = arith.constant 0 : index
      %swap3A_104 = vector.load %arg10[%swap3A_102, %swap3A_103] : memref<64x2xf32, #tpu.memory_space<vmem>>, vector<64x2xf32>
      tpu.vector_store %arg10[%swap3A_102, %swap3A_103], %broadcast_in_dim3A_101 {strides = array<i32>} : memref<64x2xf32, #tpu.memory_space<vmem>>, vector<64x2xf32>,
    } else {
    }
    %get3A_72 = arith.constant 0 : index
    %get3A_73 = arith.constant 0 : index
    %get3A_74 = vector.load %arg10[%get3A_72, %get3A_73] : memref<64x2xf32, #tpu.memory_space<vmem>>, vector<64x2xf32>
    %add3A_75 = arith.addf %get3A_74, %add3A_67 : vector<64x2xf32>
    %swap3A = arith.constant 0 : index
    %swap3A_76 = arith.constant 0 : index
    %swap3A_77 = vector.load %arg10[%swap3A, %swap3A_76] : memref<64x2xf32, #tpu.memory_space<vmem>>, vector<64x2xf32>
    tpu.vector_store %arg10[%swap3A, %swap3A_76], %add3A_75 {strides = array<i32>} : memref<64x2xf32, #tpu.memory_space<vmem>>, vector<64x2xf32>,
    %get3A_78 = arith.constant 0 : index
    %get3A_79 = arith.constant 0 : index
    %get3A_80 = vector.load %arg10[%get3A_78, %get3A_79] : memref<64x2xf32, #tpu.memory_space<vmem>>, vector<64x1xf32>
    %get3A_81 = vector.shape_cast %get3A_80 : vector<64x1xf32> to vector<64xf32>
    %get3A_82 = arith.constant 0 : index
    %get3A_83 = arith.constant 1 : index
    %get3A_84 = vector.load %arg10[%get3A_82, %get3A_83] : memref<64x2xf32, #tpu.memory_space<vmem>>, vector<64x1xf32>
    %get3A_85 = vector.shape_cast %get3A_84 : vector<64x1xf32> to vector<64xf32>
    %max3A_86 = arith.constant 1.000000e+00 : f32
    %max3A_87 = vector.broadcast %max3A_86 : f32 to vector<64xf32>
    %max3A_88 = arith.maximumf %get3A_85, %max3A_87 : vector<64xf32>
    %div3A = arith.divf %get3A_81, %max3A_88 : vector<64xf32>
    %get3A_89 = arith.constant 0 : index
    %get3A_90 = arith.constant 0 : index
    %get3A_91 = vector.load %arg6[%get3A_89, %get3A_90] : memref<1x1xf32, #tpu.memory_space<vmem>>, vector<1x1xf32>
    %get3A_92 = vector.extract %get3A_91[0, 0] : f32 from vector<1x1xf32>
    %add3A_93 = vector.broadcast %get3A_92 : f32 to vector<64xf32>
    %add3A_94 = arith.addf %div3A, %add3A_93 : vector<64xf32>
    %swap3A_95 = arith.constant 0 : index
    %swap3A_96 = arith.constant 0 : index
    %swap3A_97 = vector.load %arg9[%swap3A_95, %swap3A_96] : memref<1x64xf32, #tpu.memory_space<vmem>>, vector<1x64xf32>
    %swap3A_98 = vector.shape_cast %swap3A_97 : vector<1x64xf32> to vector<64xf32>
    %swap3A_99 = vector.shape_cast %add3A_94 : vector<64xf32> to vector<1x64xf32>
    tpu.vector_store %arg9[%swap3A_95, %swap3A_96], %swap3A_99 {strides = array<i32>} : memref<1x64xf32, #tpu.memory_space<vmem>>, vector<1x64xf32>,
    return
  }
  func.func @transform_0(%arg0: i32) -> (i32, i32, i32) {
    %c0_i32 = arith.constant 0 : i32
    %c0_i32_0 = arith.constant 0 : i32
    %c0_i32_1 = arith.constant 0 : i32
    return %c0_i32, %arg0, %c0_i32_0 : i32, i32, i32
  }
  func.func @transform_1(%arg0: i32) -> (i32, i32) {
    %c0_i32 = arith.constant 0 : i32
    %c0_i32_0 = arith.constant 0 : i32
    return %arg0, %c0_i32 : i32, i32
  }
  func.func @transform_2(%arg0: i32) -> (i32, i32) {
    %c0_i32 = arith.constant 0 : i32
    %c0_i32_0 = arith.constant 0 : i32
    return %arg0, %c0_i32 : i32, i32
  }
  func.func @transform_3(%arg0: i32) -> (i32, i32) {
    %c0_i32 = arith.constant 0 : i32
    %c0_i32_0 = arith.constant 0 : i32
    %c0_i32_1 = arith.constant 0 : i32
    return %c0_i32, %c0_i32_0 : i32, i32
  }
  func.func @transform_4(%arg0: i32) -> (i32, i32) {
    %c0_i32 = arith.constant 0 : i32
    %c0_i32_0 = arith.constant 0 : i32
    %c0_i32_1 = arith.constant 0 : i32
    return %c0_i32, %c0_i32_0 : i32, i32
  }
  func.func @transform_5(%arg0: i32) -> (i32, i32) {
    %c0_i32 = arith.constant 0 : i32
    %c0_i32_0 = arith.constant 0 : i32
    %c0_i32_1 = arith.constant 0 : i32
    return %c0_i32, %c0_i32_0 : i32, i32
  }
  func.func @transform_6(%arg0: i32) -> (i32, i32, i32) {
    %c0_i32 = arith.constant 0 : i32
    %c0_i32_0 = arith.constant 0 : i32
    %c0_i32_1 = arith.constant 0 : i32
    return %arg0, %c0_i32, %c0_i32_0 : i32, i32, i32
  }
  func.func @transform_7(%arg0: i32) -> (i32, i32, i32) {
    %c0_i32 = arith.constant 0 : i32
    %c0_i32_0 = arith.constant 0 : i32
    %c0_i32_1 = arith.constant 0 : i32
    return %arg0, %c0_i32, %c0_i32_0 : i32, i32, i32
  }
  func.func @transform_8(%arg0: i32) -> (i32, i32) {
    %c0_i32 = arith.constant 0 : i32
    %c0_i32_0 = arith.constant 0 : i32
    %c0_i32_1 = arith.constant 0 : i32
    return %c0_i32, %c0_i32_0 : i32, i32
  }
}

</mosaic_0001>

<sc_bundles>
// kernel: kernel.11.cloned.1.call-start
scs
__scs_entry_jumppad:
0x0: {  	(pc) =	sbr.rel $0x88, $3  }
0x1: {  	(tag) =	ssettag $0x0;
	lr =	simm.s32 $0x1  }
0x2: {  	[smem:$0x3F98] =	sst lr;
	_ =	strace $0xD0000000  }
0x3: {  	_ = 	snop  }
0x4: {  	_ = 	snop  }
0x5: {  	_ = 	snop  }
0x6: {  	_ = 	snop  }
0x7: {  	_ = 	snop  }
__scs_overlays_trampoline_lowered:
0x8: {  	[smem:$0x3FA7] =	sst s0  }
0x9: {  	[smem:$0x3FA8] =	sst s1  }
0xa: {  	[smem:$0x3FA9] =	sst s2  }
0xb: {  	[smem:$0x3FAA] =	sst s3  }
0xc: {  	[smem:$0x3FAB] =	sst s4  }
0xd: {  	[smem:$0x3FAC] =	sst s5  }
0xe: {  	[smem:$0x3FAD] =	sst s6  }
0xf: {  	[smem:$0x3FAE] =	sst s7  }
0x10: {  	[smem:$0x3FAF] =	sst s8  }
0x11: {  	[smem:$0x3FB0] =	sst s9;
	s0 =	simm.s32 @!p0 $0x0  }
0x12: {  	s1 =	sld [smem:$0x3F96];
	s0 =	simm.s32 @p0 $0x1  }
0x13: {  	[smem:$0x3FB1] =	sst s0;
	s0 =	simm.s32 @!p1 $0x0  }
0x14: {  	s2 =	sld [smem:$0x3F95];
	s0 =	simm.s32 @p1 $0x1  }
0x15: {  	[smem:$0x3FB2] =	sst s0;
	s0 =	simm.s32 @!p2 $0x0  }
0x16: {  	s3 =	sld [smem:$0x3FDB];
	s0 =	simm.s32 @p2 $0x1  }
0x17: {  	s4 =	simm.s32 $0x1BF5;
	[smem:$0x3FB4] =	sst s0  }
0x18: {  	s0 =	sld [smem:$0x3F97];
	_ =	swait.ge [sflag:s4], $0x0  }
0x19: {  	s7 =	sld [smem:$0x3F98]  }
0x1a: {  	s8 =	sadd.s32 $0xFFFFE003, lr  }
0x1b: {  	s9 =	sadd.s32 $0xFFFFFEF7, lr;
	s5 =	simm.s32 $0xFFFFFFFF;
	p2 =	slt.u32 s8, $0xFFFFF086  }
0x1c: {  	p1 =	slt.u32 s9, $0xF7A;
	s5 =	simm.s32 @!p2 $0x0  }
0x1d: {  	s5 =	simm.s32 @p1 $0x1;
	p0 =	seq.s32 s7, s2  }
0x1e: {  	s7 =	smul.u32 @!p0 $0xF7A, s2;
	p2 =	seq.s32 @!p0 s5, $0x0  }
0x1f: {  	s9 =	smul.u32 $0xF7A, s1;
	s8 =	simm.s32 @!p0 $0x1BF5;
	p2 =	por !p2, p0  }
0x20: {  	[sflag:s8] =	ssyncset.s32 @!p0 $0xFFFFF086;
	s6 =	sadd.s32 @!p0 s3, s7;
	s7 =	simm.s32 @!p0 $0x108  }
0x21: {  	s3 =	sadd.s32 s3, s9;
	s6 =	sadd.s32 @!p0 $0x88, s6;
	s7 =	simm.s32 @p2 $0x1082  }
0x22: {  	[simem:s7], [sflag:s8] =	dma.local @!p0 [hbm:s6], $0xF7A  }
0x23: {  	s9 =	sor.u32 $0xD0000000, s2;
	s6 =	simm.s32 $0x108;
	_ =	swait.ge @!p0 [sflag:s8], $0x0  }
0x24: {  	s3 =	sadd.s32 $0x88, s3;
	s6 =	simm.s32 @!p1 $0x1082;
	[sflag:s4] =	ssyncset.s32 $0xFFFFF086  }
0x25: {  	[simem:s6], [sflag:s4] =	dma.local [hbm:s3], $0xF7A  }
0x26: {  	[smem:$0x3F98] =	sst s1;
	(tag) =	ssettag s2;
	_ =	strace s9  }
0x27: {  	s1 =	sld [smem:$0x3FA8]  }
0x28: {  	s2 =	sld [smem:$0x3FA9]  }
0x29: {  	s4 =	sld [smem:$0x3FAB]  }
0x2a: {  	p0 =	seq.s32 s5, $0x0;
	s5 =	sld [smem:$0x3FAC]  }
0x2b: {  	s6 =	sld [smem:$0x3FAD]  }
0x2c: {  	s7 =	sld [smem:$0x3FAE]  }
0x2d: {  	s3 =	simm.s32 $0x108;
	s8 =	sld [smem:$0x3FAF]  }
0x2e: {  	s3 =	simm.s32 @!p0 $0x1082;
	s9 =	sld [smem:$0x3FB0]  }
0x2f: {  	lr =	sadd.s32 s0, s3;
	s0 =	sld [smem:$0x3FA7]  }
0x30: {  	s3 =	sld [smem:$0x3FAA]  }
0x31: {  	[smem:$0x3FB3] =	sst s10  }
0x32: {  	s10 =	sld [smem:$0x3FB1];
	_ =	sdelay $0x3  }
0x33: {  	p0 =	seq.s32 s10, $0x1;
	s10 =	sld [smem:$0x3FB3];
	_ =	sdelay $0x3  }
0x34: {  	[smem:$0x3FB3] =	sst s10  }
0x35: {  	s10 =	sld [smem:$0x3FB2];
	_ =	sdelay $0x3  }
0x36: {  	p1 =	seq.s32 s10, $0x1;
	s10 =	sld [smem:$0x3FB3];
	_ =	sdelay $0x3  }
0x37: {  	[smem:$0x3FB3] =	sst s10  }
0x38: {  	s10 =	sld [smem:$0x3FB4]  }
0x39: {  	_ = 	snop;
	(pc) =	sbr.ind lr, $3  }
0x3a: {  	_ = 	snop  }
0x3b: {  	_ = 	snop  }
0x3c: {  	p2 =	seq.s32 s10, $0x1;
	s10 =	sld [smem:$0x3FB3]  }
0x3d: {  	_ =	shalt  }
0x3e: {  	_ =	shalt  }
0x3f: {  	_ =	shalt  }
0x40: {  	_ =	shalt  }
0x41: {  	_ =	shalt  }
0x42: {  	_ =	shalt  }
0x43: {  	_ =	shalt  }
0x44: {  	_ =	shalt  }
0x45: {  	_ =	shalt  }
0x46: {  	_ =	shalt  }
0x47: {  	_ =	shalt  }
0x48: {  	_ =	shalt  }
0x49: {  	_ =	shalt  }
0x4a: {  	_ =	shalt  }
0x4b: {  	_ =	shalt  }
0x4c: {  	_ =	shalt  }
0x4d: {  	_ =	shalt  }
0x4e: {  	_ =	shalt  }
0x4f: {  	_ =	shalt  }
0x50: {  	_ =	shalt  }
0x51: {  	_ =	shalt  }
0x52: {  	_ =	shalt  }
0x53: {  	_ =	shalt  }
0x54: {  	_ =	shalt  }
0x55: {  	_ =	shalt  }
0x56: {  	_ =	shalt  }
0x57: {  	_ =	shalt  }
0x58: {  	_ =	shalt  }
0x59: {  	_ =	shalt  }
0x5a: {  	_ =	shalt  }
0x5b: {  	_ =	shalt  }
0x5c: {  	_ =	shalt  }
0x5d: {  	_ =	shalt  }
0x5e: {  	_ =	shalt  }
0x5f: {  	_ =	shalt  }
0x60: {  	_ =	shalt  }
0x61: {  	_ =	shalt  }
0x62: {  	_ =	shalt  }
0x63: {  	_ =	shalt  }
0x64: {  	_ =	shalt  }
0x65: {  	_ =	shalt  }
0x66: {  	_ =	shalt  }
0x67: {  	_ =	shalt  }
0x68: {  	_ =	shalt  }
0x69: {  	_ =	shalt  }
0x6a: {  	_ =	shalt  }
0x6b: {  	_ =	shalt  }
0x6c: {  	_ =	shalt  }
0x6d: {  	_ =	shalt  }
0x6e: {  	_ =	shalt  }
0x6f: {  	_ =	shalt  }
0x70: {  	_ =	shalt  }
0x71: {  	_ =	shalt  }
0x72: {  	_ =	shalt  }
0x73: {  	_ =	shalt  }
0x74: {  	_ =	shalt  }
0x75: {  	_ =	shalt  }
0x76: {  	_ =	shalt  }
0x77: {  	_ =	shalt  }
0x78: {  	_ =	shalt  }
0x79: {  	_ =	shalt  }
0x7a: {  	_ =	shalt  }
0x7b: {  	_ =	shalt  }
0x7c: {  	_ =	shalt  }
0x7d: {  	_ =	shalt  }
0x7e: {  	_ =	shalt  }
0x7f: {  	_ =	shalt  }
0x80: {  	_ =	shalt  }
0x81: {  	_ =	shalt  }
0x82: {  	_ =	shalt  }
0x83: {  	_ =	shalt  }
0x84: {  	_ =	shalt  }
0x85: {  	_ =	shalt  }
0x86: {  	_ =	shalt  }
0x87: {  	_ =	shalt  }
.Lfunc_end0:
.L_simem_size_0:
called_computation.1_lowered:
.L_overlay_start_0:
0x88: {  	s2 =	sld [smem:$0x3FD9]  }
0x89: {  	s3 =	sld [smem:$0x3FFE];
	_ =	sdelay $0x1  }
0x8a: {  	s1 =	srdreg.scid  }
0x8b: {  	s0 =	sand.u32 $0x1, s1  }
0x8c: {  	s16 =	sshll.u32 s0, $0xA;
	s2 =	sadd.s32 s3, s2  }
0x8d: {  	s2 =	sadd.s32 s2, s16  }
0x8e: {  	[smem:$0x3FBF] =	sst s2  }
0x8f: {  	_ = 	snop  }
0x90: {  	(tm) =	ssettm $0x1  }
0x91: {  	s17 =	sld [smem:$0x3FFB];
	_ =	sdelay $0x3  }
0x92: {  	_ =	strace s17  }
0x93: {  	s2 =	sld [smem:$0x3FFC];
	_ =	sdelay $0x3  }
0x94: {  	_ =	strace s2  }
0x95: {  	s2 =	sld [smem:$0x3FFD];
	_ =	sdelay $0x3  }
0x96: {  	_ =	strace s2  }
0x97: {  	_ =	strace $0x8FFFFFFF  }
0x98: {  	s18 =	sld [smem:$0x3FDB];
	_ =	sdelay $0x1  }
0x99: {  	s19 =	simm.s32 $_scs_section_size  }
0x9a: {  	s4 =	simm.s32 $_size__tile_overlayer_lowered;
	s5 =	simm.s32 $_tile_overlayer_lowered  }
0x9b: {  	s22 =	simm.s32 $0x1BFF;
	s21 =	sshll.u32 s5, $0x1;
	s2 =	sadd.s32 s19, s18  }
0x9c: {  	s6 =	simm.s32 $0x0;
	s20 =	sshll.u32 s4, $0x1;
	s4 =	sadd.s32 s21, s2  }
0x9d: {  	[timem:s6], [sflag:s22] =	dma.local [hbm:s4], s20  }
0x9e: {  	_ =	swait.ge [sflag:s22], s20  }
0x9f: {  	s3 =	ssub.s32 $0x0, s20;
	[sflag:s22] =	ssyncset.done $0x0  }
0xa0: {  	[sflag:s22] =	ssyncadd.s32 s3;
	_ =	sdelay $0x1  }
0xa1: {  	s23 =	simm.s32 $0x1B8B  }
0xa2: {  	_ =	swait.ge [sflag:s23], $0x1  }
0xa3: {  	[sflag:s23] =	ssyncset.done $0x0  }
0xa4: {  	s25 =	simm.s32 $0x1B8E;
	s24 =	sld [smem:$0x3FFE];
	[sflag:s23] =	ssyncadd.s32 $0xFFFFFFFF  }
0xa5: {  	s26 =	simm.s32 $execute0_lowered;
	[smem:$0x3FD2] =	sst s25  }
0xa6: {  	s4 =	sshll.u32 s26, $0x1;
	_ =	strace $0x80000049;
	[dreg:$0x1] =	wrdreg $0xFFFFFFFF  }
0xa7: {  	s28 =	simm.s32 $_size_execute0_lowered;
	s2 =	sadd.s32 s2, s4;
	[dreg:$0x0] =	wrdreg $0x0  }
0xa8: {  	s4 =	sshll.u32 s28, $0x1;
	[dreg:$0x2] =	wrdreg s2  }
0xa9: {  	[dreg:$0x3] =	wrdreg s4  }
0xaa: {  	[dreg:$0x4] =	wrdreg $0xC0  }
0xab: {  	_ =	task [dreg:s6], $0x5FFFF  }
0xac: {  	[dreg:$0x1] =	wrdreg $0xFFFFFFFF  }
0xad: {  	[dreg:$0x0] =	wrdreg $0x60  }
0xae: {  	[dreg:$0x2] =	wrdreg s24  }
0xaf: {  	[dreg:$0x3] =	wrdreg $0xC6200  }
0xb0: {  	[dreg:$0x4] =	wrdreg $0x9  }
0xb1: {  	_ =	task.clear_ibuf [dreg:s6], $0x5FFFF;
	_ =	strace $0x90000049  }
0xb2: {  	s29 =	simm.s32 $0x9;
	_ =	strace $0x8000004B  }
0xb3: {  	_ =	swait.ge [sflag:s29], $0x1  }
0xb4: {  	[sflag:s29] =	ssyncadd.s32 $0xFFFFFFFF  }
0xb5: {  	_ =	strace $0x9000004B  }
0xb6: {  	_ =	sfence  }
0xb7: {  	s30 =	sld [smem:$0x0];
	_ =	sdelay $0x2  }
0xb8: {  	s31 =	sshll.u32 s1, $0xD;
	s1 =	sshrl.u32 s1, $0x2  }
0xb9: {  	s3 =	sand.u32 $0x4000, s31;
	s1 =	sadd.s32 s1, s30  }
0xba: {  	s0 =	sor.u32 s3, s0;
	s1 =	sshll.u32 s1, $0x11  }
0xbb: {  	s0 =	sor.u32 s1, s0  }
0xbc: {  	s0 =	sadd.s32 $0x8F2B, s0  }
0xbd: {  	[sflag:s0] =	ssyncadd.remote.s32 $0x1  }
0xbe: {  	_ =	sfence.sel $0xFFFF  }
0xbf: {  	[dreg:$0x0] =	wrdreg $0xFFFFFFFF;
	(pc) =	sbr.abs _section_cstart, $3  }
0xc0: {  	[dreg:$0x1] =	wrdreg $0xFFFFFFFF  }
0xc1: {  	_ =	task.clear_ibuf [dreg:s6], $0x2FFFF;
	_ =	strace $0x9FFFFFFF  }
0xc2: {  	(tm) =	ssettm $0x7FFFFFFF  }
0xc3: {  	_ =	shalt  }
tec
execute0_lowered:
.L_overlay_start_1:
0x0: {  	(tag) =	ssettag $0x1  }
0x1: {  	s0 =	srdreg.scid;
	s5 =	rddreg [dreg:$0x0]  }
0x2: {  	s8 =	stileid.u32;
	s2 =	rddreg [dreg:$0x1]  }
0x3: {  	s3 =	simm.s32 $0x0;
	s17 =	simm.s32 $0xB;
	s13 =	simm.s32 $0x2710  }
0x4: {  	s28 =	simm.s32 $0x8A20;
	s29 =	simm.s32 $0x2;
	s31 =	simm.s32 $0x4  }
0x5: {  	s30 =	simm.s32 $0x7;
	s9 =	simm.s32 $0x0;
	s0 =	sand.u32 $0x1, s0  }
0x6: {  	s6 =	smul.u32 $0xA000, s8;
	[smem:$0x7FF] =	sst s3;
	s4 =	sadd.s32 $0x16A00, s5  }
0x7: {  	s1 =	sshll.u32 s0, $0x4;
	s7 =	smul.u32 $0xA0000, s0;
	_ =	strace $0x8000004A  }
0x8: {  	s0 =	ssub.s32 $0x2, s0;
	s1 =	sor.u32 s8, s1;
	s8 =	smul.u32 $0x28000, s8  }
0x9: {  	s18 =	sshrl.u32 s0, $0x1;
	s1 =	smul.u32 $0x2710, s1;
	s7 =	sadd.s32 s6, s7  }
0xa: {  	s0 =	ssub.s32 s0, s18;
	s7 =	sshrl.u32 s7, $0x3;
	s8 =	sshrl.u32 s8, $0x2  }
0xb: {  	s16 =	smax.u32 s0, $0x1;
	s0 =	simm.s32 $0x3;
	s20 =	sadd.s32 s8, s2  }
0xc: {  	s1 =	sshrl.u32 s1, $0x3;
	s8 =	simm.s32 $0xA;
	s21 =	sadd.s32 $0x1400, s20  }
0xd: {  	s1 =	sadd.s32 s1, s5;
	s22 =	sadd.s32 $0x2800, s20;
	[dreg:$0x5] =	wrdreg s21  }
0xe: {  	s5 =	sadd.s32 s7, s5;
	s23 =	sadd.s32 $0x3C00, s20;
	[dreg:$0x6] =	wrdreg s22  }
0xf: {  	s7 =	sadd.s32 s6, s2;
	s24 =	sadd.s32 $0x5000, s20;
	[dreg:$0x7] =	wrdreg s23  }
0x10: {  	s25 =	sadd.s32 $0x6400, s20;
	s26 =	sadd.s32 $0x7800, s20;
	[dreg:$0x8] =	wrdreg s24  }
0x11: {  	s6 =	simm.s32 $0x9;
	s19 =	sadd.s32 $0x3000, s1;
	[dreg:$0x9] =	wrdreg s25  }
0x12: {  	s1 =	sadd.s32 $0xCC40, s1;
	[dreg:$0xa] =	wrdreg s26;
	s15 =	sadd.s32 $0x2A400, s5  }
.Ltmp0:
0x13: {  	s21 =	simm.s32 $0x6220;
	s23 =	simm.s32 $0x7620;
	(pc) =	sbr.rel .LBB2_1-.Ltmp0, $4  }
0x14: {  	s24 =	simm.s32 $0xB220;
	s25 =	simm.s32 $0x1;
	s26 =	simm.s32 $0x6  }
0x15: {  	s22 =	simm.s32 $0x5;
	s5 =	simm.s32 $0x8;
	[dreg:$0x3] =	wrdreg s19  }
0x16: {  	[dreg:$0x4] =	wrdreg s1;
	s1 =	sadd.s32 $0x8C00, s20;
	s19 =	simm.s32 $0x50  }
0x17: {  	v0 =	vimm.f32 $0.0e+00;
	s20 =	simm.s32 $0x4E20;
	[dreg:$0xb] =	wrdreg s1;
	s1 =	simm.s32 $0x9E20  }
.LBB2_6:
0x18: {  	_ =	swait.ge [sflag:s26], $0x1400  }
0x19: {  	[sflag:s26] =	ssyncset.done $0x0  }
0x1a: {  	[sflag:s26] =	ssyncadd.s32 $0xFFFFEC00  }
0x1b: {  	_ =	swait.ge [sflag:s30], $0x1400  }
0x1c: {  	[sflag:s30] =	ssyncset.done $0x0  }
0x1d: {  	[sflag:s30] =	ssyncadd.s32 $0xFFFFEC00  }
0x1e: {  	_ =	swait.ge [sflag:s5], $0x1400  }
0x1f: {  	[sflag:s5] =	ssyncset.done $0x0  }
0x20: {  	[sflag:s5] =	ssyncadd.s32 $0xFFFFEC00  }
0x21: {  	_ =	swait.ge [sflag:s6], $0x1400  }
0x22: {  	[sflag:s6] =	ssyncset.done $0x0  }
0x23: {  	[sflag:s6] =	ssyncadd.s32 $0xFFFFEC00  }
0x24: {  	s10 =	stileid.u32;
	_ =	swait.ge [sflag:s8], $0x1400  }
0x25: {  	s11 =	sshrl.u32 s7, $0x3;
	s9 =	sadd.s32 $0x1, s9;
	[sflag:s8] =	ssyncset.done $0x0  }
0x26: {  	s10 =	sshll.u32 s10, $0x6;
	p0 =	sne.s32 s9, s16;
	[sflag:s8] =	ssyncadd.s32 $0xFFFFEC00  }
.Ltmp1:
0x27: {  	s10 =	sor.u32 $0x1C0B, s10;
	[bflag:$0x0] =	sbarrier.arrive $0xFFFF;
	(pc) =	sbr.rel @!p0 .LBB2_7-.Ltmp1, $4  }
0x28: {  	[hbm:s15], [sflag:s10] =	dma.local [spmem:s11], $0x1400  }
0x29: {  	_ =	swait.ge [sflag:s17], $0x1400  }
0x2a: {  	[sflag:s17] =	ssyncset.done $0x0  }
0x2b: {  	s13 =	simm.s32 $0x2710;
	[sflag:s17] =	ssyncadd.s32 $0xFFFFEC00  }
.LBB2_1:
0x2c: {  	s10 =	rddreg [dreg:$0x3]  }
0x2d: {  	[tilespmem:s3], [sflag:$0xB] =	stream.linear.gather [hbm4b:s10+s3], $0x2710, $0x38;
	[tilespmem:$0x16620] =	vst v63  }
0x2e: {  	_ =	swait.ge [sflag:s17], $0x2710  }
0x2f: {  	[sflag:s17] =	ssyncset.done $0x0  }
0x30: {  	s14 =	rddreg [dreg:$0x4];
	[sflag:s17] =	ssyncadd.s32 $0xFFFFD8F0  }
0x31: {  	[tilespmem:s13], [sflag:$0xB] =	stream.linear.gather [hbm4b:s14+s3], $0x2710, $0x38;
	[tilespmem:$0x16620] =	vst v63  }
0x32: {  	_ =	swait.ge [sflag:s17], $0x2710  }
0x33: {  	[sflag:s17] =	ssyncset.done $0x0  }
0x34: {  	[sflag:s17] =	ssyncadd.s32 $0xFFFFD8F0  }
0x35: {  	[tilespmem:s20], [sflag:$0x1] =	stream.indirect.gather [hbm4b:s4+s19], $0x40, s3, s19, $0xb8;
	[tilespmem:$0x16620] =	vst v63  }
0x36: {  	_ = 	snop  }
0x37: {  	[tilespmem:s21], [sflag:$0x2] =	stream.indirect.gather [hbm4b:s4+s19], $0x40, s19, s19, $0xb8;
	[tilespmem:$0x16620] =	vst v63  }
0x38: {  	s18 =	simm.s32 $0xA0;
	s11 =	simm.s32 $0x100;
	s10 =	simm.s32 $0x0  }
0x39: {  	[tilespmem:s23], [sflag:$0x3] =	stream.indirect.gather [hbm4b:s4+s19], $0x40, s18, s19, $0xb8;
	[tilespmem:$0x16620] =	vst v63  }
.LBB2_2:
0x3a: {  	p0 =	sne.s32 s11, $0x4F00;
	[tilespmem:s10+$0xB250] =	vst v0;
	s12 =	smov.u32 s11;
	s11 =	sadd.s32 $0x100, s11  }
.Ltmp2:
0x3b: {  	[tilespmem:s10+$0xB240] =	vst v0;
	(pc) =	sbr.rel @p0 .LBB2_2-.Ltmp2, $3  }
0x3c: {  	[tilespmem:s10+$0xB220] =	vst v0  }
0x3d: {  	[tilespmem:s10+$0xB230] =	vst v0;
	_ =	sdelay $0x1  }
0x3e: {  	s10 =	sshra.s32 s12, $0x2  }
0x3f: {  	[tilespmem:s10+$0xB250] =	vst v0  }
0x40: {  	[tilespmem:s10+$0xB240] =	vst v0  }
0x41: {  	[tilespmem:s10+$0xB220] =	vst v0  }
0x42: {  	[tilespmem:s10+$0xB230] =	vst v0  }
0x43: {  	[spmem:s7] =	stream.linear.scatter [tilespmem:s24], [sflag:$0xB], $0x1400, $0x38;
	[tilespmem:$0x16620] =	vst v63  }
0x44: {  	_ =	swait.ge [sflag:s17], $0x1400  }
0x45: {  	[sflag:s17] =	ssyncset.done $0x0  }
0x46: {  	s14 =	rddreg [dreg:$0x5];
	[sflag:s17] =	ssyncadd.s32 $0xFFFFEC00  }
0x47: {  	[spmem:s14] =	stream.linear.scatter [tilespmem:s24], [sflag:$0xB], $0x1400, $0x38;
	[tilespmem:$0x16620] =	vst v63  }
0x48: {  	_ =	swait.ge [sflag:s17], $0x1400  }
0x49: {  	[sflag:s17] =	ssyncset.done $0x0  }
0x4a: {  	s18 =	rddreg [dreg:$0x6];
	[sflag:s17] =	ssyncadd.s32 $0xFFFFEC00  }
0x4b: {  	[spmem:s18] =	stream.linear.scatter [tilespmem:s24], [sflag:$0xB], $0x1400, $0x38;
	[tilespmem:$0x16620] =	vst v63  }
0x4c: {  	_ =	swait.ge [sflag:s17], $0x1400  }
0x4d: {  	[sflag:s17] =	ssyncset.done $0x0  }
0x4e: {  	s11 =	rddreg [dreg:$0x7];
	[sflag:s17] =	ssyncadd.s32 $0xFFFFEC00  }
0x4f: {  	[spmem:s11] =	stream.linear.scatter [tilespmem:s24], [sflag:$0xB], $0x1400, $0x38;
	[tilespmem:$0x16620] =	vst v63  }
0x50: {  	_ =	swait.ge [sflag:s17], $0x1400  }
0x51: {  	[sflag:s17] =	ssyncset.done $0x0  }
0x52: {  	s12 =	rddreg [dreg:$0x8];
	[sflag:s17] =	ssyncadd.s32 $0xFFFFEC00  }
0x53: {  	[spmem:s12] =	stream.linear.scatter [tilespmem:s24], [sflag:$0xB], $0x1400, $0x38;
	[tilespmem:$0x16620] =	vst v63  }
0x54: {  	_ =	swait.ge [sflag:s17], $0x1400  }
0x55: {  	[sflag:s17] =	ssyncset.done $0x0  }
0x56: {  	s14 =	rddreg [dreg:$0x9];
	[sflag:s17] =	ssyncadd.s32 $0xFFFFEC00  }
0x57: {  	[spmem:s14] =	stream.linear.scatter [tilespmem:s24], [sflag:$0xB], $0x1400, $0x38;
	[tilespmem:$0x16620] =	vst v63  }
0x58: {  	_ =	swait.ge [sflag:s17], $0x1400  }
0x59: {  	[sflag:s17] =	ssyncset.done $0x0  }
0x5a: {  	s18 =	rddreg [dreg:$0xa];
	[sflag:s17] =	ssyncadd.s32 $0xFFFFEC00  }
0x5b: {  	[spmem:s18] =	stream.linear.scatter [tilespmem:s24], [sflag:$0xB], $0x1400, $0x38;
	[tilespmem:$0x16620] =	vst v63  }
0x5c: {  	_ =	swait.ge [sflag:s17], $0x1400  }
0x5d: {  	[sflag:s17] =	ssyncset.done $0x0  }
0x5e: {  	s11 =	rddreg [dreg:$0xb];
	[sflag:s17] =	ssyncadd.s32 $0xFFFFEC00  }
0x5f: {  	[spmem:s11] =	stream.linear.scatter [tilespmem:s24], [sflag:$0xB], $0x1400, $0x38;
	[tilespmem:$0x16620] =	vst v63  }
0x60: {  	_ =	swait.ge [sflag:s17], $0x1400  }
0x61: {  	[sflag:s17] =	ssyncset.done $0x0  }
0x62: {  	[sflag:s17] =	ssyncadd.s32 $0xFFFFEC00  }
0x63: {  	[bflag:$0x0] =	sbarrier.arrive $0xFFFF  }
0x64: {  	_ =	swait.ge [sflag:s25], $0x1400  }
0x65: {  	[sflag:s25] =	ssyncset.done $0x0  }
0x66: {  	[sflag:s25] =	ssyncadd.s32 $0xFFFFEC00  }
0x67: {  	[spmem:s2] =	stream.indirect.scatter.add.f32 [tilespmem:s20], [sflag:$0x6], $0x40, s13, s19, $0xb8;
	[tilespmem:$0x16620] =	vst v63  }
0x68: {  	s12 =	simm.s32 $0xF0  }
0x69: {  	[tilespmem:s28], [sflag:$0x4] =	stream.indirect.gather [hbm4b:s4+s19], $0x40, s12, s19, $0xb8;
	[tilespmem:$0x16620] =	vst v63  }
0x6a: {  	_ =	swait.ge [sflag:s29], $0x1400  }
0x6b: {  	[sflag:s29] =	ssyncset.done $0x0  }
0x6c: {  	s13 =	simm.s32 $0x2760;
	[sflag:s29] =	ssyncadd.s32 $0xFFFFEC00  }
0x6d: {  	[spmem:s2] =	stream.indirect.scatter.add.f32 [tilespmem:s21], [sflag:$0x7], $0x40, s13, s19, $0xb8;
	[tilespmem:$0x16620] =	vst v63  }
0x6e: {  	s14 =	simm.s32 $0x140  }
0x6f: {  	[tilespmem:s1], [sflag:$0x5] =	stream.indirect.gather [hbm4b:s4+s19], $0x40, s14, s19, $0xb8;
	[tilespmem:$0x16620] =	vst v63  }
0x70: {  	_ =	swait.ge [sflag:s0], $0x1400  }
0x71: {  	[sflag:s0] =	ssyncset.done $0x0  }
0x72: {  	s18 =	simm.s32 $0x27B0;
	[sflag:s0] =	ssyncadd.s32 $0xFFFFEC00  }
0x73: {  	[spmem:s2] =	stream.indirect.scatter.add.f32 [tilespmem:s23], [sflag:$0x8], $0x40, s18, s19, $0xb8;
	[tilespmem:$0x16620] =	vst v63  }
0x74: {  	_ =	swait.ge [sflag:s26], $0x1400  }
0x75: {  	[sflag:s26] =	ssyncset.done $0x0  }
0x76: {  	s11 =	simm.s32 $0x190;
	[sflag:s26] =	ssyncadd.s32 $0xFFFFEC00  }
0x77: {  	[tilespmem:s20], [sflag:$0x1] =	stream.indirect.gather [hbm4b:s4+s19], $0x40, s11, s19, $0xb8;
	[tilespmem:$0x16620] =	vst v63  }
0x78: {  	_ =	swait.ge [sflag:s31], $0x1400  }
0x79: {  	[sflag:s31] =	ssyncset.done $0x0  }
0x7a: {  	s12 =	simm.s32 $0x2800;
	[sflag:s31] =	ssyncadd.s32 $0xFFFFEC00  }
0x7b: {  	[spmem:s2] =	stream.indirect.scatter.add.f32 [tilespmem:s28], [sflag:$0x9], $0x40, s12, s19, $0xb8;
	[tilespmem:$0x16620] =	vst v63  }
0x7c: {  	_ =	swait.ge [sflag:s30], $0x1400  }
0x7d: {  	[sflag:s30] =	ssyncset.done $0x0  }
0x7e: {  	s13 =	simm.s32 $0x1E0;
	[sflag:s30] =	ssyncadd.s32 $0xFFFFEC00  }
0x7f: {  	[tilespmem:s21], [sflag:$0x2] =	stream.indirect.gather [hbm4b:s4+s19], $0x40, s13, s19, $0xb8;
	[tilespmem:$0x16620] =	vst v63  }
0x80: {  	_ =	swait.ge [sflag:s22], $0x1400  }
0x81: {  	[sflag:s22] =	ssyncset.done $0x0  }
0x82: {  	s14 =	simm.s32 $0x2850;
	[sflag:s22] =	ssyncadd.s32 $0xFFFFEC00  }
0x83: {  	[spmem:s2] =	stream.indirect.scatter.add.f32 [tilespmem:s1], [sflag:$0xA], $0x40, s14, s19, $0xb8;
	[tilespmem:$0x16620] =	vst v63  }
0x84: {  	_ =	swait.ge [sflag:s5], $0x1400  }
0x85: {  	[sflag:s5] =	ssyncset.done $0x0  }
0x86: {  	s10 =	simm.s32 $0x0;
	s18 =	simm.s32 $0x230;
	[sflag:s5] =	ssyncadd.s32 $0xFFFFEC00  }
0x87: {  	[tilespmem:s23], [sflag:$0x3] =	stream.indirect.gather [hbm4b:s4+s19], $0x40, s18, s19, $0xb8;
	[tilespmem:$0x16620] =	vst v63  }
.LBB2_4:
0x88: {  	_ =	swait.ge [sflag:s25], $0x1400  }
0x89: {  	s11 =	sshra.s32 s10, $0x2;
	[sflag:s25] =	ssyncset.done $0x0  }
0x8a: {  	s12 =	sadd.s32 $0x28A0, s11;
	[sflag:s25] =	ssyncadd.s32 $0xFFFFEC00  }
0x8b: {  	[spmem:s2] =	stream.indirect.scatter.add.f32 [tilespmem:s20], [sflag:$0x6], $0x40, s12, s19, $0xb8;
	[tilespmem:$0x16620] =	vst v63  }
0x8c: {  	_ =	swait.ge [sflag:s6], $0x1400  }
0x8d: {  	[sflag:s6] =	ssyncset.done $0x0  }
0x8e: {  	s14 =	sadd.s32 $0x280, s11;
	[sflag:s6] =	ssyncadd.s32 $0xFFFFEC00  }
0x8f: {  	[tilespmem:s28], [sflag:$0x4] =	stream.indirect.gather [hbm4b:s4+s19], $0x40, s14, s19, $0xb8;
	[tilespmem:$0x16620] =	vst v63  }
0x90: {  	_ =	swait.ge [sflag:s29], $0x1400  }
0x91: {  	[sflag:s29] =	ssyncset.done $0x0  }
0x92: {  	s18 =	sadd.s32 $0x28F0, s11;
	[sflag:s29] =	ssyncadd.s32 $0xFFFFEC00  }
0x93: {  	[spmem:s2] =	stream.indirect.scatter.add.f32 [tilespmem:s21], [sflag:$0x7], $0x40, s18, s19, $0xb8;
	[tilespmem:$0x16620] =	vst v63  }
0x94: {  	_ =	swait.ge [sflag:s8], $0x1400  }
0x95: {  	[sflag:s8] =	ssyncset.done $0x0  }
0x96: {  	s13 =	sadd.s32 $0x2D0, s11;
	[sflag:s8] =	ssyncadd.s32 $0xFFFFEC00  }
0x97: {  	[tilespmem:s1], [sflag:$0x5] =	stream.indirect.gather [hbm4b:s4+s19], $0x40, s13, s19, $0xb8;
	[tilespmem:$0x16620] =	vst v63  }
0x98: {  	_ =	swait.ge [sflag:s0], $0x1400  }
0x99: {  	p0 =	seq.s32 s10, $0x8FC0;
	[sflag:s0] =	ssyncset.done $0x0  }
0x9a: {  	s12 =	simm.s32 @p0 $0x4;
	s14 =	sadd.s32 $0x2940, s11;
	[sflag:s0] =	ssyncadd.s32 $0xFFFFEC00  }
0x9b: {  	[spmem:s2] =	stream.indirect.scatter.add.f32 [tilespmem:s23], [sflag:$0x8], $0x40, s14, s19, $0xb8;
	[tilespmem:$0x16620] =	vst v63  }
0x9c: {  	_ =	swait.ge @p0 [sflag:s12], $0x1400  }
0x9d: {  	[sflag:s12] =	ssyncset.done @p0 $0x0  }
0x9e: {  	[sflag:s12] =	ssyncadd.s32 @p0 $0xFFFFEC00;
	s12 =	sshra.s32 @p0 s10, $0x2  }
0x9f: {  	s18 =	simm.s32 @p0 $0x8A20;
	s13 =	simm.s32 @p0 $0x50;
	s12 =	sadd.s32 @p0 $0x2990, s12  }
0xa0: {  	[spmem:s2] =	stream.indirect.scatter.add.f32 @p0 [tilespmem:s18], [sflag:$0x9], $0x40, s12, s13, $0xb8;
	[tilespmem:$0x16620] =	vst v63  }
0xa1: {  	s12 =	simm.s32 @!p0 $0x6  }
0xa2: {  	_ =	swait.ge @!p0 [sflag:s12], $0x1400  }
0xa3: {  	[sflag:s12] =	ssyncset.done @!p0 $0x0  }
0xa4: {  	[sflag:s12] =	ssyncadd.s32 @!p0 $0xFFFFEC00;
	s12 =	sshra.s32 @!p0 s10, $0x2  }
0xa5: {  	s14 =	simm.s32 @!p0 $0x4E20;
	s18 =	simm.s32 @!p0 $0x50;
	s13 =	sadd.s32 @!p0 $0x320, s12  }
0xa6: {  	[tilespmem:s14], [sflag:$0x1] =	stream.indirect.gather @!p0 [hbm4b:s4+s18], $0x40, s13, s18, $0xb8;
	[tilespmem:$0x16620] =	vst v63  }
0xa7: {  	s13 =	simm.s32 @!p0 $0x4  }
0xa8: {  	_ =	swait.ge @!p0 [sflag:s13], $0x1400  }
0xa9: {  	[sflag:s13] =	ssyncset.done @!p0 $0x0  }
0xaa: {  	s14 =	simm.s32 @!p0 $0x8A20;
	[sflag:s13] =	ssyncadd.s32 @!p0 $0xFFFFEC00;
	s13 =	sadd.s32 @!p0 $0x2990, s12  }
0xab: {  	[spmem:s2] =	stream.indirect.scatter.add.f32 @!p0 [tilespmem:s14], [sflag:$0x9], $0x40, s13, s18, $0xb8;
	[tilespmem:$0x16620] =	vst v63  }
0xac: {  	s13 =	simm.s32 @!p0 $0x7  }
0xad: {  	_ =	swait.ge @!p0 [sflag:s13], $0x1400  }
0xae: {  	[sflag:s13] =	ssyncset.done @!p0 $0x0  }
0xaf: {  	s12 =	sadd.s32 @!p0 $0x370, s12;
	[sflag:s13] =	ssyncadd.s32 @!p0 $0xFFFFEC00;
	s13 =	simm.s32 @!p0 $0x6220  }
0xb0: {  	[tilespmem:s13], [sflag:$0x2] =	stream.indirect.gather @!p0 [hbm4b:s4+s18], $0x40, s12, s18, $0xb8;
	[tilespmem:$0x16620] =	vst v63  }
.Ltmp3:
0xb1: {  	_ = 	snop;
	(pc) =	sbr.rel @p0 .LBB2_6-.Ltmp3, $4  }
0xb2: {  	_ =	swait.ge [sflag:s22], $0x1400  }
0xb3: {  	[sflag:s22] =	ssyncset.done $0x0  }
0xb4: {  	s18 =	sadd.s32 $0x29E0, s11;
	[sflag:s22] =	ssyncadd.s32 $0xFFFFEC00  }
0xb5: {  	[spmem:s2] =	stream.indirect.scatter.add.f32 [tilespmem:s1], [sflag:$0xA], $0x40, s18, s19, $0xb8;
	[tilespmem:$0x16620] =	vst v63  }
.Ltmp4:
0xb6: {  	(pc) =	sbr.rel .LBB2_4-.Ltmp4, $4  }
0xb7: {  	_ =	swait.ge [sflag:s5], $0x1400  }
0xb8: {  	[sflag:s5] =	ssyncset.done $0x0  }
0xb9: {  	s11 =	sadd.s32 $0x3C0, s11;
	s10 =	sadd.s32 $0x640, s10;
	[sflag:s5] =	ssyncadd.s32 $0xFFFFEC00  }
0xba: {  	[tilespmem:s23], [sflag:$0x3] =	stream.indirect.gather [hbm4b:s4+s19], $0x40, s11, s19, $0xb8;
	[tilespmem:$0x16620] =	vst v63  }
.LBB2_7:
0xbb: {  	_ =	sfence.sel $0x180000  }
0xbc: {  	[bflag:$0x0] =	sbarrier.arrive $0xFFFF  }
0xbd: {  	_ =	strace $0x9000004A  }
0xbe: {  	s0 =	stileid.u32;
	[bflag:$0x2] =	sbarrier.arrive $0xFFFF  }
0xbf: {  	p0 =	sne.s32 s0, $0x0;
	s0 =	rddreg [dreg:$0x2]  }
0xc0: {  	s0 =	sadd.s32 @!p0 $0x100000, s0  }
0xc1: {  	[sflag:s0] =	ssyncadd.tile.s32 @!p0 $0x1;
	_ =	shalt  }
.Lfunc_end2:
_tile_overlayer_lowered:
.L_overlay_start_2:
0xc2: {  	(tag) =	ssettag $0x2  }
0xc3: {  	s0 =	rddreg [dreg:$0x0];
	s2 =	stileid.u32  }
0xc4: {  	s1 =	rddreg [dreg:$0x1];
	p0 =	sne.s32 s2, $0x0  }
0xc5: {  	s3 =	rddreg [dreg:$0x2];
	[bflag:$0x3] =	sbarrier.arrive $0xFFFF;
	s2 =	simm.s32 @!p0 $0x1C0B  }
0xc6: {  	[timem:s3], [sflag:s2] =	dma.local @!p0 [hbm:s0], s1  }
0xc7: {  	s0 =	simm.s32 @!p0 $0xB  }
0xc8: {  	_ =	swait.ge @!p0 [sflag:s0], s1  }
0xc9: {  	s1 =	ssub.s32 @!p0 $0x0, s1;
	[sflag:s0] =	ssyncset.done @!p0 $0x0  }
0xca: {  	[sflag:s0] =	ssyncadd.s32 @!p0 s1  }
0xcb: {  	[bflag:$0x3] =	sbarrier.arrive $0xFFFF  }
0xcc: {  	_ =	shalt  }

// kernel: kernel.14.cloned.1.call-start
scs
__scs_entry_jumppad:
0x0: {  	(pc) =	sbr.rel $0x88, $3  }
0x1: {  	(tag) =	ssettag $0x0;
	lr =	simm.s32 $0x1  }
0x2: {  	[smem:$0x3F98] =	sst lr;
	_ =	strace $0xD0000000  }
0x3: {  	_ = 	snop  }
0x4: {  	_ = 	snop  }
0x5: {  	_ = 	snop  }
0x6: {  	_ = 	snop  }
0x7: {  	_ = 	snop  }
__scs_overlays_trampoline_lowered:
0x8: {  	[smem:$0x3FA7] =	sst s0  }
0x9: {  	[smem:$0x3FA8] =	sst s1  }
0xa: {  	[smem:$0x3FA9] =	sst s2  }
0xb: {  	[smem:$0x3FAA] =	sst s3  }
0xc: {  	[smem:$0x3FAB] =	sst s4  }
0xd: {  	[smem:$0x3FAC] =	sst s5  }
0xe: {  	[smem:$0x3FAD] =	sst s6  }
0xf: {  	[smem:$0x3FAE] =	sst s7  }
0x10: {  	[smem:$0x3FAF] =	sst s8  }
0x11: {  	[smem:$0x3FB0] =	sst s9;
	s0 =	simm.s32 @!p0 $0x0  }
0x12: {  	s1 =	sld [smem:$0x3F96];
	s0 =	simm.s32 @p0 $0x1  }
0x13: {  	[smem:$0x3FB1] =	sst s0;
	s0 =	simm.s32 @!p1 $0x0  }
0x14: {  	s2 =	sld [smem:$0x3F95];
	s0 =	simm.s32 @p1 $0x1  }
0x15: {  	[smem:$0x3FB2] =	sst s0;
	s0 =	simm.s32 @!p2 $0x0  }
0x16: {  	s3 =	sld [smem:$0x3FDB];
	s0 =	simm.s32 @p2 $0x1  }
0x17: {  	s4 =	simm.s32 $0x1BF5;
	[smem:$0x3FB4] =	sst s0  }
0x18: {  	s0 =	sld [smem:$0x3F97];
	_ =	swait.ge [sflag:s4], $0x0  }
0x19: {  	s7 =	sld [smem:$0x3F98]  }
0x1a: {  	s8 =	sadd.s32 $0xFFFFE003, lr  }
0x1b: {  	s9 =	sadd.s32 $0xFFFFFEF7, lr;
	s5 =	simm.s32 $0xFFFFFFFF;
	p2 =	slt.u32 s8, $0xFFFFF086  }
0x1c: {  	p1 =	slt.u32 s9, $0xF7A;
	s5 =	simm.s32 @!p2 $0x0  }
0x1d: {  	s5 =	simm.s32 @p1 $0x1;
	p0 =	seq.s32 s7, s2  }
0x1e: {  	s7 =	smul.u32 @!p0 $0xF7A, s2;
	p2 =	seq.s32 @!p0 s5, $0x0  }
0x1f: {  	s9 =	smul.u32 $0xF7A, s1;
	s8 =	simm.s32 @!p0 $0x1BF5;
	p2 =	por !p2, p0  }
0x20: {  	[sflag:s8] =	ssyncset.s32 @!p0 $0xFFFFF086;
	s6 =	sadd.s32 @!p0 s3, s7;
	s7 =	simm.s32 @!p0 $0x108  }
0x21: {  	s3 =	sadd.s32 s3, s9;
	s6 =	sadd.s32 @!p0 $0x88, s6;
	s7 =	simm.s32 @p2 $0x1082  }
0x22: {  	[simem:s7], [sflag:s8] =	dma.local @!p0 [hbm:s6], $0xF7A  }
0x23: {  	s9 =	sor.u32 $0xD0000000, s2;
	s6 =	simm.s32 $0x108;
	_ =	swait.ge @!p0 [sflag:s8], $0x0  }
0x24: {  	s3 =	sadd.s32 $0x88, s3;
	s6 =	simm.s32 @!p1 $0x1082;
	[sflag:s4] =	ssyncset.s32 $0xFFFFF086  }
0x25: {  	[simem:s6], [sflag:s4] =	dma.local [hbm:s3], $0xF7A  }
0x26: {  	[smem:$0x3F98] =	sst s1;
	(tag) =	ssettag s2;
	_ =	strace s9  }
0x27: {  	s1 =	sld [smem:$0x3FA8]  }
0x28: {  	s2 =	sld [smem:$0x3FA9]  }
0x29: {  	s4 =	sld [smem:$0x3FAB]  }
0x2a: {  	p0 =	seq.s32 s5, $0x0;
	s5 =	sld [smem:$0x3FAC]  }
0x2b: {  	s6 =	sld [smem:$0x3FAD]  }
0x2c: {  	s7 =	sld [smem:$0x3FAE]  }
0x2d: {  	s3 =	simm.s32 $0x108;
	s8 =	sld [smem:$0x3FAF]  }
0x2e: {  	s3 =	simm.s32 @!p0 $0x1082;
	s9 =	sld [smem:$0x3FB0]  }
0x2f: {  	lr =	sadd.s32 s0, s3;
	s0 =	sld [smem:$0x3FA7]  }
0x30: {  	s3 =	sld [smem:$0x3FAA]  }
0x31: {  	[smem:$0x3FB3] =	sst s10  }
0x32: {  	s10 =	sld [smem:$0x3FB1];
	_ =	sdelay $0x3  }
0x33: {  	p0 =	seq.s32 s10, $0x1;
	s10 =	sld [smem:$0x3FB3];
	_ =	sdelay $0x3  }
0x34: {  	[smem:$0x3FB3] =	sst s10  }
0x35: {  	s10 =	sld [smem:$0x3FB2];
	_ =	sdelay $0x3  }
0x36: {  	p1 =	seq.s32 s10, $0x1;
	s10 =	sld [smem:$0x3FB3];
	_ =	sdelay $0x3  }
0x37: {  	[smem:$0x3FB3] =	sst s10  }
0x38: {  	s10 =	sld [smem:$0x3FB4]  }
0x39: {  	_ = 	snop;
	(pc) =	sbr.ind lr, $3  }
0x3a: {  	_ = 	snop  }
0x3b: {  	_ = 	snop  }
0x3c: {  	p2 =	seq.s32 s10, $0x1;
	s10 =	sld [smem:$0x3FB3]  }
0x3d: {  	_ =	shalt  }
0x3e: {  	_ =	shalt  }
0x3f: {  	_ =	shalt  }
0x40: {  	_ =	shalt  }
0x41: {  	_ =	shalt  }
0x42: {  	_ =	shalt  }
0x43: {  	_ =	shalt  }
0x44: {  	_ =	shalt  }
0x45: {  	_ =	shalt  }
0x46: {  	_ =	shalt  }
0x47: {  	_ =	shalt  }
0x48: {  	_ =	shalt  }
0x49: {  	_ =	shalt  }
0x4a: {  	_ =	shalt  }
0x4b: {  	_ =	shalt  }
0x4c: {  	_ =	shalt  }
0x4d: {  	_ =	shalt  }
0x4e: {  	_ =	shalt  }
0x4f: {  	_ =	shalt  }
0x50: {  	_ =	shalt  }
0x51: {  	_ =	shalt  }
0x52: {  	_ =	shalt  }
0x53: {  	_ =	shalt  }
0x54: {  	_ =	shalt  }
0x55: {  	_ =	shalt  }
0x56: {  	_ =	shalt  }
0x57: {  	_ =	shalt  }
0x58: {  	_ =	shalt  }
0x59: {  	_ =	shalt  }
0x5a: {  	_ =	shalt  }
0x5b: {  	_ =	shalt  }
0x5c: {  	_ =	shalt  }
0x5d: {  	_ =	shalt  }
0x5e: {  	_ =	shalt  }
0x5f: {  	_ =	shalt  }
0x60: {  	_ =	shalt  }
0x61: {  	_ =	shalt  }
0x62: {  	_ =	shalt  }
0x63: {  	_ =	shalt  }
0x64: {  	_ =	shalt  }
0x65: {  	_ =	shalt  }
0x66: {  	_ =	shalt  }
0x67: {  	_ =	shalt  }
0x68: {  	_ =	shalt  }
0x69: {  	_ =	shalt  }
0x6a: {  	_ =	shalt  }
0x6b: {  	_ =	shalt  }
0x6c: {  	_ =	shalt  }
0x6d: {  	_ =	shalt  }
0x6e: {  	_ =	shalt  }
0x6f: {  	_ =	shalt  }
0x70: {  	_ =	shalt  }
0x71: {  	_ =	shalt  }
0x72: {  	_ =	shalt  }
0x73: {  	_ =	shalt  }
0x74: {  	_ =	shalt  }
0x75: {  	_ =	shalt  }
0x76: {  	_ =	shalt  }
0x77: {  	_ =	shalt  }
0x78: {  	_ =	shalt  }
0x79: {  	_ =	shalt  }
0x7a: {  	_ =	shalt  }
0x7b: {  	_ =	shalt  }
0x7c: {  	_ =	shalt  }
0x7d: {  	_ =	shalt  }
0x7e: {  	_ =	shalt  }
0x7f: {  	_ =	shalt  }
0x80: {  	_ =	shalt  }
0x81: {  	_ =	shalt  }
0x82: {  	_ =	shalt  }
0x83: {  	_ =	shalt  }
0x84: {  	_ =	shalt  }
0x85: {  	_ =	shalt  }
0x86: {  	_ =	shalt  }
0x87: {  	_ =	shalt  }
.Lfunc_end0:
.L_simem_size_0:
called_computation.2_lowered:
.L_overlay_start_0:
0x88: {  	s2 =	sld [smem:$0x3FD9]  }
0x89: {  	s3 =	sld [smem:$0x3FFE];
	_ =	sdelay $0x1  }
0x8a: {  	s1 =	srdreg.scid  }
0x8b: {  	s0 =	sand.u32 $0x1, s1  }
0x8c: {  	s16 =	sshll.u32 s0, $0xA;
	s2 =	sadd.s32 s3, s2  }
0x8d: {  	s2 =	sadd.s32 s2, s16  }
0x8e: {  	[smem:$0x3FBF] =	sst s2  }
0x8f: {  	_ = 	snop  }
0x90: {  	(tm) =	ssettm $0x1  }
0x91: {  	s17 =	sld [smem:$0x3FFB];
	_ =	sdelay $0x3  }
0x92: {  	_ =	strace s17  }
0x93: {  	s2 =	sld [smem:$0x3FFC];
	_ =	sdelay $0x3  }
0x94: {  	_ =	strace s2  }
0x95: {  	s2 =	sld [smem:$0x3FFD];
	_ =	sdelay $0x3  }
0x96: {  	_ =	strace s2  }
0x97: {  	_ =	strace $0x8FFFFFFF  }
0x98: {  	s18 =	sld [smem:$0x3FDB];
	_ =	sdelay $0x1  }
0x99: {  	s19 =	simm.s32 $_scs_section_size  }
0x9a: {  	s4 =	simm.s32 $_size__tile_overlayer_lowered;
	s5 =	simm.s32 $_tile_overlayer_lowered  }
0x9b: {  	s22 =	simm.s32 $0x1BFF;
	s21 =	sshll.u32 s5, $0x1;
	s2 =	sadd.s32 s19, s18  }
0x9c: {  	s6 =	simm.s32 $0x0;
	s20 =	sshll.u32 s4, $0x1;
	s4 =	sadd.s32 s21, s2  }
0x9d: {  	[timem:s6], [sflag:s22] =	dma.local [hbm:s4], s20  }
0x9e: {  	_ =	swait.ge [sflag:s22], s20  }
0x9f: {  	s3 =	ssub.s32 $0x0, s20;
	[sflag:s22] =	ssyncset.done $0x0  }
0xa0: {  	[sflag:s22] =	ssyncadd.s32 s3;
	_ =	sdelay $0x1  }
0xa1: {  	s23 =	simm.s32 $0x1B8B  }
0xa2: {  	_ =	swait.ge [sflag:s23], $0x1  }
0xa3: {  	[sflag:s23] =	ssyncset.done $0x0  }
0xa4: {  	s25 =	simm.s32 $0x1B8E;
	s24 =	sld [smem:$0x3FFE];
	[sflag:s23] =	ssyncadd.s32 $0xFFFFFFFF  }
0xa5: {  	s26 =	simm.s32 $execute0_lowered;
	[smem:$0x3FD2] =	sst s25  }
0xa6: {  	s4 =	sshll.u32 s26, $0x1;
	_ =	strace $0x8000004C;
	[dreg:$0x1] =	wrdreg $0xFFFFFFFF  }
0xa7: {  	s28 =	simm.s32 $_size_execute0_lowered;
	s2 =	sadd.s32 s2, s4;
	[dreg:$0x0] =	wrdreg $0x0  }
0xa8: {  	s4 =	sshll.u32 s28, $0x1;
	[dreg:$0x2] =	wrdreg s2  }
0xa9: {  	[dreg:$0x3] =	wrdreg s4  }
0xaa: {  	[dreg:$0x4] =	wrdreg $0xC0  }
0xab: {  	_ =	task [dreg:s6], $0x5FFFF  }
0xac: {  	[dreg:$0x1] =	wrdreg $0xFFFFFFFF  }
0xad: {  	[dreg:$0x0] =	wrdreg $0x60  }
0xae: {  	[dreg:$0x2] =	wrdreg s24  }
0xaf: {  	[dreg:$0x3] =	wrdreg $0xC6200  }
0xb0: {  	[dreg:$0x4] =	wrdreg $0x9  }
0xb1: {  	_ =	task.clear_ibuf [dreg:s6], $0x5FFFF;
	_ =	strace $0x9000004C  }
0xb2: {  	s29 =	simm.s32 $0x9;
	_ =	strace $0x8000004E  }
0xb3: {  	_ =	swait.ge [sflag:s29], $0x1  }
0xb4: {  	[sflag:s29] =	ssyncadd.s32 $0xFFFFFFFF  }
0xb5: {  	_ =	strace $0x9000004E  }
0xb6: {  	_ =	sfence  }
0xb7: {  	s30 =	sld [smem:$0x0];
	_ =	sdelay $0x2  }
0xb8: {  	s31 =	sshll.u32 s1, $0xD;
	s1 =	sshrl.u32 s1, $0x2  }
0xb9: {  	s3 =	sand.u32 $0x4000, s31;
	s1 =	sadd.s32 s1, s30  }
0xba: {  	s0 =	sor.u32 s3, s0;
	s1 =	sshll.u32 s1, $0x11  }
0xbb: {  	s0 =	sor.u32 s1, s0  }
0xbc: {  	s0 =	sadd.s32 $0x8F2B, s0  }
0xbd: {  	[sflag:s0] =	ssyncadd.remote.s32 $0x1  }
0xbe: {  	_ =	sfence.sel $0xFFFF  }
0xbf: {  	[dreg:$0x0] =	wrdreg $0xFFFFFFFF;
	(pc) =	sbr.abs _section_cstart, $3  }
0xc0: {  	[dreg:$0x1] =	wrdreg $0xFFFFFFFF  }
0xc1: {  	_ =	task.clear_ibuf [dreg:s6], $0x2FFFF;
	_ =	strace $0x9FFFFFFF  }
0xc2: {  	(tm) =	ssettm $0x7FFFFFFF  }
0xc3: {  	_ =	shalt  }
tec
execute0_lowered:
.L_overlay_start_1:
0x0: {  	(tag) =	ssettag $0x1  }
0x1: {  	s0 =	srdreg.scid;
	s5 =	rddreg [dreg:$0x0]  }
0x2: {  	s8 =	stileid.u32;
	s2 =	rddreg [dreg:$0x1]  }
0x3: {  	s3 =	simm.s32 $0x0;
	s17 =	simm.s32 $0xB;
	s13 =	simm.s32 $0x2710  }
0x4: {  	s28 =	simm.s32 $0x8A20;
	s29 =	simm.s32 $0x2;
	s31 =	simm.s32 $0x4  }
0x5: {  	s30 =	simm.s32 $0x7;
	s9 =	simm.s32 $0x0;
	s0 =	sand.u32 $0x1, s0  }
0x6: {  	s6 =	smul.u32 $0xA000, s8;
	[smem:$0x7FF] =	sst s3;
	s4 =	sadd.s32 $0x16A00, s5  }
0x7: {  	s1 =	sshll.u32 s0, $0x4;
	s7 =	smul.u32 $0xA0000, s0;
	_ =	strace $0x8000004D  }
0x8: {  	s0 =	ssub.s32 $0x2, s0;
	s1 =	sor.u32 s8, s1;
	s8 =	smul.u32 $0x28000, s8  }
0x9: {  	s18 =	sshrl.u32 s0, $0x1;
	s1 =	smul.u32 $0x2710, s1;
	s7 =	sadd.s32 s6, s7  }
0xa: {  	s0 =	ssub.s32 s0, s18;
	s7 =	sshrl.u32 s7, $0x3;
	s8 =	sshrl.u32 s8, $0x2  }
0xb: {  	s16 =	smax.u32 s0, $0x1;
	s0 =	simm.s32 $0x3;
	s20 =	sadd.s32 s8, s2  }
0xc: {  	s1 =	sshrl.u32 s1, $0x3;
	s8 =	simm.s32 $0xA;
	s21 =	sadd.s32 $0x1400, s20  }
0xd: {  	s1 =	sadd.s32 s1, s5;
	s22 =	sadd.s32 $0x2800, s20;
	[dreg:$0x5] =	wrdreg s21  }
0xe: {  	s5 =	sadd.s32 s7, s5;
	s23 =	sadd.s32 $0x3C00, s20;
	[dreg:$0x6] =	wrdreg s22  }
0xf: {  	s7 =	sadd.s32 s6, s2;
	s24 =	sadd.s32 $0x5000, s20;
	[dreg:$0x7] =	wrdreg s23  }
0x10: {  	s25 =	sadd.s32 $0x6400, s20;
	s26 =	sadd.s32 $0x7800, s20;
	[dreg:$0x8] =	wrdreg s24  }
0x11: {  	s6 =	simm.s32 $0x9;
	s19 =	sadd.s32 $0x3000, s1;
	[dreg:$0x9] =	wrdreg s25  }
0x12: {  	s1 =	sadd.s32 $0xCC40, s1;
	[dreg:$0xa] =	wrdreg s26;
	s15 =	sadd.s32 $0x2A400, s5  }
.Ltmp0:
0x13: {  	s21 =	simm.s32 $0x6220;
	s23 =	simm.s32 $0x7620;
	(pc) =	sbr.rel .LBB2_1-.Ltmp0, $4  }
0x14: {  	s24 =	simm.s32 $0xB220;
	s25 =	simm.s32 $0x1;
	s26 =	simm.s32 $0x6  }
0x15: {  	s22 =	simm.s32 $0x5;
	s5 =	simm.s32 $0x8;
	[dreg:$0x3] =	wrdreg s19  }
0x16: {  	[dreg:$0x4] =	wrdreg s1;
	s1 =	sadd.s32 $0x8C00, s20;
	s19 =	simm.s32 $0x50  }
0x17: {  	v0 =	vimm.f32 $0.0e+00;
	s20 =	simm.s32 $0x4E20;
	[dreg:$0xb] =	wrdreg s1;
	s1 =	simm.s32 $0x9E20  }
.LBB2_6:
0x18: {  	_ =	swait.ge [sflag:s26], $0x1400  }
0x19: {  	[sflag:s26] =	ssyncset.done $0x0  }
0x1a: {  	[sflag:s26] =	ssyncadd.s32 $0xFFFFEC00  }
0x1b: {  	_ =	swait.ge [sflag:s30], $0x1400  }
0x1c: {  	[sflag:s30] =	ssyncset.done $0x0  }
0x1d: {  	[sflag:s30] =	ssyncadd.s32 $0xFFFFEC00  }
0x1e: {  	_ =	swait.ge [sflag:s5], $0x1400  }
0x1f: {  	[sflag:s5] =	ssyncset.done $0x0  }
0x20: {  	[sflag:s5] =	ssyncadd.s32 $0xFFFFEC00  }
0x21: {  	_ =	swait.ge [sflag:s6], $0x1400  }
0x22: {  	[sflag:s6] =	ssyncset.done $0x0  }
0x23: {  	[sflag:s6] =	ssyncadd.s32 $0xFFFFEC00  }
0x24: {  	s10 =	stileid.u32;
	_ =	swait.ge [sflag:s8], $0x1400  }
0x25: {  	s11 =	sshrl.u32 s7, $0x3;
	s9 =	sadd.s32 $0x1, s9;
	[sflag:s8] =	ssyncset.done $0x0  }
0x26: {  	s10 =	sshll.u32 s10, $0x6;
	p0 =	sne.s32 s9, s16;
	[sflag:s8] =	ssyncadd.s32 $0xFFFFEC00  }
.Ltmp1:
0x27: {  	s10 =	sor.u32 $0x1C0B, s10;
	[bflag:$0x0] =	sbarrier.arrive $0xFFFF;
	(pc) =	sbr.rel @!p0 .LBB2_7-.Ltmp1, $4  }
0x28: {  	[hbm:s15], [sflag:s10] =	dma.local [spmem:s11], $0x1400  }
0x29: {  	_ =	swait.ge [sflag:s17], $0x1400  }
0x2a: {  	[sflag:s17] =	ssyncset.done $0x0  }
0x2b: {  	s13 =	simm.s32 $0x2710;
	[sflag:s17] =	ssyncadd.s32 $0xFFFFEC00  }
.LBB2_1:
0x2c: {  	s10 =	rddreg [dreg:$0x3]  }
0x2d: {  	[tilespmem:s3], [sflag:$0xB] =	stream.linear.gather [hbm4b:s10+s3], $0x2710, $0x38;
	[tilespmem:$0x16620] =	vst v63  }
0x2e: {  	_ =	swait.ge [sflag:s17], $0x2710  }
0x2f: {  	[sflag:s17] =	ssyncset.done $0x0  }
0x30: {  	s14 =	rddreg [dreg:$0x4];
	[sflag:s17] =	ssyncadd.s32 $0xFFFFD8F0  }
0x31: {  	[tilespmem:s13], [sflag:$0xB] =	stream.linear.gather [hbm4b:s14+s3], $0x2710, $0x38;
	[tilespmem:$0x16620] =	vst v63  }
0x32: {  	_ =	swait.ge [sflag:s17], $0x2710  }
0x33: {  	[sflag:s17] =	ssyncset.done $0x0  }
0x34: {  	[sflag:s17] =	ssyncadd.s32 $0xFFFFD8F0  }
0x35: {  	[tilespmem:s20], [sflag:$0x1] =	stream.indirect.gather [hbm4b:s4+s19], $0x40, s3, s19, $0xb8;
	[tilespmem:$0x16620] =	vst v63  }
0x36: {  	_ = 	snop  }
0x37: {  	[tilespmem:s21], [sflag:$0x2] =	stream.indirect.gather [hbm4b:s4+s19], $0x40, s19, s19, $0xb8;
	[tilespmem:$0x16620] =	vst v63  }
0x38: {  	s18 =	simm.s32 $0xA0;
	s11 =	simm.s32 $0x100;
	s10 =	simm.s32 $0x0  }
0x39: {  	[tilespmem:s23], [sflag:$0x3] =	stream.indirect.gather [hbm4b:s4+s19], $0x40, s18, s19, $0xb8;
	[tilespmem:$0x16620] =	vst v63  }
.LBB2_2:
0x3a: {  	p0 =	sne.s32 s11, $0x4F00;
	[tilespmem:s10+$0xB250] =	vst v0;
	s12 =	smov.u32 s11;
	s11 =	sadd.s32 $0x100, s11  }
.Ltmp2:
0x3b: {  	[tilespmem:s10+$0xB240] =	vst v0;
	(pc) =	sbr.rel @p0 .LBB2_2-.Ltmp2, $3  }
0x3c: {  	[tilespmem:s10+$0xB220] =	vst v0  }
0x3d: {  	[tilespmem:s10+$0xB230] =	vst v0;
	_ =	sdelay $0x1  }
0x3e: {  	s10 =	sshra.s32 s12, $0x2  }
0x3f: {  	[tilespmem:s10+$0xB250] =	vst v0  }
0x40: {  	[tilespmem:s10+$0xB240] =	vst v0  }
0x41: {  	[tilespmem:s10+$0xB220] =	vst v0  }
0x42: {  	[tilespmem:s10+$0xB230] =	vst v0  }
0x43: {  	[spmem:s7] =	stream.linear.scatter [tilespmem:s24], [sflag:$0xB], $0x1400, $0x38;
	[tilespmem:$0x16620] =	vst v63  }
0x44: {  	_ =	swait.ge [sflag:s17], $0x1400  }
0x45: {  	[sflag:s17] =	ssyncset.done $0x0  }
0x46: {  	s14 =	rddreg [dreg:$0x5];
	[sflag:s17] =	ssyncadd.s32 $0xFFFFEC00  }
0x47: {  	[spmem:s14] =	stream.linear.scatter [tilespmem:s24], [sflag:$0xB], $0x1400, $0x38;
	[tilespmem:$0x16620] =	vst v63  }
0x48: {  	_ =	swait.ge [sflag:s17], $0x1400  }
0x49: {  	[sflag:s17] =	ssyncset.done $0x0  }
0x4a: {  	s18 =	rddreg [dreg:$0x6];
	[sflag:s17] =	ssyncadd.s32 $0xFFFFEC00  }
0x4b: {  	[spmem:s18] =	stream.linear.scatter [tilespmem:s24], [sflag:$0xB], $0x1400, $0x38;
	[tilespmem:$0x16620] =	vst v63  }
0x4c: {  	_ =	swait.ge [sflag:s17], $0x1400  }
0x4d: {  	[sflag:s17] =	ssyncset.done $0x0  }
0x4e: {  	s11 =	rddreg [dreg:$0x7];
	[sflag:s17] =	ssyncadd.s32 $0xFFFFEC00  }
0x4f: {  	[spmem:s11] =	stream.linear.scatter [tilespmem:s24], [sflag:$0xB], $0x1400, $0x38;
	[tilespmem:$0x16620] =	vst v63  }
0x50: {  	_ =	swait.ge [sflag:s17], $0x1400  }
0x51: {  	[sflag:s17] =	ssyncset.done $0x0  }
0x52: {  	s12 =	rddreg [dreg:$0x8];
	[sflag:s17] =	ssyncadd.s32 $0xFFFFEC00  }
0x53: {  	[spmem:s12] =	stream.linear.scatter [tilespmem:s24], [sflag:$0xB], $0x1400, $0x38;
	[tilespmem:$0x16620] =	vst v63  }
0x54: {  	_ =	swait.ge [sflag:s17], $0x1400  }
0x55: {  	[sflag:s17] =	ssyncset.done $0x0  }
0x56: {  	s14 =	rddreg [dreg:$0x9];
	[sflag:s17] =	ssyncadd.s32 $0xFFFFEC00  }
0x57: {  	[spmem:s14] =	stream.linear.scatter [tilespmem:s24], [sflag:$0xB], $0x1400, $0x38;
	[tilespmem:$0x16620] =	vst v63  }
0x58: {  	_ =	swait.ge [sflag:s17], $0x1400  }
0x59: {  	[sflag:s17] =	ssyncset.done $0x0  }
0x5a: {  	s18 =	rddreg [dreg:$0xa];
	[sflag:s17] =	ssyncadd.s32 $0xFFFFEC00  }
0x5b: {  	[spmem:s18] =	stream.linear.scatter [tilespmem:s24], [sflag:$0xB], $0x1400, $0x38;
	[tilespmem:$0x16620] =	vst v63  }
0x5c: {  	_ =	swait.ge [sflag:s17], $0x1400  }
0x5d: {  	[sflag:s17] =	ssyncset.done $0x0  }
0x5e: {  	s11 =	rddreg [dreg:$0xb];
	[sflag:s17] =	ssyncadd.s32 $0xFFFFEC00  }
0x5f: {  	[spmem:s11] =	stream.linear.scatter [tilespmem:s24], [sflag:$0xB], $0x1400, $0x38;
	[tilespmem:$0x16620] =	vst v63  }
0x60: {  	_ =	swait.ge [sflag:s17], $0x1400  }
0x61: {  	[sflag:s17] =	ssyncset.done $0x0  }
0x62: {  	[sflag:s17] =	ssyncadd.s32 $0xFFFFEC00  }
0x63: {  	[bflag:$0x0] =	sbarrier.arrive $0xFFFF  }
0x64: {  	_ =	swait.ge [sflag:s25], $0x1400  }
0x65: {  	[sflag:s25] =	ssyncset.done $0x0  }
0x66: {  	[sflag:s25] =	ssyncadd.s32 $0xFFFFEC00  }
0x67: {  	[spmem:s2] =	stream.indirect.scatter.add.f32 [tilespmem:s20], [sflag:$0x6], $0x40, s13, s19, $0xb8;
	[tilespmem:$0x16620] =	vst v63  }
0x68: {  	s12 =	simm.s32 $0xF0  }
0x69: {  	[tilespmem:s28], [sflag:$0x4] =	stream.indirect.gather [hbm4b:s4+s19], $0x40, s12, s19, $0xb8;
	[tilespmem:$0x16620] =	vst v63  }
0x6a: {  	_ =	swait.ge [sflag:s29], $0x1400  }
0x6b: {  	[sflag:s29] =	ssyncset.done $0x0  }
0x6c: {  	s13 =	simm.s32 $0x2760;
	[sflag:s29] =	ssyncadd.s32 $0xFFFFEC00  }
0x6d: {  	[spmem:s2] =	stream.indirect.scatter.add.f32 [tilespmem:s21], [sflag:$0x7], $0x40, s13, s19, $0xb8;
	[tilespmem:$0x16620] =	vst v63  }
0x6e: {  	s14 =	simm.s32 $0x140  }
0x6f: {  	[tilespmem:s1], [sflag:$0x5] =	stream.indirect.gather [hbm4b:s4+s19], $0x40, s14, s19, $0xb8;
	[tilespmem:$0x16620] =	vst v63  }
0x70: {  	_ =	swait.ge [sflag:s0], $0x1400  }
0x71: {  	[sflag:s0] =	ssyncset.done $0x0  }
0x72: {  	s18 =	simm.s32 $0x27B0;
	[sflag:s0] =	ssyncadd.s32 $0xFFFFEC00  }
0x73: {  	[spmem:s2] =	stream.indirect.scatter.add.f32 [tilespmem:s23], [sflag:$0x8], $0x40, s18, s19, $0xb8;
	[tilespmem:$0x16620] =	vst v63  }
0x74: {  	_ =	swait.ge [sflag:s26], $0x1400  }
0x75: {  	[sflag:s26] =	ssyncset.done $0x0  }
0x76: {  	s11 =	simm.s32 $0x190;
	[sflag:s26] =	ssyncadd.s32 $0xFFFFEC00  }
0x77: {  	[tilespmem:s20], [sflag:$0x1] =	stream.indirect.gather [hbm4b:s4+s19], $0x40, s11, s19, $0xb8;
	[tilespmem:$0x16620] =	vst v63  }
0x78: {  	_ =	swait.ge [sflag:s31], $0x1400  }
0x79: {  	[sflag:s31] =	ssyncset.done $0x0  }
0x7a: {  	s12 =	simm.s32 $0x2800;
	[sflag:s31] =	ssyncadd.s32 $0xFFFFEC00  }
0x7b: {  	[spmem:s2] =	stream.indirect.scatter.add.f32 [tilespmem:s28], [sflag:$0x9], $0x40, s12, s19, $0xb8;
	[tilespmem:$0x16620] =	vst v63  }
0x7c: {  	_ =	swait.ge [sflag:s30], $0x1400  }
0x7d: {  	[sflag:s30] =	ssyncset.done $0x0  }
0x7e: {  	s13 =	simm.s32 $0x1E0;
	[sflag:s30] =	ssyncadd.s32 $0xFFFFEC00  }
0x7f: {  	[tilespmem:s21], [sflag:$0x2] =	stream.indirect.gather [hbm4b:s4+s19], $0x40, s13, s19, $0xb8;
	[tilespmem:$0x16620] =	vst v63  }
0x80: {  	_ =	swait.ge [sflag:s22], $0x1400  }
0x81: {  	[sflag:s22] =	ssyncset.done $0x0  }
0x82: {  	s14 =	simm.s32 $0x2850;
	[sflag:s22] =	ssyncadd.s32 $0xFFFFEC00  }
0x83: {  	[spmem:s2] =	stream.indirect.scatter.add.f32 [tilespmem:s1], [sflag:$0xA], $0x40, s14, s19, $0xb8;
	[tilespmem:$0x16620] =	vst v63  }
0x84: {  	_ =	swait.ge [sflag:s5], $0x1400  }
0x85: {  	[sflag:s5] =	ssyncset.done $0x0  }
0x86: {  	s10 =	simm.s32 $0x0;
	s18 =	simm.s32 $0x230;
	[sflag:s5] =	ssyncadd.s32 $0xFFFFEC00  }
0x87: {  	[tilespmem:s23], [sflag:$0x3] =	stream.indirect.gather [hbm4b:s4+s19], $0x40, s18, s19, $0xb8;
	[tilespmem:$0x16620] =	vst v63  }
.LBB2_4:
0x88: {  	_ =	swait.ge [sflag:s25], $0x1400  }
0x89: {  	s11 =	sshra.s32 s10, $0x2;
	[sflag:s25] =	ssyncset.done $0x0  }
0x8a: {  	s12 =	sadd.s32 $0x28A0, s11;
	[sflag:s25] =	ssyncadd.s32 $0xFFFFEC00  }
0x8b: {  	[spmem:s2] =	stream.indirect.scatter.add.f32 [tilespmem:s20], [sflag:$0x6], $0x40, s12, s19, $0xb8;
	[tilespmem:$0x16620] =	vst v63  }
0x8c: {  	_ =	swait.ge [sflag:s6], $0x1400  }
0x8d: {  	[sflag:s6] =	ssyncset.done $0x0  }
0x8e: {  	s14 =	sadd.s32 $0x280, s11;
	[sflag:s6] =	ssyncadd.s32 $0xFFFFEC00  }
0x8f: {  	[tilespmem:s28], [sflag:$0x4] =	stream.indirect.gather [hbm4b:s4+s19], $0x40, s14, s19, $0xb8;
	[tilespmem:$0x16620] =	vst v63  }
0x90: {  	_ =	swait.ge [sflag:s29], $0x1400  }
0x91: {  	[sflag:s29] =	ssyncset.done $0x0  }
0x92: {  	s18 =	sadd.s32 $0x28F0, s11;
	[sflag:s29] =	ssyncadd.s32 $0xFFFFEC00  }
0x93: {  	[spmem:s2] =	stream.indirect.scatter.add.f32 [tilespmem:s21], [sflag:$0x7], $0x40, s18, s19, $0xb8;
	[tilespmem:$0x16620] =	vst v63  }
0x94: {  	_ =	swait.ge [sflag:s8], $0x1400  }
0x95: {  	[sflag:s8] =	ssyncset.done $0x0  }
0x96: {  	s13 =	sadd.s32 $0x2D0, s11;
	[sflag:s8] =	ssyncadd.s32 $0xFFFFEC00  }
0x97: {  	[tilespmem:s1], [sflag:$0x5] =	stream.indirect.gather [hbm4b:s4+s19], $0x40, s13, s19, $0xb8;
	[tilespmem:$0x16620] =	vst v63  }
0x98: {  	_ =	swait.ge [sflag:s0], $0x1400  }
0x99: {  	p0 =	seq.s32 s10, $0x8FC0;
	[sflag:s0] =	ssyncset.done $0x0  }
0x9a: {  	s12 =	simm.s32 @p0 $0x4;
	s14 =	sadd.s32 $0x2940, s11;
	[sflag:s0] =	ssyncadd.s32 $0xFFFFEC00  }
0x9b: {  	[spmem:s2] =	stream.indirect.scatter.add.f32 [tilespmem:s23], [sflag:$0x8], $0x40, s14, s19, $0xb8;
	[tilespmem:$0x16620] =	vst v63  }
0x9c: {  	_ =	swait.ge @p0 [sflag:s12], $0x1400  }
0x9d: {  	[sflag:s12] =	ssyncset.done @p0 $0x0  }
0x9e: {  	[sflag:s12] =	ssyncadd.s32 @p0 $0xFFFFEC00;
	s12 =	sshra.s32 @p0 s10, $0x2  }
0x9f: {  	s18 =	simm.s32 @p0 $0x8A20;
	s13 =	simm.s32 @p0 $0x50;
	s12 =	sadd.s32 @p0 $0x2990, s12  }
0xa0: {  	[spmem:s2] =	stream.indirect.scatter.add.f32 @p0 [tilespmem:s18], [sflag:$0x9], $0x40, s12, s13, $0xb8;
	[tilespmem:$0x16620] =	vst v63  }
0xa1: {  	s12 =	simm.s32 @!p0 $0x6  }
0xa2: {  	_ =	swait.ge @!p0 [sflag:s12], $0x1400  }
0xa3: {  	[sflag:s12] =	ssyncset.done @!p0 $0x0  }
0xa4: {  	[sflag:s12] =	ssyncadd.s32 @!p0 $0xFFFFEC00;
	s12 =	sshra.s32 @!p0 s10, $0x2  }
0xa5: {  	s14 =	simm.s32 @!p0 $0x4E20;
	s18 =	simm.s32 @!p0 $0x50;
	s13 =	sadd.s32 @!p0 $0x320, s12  }
0xa6: {  	[tilespmem:s14], [sflag:$0x1] =	stream.indirect.gather @!p0 [hbm4b:s4+s18], $0x40, s13, s18, $0xb8;
	[tilespmem:$0x16620] =	vst v63  }
0xa7: {  	s13 =	simm.s32 @!p0 $0x4  }
0xa8: {  	_ =	swait.ge @!p0 [sflag:s13], $0x1400  }
0xa9: {  	[sflag:s13] =	ssyncset.done @!p0 $0x0  }
0xaa: {  	s14 =	simm.s32 @!p0 $0x8A20;
	[sflag:s13] =	ssyncadd.s32 @!p0 $0xFFFFEC00;
	s13 =	sadd.s32 @!p0 $0x2990, s12  }
0xab: {  	[spmem:s2] =	stream.indirect.scatter.add.f32 @!p0 [tilespmem:s14], [sflag:$0x9], $0x40, s13, s18, $0xb8;
	[tilespmem:$0x16620] =	vst v63  }
0xac: {  	s13 =	simm.s32 @!p0 $0x7  }
0xad: {  	_ =	swait.ge @!p0 [sflag:s13], $0x1400  }
0xae: {  	[sflag:s13] =	ssyncset.done @!p0 $0x0  }
0xaf: {  	s12 =	sadd.s32 @!p0 $0x370, s12;
	[sflag:s13] =	ssyncadd.s32 @!p0 $0xFFFFEC00;
	s13 =	simm.s32 @!p0 $0x6220  }
0xb0: {  	[tilespmem:s13], [sflag:$0x2] =	stream.indirect.gather @!p0 [hbm4b:s4+s18], $0x40, s12, s18, $0xb8;
	[tilespmem:$0x16620] =	vst v63  }
.Ltmp3:
0xb1: {  	_ = 	snop;
	(pc) =	sbr.rel @p0 .LBB2_6-.Ltmp3, $4  }
0xb2: {  	_ =	swait.ge [sflag:s22], $0x1400  }
0xb3: {  	[sflag:s22] =	ssyncset.done $0x0  }
0xb4: {  	s18 =	sadd.s32 $0x29E0, s11;
	[sflag:s22] =	ssyncadd.s32 $0xFFFFEC00  }
0xb5: {  	[spmem:s2] =	stream.indirect.scatter.add.f32 [tilespmem:s1], [sflag:$0xA], $0x40, s18, s19, $0xb8;
	[tilespmem:$0x16620] =	vst v63  }
.Ltmp4:
0xb6: {  	(pc) =	sbr.rel .LBB2_4-.Ltmp4, $4  }
0xb7: {  	_ =	swait.ge [sflag:s5], $0x1400  }
0xb8: {  	[sflag:s5] =	ssyncset.done $0x0  }
0xb9: {  	s11 =	sadd.s32 $0x3C0, s11;
	s10 =	sadd.s32 $0x640, s10;
	[sflag:s5] =	ssyncadd.s32 $0xFFFFEC00  }
0xba: {  	[tilespmem:s23], [sflag:$0x3] =	stream.indirect.gather [hbm4b:s4+s19], $0x40, s11, s19, $0xb8;
	[tilespmem:$0x16620] =	vst v63  }
.LBB2_7:
0xbb: {  	_ =	sfence.sel $0x180000  }
0xbc: {  	[bflag:$0x0] =	sbarrier.arrive $0xFFFF  }
0xbd: {  	_ =	strace $0x9000004D  }
0xbe: {  	s0 =	stileid.u32;
	[bflag:$0x2] =	sbarrier.arrive $0xFFFF  }
0xbf: {  	p0 =	sne.s32 s0, $0x0;
	s0 =	rddreg [dreg:$0x2]  }
0xc0: {  	s0 =	sadd.s32 @!p0 $0x100000, s0  }
0xc1: {  	[sflag:s0] =	ssyncadd.tile.s32 @!p0 $0x1;
	_ =	shalt  }
.Lfunc_end2:
_tile_overlayer_lowered:
.L_overlay_start_2:
0xc2: {  	(tag) =	ssettag $0x2  }
0xc3: {  	s0 =	rddreg [dreg:$0x0];
	s2 =	stileid.u32  }
0xc4: {  	s1 =	rddreg [dreg:$0x1];
	p0 =	sne.s32 s2, $0x0  }
0xc5: {  	s3 =	rddreg [dreg:$0x2];
	[bflag:$0x3] =	sbarrier.arrive $0xFFFF;
	s2 =	simm.s32 @!p0 $0x1C0B  }
0xc6: {  	[timem:s3], [sflag:s2] =	dma.local @!p0 [hbm:s0], s1  }
0xc7: {  	s0 =	simm.s32 @!p0 $0xB  }
0xc8: {  	_ =	swait.ge @!p0 [sflag:s0], s1  }
0xc9: {  	s1 =	ssub.s32 @!p0 $0x0, s1;
	[sflag:s0] =	ssyncset.done @!p0 $0x0  }
0xca: {  	[sflag:s0] =	ssyncadd.s32 @!p0 s1  }
0xcb: {  	[bflag:$0x3] =	sbarrier.arrive $0xFFFF  }
0xcc: {  	_ =	shalt  }

// kernel: kernel.8.cloned.1.call-start
scs
__scs_entry_jumppad:
0x0: {  	(pc) =	sbr.rel $0x88, $3  }
0x1: {  	(tag) =	ssettag $0x0;
	lr =	simm.s32 $0x1  }
0x2: {  	[smem:$0x3F98] =	sst lr;
	_ =	strace $0xD0000000  }
0x3: {  	_ = 	snop  }
0x4: {  	_ = 	snop  }
0x5: {  	_ = 	snop  }
0x6: {  	_ = 	snop  }
0x7: {  	_ = 	snop  }
__scs_overlays_trampoline_lowered:
0x8: {  	[smem:$0x3FA7] =	sst s0  }
0x9: {  	[smem:$0x3FA8] =	sst s1  }
0xa: {  	[smem:$0x3FA9] =	sst s2  }
0xb: {  	[smem:$0x3FAA] =	sst s3  }
0xc: {  	[smem:$0x3FAB] =	sst s4  }
0xd: {  	[smem:$0x3FAC] =	sst s5  }
0xe: {  	[smem:$0x3FAD] =	sst s6  }
0xf: {  	[smem:$0x3FAE] =	sst s7  }
0x10: {  	[smem:$0x3FAF] =	sst s8  }
0x11: {  	[smem:$0x3FB0] =	sst s9;
	s0 =	simm.s32 @!p0 $0x0  }
0x12: {  	s1 =	sld [smem:$0x3F96];
	s0 =	simm.s32 @p0 $0x1  }
0x13: {  	[smem:$0x3FB1] =	sst s0;
	s0 =	simm.s32 @!p1 $0x0  }
0x14: {  	s2 =	sld [smem:$0x3F95];
	s0 =	simm.s32 @p1 $0x1  }
0x15: {  	[smem:$0x3FB2] =	sst s0;
	s0 =	simm.s32 @!p2 $0x0  }
0x16: {  	s3 =	sld [smem:$0x3FDB];
	s0 =	simm.s32 @p2 $0x1  }
0x17: {  	s4 =	simm.s32 $0x1BF5;
	[smem:$0x3FB4] =	sst s0  }
0x18: {  	s0 =	sld [smem:$0x3F97];
	_ =	swait.ge [sflag:s4], $0x0  }
0x19: {  	s7 =	sld [smem:$0x3F98]  }
0x1a: {  	s8 =	sadd.s32 $0xFFFFE003, lr  }
0x1b: {  	s9 =	sadd.s32 $0xFFFFFEF7, lr;
	s5 =	simm.s32 $0xFFFFFFFF;
	p2 =	slt.u32 s8, $0xFFFFF086  }
0x1c: {  	p1 =	slt.u32 s9, $0xF7A;
	s5 =	simm.s32 @!p2 $0x0  }
0x1d: {  	s5 =	simm.s32 @p1 $0x1;
	p0 =	seq.s32 s7, s2  }
0x1e: {  	s7 =	smul.u32 @!p0 $0xF7A, s2;
	p2 =	seq.s32 @!p0 s5, $0x0  }
0x1f: {  	s9 =	smul.u32 $0xF7A, s1;
	s8 =	simm.s32 @!p0 $0x1BF5;
	p2 =	por !p2, p0  }
0x20: {  	[sflag:s8] =	ssyncset.s32 @!p0 $0xFFFFF086;
	s6 =	sadd.s32 @!p0 s3, s7;
	s7 =	simm.s32 @!p0 $0x108  }
0x21: {  	s3 =	sadd.s32 s3, s9;
	s6 =	sadd.s32 @!p0 $0x88, s6;
	s7 =	simm.s32 @p2 $0x1082  }
0x22: {  	[simem:s7], [sflag:s8] =	dma.local @!p0 [hbm:s6], $0xF7A  }
0x23: {  	s9 =	sor.u32 $0xD0000000, s2;
	s6 =	simm.s32 $0x108;
	_ =	swait.ge @!p0 [sflag:s8], $0x0  }
0x24: {  	s3 =	sadd.s32 $0x88, s3;
	s6 =	simm.s32 @!p1 $0x1082;
	[sflag:s4] =	ssyncset.s32 $0xFFFFF086  }
0x25: {  	[simem:s6], [sflag:s4] =	dma.local [hbm:s3], $0xF7A  }
0x26: {  	[smem:$0x3F98] =	sst s1;
	(tag) =	ssettag s2;
	_ =	strace s9  }
0x27: {  	s1 =	sld [smem:$0x3FA8]  }
0x28: {  	s2 =	sld [smem:$0x3FA9]  }
0x29: {  	s4 =	sld [smem:$0x3FAB]  }
0x2a: {  	p0 =	seq.s32 s5, $0x0;
	s5 =	sld [smem:$0x3FAC]  }
0x2b: {  	s6 =	sld [smem:$0x3FAD]  }
0x2c: {  	s7 =	sld [smem:$0x3FAE]  }
0x2d: {  	s3 =	simm.s32 $0x108;
	s8 =	sld [smem:$0x3FAF]  }
0x2e: {  	s3 =	simm.s32 @!p0 $0x1082;
	s9 =	sld [smem:$0x3FB0]  }
0x2f: {  	lr =	sadd.s32 s0, s3;
	s0 =	sld [smem:$0x3FA7]  }
0x30: {  	s3 =	sld [smem:$0x3FAA]  }
0x31: {  	[smem:$0x3FB3] =	sst s10  }
0x32: {  	s10 =	sld [smem:$0x3FB1];
	_ =	sdelay $0x3  }
0x33: {  	p0 =	seq.s32 s10, $0x1;
	s10 =	sld [smem:$0x3FB3];
	_ =	sdelay $0x3  }
0x34: {  	[smem:$0x3FB3] =	sst s10  }
0x35: {  	s10 =	sld [smem:$0x3FB2];
	_ =	sdelay $0x3  }
0x36: {  	p1 =	seq.s32 s10, $0x1;
	s10 =	sld [smem:$0x3FB3];
	_ =	sdelay $0x3  }
0x37: {  	[smem:$0x3FB3] =	sst s10  }
0x38: {  	s10 =	sld [smem:$0x3FB4]  }
0x39: {  	_ = 	snop;
	(pc) =	sbr.ind lr, $3  }
0x3a: {  	_ = 	snop  }
0x3b: {  	_ = 	snop  }
0x3c: {  	p2 =	seq.s32 s10, $0x1;
	s10 =	sld [smem:$0x3FB3]  }
0x3d: {  	_ =	shalt  }
0x3e: {  	_ =	shalt  }
0x3f: {  	_ =	shalt  }
0x40: {  	_ =	shalt  }
0x41: {  	_ =	shalt  }
0x42: {  	_ =	shalt  }
0x43: {  	_ =	shalt  }
0x44: {  	_ =	shalt  }
0x45: {  	_ =	shalt  }
0x46: {  	_ =	shalt  }
0x47: {  	_ =	shalt  }
0x48: {  	_ =	shalt  }
0x49: {  	_ =	shalt  }
0x4a: {  	_ =	shalt  }
0x4b: {  	_ =	shalt  }
0x4c: {  	_ =	shalt  }
0x4d: {  	_ =	shalt  }
0x4e: {  	_ =	shalt  }
0x4f: {  	_ =	shalt  }
0x50: {  	_ =	shalt  }
0x51: {  	_ =	shalt  }
0x52: {  	_ =	shalt  }
0x53: {  	_ =	shalt  }
0x54: {  	_ =	shalt  }
0x55: {  	_ =	shalt  }
0x56: {  	_ =	shalt  }
0x57: {  	_ =	shalt  }
0x58: {  	_ =	shalt  }
0x59: {  	_ =	shalt  }
0x5a: {  	_ =	shalt  }
0x5b: {  	_ =	shalt  }
0x5c: {  	_ =	shalt  }
0x5d: {  	_ =	shalt  }
0x5e: {  	_ =	shalt  }
0x5f: {  	_ =	shalt  }
0x60: {  	_ =	shalt  }
0x61: {  	_ =	shalt  }
0x62: {  	_ =	shalt  }
0x63: {  	_ =	shalt  }
0x64: {  	_ =	shalt  }
0x65: {  	_ =	shalt  }
0x66: {  	_ =	shalt  }
0x67: {  	_ =	shalt  }
0x68: {  	_ =	shalt  }
0x69: {  	_ =	shalt  }
0x6a: {  	_ =	shalt  }
0x6b: {  	_ =	shalt  }
0x6c: {  	_ =	shalt  }
0x6d: {  	_ =	shalt  }
0x6e: {  	_ =	shalt  }
0x6f: {  	_ =	shalt  }
0x70: {  	_ =	shalt  }
0x71: {  	_ =	shalt  }
0x72: {  	_ =	shalt  }
0x73: {  	_ =	shalt  }
0x74: {  	_ =	shalt  }
0x75: {  	_ =	shalt  }
0x76: {  	_ =	shalt  }
0x77: {  	_ =	shalt  }
0x78: {  	_ =	shalt  }
0x79: {  	_ =	shalt  }
0x7a: {  	_ =	shalt  }
0x7b: {  	_ =	shalt  }
0x7c: {  	_ =	shalt  }
0x7d: {  	_ =	shalt  }
0x7e: {  	_ =	shalt  }
0x7f: {  	_ =	shalt  }
0x80: {  	_ =	shalt  }
0x81: {  	_ =	shalt  }
0x82: {  	_ =	shalt  }
0x83: {  	_ =	shalt  }
0x84: {  	_ =	shalt  }
0x85: {  	_ =	shalt  }
0x86: {  	_ =	shalt  }
0x87: {  	_ =	shalt  }
.Lfunc_end0:
.L_simem_size_0:
called_computation_lowered:
.L_overlay_start_0:
0x88: {  	s2 =	sld [smem:$0x3FD9]  }
0x89: {  	s3 =	sld [smem:$0x3FFE];
	_ =	sdelay $0x1  }
0x8a: {  	s1 =	srdreg.scid  }
0x8b: {  	s0 =	sand.u32 $0x1, s1  }
0x8c: {  	s17 =	sshll.u32 s0, $0xA;
	s2 =	sadd.s32 s3, s2  }
0x8d: {  	s2 =	sadd.s32 s2, s17  }
0x8e: {  	[smem:$0x3FBF] =	sst s2  }
0x8f: {  	_ = 	snop  }
0x90: {  	s2 =	sld [smem:$0x3FD0];
	(tm) =	ssettm $0x1  }
0x91: {  	s18 =	sld [smem:$0x3FFB];
	_ =	sdelay $0x3  }
0x92: {  	_ =	strace s18  }
0x93: {  	s3 =	sld [smem:$0x3FFC];
	_ =	sdelay $0x3  }
0x94: {  	_ =	strace s3  }
0x95: {  	s3 =	sld [smem:$0x3FFD];
	_ =	sdelay $0x3  }
0x96: {  	_ =	strace s3  }
0x97: {  	_ =	strace $0x8FFFFFFF  }
0x98: {  	s19 =	sld [smem:$0x3FDB];
	_ =	sdelay $0x1  }
0x99: {  	s4 =	simm.s32 $_scs_section_size  }
0x9a: {  	s5 =	simm.s32 $_size__tile_overlayer_lowered;
	s6 =	simm.s32 $_tile_overlayer_lowered  }
0x9b: {  	s22 =	simm.s32 $0x1BFF;
	s21 =	sshll.u32 s6, $0x1;
	s3 =	sadd.s32 s4, s19  }
0x9c: {  	s7 =	simm.s32 $0x0;
	s20 =	sshll.u32 s5, $0x1;
	s5 =	sadd.s32 s21, s3  }
0x9d: {  	[timem:s7], [sflag:s22] =	dma.local [hbm:s5], s20  }
0x9e: {  	_ =	swait.ge [sflag:s22], s20  }
0x9f: {  	s4 =	ssub.s32 $0x0, s20;
	[sflag:s22] =	ssyncset.done $0x0  }
0xa0: {  	[sflag:s22] =	ssyncadd.s32 s4;
	_ =	sdelay $0x1  }
0xa1: {  	s23 =	simm.s32 $0x1B8B  }
0xa2: {  	_ =	swait.ge [sflag:s23], $0x1  }
0xa3: {  	[sflag:s23] =	ssyncset.done $0x0  }
0xa4: {  	s25 =	simm.s32 $0x1B8E;
	s24 =	sld [smem:$0x3FFE];
	[sflag:s23] =	ssyncadd.s32 $0xFFFFFFFF  }
0xa5: {  	s26 =	simm.s32 $execute0_lowered;
	[smem:$0x3FD2] =	sst s25  }
0xa6: {  	s5 =	sshll.u32 s26, $0x1;
	_ =	strace $0x80000046;
	[dreg:$0x1] =	wrdreg $0xFFFFFFFF  }
0xa7: {  	s28 =	simm.s32 $_size_execute0_lowered;
	s3 =	sadd.s32 s3, s5;
	[dreg:$0x0] =	wrdreg $0x0  }
0xa8: {  	s5 =	sshll.u32 s28, $0x1;
	[dreg:$0x2] =	wrdreg s3  }
0xa9: {  	[dreg:$0x3] =	wrdreg s5  }
0xaa: {  	[dreg:$0x4] =	wrdreg $0xC0  }
0xab: {  	_ =	task [dreg:s7], $0x5FFFF  }
0xac: {  	[dreg:$0x1] =	wrdreg $0xFFFFFFFF  }
0xad: {  	[dreg:$0x0] =	wrdreg $0x60  }
0xae: {  	[dreg:$0x2] =	wrdreg s24  }
0xaf: {  	[dreg:$0x3] =	wrdreg s2  }
0xb0: {  	[dreg:$0x4] =	wrdreg $0xC9E00  }
0xb1: {  	[dreg:$0x5] =	wrdreg $0x9  }
0xb2: {  	_ =	task.clear_ibuf [dreg:s7], $0x6FFFF;
	_ =	strace $0x90000046  }
0xb3: {  	s29 =	simm.s32 $0x9;
	_ =	strace $0x80000048  }
0xb4: {  	_ =	swait.ge [sflag:s29], $0x1  }
0xb5: {  	[sflag:s29] =	ssyncadd.s32 $0xFFFFFFFF  }
0xb6: {  	_ =	strace $0x90000048  }
0xb7: {  	_ =	sfence  }
0xb8: {  	s30 =	sld [smem:$0x0];
	_ =	sdelay $0x2  }
0xb9: {  	s31 =	sshll.u32 s1, $0xD;
	s1 =	sshrl.u32 s1, $0x2  }
0xba: {  	s3 =	sand.u32 $0x4000, s31;
	s1 =	sadd.s32 s1, s30  }
0xbb: {  	s0 =	sor.u32 s3, s0;
	s1 =	sshll.u32 s1, $0x11  }
0xbc: {  	s0 =	sor.u32 s1, s0  }
0xbd: {  	s0 =	sadd.s32 $0x8F2B, s0  }
0xbe: {  	[sflag:s0] =	ssyncadd.remote.s32 $0x1  }
0xbf: {  	_ =	sfence.sel $0xFFFF  }
0xc0: {  	[dreg:$0x0] =	wrdreg $0xFFFFFFFF;
	(pc) =	sbr.abs _section_cstart, $3  }
0xc1: {  	[dreg:$0x1] =	wrdreg $0xFFFFFFFF  }
0xc2: {  	_ =	task.clear_ibuf [dreg:s7], $0x2FFFF;
	_ =	strace $0x9FFFFFFF  }
0xc3: {  	(tm) =	ssettm $0x7FFFFFFF  }
tec
execute0_lowered:
.L_overlay_start_1:
0x0: {  	(tag) =	ssettag $0x1  }
0x1: {  	s5 =	rddreg [dreg:$0x0]  }
0x2: {  	s1 =	rddreg [dreg:$0x1]  }
0x3: {  	s3 =	rddreg [dreg:$0x2]  }
0x4: {  	s0 =	srdreg.scid;
	s2 =	rddreg [dreg:$0x3];
	s4 =	simm.s32 $0x0  }
0x5: {  	s11 =	simm.s32 $0x2760;
	s12 =	simm.s32 $0x50;
	s13 =	simm.s32 $0x1  }
0x6: {  	s14 =	simm.s32 $0x29E0;
	s6 =	sand.u32 $0x1, s0;
	s0 =	stileid.u32  }
0x7: {  	s15 =	simm.s32 $0x0;
	[smem:$0x7FF] =	sst s4;
	s7 =	smul.u32 $0xA0000, s6  }
0x8: {  	s8 =	smul.u32 $0xA000, s0;
	s9 =	sshll.u32 s6, $0x4;
	_ =	strace $0x80000047  }
0x9: {  	s29 =	smul.u32 $0xA00, s0;
	s6 =	ssub.s32 $0x2, s6;
	s9 =	sor.u32 s0, s9  }
0xa: {  	s10 =	sshrl.u32 s6, $0x1;
	s7 =	sadd.s32 s8, s7;
	s28 =	smul.u32 $0x2710, s9  }
0xb: {  	s30 =	sshrl.u32 s29, $0x2;
	s31 =	ssub.s32 s6, s10;
	s9 =	simm.s32 $0x2  }
0xc: {  	s10 =	simm.s32 $0x2710;
	s7 =	sshrl.u32 s7, $0x3;
	s8 =	sshrl.u32 s28, $0x3  }
0xd: {  	s6 =	sadd.s32 s30, s3;
	s7 =	sadd.s32 s7, s5;
	s5 =	sadd.s32 s5, s8  }
0xe: {  	v0 =	vimm.f32 $0.0e+00;
	s7 =	sadd.s32 $0x16A00, s7;
	s8 =	smax.u32 s31, $0x1;
	s5 =	sadd.s32 $0xCC40, s5  }
.LBB2_1:
0xf: {  	[tilespmem:s4], [sflag:$0x2] =	stream.linear.gather [hbm4b:s5+s4], $0x2710, $0x38;
	[tilespmem:$0xCC60] =	vst v63  }
0x10: {  	_ =	swait.ge [sflag:s9], $0x2710  }
0x11: {  	[sflag:s9] =	ssyncset.done $0x0  }
0x12: {  	[sflag:s9] =	ssyncadd.s32 $0xFFFFD8F0  }
0x13: {  	[tilespmem:s10], [sflag:$0x2] =	stream.linear.gather [hbm4b:s1+s4], $0x50, $0x38;
	[tilespmem:$0xCC60] =	vst v63  }
0x14: {  	_ =	swait.ge [sflag:s9], $0x50  }
0x15: {  	[sflag:s9] =	ssyncset.done $0x0  }
0x16: {  	[sflag:s9] =	ssyncadd.s32 $0xFFFFFFB0  }
0x17: {  	[tilespmem:$0x2760] =	vst v0  }
0x18: {  	[tilespmem:$0x2770] =	vst v0  }
0x19: {  	[tilespmem:$0x2780] =	vst v0  }
0x1a: {  	[tilespmem:$0x2790] =	vst v0  }
0x1b: {  	[tilespmem:$0x27A0] =	vst v0  }
0x1c: {  	[tilespmem:$0x27B0] =	vst v0  }
0x1d: {  	[tilespmem:$0x27C0] =	vst v0  }
0x1e: {  	[tilespmem:$0x27D0] =	vst v0  }
0x1f: {  	[tilespmem:$0x27E0] =	vst v0  }
0x20: {  	[tilespmem:$0x27F0] =	vst v0  }
0x21: {  	[tilespmem:$0x2800] =	vst v0  }
0x22: {  	[tilespmem:$0x2810] =	vst v0  }
0x23: {  	[tilespmem:$0x2820] =	vst v0  }
0x24: {  	[tilespmem:$0x2830] =	vst v0  }
0x25: {  	[tilespmem:$0x2840] =	vst v0  }
0x26: {  	[tilespmem:$0x2850] =	vst v0  }
0x27: {  	[tilespmem:$0x2860] =	vst v0  }
0x28: {  	[tilespmem:$0x2870] =	vst v0  }
0x29: {  	[tilespmem:$0x2880] =	vst v0  }
0x2a: {  	[tilespmem:$0x2890] =	vst v0  }
0x2b: {  	[tilespmem:$0x28A0] =	vst v0  }
0x2c: {  	[tilespmem:$0x28B0] =	vst v0  }
0x2d: {  	[tilespmem:$0x28C0] =	vst v0  }
0x2e: {  	[tilespmem:$0x28D0] =	vst v0  }
0x2f: {  	[tilespmem:$0x28E0] =	vst v0  }
0x30: {  	[tilespmem:$0x28F0] =	vst v0  }
0x31: {  	[tilespmem:$0x2900] =	vst v0  }
0x32: {  	[tilespmem:$0x2910] =	vst v0  }
0x33: {  	[tilespmem:$0x2920] =	vst v0  }
0x34: {  	[tilespmem:$0x2930] =	vst v0  }
0x35: {  	[tilespmem:$0x2940] =	vst v0  }
0x36: {  	[tilespmem:$0x2950] =	vst v0  }
0x37: {  	[tilespmem:$0x2960] =	vst v0  }
0x38: {  	[tilespmem:$0x2970] =	vst v0  }
0x39: {  	[tilespmem:$0x2980] =	vst v0  }
0x3a: {  	[tilespmem:$0x2990] =	vst v0  }
0x3b: {  	[tilespmem:$0x29A0] =	vst v0  }
0x3c: {  	[tilespmem:$0x29B0] =	vst v0  }
0x3d: {  	[tilespmem:$0x29C0] =	vst v0  }
0x3e: {  	[tilespmem:$0x29D0] =	vst v0  }
0x3f: {  	[spmem:s6] =	stream.linear.scatter [tilespmem:s11], [sflag:$0x2], $0x280, $0x38;
	[tilespmem:$0xCC60] =	vst v63  }
0x40: {  	_ =	swait.ge [sflag:s9], $0x280  }
0x41: {  	[sflag:s9] =	ssyncset.done $0x0  }
0x42: {  	[sflag:s9] =	ssyncadd.s32 $0xFFFFFD80  }
0x43: {  	s16 =	simm.s32 $0x0;
	[bflag:$0x0] =	sbarrier.arrive $0xFFFF  }
.LBB2_2:
0x44: {  	p0 =	sne.s32 s16, $0x9B00  }
.Ltmp0:
0x45: {  	_ = 	snop;
	(pc) =	sbr.rel @p0 .LBB2_2-.Ltmp0, $3  }
0x46: {  	_ =	sdelay $0x1  }
0x47: {  	s17 =	sshra.s32 s16, $0x2;
	s16 =	sadd.s32 $0x140, s16  }
0x48: {  	[spmem:s3] =	stream.indirect.scatter.add.f32 [tilespmem:s10], [sflag:$0x1], $0x1, s17, s12, $0xb8;
	[tilespmem:$0xCC60] =	vst v63  }
0x49: {  	_ =	swait.ge [sflag:s13], $0x50  }
0x4a: {  	s16 =	simm.s32 $0x7C;
	[sflag:s13] =	ssyncset.done $0x0  }
.LBB2_4:
0x4b: {  	p0 =	sne.s32 s16, $0x1;
	s16 =	sadd.s32 $0xFFFFFFFF, s16;
	[sflag:s13] =	ssyncadd.s32 $0xFFFFFFB0  }
.Ltmp1:
0x4c: {  	(pc) =	sbr.rel @p0 .LBB2_4-.Ltmp1, $3  }
0x4d: {  	_ =	sdelay $0x1  }
0x4e: {  	_ =	swait.ge [sflag:s13], $0x50  }
0x4f: {  	[sflag:s13] =	ssyncset.done $0x0  }
0x50: {  	[sflag:s13] =	ssyncadd.s32 $0xFFFFFFB0  }
0x51: {  	[bflag:$0x0] =	sbarrier.arrive $0xFFFF  }
0x52: {  	[tilespmem:s11], [sflag:$0x2] =	stream.linear.gather [spmem:s6], $0x280, $0x38;
	[tilespmem:$0xCC60] =	vst v63  }
0x53: {  	_ =	swait.ge [sflag:s9], $0x280  }
0x54: {  	[sflag:s9] =	ssyncset.done $0x0  }
0x55: {  	s16 =	simm.s32 $0x0;
	[sflag:s9] =	ssyncadd.s32 $0xFFFFFD80  }
0x56: {  	v1 =	vld [tilespmem:s16+$0x2760];
	_ =	sdelay $0x4  }
0x57: {  	v2 =	vbroadcast v1, $0x0  }
0x58: {  	s16 =	simm.s32 $0x2BE0  }
0x59: {  	[tilespmem:s16+$0xFFFFFE00] =	vst v2  }
0x5a: {  	[tilespmem:s16+$0xFFFFFE10] =	vst v2  }
0x5b: {  	v3 =	vbroadcast v1, $0x1;
	[tilespmem:s16+$0xFFFFFE20] =	vst v2  }
0x5c: {  	[tilespmem:s16+$0xFFFFFE30] =	vst v2  }
0x5d: {  	[tilespmem:s16+$0xFFFFFE40] =	vst v3  }
0x5e: {  	[tilespmem:s16+$0xFFFFFE50] =	vst v3  }
0x5f: {  	v2 =	vbroadcast v1, $0x2;
	[tilespmem:s16+$0xFFFFFE60] =	vst v3  }
0x60: {  	[tilespmem:s16+$0xFFFFFE70] =	vst v3  }
0x61: {  	[tilespmem:s16+$0xFFFFFE80] =	vst v2  }
0x62: {  	[tilespmem:s16+$0xFFFFFE90] =	vst v2  }
0x63: {  	v3 =	vbroadcast v1, $0x3;
	[tilespmem:s16+$0xFFFFFEA0] =	vst v2  }
0x64: {  	[tilespmem:s16+$0xFFFFFEB0] =	vst v2  }
0x65: {  	[tilespmem:s16+$0xFFFFFEC0] =	vst v3  }
0x66: {  	[tilespmem:s16+$0xFFFFFED0] =	vst v3  }
0x67: {  	v2 =	vbroadcast v1, $0x4;
	[tilespmem:s16+$0xFFFFFEE0] =	vst v3  }
0x68: {  	[tilespmem:s16+$0xFFFFFEF0] =	vst v3  }
0x69: {  	[tilespmem:s16+$0xFFFFFF00] =	vst v2  }
0x6a: {  	[tilespmem:s16+$0xFFFFFF10] =	vst v2  }
0x6b: {  	v3 =	vbroadcast v1, $0x5;
	[tilespmem:s16+$0xFFFFFF20] =	vst v2  }
0x6c: {  	[tilespmem:s16+$0xFFFFFF30] =	vst v2  }
0x6d: {  	[tilespmem:s16+$0xFFFFFF40] =	vst v3  }
0x6e: {  	[tilespmem:s16+$0xFFFFFF50] =	vst v3  }
0x6f: {  	v2 =	vbroadcast v1, $0x6;
	[tilespmem:s16+$0xFFFFFF60] =	vst v3  }
0x70: {  	[tilespmem:s16+$0xFFFFFF70] =	vst v3  }
0x71: {  	[tilespmem:s16+$0xFFFFFF80] =	vst v2  }
0x72: {  	[tilespmem:s16+$0xFFFFFF90] =	vst v2  }
0x73: {  	v3 =	vbroadcast v1, $0x7;
	[tilespmem:s16+$0xFFFFFFA0] =	vst v2  }
0x74: {  	[tilespmem:s16+$0xFFFFFFB0] =	vst v2  }
0x75: {  	[tilespmem:s16+$0xFFFFFFC0] =	vst v3  }
0x76: {  	[tilespmem:s16+$0xFFFFFFD0] =	vst v3  }
0x77: {  	v2 =	vbroadcast v1, $0x8;
	[tilespmem:s16+$0xFFFFFFE0] =	vst v3  }
0x78: {  	[tilespmem:s16+$0xFFFFFFF0] =	vst v3  }
0x79: {  	[tilespmem:s16+$0x0] =	vst v2  }
0x7a: {  	[tilespmem:s16+$0x10] =	vst v2  }
0x7b: {  	v3 =	vbroadcast v1, $0x9;
	[tilespmem:s16+$0x20] =	vst v2  }
0x7c: {  	[tilespmem:s16+$0x30] =	vst v2  }
0x7d: {  	[tilespmem:s16+$0x40] =	vst v3  }
0x7e: {  	[tilespmem:s16+$0x50] =	vst v3  }
0x7f: {  	v2 =	vbroadcast v1, $0xA;
	[tilespmem:s16+$0x60] =	vst v3  }
0x80: {  	[tilespmem:s16+$0x70] =	vst v3  }
0x81: {  	[tilespmem:s16+$0x80] =	vst v2  }
0x82: {  	[tilespmem:s16+$0x90] =	vst v2  }
0x83: {  	v3 =	vbroadcast v1, $0xB;
	[tilespmem:s16+$0xA0] =	vst v2  }
0x84: {  	[tilespmem:s16+$0xB0] =	vst v2  }
0x85: {  	[tilespmem:s16+$0xC0] =	vst v3  }
0x86: {  	[tilespmem:s16+$0xD0] =	vst v3  }
0x87: {  	v2 =	vbroadcast v1, $0xC;
	[tilespmem:s16+$0xE0] =	vst v3  }
0x88: {  	[tilespmem:s16+$0xF0] =	vst v3  }
0x89: {  	[tilespmem:s16+$0x100] =	vst v2  }
0x8a: {  	[tilespmem:s16+$0x110] =	vst v2  }
0x8b: {  	v3 =	vbroadcast v1, $0xD;
	[tilespmem:s16+$0x120] =	vst v2  }
0x8c: {  	[tilespmem:s16+$0x130] =	vst v2  }
0x8d: {  	[tilespmem:s16+$0x140] =	vst v3  }
0x8e: {  	[tilespmem:s16+$0x150] =	vst v3  }
0x8f: {  	v2 =	vbroadcast v1, $0xE;
	[tilespmem:s16+$0x160] =	vst v3  }
0x90: {  	[tilespmem:s16+$0x170] =	vst v3  }
0x91: {  	[tilespmem:s16+$0x180] =	vst v2  }
0x92: {  	[tilespmem:s16+$0x190] =	vst v2  }
0x93: {  	v1 =	vbroadcast v1, $0xF;
	[tilespmem:s16+$0x1A0] =	vst v2  }
0x94: {  	[tilespmem:s16+$0x1B0] =	vst v2  }
0x95: {  	[tilespmem:s16+$0x1C0] =	vst v1  }
0x96: {  	[tilespmem:s16+$0x1D0] =	vst v1  }
0x97: {  	[tilespmem:s16+$0x1E0] =	vst v1  }
0x98: {  	s18 =	simm.s32 $0x10;
	s17 =	simm.s32 $0x80;
	[tilespmem:s16+$0x1F0] =	vst v1  }
.LBB2_6:
0x99: {  	p0 =	sne.s32 s17, $0x9C0;
	v1 =	vld [tilespmem:s18+$0x2760];
	_ =	sdelay $0x4  }
0x9a: {  	v2 =	vbroadcast v1, $0x0;
	v3 =	vbroadcast v1, $0x1  }
0x9b: {  	s16 =	sadd.s32 $0x400, s16;
	v4 =	vbroadcast v1, $0x2;
	v5 =	vbroadcast v1, $0x3  }
0x9c: {  	v6 =	vbroadcast v1, $0x4;
	v7 =	vbroadcast v1, $0x5;
	[tilespmem:s16+$0xFFFFFE00] =	vst v2  }
0x9d: {  	v8 =	vbroadcast v1, $0x6;
	v9 =	vbroadcast v1, $0x7;
	[tilespmem:s16+$0xFFFFFE10] =	vst v2  }
0x9e: {  	v10 =	vbroadcast v1, $0x8;
	v11 =	vbroadcast v1, $0x9;
	[tilespmem:s16+$0xFFFFFE20] =	vst v2  }
0x9f: {  	v12 =	vbroadcast v1, $0xB;
	[tilespmem:s16+$0xFFFFFE30] =	vst v2;
	v2 =	vbroadcast v1, $0xA  }
0xa0: {  	v13 =	vbroadcast v1, $0xC;
	v14 =	vbroadcast v1, $0xD;
	[tilespmem:s16+$0xFFFFFE40] =	vst v3  }
0xa1: {  	v15 =	vbroadcast v1, $0xE;
	v1 =	vbroadcast v1, $0xF;
	[tilespmem:s16+$0xFFFFFE50] =	vst v3  }
0xa2: {  	[tilespmem:s16+$0xFFFFFE60] =	vst v3  }
0xa3: {  	[tilespmem:s16+$0xFFFFFE70] =	vst v3  }
0xa4: {  	[tilespmem:s16+$0xFFFFFE80] =	vst v4  }
0xa5: {  	[tilespmem:s16+$0xFFFFFE90] =	vst v4  }
0xa6: {  	[tilespmem:s16+$0xFFFFFEA0] =	vst v4  }
0xa7: {  	[tilespmem:s16+$0xFFFFFEB0] =	vst v4  }
0xa8: {  	[tilespmem:s16+$0xFFFFFEC0] =	vst v5  }
0xa9: {  	[tilespmem:s16+$0xFFFFFED0] =	vst v5  }
0xaa: {  	[tilespmem:s16+$0xFFFFFEE0] =	vst v5  }
0xab: {  	[tilespmem:s16+$0xFFFFFEF0] =	vst v5  }
0xac: {  	[tilespmem:s16+$0xFFFFFF00] =	vst v6  }
0xad: {  	[tilespmem:s16+$0xFFFFFF10] =	vst v6  }
0xae: {  	[tilespmem:s16+$0xFFFFFF20] =	vst v6  }
0xaf: {  	[tilespmem:s16+$0xFFFFFF30] =	vst v6  }
0xb0: {  	[tilespmem:s16+$0xFFFFFF40] =	vst v7  }
0xb1: {  	[tilespmem:s16+$0xFFFFFF50] =	vst v7  }
0xb2: {  	[tilespmem:s16+$0xFFFFFF60] =	vst v7  }
0xb3: {  	[tilespmem:s16+$0xFFFFFF70] =	vst v7  }
0xb4: {  	[tilespmem:s16+$0xFFFFFF80] =	vst v8  }
0xb5: {  	[tilespmem:s16+$0xFFFFFF90] =	vst v8  }
0xb6: {  	[tilespmem:s16+$0xFFFFFFA0] =	vst v8  }
0xb7: {  	[tilespmem:s16+$0xFFFFFFB0] =	vst v8  }
0xb8: {  	[tilespmem:s16+$0xFFFFFFC0] =	vst v9  }
0xb9: {  	[tilespmem:s16+$0xFFFFFFD0] =	vst v9  }
0xba: {  	[tilespmem:s16+$0xFFFFFFE0] =	vst v9  }
0xbb: {  	[tilespmem:s16+$0xFFFFFFF0] =	vst v9  }
0xbc: {  	[tilespmem:s16+$0x0] =	vst v10  }
0xbd: {  	[tilespmem:s16+$0x10] =	vst v10  }
0xbe: {  	[tilespmem:s16+$0x20] =	vst v10  }
0xbf: {  	[tilespmem:s16+$0x30] =	vst v10  }
0xc0: {  	[tilespmem:s16+$0x40] =	vst v11  }
0xc1: {  	[tilespmem:s16+$0x50] =	vst v11  }
0xc2: {  	[tilespmem:s16+$0x60] =	vst v11  }
0xc3: {  	[tilespmem:s16+$0x70] =	vst v11  }
0xc4: {  	[tilespmem:s16+$0x80] =	vst v2  }
0xc5: {  	[tilespmem:s16+$0x90] =	vst v2  }
0xc6: {  	[tilespmem:s16+$0xA0] =	vst v2  }
0xc7: {  	[tilespmem:s16+$0xB0] =	vst v2  }
0xc8: {  	[tilespmem:s16+$0xC0] =	vst v12  }
0xc9: {  	[tilespmem:s16+$0xD0] =	vst v12  }
0xca: {  	[tilespmem:s16+$0xE0] =	vst v12  }
0xcb: {  	[tilespmem:s16+$0xF0] =	vst v12  }
0xcc: {  	[tilespmem:s16+$0x100] =	vst v13  }
0xcd: {  	[tilespmem:s16+$0x110] =	vst v13  }
0xce: {  	[tilespmem:s16+$0x120] =	vst v13  }
0xcf: {  	[tilespmem:s16+$0x130] =	vst v13  }
0xd0: {  	[tilespmem:s16+$0x140] =	vst v14  }
0xd1: {  	[tilespmem:s16+$0x150] =	vst v14  }
0xd2: {  	[tilespmem:s16+$0x160] =	vst v14  }
0xd3: {  	[tilespmem:s16+$0x170] =	vst v14  }
0xd4: {  	[tilespmem:s16+$0x180] =	vst v15  }
0xd5: {  	[tilespmem:s16+$0x190] =	vst v15  }
0xd6: {  	[tilespmem:s16+$0x1A0] =	vst v15  }
.Ltmp2:
0xd7: {  	[tilespmem:s16+$0x1B0] =	vst v15;
	(pc) =	sbr.rel @p0 .LBB2_6-.Ltmp2, $4  }
0xd8: {  	[tilespmem:s16+$0x1C0] =	vst v1  }
0xd9: {  	[tilespmem:s16+$0x1D0] =	vst v1  }
0xda: {  	[tilespmem:s16+$0x1E0] =	vst v1  }
0xdb: {  	s18 =	sshra.s32 s17, $0x2;
	s17 =	sadd.s32 $0x40, s17;
	[tilespmem:s16+$0x1F0] =	vst v1  }
0xdc: {  	v1 =	vld [tilespmem:s18+$0x2760];
	_ =	sdelay $0x4  }
0xdd: {  	v2 =	vbroadcast v1, $0x0  }
0xde: {  	s16 =	sadd.s32 $0x400, s16  }
0xdf: {  	[tilespmem:s16+$0xFFFFFE00] =	vst v2  }
0xe0: {  	[tilespmem:s16+$0xFFFFFE10] =	vst v2  }
0xe1: {  	v3 =	vbroadcast v1, $0x1;
	[tilespmem:s16+$0xFFFFFE20] =	vst v2  }
0xe2: {  	[tilespmem:s16+$0xFFFFFE30] =	vst v2  }
0xe3: {  	[tilespmem:s16+$0xFFFFFE40] =	vst v3  }
0xe4: {  	[tilespmem:s16+$0xFFFFFE50] =	vst v3  }
0xe5: {  	v2 =	vbroadcast v1, $0x2;
	[tilespmem:s16+$0xFFFFFE60] =	vst v3  }
0xe6: {  	[tilespmem:s16+$0xFFFFFE70] =	vst v3  }
0xe7: {  	[tilespmem:s16+$0xFFFFFE80] =	vst v2  }
0xe8: {  	[tilespmem:s16+$0xFFFFFE90] =	vst v2  }
0xe9: {  	v3 =	vbroadcast v1, $0x3;
	[tilespmem:s16+$0xFFFFFEA0] =	vst v2  }
0xea: {  	[tilespmem:s16+$0xFFFFFEB0] =	vst v2  }
0xeb: {  	[tilespmem:s16+$0xFFFFFEC0] =	vst v3  }
0xec: {  	[tilespmem:s16+$0xFFFFFED0] =	vst v3  }
0xed: {  	v2 =	vbroadcast v1, $0x4;
	[tilespmem:s16+$0xFFFFFEE0] =	vst v3  }
0xee: {  	[tilespmem:s16+$0xFFFFFEF0] =	vst v3  }
0xef: {  	[tilespmem:s16+$0xFFFFFF00] =	vst v2  }
0xf0: {  	[tilespmem:s16+$0xFFFFFF10] =	vst v2  }
0xf1: {  	v3 =	vbroadcast v1, $0x5;
	[tilespmem:s16+$0xFFFFFF20] =	vst v2  }
0xf2: {  	[tilespmem:s16+$0xFFFFFF30] =	vst v2  }
0xf3: {  	[tilespmem:s16+$0xFFFFFF40] =	vst v3  }
0xf4: {  	[tilespmem:s16+$0xFFFFFF50] =	vst v3  }
0xf5: {  	v2 =	vbroadcast v1, $0x6;
	[tilespmem:s16+$0xFFFFFF60] =	vst v3  }
0xf6: {  	[tilespmem:s16+$0xFFFFFF70] =	vst v3  }
0xf7: {  	[tilespmem:s16+$0xFFFFFF80] =	vst v2  }
0xf8: {  	[tilespmem:s16+$0xFFFFFF90] =	vst v2  }
0xf9: {  	v3 =	vbroadcast v1, $0x7;
	[tilespmem:s16+$0xFFFFFFA0] =	vst v2  }
0xfa: {  	[tilespmem:s16+$0xFFFFFFB0] =	vst v2  }
0xfb: {  	[tilespmem:s16+$0xFFFFFFC0] =	vst v3  }
0xfc: {  	[tilespmem:s16+$0xFFFFFFD0] =	vst v3  }
0xfd: {  	v2 =	vbroadcast v1, $0x8;
	[tilespmem:s16+$0xFFFFFFE0] =	vst v3  }
0xfe: {  	[tilespmem:s16+$0xFFFFFFF0] =	vst v3  }
0xff: {  	[tilespmem:s16+$0x0] =	vst v2  }
0x100: {  	[tilespmem:s16+$0x10] =	vst v2  }
0x101: {  	v3 =	vbroadcast v1, $0x9;
	[tilespmem:s16+$0x20] =	vst v2  }
0x102: {  	[tilespmem:s16+$0x30] =	vst v2  }
0x103: {  	[tilespmem:s16+$0x40] =	vst v3  }
0x104: {  	[tilespmem:s16+$0x50] =	vst v3  }
0x105: {  	v2 =	vbroadcast v1, $0xA;
	[tilespmem:s16+$0x60] =	vst v3  }
0x106: {  	[tilespmem:s16+$0x70] =	vst v3  }
0x107: {  	[tilespmem:s16+$0x80] =	vst v2  }
0x108: {  	[tilespmem:s16+$0x90] =	vst v2  }
0x109: {  	v3 =	vbroadcast v1, $0xB;
	[tilespmem:s16+$0xA0] =	vst v2  }
0x10a: {  	[tilespmem:s16+$0xB0] =	vst v2  }
0x10b: {  	[tilespmem:s16+$0xC0] =	vst v3  }
0x10c: {  	[tilespmem:s16+$0xD0] =	vst v3  }
0x10d: {  	v2 =	vbroadcast v1, $0xC;
	[tilespmem:s16+$0xE0] =	vst v3  }
0x10e: {  	[tilespmem:s16+$0xF0] =	vst v3  }
0x10f: {  	[tilespmem:s16+$0x100] =	vst v2  }
0x110: {  	[tilespmem:s16+$0x110] =	vst v2  }
0x111: {  	v3 =	vbroadcast v1, $0xD;
	[tilespmem:s16+$0x120] =	vst v2  }
0x112: {  	[tilespmem:s16+$0x130] =	vst v2  }
0x113: {  	[tilespmem:s16+$0x140] =	vst v3  }
0x114: {  	[tilespmem:s16+$0x150] =	vst v3  }
0x115: {  	v2 =	vbroadcast v1, $0xE;
	[tilespmem:s16+$0x160] =	vst v3  }
0x116: {  	[tilespmem:s16+$0x170] =	vst v3  }
0x117: {  	[tilespmem:s16+$0x180] =	vst v2  }
0x118: {  	[tilespmem:s16+$0x190] =	vst v2  }
0x119: {  	v1 =	vbroadcast v1, $0xF;
	[tilespmem:s16+$0x1A0] =	vst v2  }
0x11a: {  	[tilespmem:s16+$0x1B0] =	vst v2  }
0x11b: {  	[tilespmem:s16+$0x1C0] =	vst v1  }
0x11c: {  	s15 =	sadd.s32 $0x1, s15;
	[tilespmem:s16+$0x1D0] =	vst v1  }
0x11d: {  	p0 =	sne.s32 s15, s8;
	[tilespmem:s16+$0x1E0] =	vst v1  }
.Ltmp3:
0x11e: {  	[tilespmem:s16+$0x1F0] =	vst v1;
	(pc) =	sbr.rel @p0 .LBB2_1-.Ltmp3, $4  }
0x11f: {  	[hbm4b:s7+s4] =	stream.linear.scatter [tilespmem:s14], [sflag:$0x2], $0xA000, $0x38;
	[tilespmem:$0xCC60] =	vst v63  }
0x120: {  	_ =	swait.ge [sflag:s9], $0xA000  }
0x121: {  	[sflag:s9] =	ssyncset.done $0x0  }
0x122: {  	[sflag:s9] =	ssyncadd.s32 $0xFFFF6000  }
0x123: {  	_ =	sfence.sel $0x180000  }
0x124: {  	[bflag:$0x0] =	sbarrier.arrive $0xFFFF  }
0x125: {  	p0 =	sne.s32 s0, $0x0;
	_ =	strace $0x90000047  }
0x126: {  	s0 =	sadd.s32 @!p0 $0x100000, s2;
	[bflag:$0x2] =	sbarrier.arrive $0xFFFF  }
0x127: {  	[sflag:s0] =	ssyncadd.tile.s32 @!p0 $0x1;
	_ =	shalt  }
.Lfunc_end2:
_tile_overlayer_lowered:
.L_overlay_start_2:
0x128: {  	(tag) =	ssettag $0x2  }
0x129: {  	s0 =	rddreg [dreg:$0x0];
	s2 =	stileid.u32  }
0x12a: {  	s1 =	rddreg [dreg:$0x1];
	p0 =	sne.s32 s2, $0x0  }
0x12b: {  	s3 =	rddreg [dreg:$0x2];
	[bflag:$0x3] =	sbarrier.arrive $0xFFFF;
	s2 =	simm.s32 @!p0 $0x1C02  }
0x12c: {  	[timem:s3], [sflag:s2] =	dma.local @!p0 [hbm:s0], s1  }
0x12d: {  	s0 =	simm.s32 @!p0 $0x2  }
0x12e: {  	_ =	swait.ge @!p0 [sflag:s0], s1  }
0x12f: {  	s1 =	ssub.s32 @!p0 $0x0, s1;
	[sflag:s0] =	ssyncset.done @!p0 $0x0  }
0x130: {  	[sflag:s0] =	ssyncadd.s32 @!p0 s1  }
0x131: {  	[bflag:$0x3] =	sbarrier.arrive $0xFFFF  }
0x132: {  	_ =	shalt  }

</sc_bundles>
